<compile_context>
chip_gen: v7x
topology: tpu7x:2x2x1
jax: 0.10.2.dev20260603
libtpu: 0.0.44.dev20260713+nightly
codegen_flags: <defaults>
</compile_context>

<pallas_src>
import jax
import jax.numpy as jnp
from jax import lax
from jax.experimental import pallas as pl
from jax.experimental.pallas import tpu as pltpu
from jax.experimental.pallas import tpu_sc as plsc

N = 100000
HALF = 128
OUT_D = 256
T = 500
NC = 2
NS = 16
NW = NC * NS
C = 160
BUFS = 3
NCHUNK = N // C
J = -(-NCHUNK // NW)
LAST_FULL = NCHUNK - (J - 1) * NW


def _pe_kernel(node_hbm, time_hbm, tpe_hbm, spe_hbm, out_hbm, *scratch):
    nidx = scratch[0:BUFS]
    tidx = scratch[BUFS:2 * BUFS]
    trows = scratch[2 * BUFS:3 * BUFS]
    srows = scratch[3 * BUFS:4 * BUFS]
    gt = scratch[4 * BUFS:5 * BUFS]
    gs = scratch[5 * BUFS:6 * BUFS]
    wt = scratch[6 * BUFS:7 * BUFS]
    ws = scratch[7 * BUFS:8 * BUFS]
    it = scratch[8 * BUFS:9 * BUFS]
    inm = scratch[9 * BUFS:10 * BUFS]
    tbl = scratch[10 * BUFS]
    tsem = scratch[10 * BUFS + 1]

    wid = lax.axis_index("s") * NC + lax.axis_index("c")
    has_last = wid < LAST_FULL

    @pl.when(lax.axis_index("s") == 0)
    def _stage_tbl():
        cp = pltpu.make_async_copy(tpe_hbm, tbl, tsem)
        cp.start()
        cp.wait()

    def descs(j):
        b = j % BUFS
        base = (wid + j * NW) * C
        return (
            pltpu.make_async_copy(tbl.at[tidx[b]], trows[b], gt[b]),
            pltpu.make_async_copy(spe_hbm.at[nidx[b]], srows[b], gs[b]),
            pltpu.make_async_copy(
                trows[b], out_hbm.at[pl.ds(base, C), pl.ds(0, HALF)], wt[b]),
            pltpu.make_async_copy(
                srows[b], out_hbm.at[pl.ds(base, C), pl.ds(HALF, HALF)], ws[b]),
            pltpu.make_async_copy(
                time_hbm.at[pl.ds(base, C)], tidx[b], it[b]),
            pltpu.make_async_copy(
                node_hbm.at[pl.ds(base, C)], nidx[b], inm[b]),
        )

    d = [descs(j) for j in range(J)]

    def prefetch_idx(j):
        d[j][4].start()
        d[j][5].start()

    def issue_gathers(j):
        d[j][4].wait()
        d[j][5].wait()
        d[j][0].start()
        d[j][1].start()

    prefetch_idx(0)
    prefetch_idx(1)
    plsc.subcore_barrier()
    issue_gathers(0)
    for j in range(J):
        if j + 1 < J:
            def lookahead(jj=j):
                if jj + 1 >= BUFS:
                    d[jj + 1 - BUFS][2].wait()
                    d[jj + 1 - BUFS][3].wait()
                issue_gathers(jj + 1)
                if jj + 2 < J - 1:
                    prefetch_idx(jj + 2)
                elif jj + 2 == J - 1:
                    pl.when(has_last)(lambda: prefetch_idx(jj + 2))
            if j + 1 == J - 1:
                pl.when(has_last)(lookahead)
            else:
                lookahead()

        def finish(jj=j):
            d[jj][0].wait()
            d[jj][1].wait()
            d[jj][2].start()
            d[jj][3].start()
        if j == J - 1:
            pl.when(has_last)(finish)
        else:
            finish()

    for k in range(1, BUFS + 1):
        d[J - k][2].wait()
        d[J - k][3].wait()


def kernel(x, node_ids, time_ids, temporal_pe, spatial_pe):
    del x
    mesh = plsc.VectorSubcoreMesh(core_axis_name="c", subcore_axis_name="s")
    f = pl.kernel(
        _pe_kernel,
        out_type=jax.ShapeDtypeStruct((N, OUT_D), jnp.float32),
        mesh=mesh,
        scratch_types=(
            [pltpu.VMEM((C,), jnp.int32) for _ in range(2 * BUFS)]
            + [pltpu.VMEM((C, HALF), jnp.float32) for _ in range(2 * BUFS)]
            + [pltpu.SemaphoreType.DMA for _ in range(6 * BUFS)]
            + [pltpu.VMEM_SHARED((T, HALF), jnp.float32),
               pltpu.SemaphoreType.DMA]
        ),
    )
    return f(node_ids, time_ids, temporal_pe, spatial_pe)

# --- scband reference (transcript-rebuilt; emitter-appended) ---
"""Pipeline reference for scband-graph-positional-encoding-91207925498458 (READ-ONLY COPY).

The authoritative reference and input builder live on the scoring server;
editing this copy changes nothing except your own understanding.
"""

import jax, jax.numpy as jnp
import numpy as np
import math

D_MODEL = 256
MAX_NODES = 100000
MAX_TIME = 500
N = 100000

def _make_params(key):
    half = D_MODEL // 2
    # temporal_pe: sinusoidal init (matches torch _init_positional_encoding)
    position = jnp.arange(0, MAX_TIME, dtype=jnp.float32)[:, None]
    div_term = jnp.exp(jnp.arange(0, half, 2, dtype=jnp.float32) * (-math.log(10000.0) / half))
    angles = position * div_term  # [MAX_TIME, half//2]
    temporal_pe = jnp.zeros((MAX_TIME, half), dtype=jnp.float32)
    temporal_pe = temporal_pe.at[:, 0::2].set(jnp.sin(angles))
    temporal_pe = temporal_pe.at[:, 1::2].set(jnp.cos(angles))
    # spatial_pe: normal(0, 0.02)
    spatial_pe = 0.02 * jax.random.normal(key, (MAX_NODES, half), dtype=jnp.float32)
    return temporal_pe, spatial_pe

def setup_inputs(seed: int = 0) -> dict:
    key = jax.random.key(seed)
    k_x, k_node, k_time, k_sp = jax.random.split(key, 4)
    x = jax.random.normal(k_x, (N, D_MODEL), dtype=jnp.float32)
    node_ids = jax.random.randint(k_node, (N,), 0, MAX_NODES, dtype=jnp.int64 if jax.config.jax_enable_x64 else jnp.int32)
    time_ids = jax.random.randint(k_time, (N,), 0, MAX_TIME, dtype=jnp.int64 if jax.config.jax_enable_x64 else jnp.int32)
    temporal_pe, spatial_pe = _make_params(k_sp)
    return {"x": x, "node_ids": node_ids, "time_ids": time_ids, "temporal_pe": temporal_pe, "spatial_pe": spatial_pe}

def reference(x, node_ids, time_ids, temporal_pe, spatial_pe):
    # Faithful translation of GraphPositionalEncoding.forward:
    # gathers from two embedding tables, concatenates along feature dim.
    temporal_enc = jnp.take(temporal_pe, time_ids, axis=0)   # [N, d_model//2]
    spatial_enc = jnp.take(spatial_pe, node_ids, axis=0)     # [N, d_model//2]
    pe = jnp.concatenate([temporal_enc, spatial_enc], axis=-1)  # [N, d_model]
    return pe

if __name__ == "__main__":
    import jax
    _d = setup_inputs()
    print(jax.jit(kernel)(*tuple(_d.values())))

</pallas_src>

<mosaic_0001>
#map = affine_map<(d0, d1) -> (0)>
#map1 = affine_map<(d0, d1) -> (0, 0)>
module attributes {stable_mosaic.version = 14 : i64} {
  func.func @_pe_kernel(%arg0: i32, %arg1: i32, %arg2: memref<100000xi32, #tpu.memory_space<hbm>>, %arg3: memref<100000xi32, #tpu.memory_space<hbm>>, %arg4: memref<500x128xf32, #tpu.memory_space<hbm>>, %arg5: memref<100000x128xf32, #tpu.memory_space<hbm>>, %arg6: memref<100000x256xf32, #tpu.memory_space<hbm>>, %arg7: memref<160xi32, #tpu.memory_space<vmem>>, %arg8: memref<160xi32, #tpu.memory_space<vmem>>, %arg9: memref<160xi32, #tpu.memory_space<vmem>>, %arg10: memref<160xi32, #tpu.memory_space<vmem>>, %arg11: memref<160xi32, #tpu.memory_space<vmem>>, %arg12: memref<160xi32, #tpu.memory_space<vmem>>, %arg13: memref<160x128xf32, #tpu.memory_space<vmem>>, %arg14: memref<160x128xf32, #tpu.memory_space<vmem>>, %arg15: memref<160x128xf32, #tpu.memory_space<vmem>>, %arg16: memref<160x128xf32, #tpu.memory_space<vmem>>, %arg17: memref<160x128xf32, #tpu.memory_space<vmem>>, %arg18: memref<160x128xf32, #tpu.memory_space<vmem>>, %arg19: memref<!tpu.dma_semaphore, #tpu.memory_space<semaphore_mem>>, %arg20: memref<!tpu.dma_semaphore, #tpu.memory_space<semaphore_mem>>, %arg21: memref<!tpu.dma_semaphore, #tpu.memory_space<semaphore_mem>>, %arg22: memref<!tpu.dma_semaphore, #tpu.memory_space<semaphore_mem>>, %arg23: memref<!tpu.dma_semaphore, #tpu.memory_space<semaphore_mem>>, %arg24: memref<!tpu.dma_semaphore, #tpu.memory_space<semaphore_mem>>, %arg25: memref<!tpu.dma_semaphore, #tpu.memory_space<semaphore_mem>>, %arg26: memref<!tpu.dma_semaphore, #tpu.memory_space<semaphore_mem>>, %arg27: memref<!tpu.dma_semaphore, #tpu.memory_space<semaphore_mem>>, %arg28: memref<!tpu.dma_semaphore, #tpu.memory_space<semaphore_mem>>, %arg29: memref<!tpu.dma_semaphore, #tpu.memory_space<semaphore_mem>>, %arg30: memref<!tpu.dma_semaphore, #tpu.memory_space<semaphore_mem>>, %arg31: memref<!tpu.dma_semaphore, #tpu.memory_space<semaphore_mem>>, %arg32: memref<!tpu.dma_semaphore, #tpu.memory_space<semaphore_mem>>, %arg33: memref<!tpu.dma_semaphore, #tpu.memory_space<semaphore_mem>>, %arg34: memref<!tpu.dma_semaphore, #tpu.memory_space<semaphore_mem>>, %arg35: memref<!tpu.dma_semaphore, #tpu.memory_space<semaphore_mem>>, %arg36: memref<!tpu.dma_semaphore, #tpu.memory_space<semaphore_mem>>, %arg37: memref<500x128xf32, #tpu.memory_space<vmem_shared>>, %arg38: memref<!tpu.dma_semaphore, #tpu.memory_space<semaphore_mem>>) attributes {dimension_semantics = [#tpu.dimension_semantics<core_parallel>, #tpu.dimension_semantics<subcore_parallel>], iteration_bounds = array<i64: 2, 16>, scalar_prefetch = 0 : i64, scratch_operands = 32 : i64, tpu.core_type = #tpu.core_type<sc_vector_subcore>, window_params = [{transform_indices = #map}, {transform_indices = #map}, {transform_indices = #map1}, {transform_indices = #map1}, {transform_indices = #map1}]} {
    %mul3A = arith.constant 2 : i32
    %mul3A_0 = arith.muli %arg1, %mul3A : i32
    %add3A = arith.addi %mul3A_0, %arg0 : i32
    %lt3A = arith.constant 17 : i32
    %lt3A_1 = arith.cmpi slt, %add3A, %lt3A : i32
    %eq3A = arith.constant 0 : i32
    %eq3A_2 = arith.cmpi eq, %arg1, %eq3A : i32
    %convert_element_type3A = arith.extui %eq3A_2 : i1 to i32
    %cond3A = arith.constant 0 : i32
    %cond3A_3 = arith.cmpi ne, %convert_element_type3A, %cond3A : i32
    scf.if %cond3A_3 {
      tpu.enqueue_dma source(%arg4 : memref<500x128xf32, #tpu.memory_space<hbm>>) target(%arg37 : memref<500x128xf32, #tpu.memory_space<vmem_shared>>) target_semaphore(%arg38 : memref<!tpu.dma_semaphore, #tpu.memory_space<semaphore_mem>>)
      tpu.wait_dma2 semaphore(%arg38 : memref<!tpu.dma_semaphore, #tpu.memory_space<semaphore_mem>>) src(%arg4 : memref<500x128xf32, #tpu.memory_space<hbm>>) dst(%arg37 : memref<500x128xf32, #tpu.memory_space<vmem_shared>>)
    } else {
    }
    %add3A_4 = arith.constant 0 : i32
    %add3A_5 = arith.addi %add3A, %add3A_4 : i32
    %mul3A_6 = arith.constant 160 : i32
    %mul3A_7 = arith.muli %add3A_5, %mul3A_6 : i32
    %add3A_8 = arith.constant 32 : i32
    %add3A_9 = arith.addi %add3A, %add3A_8 : i32
    %mul3A_10 = arith.constant 160 : i32
    %mul3A_11 = arith.muli %add3A_9, %mul3A_10 : i32
    %add3A_12 = arith.constant 64 : i32
    %add3A_13 = arith.addi %add3A, %add3A_12 : i32
    %mul3A_14 = arith.constant 160 : i32
    %mul3A_15 = arith.muli %add3A_13, %mul3A_14 : i32
    %add3A_16 = arith.constant 96 : i32
    %add3A_17 = arith.addi %add3A, %add3A_16 : i32
    %mul3A_18 = arith.constant 160 : i32
    %mul3A_19 = arith.muli %add3A_17, %mul3A_18 : i32
    %add3A_20 = arith.constant 128 : i32
    %add3A_21 = arith.addi %add3A, %add3A_20 : i32
    %mul3A_22 = arith.constant 160 : i32
    %mul3A_23 = arith.muli %add3A_21, %mul3A_22 : i32
    %add3A_24 = arith.constant 160 : i32
    %add3A_25 = arith.addi %add3A, %add3A_24 : i32
    %mul3A_26 = arith.constant 160 : i32
    %mul3A_27 = arith.muli %add3A_25, %mul3A_26 : i32
    %add3A_28 = arith.constant 192 : i32
    %add3A_29 = arith.addi %add3A, %add3A_28 : i32
    %mul3A_30 = arith.constant 160 : i32
    %mul3A_31 = arith.muli %add3A_29, %mul3A_30 : i32
    %add3A_32 = arith.constant 224 : i32
    %add3A_33 = arith.addi %add3A, %add3A_32 : i32
    %mul3A_34 = arith.constant 160 : i32
    %mul3A_35 = arith.muli %add3A_33, %mul3A_34 : i32
    %add3A_36 = arith.constant 256 : i32
    %add3A_37 = arith.addi %add3A, %add3A_36 : i32
    %mul3A_38 = arith.constant 160 : i32
    %mul3A_39 = arith.muli %add3A_37, %mul3A_38 : i32
    %add3A_40 = arith.constant 288 : i32
    %add3A_41 = arith.addi %add3A, %add3A_40 : i32
    %mul3A_42 = arith.constant 160 : i32
    %mul3A_43 = arith.muli %add3A_41, %mul3A_42 : i32
    %add3A_44 = arith.constant 320 : i32
    %add3A_45 = arith.addi %add3A, %add3A_44 : i32
    %mul3A_46 = arith.constant 160 : i32
    %mul3A_47 = arith.muli %add3A_45, %mul3A_46 : i32
    %add3A_48 = arith.constant 352 : i32
    %add3A_49 = arith.addi %add3A, %add3A_48 : i32
    %mul3A_50 = arith.constant 160 : i32
    %mul3A_51 = arith.muli %add3A_49, %mul3A_50 : i32
    %add3A_52 = arith.constant 384 : i32
    %add3A_53 = arith.addi %add3A, %add3A_52 : i32
    %mul3A_54 = arith.constant 160 : i32
    %mul3A_55 = arith.muli %add3A_53, %mul3A_54 : i32
    %add3A_56 = arith.constant 416 : i32
    %add3A_57 = arith.addi %add3A, %add3A_56 : i32
    %mul3A_58 = arith.constant 160 : i32
    %mul3A_59 = arith.muli %add3A_57, %mul3A_58 : i32
    %add3A_60 = arith.constant 448 : i32
    %add3A_61 = arith.addi %add3A, %add3A_60 : i32
    %mul3A_62 = arith.constant 160 : i32
    %mul3A_63 = arith.muli %add3A_61, %mul3A_62 : i32
    %add3A_64 = arith.constant 480 : i32
    %add3A_65 = arith.addi %add3A, %add3A_64 : i32
    %mul3A_66 = arith.constant 160 : i32
    %mul3A_67 = arith.muli %add3A_65, %mul3A_66 : i32
    %add3A_68 = arith.constant 512 : i32
    %add3A_69 = arith.addi %add3A, %add3A_68 : i32
    %mul3A_70 = arith.constant 160 : i32
    %mul3A_71 = arith.muli %add3A_69, %mul3A_70 : i32
    %add3A_72 = arith.constant 544 : i32
    %add3A_73 = arith.addi %add3A, %add3A_72 : i32
    %mul3A_74 = arith.constant 160 : i32
    %mul3A_75 = arith.muli %add3A_73, %mul3A_74 : i32
    %add3A_76 = arith.constant 576 : i32
    %add3A_77 = arith.addi %add3A, %add3A_76 : i32
    %mul3A_78 = arith.constant 160 : i32
    %mul3A_79 = arith.muli %add3A_77, %mul3A_78 : i32
    %add3A_80 = arith.constant 608 : i32
    %add3A_81 = arith.addi %add3A, %add3A_80 : i32
    %mul3A_82 = arith.constant 160 : i32
    %mul3A_83 = arith.muli %add3A_81, %mul3A_82 : i32
    %dma_start3A = tpu.memref_slice %arg3[%mul3A_7] : memref<100000xi32, #tpu.memory_space<hbm>> -> memref<160xi32, #tpu.memory_space<hbm>>
    %dma_start3A_84 = tpu.memref_slice %arg3[%mul3A_7] : memref<100000xi32, #tpu.memory_space<hbm>> -> memref<160xi32, #tpu.memory_space<hbm>>
    tpu.enqueue_dma source(%dma_start3A_84 : memref<160xi32, #tpu.memory_space<hbm>>) target(%arg10 : memref<160xi32, #tpu.memory_space<vmem>>) target_semaphore(%arg31 : memref<!tpu.dma_semaphore, #tpu.memory_space<semaphore_mem>>)
    %dma_start3A_85 = tpu.memref_slice %arg2[%mul3A_7] : memref<100000xi32, #tpu.memory_space<hbm>> -> memref<160xi32, #tpu.memory_space<hbm>>
    %dma_start3A_86 = tpu.memref_slice %arg2[%mul3A_7] : memref<100000xi32, #tpu.memory_space<hbm>> -> memref<160xi32, #tpu.memory_space<hbm>>
    tpu.enqueue_dma source(%dma_start3A_86 : memref<160xi32, #tpu.memory_space<hbm>>) target(%arg7 : memref<160xi32, #tpu.memory_space<vmem>>) target_semaphore(%arg34 : memref<!tpu.dma_semaphore, #tpu.memory_space<semaphore_mem>>)
    %dma_start3A_87 = tpu.memref_slice %arg3[%mul3A_11] : memref<100000xi32, #tpu.memory_space<hbm>> -> memref<160xi32, #tpu.memory_space<hbm>>
    %dma_start3A_88 = tpu.memref_slice %arg3[%mul3A_11] : memref<100000xi32, #tpu.memory_space<hbm>> -> memref<160xi32, #tpu.memory_space<hbm>>
    tpu.enqueue_dma source(%dma_start3A_88 : memref<160xi32, #tpu.memory_space<hbm>>) target(%arg11 : memref<160xi32, #tpu.memory_space<vmem>>) target_semaphore(%arg32 : memref<!tpu.dma_semaphore, #tpu.memory_space<semaphore_mem>>)
    %dma_start3A_89 = tpu.memref_slice %arg2[%mul3A_11] : memref<100000xi32, #tpu.memory_space<hbm>> -> memref<160xi32, #tpu.memory_space<hbm>>
    %dma_start3A_90 = tpu.memref_slice %arg2[%mul3A_11] : memref<100000xi32, #tpu.memory_space<hbm>> -> memref<160xi32, #tpu.memory_space<hbm>>
    tpu.enqueue_dma source(%dma_start3A_90 : memref<160xi32, #tpu.memory_space<hbm>>) target(%arg8 : memref<160xi32, #tpu.memory_space<vmem>>) target_semaphore(%arg35 : memref<!tpu.dma_semaphore, #tpu.memory_space<semaphore_mem>>)
    %barrier3A = arith.constant 0 : index
    tpu.barrier barrier_id(%barrier3A)
    %dma_wait3A = tpu.memref_slice %arg3[%mul3A_7] : memref<100000xi32, #tpu.memory_space<hbm>> -> memref<160xi32, #tpu.memory_space<hbm>>
    %dma_wait3A_91 = tpu.memref_slice %arg3[%mul3A_7] : memref<100000xi32, #tpu.memory_space<hbm>> -> memref<160xi32, #tpu.memory_space<hbm>>
    tpu.wait_dma2 semaphore(%arg31 : memref<!tpu.dma_semaphore, #tpu.memory_space<semaphore_mem>>) src(%dma_wait3A_91 : memref<160xi32, #tpu.memory_space<hbm>>) dst(%arg10 : memref<160xi32, #tpu.memory_space<vmem>>)
    %dma_wait3A_92 = tpu.memref_slice %arg2[%mul3A_7] : memref<100000xi32, #tpu.memory_space<hbm>> -> memref<160xi32, #tpu.memory_space<hbm>>
    %dma_wait3A_93 = tpu.memref_slice %arg2[%mul3A_7] : memref<100000xi32, #tpu.memory_space<hbm>> -> memref<160xi32, #tpu.memory_space<hbm>>
    tpu.wait_dma2 semaphore(%arg34 : memref<!tpu.dma_semaphore, #tpu.memory_space<semaphore_mem>>) src(%dma_wait3A_93 : memref<160xi32, #tpu.memory_space<hbm>>) dst(%arg7 : memref<160xi32, #tpu.memory_space<vmem>>)
    %dma_start3A_94 = arith.constant 0 : i32
    %dma_start3A_95 = arith.constant 0 : i32
    %dma_start3A_96 = tpu.memref_slice %arg37[%dma_start3A_94, %dma_start3A_95] : memref<500x128xf32, #tpu.memory_space<vmem_shared>> -> memref<500x128xf32, #tpu.memory_space<vmem_shared>>
    tpu.enqueue_indirect_dma source(%dma_start3A_96 : memref<500x128xf32, #tpu.memory_space<vmem_shared>>) target(%arg13 : memref<160x128xf32, #tpu.memory_space<vmem>>) offsets(%arg10 : memref<160xi32, #tpu.memory_space<vmem>>) semaphore(%arg19 : memref<!tpu.dma_semaphore, #tpu.memory_space<semaphore_mem>>)
    %dma_start3A_97 = arith.constant 0 : i32
    %dma_start3A_98 = arith.constant 0 : i32
    %dma_start3A_99 = tpu.memref_slice %arg5[%dma_start3A_97, %dma_start3A_98] : memref<100000x128xf32, #tpu.memory_space<hbm>> -> memref<100000x128xf32, #tpu.memory_space<hbm>>
    tpu.enqueue_indirect_dma source(%dma_start3A_99 : memref<100000x128xf32, #tpu.memory_space<hbm>>) target(%arg16 : memref<160x128xf32, #tpu.memory_space<vmem>>) offsets(%arg7 : memref<160xi32, #tpu.memory_space<vmem>>) semaphore(%arg22 : memref<!tpu.dma_semaphore, #tpu.memory_space<semaphore_mem>>)
    %dma_wait3A_100 = tpu.memref_slice %arg3[%mul3A_11] : memref<100000xi32, #tpu.memory_space<hbm>> -> memref<160xi32, #tpu.memory_space<hbm>>
    %dma_wait3A_101 = tpu.memref_slice %arg3[%mul3A_11] : memref<100000xi32, #tpu.memory_space<hbm>> -> memref<160xi32, #tpu.memory_space<hbm>>
    tpu.wait_dma2 semaphore(%arg32 : memref<!tpu.dma_semaphore, #tpu.memory_space<semaphore_mem>>) src(%dma_wait3A_101 : memref<160xi32, #tpu.memory_space<hbm>>) dst(%arg11 : memref<160xi32, #tpu.memory_space<vmem>>)
    %dma_wait3A_102 = tpu.memref_slice %arg2[%mul3A_11] : memref<100000xi32, #tpu.memory_space<hbm>> -> memref<160xi32, #tpu.memory_space<hbm>>
    %dma_wait3A_103 = tpu.memref_slice %arg2[%mul3A_11] : memref<100000xi32, #tpu.memory_space<hbm>> -> memref<160xi32, #tpu.memory_space<hbm>>
    tpu.wait_dma2 semaphore(%arg35 : memref<!tpu.dma_semaphore, #tpu.memory_space<semaphore_mem>>) src(%dma_wait3A_103 : memref<160xi32, #tpu.memory_space<hbm>>) dst(%arg8 : memref<160xi32, #tpu.memory_space<vmem>>)
    %dma_start3A_104 = arith.constant 0 : i32
    %dma_start3A_105 = arith.constant 0 : i32
    %dma_start3A_106 = tpu.memref_slice %arg37[%dma_start3A_104, %dma_start3A_105] : memref<500x128xf32, #tpu.memory_space<vmem_shared>> -> memref<500x128xf32, #tpu.memory_space<vmem_shared>>
    tpu.enqueue_indirect_dma source(%dma_start3A_106 : memref<500x128xf32, #tpu.memory_space<vmem_shared>>) target(%arg14 : memref<160x128xf32, #tpu.memory_space<vmem>>) offsets(%arg11 : memref<160xi32, #tpu.memory_space<vmem>>) semaphore(%arg20 : memref<!tpu.dma_semaphore, #tpu.memory_space<semaphore_mem>>)
    %dma_start3A_107 = arith.constant 0 : i32
    %dma_start3A_108 = arith.constant 0 : i32
    %dma_start3A_109 = tpu.memref_slice %arg5[%dma_start3A_107, %dma_start3A_108] : memref<100000x128xf32, #tpu.memory_space<hbm>> -> memref<100000x128xf32, #tpu.memory_space<hbm>>
    tpu.enqueue_indirect_dma source(%dma_start3A_109 : memref<100000x128xf32, #tpu.memory_space<hbm>>) target(%arg17 : memref<160x128xf32, #tpu.memory_space<vmem>>) offsets(%arg8 : memref<160xi32, #tpu.memory_space<vmem>>) semaphore(%arg23 : memref<!tpu.dma_semaphore, #tpu.memory_space<semaphore_mem>>)
    %dma_start3A_110 = tpu.memref_slice %arg3[%mul3A_15] : memref<100000xi32, #tpu.memory_space<hbm>> -> memref<160xi32, #tpu.memory_space<hbm>>
    %dma_start3A_111 = tpu.memref_slice %arg3[%mul3A_15] : memref<100000xi32, #tpu.memory_space<hbm>> -> memref<160xi32, #tpu.memory_space<hbm>>
    tpu.enqueue_dma source(%dma_start3A_111 : memref<160xi32, #tpu.memory_space<hbm>>) target(%arg12 : memref<160xi32, #tpu.memory_space<vmem>>) target_semaphore(%arg33 : memref<!tpu.dma_semaphore, #tpu.memory_space<semaphore_mem>>)
    %dma_start3A_112 = tpu.memref_slice %arg2[%mul3A_15] : memref<100000xi32, #tpu.memory_space<hbm>> -> memref<160xi32, #tpu.memory_space<hbm>>
    %dma_start3A_113 = tpu.memref_slice %arg2[%mul3A_15] : memref<100000xi32, #tpu.memory_space<hbm>> -> memref<160xi32, #tpu.memory_space<hbm>>
    tpu.enqueue_dma source(%dma_start3A_113 : memref<160xi32, #tpu.memory_space<hbm>>) target(%arg9 : memref<160xi32, #tpu.memory_space<vmem>>) target_semaphore(%arg36 : memref<!tpu.dma_semaphore, #tpu.memory_space<semaphore_mem>>)
    %dma_wait3A_114 = arith.constant 0 : i32
    %dma_wait3A_115 = arith.constant 0 : i32
    %dma_wait3A_116 = tpu.memref_slice %arg37[%dma_wait3A_114, %dma_wait3A_115] : memref<500x128xf32, #tpu.memory_space<vmem_shared>> -> memref<500x128xf32, #tpu.memory_space<vmem_shared>>
    tpu.wait_indirect_dma semaphore(%arg19 : memref<!tpu.dma_semaphore, #tpu.memory_space<semaphore_mem>>) src(%dma_wait3A_116 : memref<500x128xf32, #tpu.memory_space<vmem_shared>>) dst(%arg13 : memref<160x128xf32, #tpu.memory_space<vmem>>)
    %dma_wait3A_117 = arith.constant 0 : i32
    %dma_wait3A_118 = arith.constant 0 : i32
    %dma_wait3A_119 = tpu.memref_slice %arg5[%dma_wait3A_117, %dma_wait3A_118] : memref<100000x128xf32, #tpu.memory_space<hbm>> -> memref<100000x128xf32, #tpu.memory_space<hbm>>
    tpu.wait_indirect_dma semaphore(%arg22 : memref<!tpu.dma_semaphore, #tpu.memory_space<semaphore_mem>>) src(%dma_wait3A_119 : memref<100000x128xf32, #tpu.memory_space<hbm>>) dst(%arg16 : memref<160x128xf32, #tpu.memory_space<vmem>>)
    %dma_start3A_120 = arith.constant 0 : i32
    %dma_start3A_121 = tpu.memref_slice %arg6[%mul3A_7, %dma_start3A_120] : memref<100000x256xf32, #tpu.memory_space<hbm>> -> memref<160x128xf32, #tpu.memory_space<hbm>>
    %dma_start3A_122 = arith.constant 0 : i32
    %dma_start3A_123 = tpu.memref_slice %arg6[%mul3A_7, %dma_start3A_122] : memref<100000x256xf32, #tpu.memory_space<hbm>> -> memref<160x128xf32, #tpu.memory_space<hbm>>
    tpu.enqueue_dma source(%arg13 : memref<160x128xf32, #tpu.memory_space<vmem>>) target(%dma_start3A_123 : memref<160x128xf32, #tpu.memory_space<hbm>>) target_semaphore(%arg25 : memref<!tpu.dma_semaphore, #tpu.memory_space<semaphore_mem>>)
    %dma_start3A_124 = arith.constant 128 : i32
    %dma_start3A_125 = tpu.memref_slice %arg6[%mul3A_7, %dma_start3A_124] : memref<100000x256xf32, #tpu.memory_space<hbm>> -> memref<160x128xf32, #tpu.memory_space<hbm>>
    %dma_start3A_126 = arith.constant 128 : i32
    %dma_start3A_127 = tpu.memref_slice %arg6[%mul3A_7, %dma_start3A_126] : memref<100000x256xf32, #tpu.memory_space<hbm>> -> memref<160x128xf32, #tpu.memory_space<hbm>>
    tpu.enqueue_dma source(%arg16 : memref<160x128xf32, #tpu.memory_space<vmem>>) target(%dma_start3A_127 : memref<160x128xf32, #tpu.memory_space<hbm>>) target_semaphore(%arg28 : memref<!tpu.dma_semaphore, #tpu.memory_space<semaphore_mem>>)
    %dma_wait3A_128 = tpu.memref_slice %arg3[%mul3A_15] : memref<100000xi32, #tpu.memory_space<hbm>> -> memref<160xi32, #tpu.memory_space<hbm>>
    %dma_wait3A_129 = tpu.memref_slice %arg3[%mul3A_15] : memref<100000xi32, #tpu.memory_space<hbm>> -> memref<160xi32, #tpu.memory_space<hbm>>
    tpu.wait_dma2 semaphore(%arg33 : memref<!tpu.dma_semaphore, #tpu.memory_space<semaphore_mem>>) src(%dma_wait3A_129 : memref<160xi32, #tpu.memory_space<hbm>>) dst(%arg12 : memref<160xi32, #tpu.memory_space<vmem>>)
    %dma_wait3A_130 = tpu.memref_slice %arg2[%mul3A_15] : memref<100000xi32, #tpu.memory_space<hbm>> -> memref<160xi32, #tpu.memory_space<hbm>>
    %dma_wait3A_131 = tpu.memref_slice %arg2[%mul3A_15] : memref<100000xi32, #tpu.memory_space<hbm>> -> memref<160xi32, #tpu.memory_space<hbm>>
    tpu.wait_dma2 semaphore(%arg36 : memref<!tpu.dma_semaphore, #tpu.memory_space<semaphore_mem>>) src(%dma_wait3A_131 : memref<160xi32, #tpu.memory_space<hbm>>) dst(%arg9 : memref<160xi32, #tpu.memory_space<vmem>>)
    %dma_start3A_132 = arith.constant 0 : i32
    %dma_start3A_133 = arith.constant 0 : i32
    %dma_start3A_134 = tpu.memref_slice %arg37[%dma_start3A_132, %dma_start3A_133] : memref<500x128xf32, #tpu.memory_space<vmem_shared>> -> memref<500x128xf32, #tpu.memory_space<vmem_shared>>
    tpu.enqueue_indirect_dma source(%dma_start3A_134 : memref<500x128xf32, #tpu.memory_space<vmem_shared>>) target(%arg15 : memref<160x128xf32, #tpu.memory_space<vmem>>) offsets(%arg12 : memref<160xi32, #tpu.memory_space<vmem>>) semaphore(%arg21 : memref<!tpu.dma_semaphore, #tpu.memory_space<semaphore_mem>>)
    %dma_start3A_135 = arith.constant 0 : i32
    %dma_start3A_136 = arith.constant 0 : i32
    %dma_start3A_137 = tpu.memref_slice %arg5[%dma_start3A_135, %dma_start3A_136] : memref<100000x128xf32, #tpu.memory_space<hbm>> -> memref<100000x128xf32, #tpu.memory_space<hbm>>
    tpu.enqueue_indirect_dma source(%dma_start3A_137 : memref<100000x128xf32, #tpu.memory_space<hbm>>) target(%arg18 : memref<160x128xf32, #tpu.memory_space<vmem>>) offsets(%arg9 : memref<160xi32, #tpu.memory_space<vmem>>) semaphore(%arg24 : memref<!tpu.dma_semaphore, #tpu.memory_space<semaphore_mem>>)
    %dma_start3A_138 = tpu.memref_slice %arg3[%mul3A_19] : memref<100000xi32, #tpu.memory_space<hbm>> -> memref<160xi32, #tpu.memory_space<hbm>>
    %dma_start3A_139 = tpu.memref_slice %arg3[%mul3A_19] : memref<100000xi32, #tpu.memory_space<hbm>> -> memref<160xi32, #tpu.memory_space<hbm>>
    tpu.enqueue_dma source(%dma_start3A_139 : memref<160xi32, #tpu.memory_space<hbm>>) target(%arg10 : memref<160xi32, #tpu.memory_space<vmem>>) target_semaphore(%arg31 : memref<!tpu.dma_semaphore, #tpu.memory_space<semaphore_mem>>)
    %dma_start3A_140 = tpu.memref_slice %arg2[%mul3A_19] : memref<100000xi32, #tpu.memory_space<hbm>> -> memref<160xi32, #tpu.memory_space<hbm>>
    %dma_start3A_141 = tpu.memref_slice %arg2[%mul3A_19] : memref<100000xi32, #tpu.memory_space<hbm>> -> memref<160xi32, #tpu.memory_space<hbm>>
    tpu.enqueue_dma source(%dma_start3A_141 : memref<160xi32, #tpu.memory_space<hbm>>) target(%arg7 : memref<160xi32, #tpu.memory_space<vmem>>) target_semaphore(%arg34 : memref<!tpu.dma_semaphore, #tpu.memory_space<semaphore_mem>>)
    %dma_wait3A_142 = arith.constant 0 : i32
    %dma_wait3A_143 = arith.constant 0 : i32
    %dma_wait3A_144 = tpu.memref_slice %arg37[%dma_wait3A_142, %dma_wait3A_143] : memref<500x128xf32, #tpu.memory_space<vmem_shared>> -> memref<500x128xf32, #tpu.memory_space<vmem_shared>>
    tpu.wait_indirect_dma semaphore(%arg20 : memref<!tpu.dma_semaphore, #tpu.memory_space<semaphore_mem>>) src(%dma_wait3A_144 : memref<500x128xf32, #tpu.memory_space<vmem_shared>>) dst(%arg14 : memref<160x128xf32, #tpu.memory_space<vmem>>)
    %dma_wait3A_145 = arith.constant 0 : i32
    %dma_wait3A_146 = arith.constant 0 : i32
    %dma_wait3A_147 = tpu.memref_slice %arg5[%dma_wait3A_145, %dma_wait3A_146] : memref<100000x128xf32, #tpu.memory_space<hbm>> -> memref<100000x128xf32, #tpu.memory_space<hbm>>
    tpu.wait_indirect_dma semaphore(%arg23 : memref<!tpu.dma_semaphore, #tpu.memory_space<semaphore_mem>>) src(%dma_wait3A_147 : memref<100000x128xf32, #tpu.memory_space<hbm>>) dst(%arg17 : memref<160x128xf32, #tpu.memory_space<vmem>>)
    %dma_start3A_148 = arith.constant 0 : i32
    %dma_start3A_149 = tpu.memref_slice %arg6[%mul3A_11, %dma_start3A_148] : memref<100000x256xf32, #tpu.memory_space<hbm>> -> memref<160x128xf32, #tpu.memory_space<hbm>>
    %dma_start3A_150 = arith.constant 0 : i32
    %dma_start3A_151 = tpu.memref_slice %arg6[%mul3A_11, %dma_start3A_150] : memref<100000x256xf32, #tpu.memory_space<hbm>> -> memref<160x128xf32, #tpu.memory_space<hbm>>
    tpu.enqueue_dma source(%arg14 : memref<160x128xf32, #tpu.memory_space<vmem>>) target(%dma_start3A_151 : memref<160x128xf32, #tpu.memory_space<hbm>>) target_semaphore(%arg26 : memref<!tpu.dma_semaphore, #tpu.memory_space<semaphore_mem>>)
    %dma_start3A_152 = arith.constant 128 : i32
    %dma_start3A_153 = tpu.memref_slice %arg6[%mul3A_11, %dma_start3A_152] : memref<100000x256xf32, #tpu.memory_space<hbm>> -> memref<160x128xf32, #tpu.memory_space<hbm>>
    %dma_start3A_154 = arith.constant 128 : i32
    %dma_start3A_155 = tpu.memref_slice %arg6[%mul3A_11, %dma_start3A_154] : memref<100000x256xf32, #tpu.memory_space<hbm>> -> memref<160x128xf32, #tpu.memory_space<hbm>>
    tpu.enqueue_dma source(%arg17 : memref<160x128xf32, #tpu.memory_space<vmem>>) target(%dma_start3A_155 : memref<160x128xf32, #tpu.memory_space<hbm>>) target_semaphore(%arg29 : memref<!tpu.dma_semaphore, #tpu.memory_space<semaphore_mem>>)
    %dma_wait3A_156 = arith.constant 0 : i32
    %dma_wait3A_157 = tpu.memref_slice %arg6[%mul3A_7, %dma_wait3A_156] : memref<100000x256xf32, #tpu.memory_space<hbm>> -> memref<160x128xf32, #tpu.memory_space<hbm>>
    %dma_wait3A_158 = arith.constant 0 : i32
    %dma_wait3A_159 = tpu.memref_slice %arg6[%mul3A_7, %dma_wait3A_158] : memref<100000x256xf32, #tpu.memory_space<hbm>> -> memref<160x128xf32, #tpu.memory_space<hbm>>
    tpu.wait_dma2 semaphore(%arg25 : memref<!tpu.dma_semaphore, #tpu.memory_space<semaphore_mem>>) src(%arg13 : memref<160x128xf32, #tpu.memory_space<vmem>>) dst(%dma_wait3A_159 : memref<160x128xf32, #tpu.memory_space<hbm>>)
    %dma_wait3A_160 = arith.constant 128 : i32
    %dma_wait3A_161 = tpu.memref_slice %arg6[%mul3A_7, %dma_wait3A_160] : memref<100000x256xf32, #tpu.memory_space<hbm>> -> memref<160x128xf32, #tpu.memory_space<hbm>>
    %dma_wait3A_162 = arith.constant 128 : i32
    %dma_wait3A_163 = tpu.memref_slice %arg6[%mul3A_7, %dma_wait3A_162] : memref<100000x256xf32, #tpu.memory_space<hbm>> -> memref<160x128xf32, #tpu.memory_space<hbm>>
    tpu.wait_dma2 semaphore(%arg28 : memref<!tpu.dma_semaphore, #tpu.memory_space<semaphore_mem>>) src(%arg16 : memref<160x128xf32, #tpu.memory_space<vmem>>) dst(%dma_wait3A_163 : memref<160x128xf32, #tpu.memory_space<hbm>>)
    %dma_wait3A_164 = tpu.memref_slice %arg3[%mul3A_19] : memref<100000xi32, #tpu.memory_space<hbm>> -> memref<160xi32, #tpu.memory_space<hbm>>
    %dma_wait3A_165 = tpu.memref_slice %arg3[%mul3A_19] : memref<100000xi32, #tpu.memory_space<hbm>> -> memref<160xi32, #tpu.memory_space<hbm>>
    tpu.wait_dma2 semaphore(%arg31 : memref<!tpu.dma_semaphore, #tpu.memory_space<semaphore_mem>>) src(%dma_wait3A_165 : memref<160xi32, #tpu.memory_space<hbm>>) dst(%arg10 : memref<160xi32, #tpu.memory_space<vmem>>)
    %dma_wait3A_166 = tpu.memref_slice %arg2[%mul3A_19] : memref<100000xi32, #tpu.memory_space<hbm>> -> memref<160xi32, #tpu.memory_space<hbm>>
    %dma_wait3A_167 = tpu.memref_slice %arg2[%mul3A_19] : memref<100000xi32, #tpu.memory_space<hbm>> -> memref<160xi32, #tpu.memory_space<hbm>>
    tpu.wait_dma2 semaphore(%arg34 : memref<!tpu.dma_semaphore, #tpu.memory_space<semaphore_mem>>) src(%dma_wait3A_167 : memref<160xi32, #tpu.memory_space<hbm>>) dst(%arg7 : memref<160xi32, #tpu.memory_space<vmem>>)
    %dma_start3A_168 = arith.constant 0 : i32
    %dma_start3A_169 = arith.constant 0 : i32
    %dma_start3A_170 = tpu.memref_slice %arg37[%dma_start3A_168, %dma_start3A_169] : memref<500x128xf32, #tpu.memory_space<vmem_shared>> -> memref<500x128xf32, #tpu.memory_space<vmem_shared>>
    tpu.enqueue_indirect_dma source(%dma_start3A_170 : memref<500x128xf32, #tpu.memory_space<vmem_shared>>) target(%arg13 : memref<160x128xf32, #tpu.memory_space<vmem>>) offsets(%arg10 : memref<160xi32, #tpu.memory_space<vmem>>) semaphore(%arg19 : memref<!tpu.dma_semaphore, #tpu.memory_space<semaphore_mem>>)
    %dma_start3A_171 = arith.constant 0 : i32
    %dma_start3A_172 = arith.constant 0 : i32
    %dma_start3A_173 = tpu.memref_slice %arg5[%dma_start3A_171, %dma_start3A_172] : memref<100000x128xf32, #tpu.memory_space<hbm>> -> memref<100000x128xf32, #tpu.memory_space<hbm>>
    tpu.enqueue_indirect_dma source(%dma_start3A_173 : memref<100000x128xf32, #tpu.memory_space<hbm>>) target(%arg16 : memref<160x128xf32, #tpu.memory_space<vmem>>) offsets(%arg7 : memref<160xi32, #tpu.memory_space<vmem>>) semaphore(%arg22 : memref<!tpu.dma_semaphore, #tpu.memory_space<semaphore_mem>>)
    %dma_start3A_174 = tpu.memref_slice %arg3[%mul3A_23] : memref<100000xi32, #tpu.memory_space<hbm>> -> memref<160xi32, #tpu.memory_space<hbm>>
    %dma_start3A_175 = tpu.memref_slice %arg3[%mul3A_23] : memref<100000xi32, #tpu.memory_space<hbm>> -> memref<160xi32, #tpu.memory_space<hbm>>
    tpu.enqueue_dma source(%dma_start3A_175 : memref<160xi32, #tpu.memory_space<hbm>>) target(%arg11 : memref<160xi32, #tpu.memory_space<vmem>>) target_semaphore(%arg32 : memref<!tpu.dma_semaphore, #tpu.memory_space<semaphore_mem>>)
    %dma_start3A_176 = tpu.memref_slice %arg2[%mul3A_23] : memref<100000xi32, #tpu.memory_space<hbm>> -> memref<160xi32, #tpu.memory_space<hbm>>
    %dma_start3A_177 = tpu.memref_slice %arg2[%mul3A_23] : memref<100000xi32, #tpu.memory_space<hbm>> -> memref<160xi32, #tpu.memory_space<hbm>>
    tpu.enqueue_dma source(%dma_start3A_177 : memref<160xi32, #tpu.memory_space<hbm>>) target(%arg8 : memref<160xi32, #tpu.memory_space<vmem>>) target_semaphore(%arg35 : memref<!tpu.dma_semaphore, #tpu.memory_space<semaphore_mem>>)
    %dma_wait3A_178 = arith.constant 0 : i32
    %dma_wait3A_179 = arith.constant 0 : i32
    %dma_wait3A_180 = tpu.memref_slice %arg37[%dma_wait3A_178, %dma_wait3A_179] : memref<500x128xf32, #tpu.memory_space<vmem_shared>> -> memref<500x128xf32, #tpu.memory_space<vmem_shared>>
    tpu.wait_indirect_dma semaphore(%arg21 : memref<!tpu.dma_semaphore, #tpu.memory_space<semaphore_mem>>) src(%dma_wait3A_180 : memref<500x128xf32, #tpu.memory_space<vmem_shared>>) dst(%arg15 : memref<160x128xf32, #tpu.memory_space<vmem>>)
    %dma_wait3A_181 = arith.constant 0 : i32
    %dma_wait3A_182 = arith.constant 0 : i32
    %dma_wait3A_183 = tpu.memref_slice %arg5[%dma_wait3A_181, %dma_wait3A_182] : memref<100000x128xf32, #tpu.memory_space<hbm>> -> memref<100000x128xf32, #tpu.memory_space<hbm>>
    tpu.wait_indirect_dma semaphore(%arg24 : memref<!tpu.dma_semaphore, #tpu.memory_space<semaphore_mem>>) src(%dma_wait3A_183 : memref<100000x128xf32, #tpu.memory_space<hbm>>) dst(%arg18 : memref<160x128xf32, #tpu.memory_space<vmem>>)
    %dma_start3A_184 = arith.constant 0 : i32
    %dma_start3A_185 = tpu.memref_slice %arg6[%mul3A_15, %dma_start3A_184] : memref<100000x256xf32, #tpu.memory_space<hbm>> -> memref<160x128xf32, #tpu.memory_space<hbm>>
    %dma_start3A_186 = arith.constant 0 : i32
    %dma_start3A_187 = tpu.memref_slice %arg6[%mul3A_15, %dma_start3A_186] : memref<100000x256xf32, #tpu.memory_space<hbm>> -> memref<160x128xf32, #tpu.memory_space<hbm>>
    tpu.enqueue_dma source(%arg15 : memref<160x128xf32, #tpu.memory_space<vmem>>) target(%dma_start3A_187 : memref<160x128xf32, #tpu.memory_space<hbm>>) target_semaphore(%arg27 : memref<!tpu.dma_semaphore, #tpu.memory_space<semaphore_mem>>)
    %dma_start3A_188 = arith.constant 128 : i32
    %dma_start3A_189 = tpu.memref_slice %arg6[%mul3A_15, %dma_start3A_188] : memref<100000x256xf32, #tpu.memory_space<hbm>> -> memref<160x128xf32, #tpu.memory_space<hbm>>
    %dma_start3A_190 = arith.constant 128 : i32
    %dma_start3A_191 = tpu.memref_slice %arg6[%mul3A_15, %dma_start3A_190] : memref<100000x256xf32, #tpu.memory_space<hbm>> -> memref<160x128xf32, #tpu.memory_space<hbm>>
    tpu.enqueue_dma source(%arg18 : memref<160x128xf32, #tpu.memory_space<vmem>>) target(%dma_start3A_191 : memref<160x128xf32, #tpu.memory_space<hbm>>) target_semaphore(%arg30 : memref<!tpu.dma_semaphore, #tpu.memory_space<semaphore_mem>>)
    %dma_wait3A_192 = arith.constant 0 : i32
    %dma_wait3A_193 = tpu.memref_slice %arg6[%mul3A_11, %dma_wait3A_192] : memref<100000x256xf32, #tpu.memory_space<hbm>> -> memref<160x128xf32, #tpu.memory_space<hbm>>
    %dma_wait3A_194 = arith.constant 0 : i32
    %dma_wait3A_195 = tpu.memref_slice %arg6[%mul3A_11, %dma_wait3A_194] : memref<100000x256xf32, #tpu.memory_space<hbm>> -> memref<160x128xf32, #tpu.memory_space<hbm>>
    tpu.wait_dma2 semaphore(%arg26 : memref<!tpu.dma_semaphore, #tpu.memory_space<semaphore_mem>>) src(%arg14 : memref<160x128xf32, #tpu.memory_space<vmem>>) dst(%dma_wait3A_195 : memref<160x128xf32, #tpu.memory_space<hbm>>)
    %dma_wait3A_196 = arith.constant 128 : i32
    %dma_wait3A_197 = tpu.memref_slice %arg6[%mul3A_11, %dma_wait3A_196] : memref<100000x256xf32, #tpu.memory_space<hbm>> -> memref<160x128xf32, #tpu.memory_space<hbm>>
    %dma_wait3A_198 = arith.constant 128 : i32
    %dma_wait3A_199 = tpu.memref_slice %arg6[%mul3A_11, %dma_wait3A_198] : memref<100000x256xf32, #tpu.memory_space<hbm>> -> memref<160x128xf32, #tpu.memory_space<hbm>>
    tpu.wait_dma2 semaphore(%arg29 : memref<!tpu.dma_semaphore, #tpu.memory_space<semaphore_mem>>) src(%arg17 : memref<160x128xf32, #tpu.memory_space<vmem>>) dst(%dma_wait3A_199 : memref<160x128xf32, #tpu.memory_space<hbm>>)
    %dma_wait3A_200 = tpu.memref_slice %arg3[%mul3A_23] : memref<100000xi32, #tpu.memory_space<hbm>> -> memref<160xi32, #tpu.memory_space<hbm>>
    %dma_wait3A_201 = tpu.memref_slice %arg3[%mul3A_23] : memref<100000xi32, #tpu.memory_space<hbm>> -> memref<160xi32, #tpu.memory_space<hbm>>
    tpu.wait_dma2 semaphore(%arg32 : memref<!tpu.dma_semaphore, #tpu.memory_space<semaphore_mem>>) src(%dma_wait3A_201 : memref<160xi32, #tpu.memory_space<hbm>>) dst(%arg11 : memref<160xi32, #tpu.memory_space<vmem>>)
    %dma_wait3A_202 = tpu.memref_slice %arg2[%mul3A_23] : memref<100000xi32, #tpu.memory_space<hbm>> -> memref<160xi32, #tpu.memory_space<hbm>>
    %dma_wait3A_203 = tpu.memref_slice %arg2[%mul3A_23] : memref<100000xi32, #tpu.memory_space<hbm>> -> memref<160xi32, #tpu.memory_space<hbm>>
    tpu.wait_dma2 semaphore(%arg35 : memref<!tpu.dma_semaphore, #tpu.memory_space<semaphore_mem>>) src(%dma_wait3A_203 : memref<160xi32, #tpu.memory_space<hbm>>) dst(%arg8 : memref<160xi32, #tpu.memory_space<vmem>>)
    %dma_start3A_204 = arith.constant 0 : i32
    %dma_start3A_205 = arith.constant 0 : i32
    %dma_start3A_206 = tpu.memref_slice %arg37[%dma_start3A_204, %dma_start3A_205] : memref<500x128xf32, #tpu.memory_space<vmem_shared>> -> memref<500x128xf32, #tpu.memory_space<vmem_shared>>
    tpu.enqueue_indirect_dma source(%dma_start3A_206 : memref<500x128xf32, #tpu.memory_space<vmem_shared>>) target(%arg14 : memref<160x128xf32, #tpu.memory_space<vmem>>) offsets(%arg11 : memref<160xi32, #tpu.memory_space<vmem>>) semaphore(%arg20 : memref<!tpu.dma_semaphore, #tpu.memory_space<semaphore_mem>>)
    %dma_start3A_207 = arith.constant 0 : i32
    %dma_start3A_208 = arith.constant 0 : i32
    %dma_start3A_209 = tpu.memref_slice %arg5[%dma_start3A_207, %dma_start3A_208] : memref<100000x128xf32, #tpu.memory_space<hbm>> -> memref<100000x128xf32, #tpu.memory_space<hbm>>
    tpu.enqueue_indirect_dma source(%dma_start3A_209 : memref<100000x128xf32, #tpu.memory_space<hbm>>) target(%arg17 : memref<160x128xf32, #tpu.memory_space<vmem>>) offsets(%arg8 : memref<160xi32, #tpu.memory_space<vmem>>) semaphore(%arg23 : memref<!tpu.dma_semaphore, #tpu.memory_space<semaphore_mem>>)
    %dma_start3A_210 = tpu.memref_slice %arg3[%mul3A_27] : memref<100000xi32, #tpu.memory_space<hbm>> -> memref<160xi32, #tpu.memory_space<hbm>>
    %dma_start3A_211 = tpu.memref_slice %arg3[%mul3A_27] : memref<100000xi32, #tpu.memory_space<hbm>> -> memref<160xi32, #tpu.memory_space<hbm>>
    tpu.enqueue_dma source(%dma_start3A_211 : memref<160xi32, #tpu.memory_space<hbm>>) target(%arg12 : memref<160xi32, #tpu.memory_space<vmem>>) target_semaphore(%arg33 : memref<!tpu.dma_semaphore, #tpu.memory_space<semaphore_mem>>)
    %dma_start3A_212 = tpu.memref_slice %arg2[%mul3A_27] : memref<100000xi32, #tpu.memory_space<hbm>> -> memref<160xi32, #tpu.memory_space<hbm>>
    %dma_start3A_213 = tpu.memref_slice %arg2[%mul3A_27] : memref<100000xi32, #tpu.memory_space<hbm>> -> memref<160xi32, #tpu.memory_space<hbm>>
    tpu.enqueue_dma source(%dma_start3A_213 : memref<160xi32, #tpu.memory_space<hbm>>) target(%arg9 : memref<160xi32, #tpu.memory_space<vmem>>) target_semaphore(%arg36 : memref<!tpu.dma_semaphore, #tpu.memory_space<semaphore_mem>>)
    %dma_wait3A_214 = arith.constant 0 : i32
    %dma_wait3A_215 = arith.constant 0 : i32
    %dma_wait3A_216 = tpu.memref_slice %arg37[%dma_wait3A_214, %dma_wait3A_215] : memref<500x128xf32, #tpu.memory_space<vmem_shared>> -> memref<500x128xf32, #tpu.memory_space<vmem_shared>>
    tpu.wait_indirect_dma semaphore(%arg19 : memref<!tpu.dma_semaphore, #tpu.memory_space<semaphore_mem>>) src(%dma_wait3A_216 : memref<500x128xf32, #tpu.memory_space<vmem_shared>>) dst(%arg13 : memref<160x128xf32, #tpu.memory_space<vmem>>)
    %dma_wait3A_217 = arith.constant 0 : i32
    %dma_wait3A_218 = arith.constant 0 : i32
    %dma_wait3A_219 = tpu.memref_slice %arg5[%dma_wait3A_217, %dma_wait3A_218] : memref<100000x128xf32, #tpu.memory_space<hbm>> -> memref<100000x128xf32, #tpu.memory_space<hbm>>
    tpu.wait_indirect_dma semaphore(%arg22 : memref<!tpu.dma_semaphore, #tpu.memory_space<semaphore_mem>>) src(%dma_wait3A_219 : memref<100000x128xf32, #tpu.memory_space<hbm>>) dst(%arg16 : memref<160x128xf32, #tpu.memory_space<vmem>>)
    %dma_start3A_220 = arith.constant 0 : i32
    %dma_start3A_221 = tpu.memref_slice %arg6[%mul3A_19, %dma_start3A_220] : memref<100000x256xf32, #tpu.memory_space<hbm>> -> memref<160x128xf32, #tpu.memory_space<hbm>>
    %dma_start3A_222 = arith.constant 0 : i32
    %dma_start3A_223 = tpu.memref_slice %arg6[%mul3A_19, %dma_start3A_222] : memref<100000x256xf32, #tpu.memory_space<hbm>> -> memref<160x128xf32, #tpu.memory_space<hbm>>
    tpu.enqueue_dma source(%arg13 : memref<160x128xf32, #tpu.memory_space<vmem>>) target(%dma_start3A_223 : memref<160x128xf32, #tpu.memory_space<hbm>>) target_semaphore(%arg25 : memref<!tpu.dma_semaphore, #tpu.memory_space<semaphore_mem>>)
    %dma_start3A_224 = arith.constant 128 : i32
    %dma_start3A_225 = tpu.memref_slice %arg6[%mul3A_19, %dma_start3A_224] : memref<100000x256xf32, #tpu.memory_space<hbm>> -> memref<160x128xf32, #tpu.memory_space<hbm>>
    %dma_start3A_226 = arith.constant 128 : i32
    %dma_start3A_227 = tpu.memref_slice %arg6[%mul3A_19, %dma_start3A_226] : memref<100000x256xf32, #tpu.memory_space<hbm>> -> memref<160x128xf32, #tpu.memory_space<hbm>>
    tpu.enqueue_dma source(%arg16 : memref<160x128xf32, #tpu.memory_space<vmem>>) target(%dma_start3A_227 : memref<160x128xf32, #tpu.memory_space<hbm>>) target_semaphore(%arg28 : memref<!tpu.dma_semaphore, #tpu.memory_space<semaphore_mem>>)
    %dma_wait3A_228 = arith.constant 0 : i32
    %dma_wait3A_229 = tpu.memref_slice %arg6[%mul3A_15, %dma_wait3A_228] : memref<100000x256xf32, #tpu.memory_space<hbm>> -> memref<160x128xf32, #tpu.memory_space<hbm>>
    %dma_wait3A_230 = arith.constant 0 : i32
    %dma_wait3A_231 = tpu.memref_slice %arg6[%mul3A_15, %dma_wait3A_230] : memref<100000x256xf32, #tpu.memory_space<hbm>> -> memref<160x128xf32, #tpu.memory_space<hbm>>
    tpu.wait_dma2 semaphore(%arg27 : memref<!tpu.dma_semaphore, #tpu.memory_space<semaphore_mem>>) src(%arg15 : memref<160x128xf32, #tpu.memory_space<vmem>>) dst(%dma_wait3A_231 : memref<160x128xf32, #tpu.memory_space<hbm>>)
    %dma_wait3A_232 = arith.constant 128 : i32
    %dma_wait3A_233 = tpu.memref_slice %arg6[%mul3A_15, %dma_wait3A_232] : memref<100000x256xf32, #tpu.memory_space<hbm>> -> memref<160x128xf32, #tpu.memory_space<hbm>>
    %dma_wait3A_234 = arith.constant 128 : i32
    %dma_wait3A_235 = tpu.memref_slice %arg6[%mul3A_15, %dma_wait3A_234] : memref<100000x256xf32, #tpu.memory_space<hbm>> -> memref<160x128xf32, #tpu.memory_space<hbm>>
    tpu.wait_dma2 semaphore(%arg30 : memref<!tpu.dma_semaphore, #tpu.memory_space<semaphore_mem>>) src(%arg18 : memref<160x128xf32, #tpu.memory_space<vmem>>) dst(%dma_wait3A_235 : memref<160x128xf32, #tpu.memory_space<hbm>>)
    %dma_wait3A_236 = tpu.memref_slice %arg3[%mul3A_27] : memref<100000xi32, #tpu.memory_space<hbm>> -> memref<160xi32, #tpu.memory_space<hbm>>
    %dma_wait3A_237 = tpu.memref_slice %arg3[%mul3A_27] : memref<100000xi32, #tpu.memory_space<hbm>> -> memref<160xi32, #tpu.memory_space<hbm>>
    tpu.wait_dma2 semaphore(%arg33 : memref<!tpu.dma_semaphore, #tpu.memory_space<semaphore_mem>>) src(%dma_wait3A_237 : memref<160xi32, #tpu.memory_space<hbm>>) dst(%arg12 : memref<160xi32, #tpu.memory_space<vmem>>)
    %dma_wait3A_238 = tpu.memref_slice %arg2[%mul3A_27] : memref<100000xi32, #tpu.memory_space<hbm>> -> memref<160xi32, #tpu.memory_space<hbm>>
    %dma_wait3A_239 = tpu.memref_slice %arg2[%mul3A_27] : memref<100000xi32, #tpu.memory_space<hbm>> -> memref<160xi32, #tpu.memory_space<hbm>>
    tpu.wait_dma2 semaphore(%arg36 : memref<!tpu.dma_semaphore, #tpu.memory_space<semaphore_mem>>) src(%dma_wait3A_239 : memref<160xi32, #tpu.memory_space<hbm>>) dst(%arg9 : memref<160xi32, #tpu.memory_space<vmem>>)
    %dma_start3A_240 = arith.constant 0 : i32
    %dma_start3A_241 = arith.constant 0 : i32
    %dma_start3A_242 = tpu.memref_slice %arg37[%dma_start3A_240, %dma_start3A_241] : memref<500x128xf32, #tpu.memory_space<vmem_shared>> -> memref<500x128xf32, #tpu.memory_space<vmem_shared>>
    tpu.enqueue_indirect_dma source(%dma_start3A_242 : memref<500x128xf32, #tpu.memory_space<vmem_shared>>) target(%arg15 : memref<160x128xf32, #tpu.memory_space<vmem>>) offsets(%arg12 : memref<160xi32, #tpu.memory_space<vmem>>) semaphore(%arg21 : memref<!tpu.dma_semaphore, #tpu.memory_space<semaphore_mem>>)
    %dma_start3A_243 = arith.constant 0 : i32
    %dma_start3A_244 = arith.constant 0 : i32
    %dma_start3A_245 = tpu.memref_slice %arg5[%dma_start3A_243, %dma_start3A_244] : memref<100000x128xf32, #tpu.memory_space<hbm>> -> memref<100000x128xf32, #tpu.memory_space<hbm>>
    tpu.enqueue_indirect_dma source(%dma_start3A_245 : memref<100000x128xf32, #tpu.memory_space<hbm>>) target(%arg18 : memref<160x128xf32, #tpu.memory_space<vmem>>) offsets(%arg9 : memref<160xi32, #tpu.memory_space<vmem>>) semaphore(%arg24 : memref<!tpu.dma_semaphore, #tpu.memory_space<semaphore_mem>>)
    %dma_start3A_246 = tpu.memref_slice %arg3[%mul3A_31] : memref<100000xi32, #tpu.memory_space<hbm>> -> memref<160xi32, #tpu.memory_space<hbm>>
    %dma_start3A_247 = tpu.memref_slice %arg3[%mul3A_31] : memref<100000xi32, #tpu.memory_space<hbm>> -> memref<160xi32, #tpu.memory_space<hbm>>
    tpu.enqueue_dma source(%dma_start3A_247 : memref<160xi32, #tpu.memory_space<hbm>>) target(%arg10 : memref<160xi32, #tpu.memory_space<vmem>>) target_semaphore(%arg31 : memref<!tpu.dma_semaphore, #tpu.memory_space<semaphore_mem>>)
    %dma_start3A_248 = tpu.memref_slice %arg2[%mul3A_31] : memref<100000xi32, #tpu.memory_space<hbm>> -> memref<160xi32, #tpu.memory_space<hbm>>
    %dma_start3A_249 = tpu.memref_slice %arg2[%mul3A_31] : memref<100000xi32, #tpu.memory_space<hbm>> -> memref<160xi32, #tpu.memory_space<hbm>>
    tpu.enqueue_dma source(%dma_start3A_249 : memref<160xi32, #tpu.memory_space<hbm>>) target(%arg7 : memref<160xi32, #tpu.memory_space<vmem>>) target_semaphore(%arg34 : memref<!tpu.dma_semaphore, #tpu.memory_space<semaphore_mem>>)
    %dma_wait3A_250 = arith.constant 0 : i32
    %dma_wait3A_251 = arith.constant 0 : i32
    %dma_wait3A_252 = tpu.memref_slice %arg37[%dma_wait3A_250, %dma_wait3A_251] : memref<500x128xf32, #tpu.memory_space<vmem_shared>> -> memref<500x128xf32, #tpu.memory_space<vmem_shared>>
    tpu.wait_indirect_dma semaphore(%arg20 : memref<!tpu.dma_semaphore, #tpu.memory_space<semaphore_mem>>) src(%dma_wait3A_252 : memref<500x128xf32, #tpu.memory_space<vmem_shared>>) dst(%arg14 : memref<160x128xf32, #tpu.memory_space<vmem>>)
    %dma_wait3A_253 = arith.constant 0 : i32
    %dma_wait3A_254 = arith.constant 0 : i32
    %dma_wait3A_255 = tpu.memref_slice %arg5[%dma_wait3A_253, %dma_wait3A_254] : memref<100000x128xf32, #tpu.memory_space<hbm>> -> memref<100000x128xf32, #tpu.memory_space<hbm>>
    tpu.wait_indirect_dma semaphore(%arg23 : memref<!tpu.dma_semaphore, #tpu.memory_space<semaphore_mem>>) src(%dma_wait3A_255 : memref<100000x128xf32, #tpu.memory_space<hbm>>) dst(%arg17 : memref<160x128xf32, #tpu.memory_space<vmem>>)
    %dma_start3A_256 = arith.constant 0 : i32
    %dma_start3A_257 = tpu.memref_slice %arg6[%mul3A_23, %dma_start3A_256] : memref<100000x256xf32, #tpu.memory_space<hbm>> -> memref<160x128xf32, #tpu.memory_space<hbm>>
    %dma_start3A_258 = arith.constant 0 : i32
    %dma_start3A_259 = tpu.memref_slice %arg6[%mul3A_23, %dma_start3A_258] : memref<100000x256xf32, #tpu.memory_space<hbm>> -> memref<160x128xf32, #tpu.memory_space<hbm>>
    tpu.enqueue_dma source(%arg14 : memref<160x128xf32, #tpu.memory_space<vmem>>) target(%dma_start3A_259 : memref<160x128xf32, #tpu.memory_space<hbm>>) target_semaphore(%arg26 : memref<!tpu.dma_semaphore, #tpu.memory_space<semaphore_mem>>)
    %dma_start3A_260 = arith.constant 128 : i32
    %dma_start3A_261 = tpu.memref_slice %arg6[%mul3A_23, %dma_start3A_260] : memref<100000x256xf32, #tpu.memory_space<hbm>> -> memref<160x128xf32, #tpu.memory_space<hbm>>
    %dma_start3A_262 = arith.constant 128 : i32
    %dma_start3A_263 = tpu.memref_slice %arg6[%mul3A_23, %dma_start3A_262] : memref<100000x256xf32, #tpu.memory_space<hbm>> -> memref<160x128xf32, #tpu.memory_space<hbm>>
    tpu.enqueue_dma source(%arg17 : memref<160x128xf32, #tpu.memory_space<vmem>>) target(%dma_start3A_263 : memref<160x128xf32, #tpu.memory_space<hbm>>) target_semaphore(%arg29 : memref<!tpu.dma_semaphore, #tpu.memory_space<semaphore_mem>>)
    %dma_wait3A_264 = arith.constant 0 : i32
    %dma_wait3A_265 = tpu.memref_slice %arg6[%mul3A_19, %dma_wait3A_264] : memref<100000x256xf32, #tpu.memory_space<hbm>> -> memref<160x128xf32, #tpu.memory_space<hbm>>
    %dma_wait3A_266 = arith.constant 0 : i32
    %dma_wait3A_267 = tpu.memref_slice %arg6[%mul3A_19, %dma_wait3A_266] : memref<100000x256xf32, #tpu.memory_space<hbm>> -> memref<160x128xf32, #tpu.memory_space<hbm>>
    tpu.wait_dma2 semaphore(%arg25 : memref<!tpu.dma_semaphore, #tpu.memory_space<semaphore_mem>>) src(%arg13 : memref<160x128xf32, #tpu.memory_space<vmem>>) dst(%dma_wait3A_267 : memref<160x128xf32, #tpu.memory_space<hbm>>)
    %dma_wait3A_268 = arith.constant 128 : i32
    %dma_wait3A_269 = tpu.memref_slice %arg6[%mul3A_19, %dma_wait3A_268] : memref<100000x256xf32, #tpu.memory_space<hbm>> -> memref<160x128xf32, #tpu.memory_space<hbm>>
    %dma_wait3A_270 = arith.constant 128 : i32
    %dma_wait3A_271 = tpu.memref_slice %arg6[%mul3A_19, %dma_wait3A_270] : memref<100000x256xf32, #tpu.memory_space<hbm>> -> memref<160x128xf32, #tpu.memory_space<hbm>>
    tpu.wait_dma2 semaphore(%arg28 : memref<!tpu.dma_semaphore, #tpu.memory_space<semaphore_mem>>) src(%arg16 : memref<160x128xf32, #tpu.memory_space<vmem>>) dst(%dma_wait3A_271 : memref<160x128xf32, #tpu.memory_space<hbm>>)
    %dma_wait3A_272 = tpu.memref_slice %arg3[%mul3A_31] : memref<100000xi32, #tpu.memory_space<hbm>> -> memref<160xi32, #tpu.memory_space<hbm>>
    %dma_wait3A_273 = tpu.memref_slice %arg3[%mul3A_31] : memref<100000xi32, #tpu.memory_space<hbm>> -> memref<160xi32, #tpu.memory_space<hbm>>
    tpu.wait_dma2 semaphore(%arg31 : memref<!tpu.dma_semaphore, #tpu.memory_space<semaphore_mem>>) src(%dma_wait3A_273 : memref<160xi32, #tpu.memory_space<hbm>>) dst(%arg10 : memref<160xi32, #tpu.memory_space<vmem>>)
    %dma_wait3A_274 = tpu.memref_slice %arg2[%mul3A_31] : memref<100000xi32, #tpu.memory_space<hbm>> -> memref<160xi32, #tpu.memory_space<hbm>>
    %dma_wait3A_275 = tpu.memref_slice %arg2[%mul3A_31] : memref<100000xi32, #tpu.memory_space<hbm>> -> memref<160xi32, #tpu.memory_space<hbm>>
    tpu.wait_dma2 semaphore(%arg34 : memref<!tpu.dma_semaphore, #tpu.memory_space<semaphore_mem>>) src(%dma_wait3A_275 : memref<160xi32, #tpu.memory_space<hbm>>) dst(%arg7 : memref<160xi32, #tpu.memory_space<vmem>>)
    %dma_start3A_276 = arith.constant 0 : i32
    %dma_start3A_277 = arith.constant 0 : i32
    %dma_start3A_278 = tpu.memref_slice %arg37[%dma_start3A_276, %dma_start3A_277] : memref<500x128xf32, #tpu.memory_space<vmem_shared>> -> memref<500x128xf32, #tpu.memory_space<vmem_shared>>
    tpu.enqueue_indirect_dma source(%dma_start3A_278 : memref<500x128xf32, #tpu.memory_space<vmem_shared>>) target(%arg13 : memref<160x128xf32, #tpu.memory_space<vmem>>) offsets(%arg10 : memref<160xi32, #tpu.memory_space<vmem>>) semaphore(%arg19 : memref<!tpu.dma_semaphore, #tpu.memory_space<semaphore_mem>>)
    %dma_start3A_279 = arith.constant 0 : i32
    %dma_start3A_280 = arith.constant 0 : i32
    %dma_start3A_281 = tpu.memref_slice %arg5[%dma_start3A_279, %dma_start3A_280] : memref<100000x128xf32, #tpu.memory_space<hbm>> -> memref<100000x128xf32, #tpu.memory_space<hbm>>
    tpu.enqueue_indirect_dma source(%dma_start3A_281 : memref<100000x128xf32, #tpu.memory_space<hbm>>) target(%arg16 : memref<160x128xf32, #tpu.memory_space<vmem>>) offsets(%arg7 : memref<160xi32, #tpu.memory_space<vmem>>) semaphore(%arg22 : memref<!tpu.dma_semaphore, #tpu.memory_space<semaphore_mem>>)
    %dma_start3A_282 = tpu.memref_slice %arg3[%mul3A_35] : memref<100000xi32, #tpu.memory_space<hbm>> -> memref<160xi32, #tpu.memory_space<hbm>>
    %dma_start3A_283 = tpu.memref_slice %arg3[%mul3A_35] : memref<100000xi32, #tpu.memory_space<hbm>> -> memref<160xi32, #tpu.memory_space<hbm>>
    tpu.enqueue_dma source(%dma_start3A_283 : memref<160xi32, #tpu.memory_space<hbm>>) target(%arg11 : memref<160xi32, #tpu.memory_space<vmem>>) target_semaphore(%arg32 : memref<!tpu.dma_semaphore, #tpu.memory_space<semaphore_mem>>)
    %dma_start3A_284 = tpu.memref_slice %arg2[%mul3A_35] : memref<100000xi32, #tpu.memory_space<hbm>> -> memref<160xi32, #tpu.memory_space<hbm>>
    %dma_start3A_285 = tpu.memref_slice %arg2[%mul3A_35] : memref<100000xi32, #tpu.memory_space<hbm>> -> memref<160xi32, #tpu.memory_space<hbm>>
    tpu.enqueue_dma source(%dma_start3A_285 : memref<160xi32, #tpu.memory_space<hbm>>) target(%arg8 : memref<160xi32, #tpu.memory_space<vmem>>) target_semaphore(%arg35 : memref<!tpu.dma_semaphore, #tpu.memory_space<semaphore_mem>>)
    %dma_wait3A_286 = arith.constant 0 : i32
    %dma_wait3A_287 = arith.constant 0 : i32
    %dma_wait3A_288 = tpu.memref_slice %arg37[%dma_wait3A_286, %dma_wait3A_287] : memref<500x128xf32, #tpu.memory_space<vmem_shared>> -> memref<500x128xf32, #tpu.memory_space<vmem_shared>>
    tpu.wait_indirect_dma semaphore(%arg21 : memref<!tpu.dma_semaphore, #tpu.memory_space<semaphore_mem>>) src(%dma_wait3A_288 : memref<500x128xf32, #tpu.memory_space<vmem_shared>>) dst(%arg15 : memref<160x128xf32, #tpu.memory_space<vmem>>)
    %dma_wait3A_289 = arith.constant 0 : i32
    %dma_wait3A_290 = arith.constant 0 : i32
    %dma_wait3A_291 = tpu.memref_slice %arg5[%dma_wait3A_289, %dma_wait3A_290] : memref<100000x128xf32, #tpu.memory_space<hbm>> -> memref<100000x128xf32, #tpu.memory_space<hbm>>
    tpu.wait_indirect_dma semaphore(%arg24 : memref<!tpu.dma_semaphore, #tpu.memory_space<semaphore_mem>>) src(%dma_wait3A_291 : memref<100000x128xf32, #tpu.memory_space<hbm>>) dst(%arg18 : memref<160x128xf32, #tpu.memory_space<vmem>>)
    %dma_start3A_292 = arith.constant 0 : i32
    %dma_start3A_293 = tpu.memref_slice %arg6[%mul3A_27, %dma_start3A_292] : memref<100000x256xf32, #tpu.memory_space<hbm>> -> memref<160x128xf32, #tpu.memory_space<hbm>>
    %dma_start3A_294 = arith.constant 0 : i32
    %dma_start3A_295 = tpu.memref_slice %arg6[%mul3A_27, %dma_start3A_294] : memref<100000x256xf32, #tpu.memory_space<hbm>> -> memref<160x128xf32, #tpu.memory_space<hbm>>
    tpu.enqueue_dma source(%arg15 : memref<160x128xf32, #tpu.memory_space<vmem>>) target(%dma_start3A_295 : memref<160x128xf32, #tpu.memory_space<hbm>>) target_semaphore(%arg27 : memref<!tpu.dma_semaphore, #tpu.memory_space<semaphore_mem>>)
    %dma_start3A_296 = arith.constant 128 : i32
    %dma_start3A_297 = tpu.memref_slice %arg6[%mul3A_27, %dma_start3A_296] : memref<100000x256xf32, #tpu.memory_space<hbm>> -> memref<160x128xf32, #tpu.memory_space<hbm>>
    %dma_start3A_298 = arith.constant 128 : i32
    %dma_start3A_299 = tpu.memref_slice %arg6[%mul3A_27, %dma_start3A_298] : memref<100000x256xf32, #tpu.memory_space<hbm>> -> memref<160x128xf32, #tpu.memory_space<hbm>>
    tpu.enqueue_dma source(%arg18 : memref<160x128xf32, #tpu.memory_space<vmem>>) target(%dma_start3A_299 : memref<160x128xf32, #tpu.memory_space<hbm>>) target_semaphore(%arg30 : memref<!tpu.dma_semaphore, #tpu.memory_space<semaphore_mem>>)
    %dma_wait3A_300 = arith.constant 0 : i32
    %dma_wait3A_301 = tpu.memref_slice %arg6[%mul3A_23, %dma_wait3A_300] : memref<100000x256xf32, #tpu.memory_space<hbm>> -> memref<160x128xf32, #tpu.memory_space<hbm>>
    %dma_wait3A_302 = arith.constant 0 : i32
    %dma_wait3A_303 = tpu.memref_slice %arg6[%mul3A_23, %dma_wait3A_302] : memref<100000x256xf32, #tpu.memory_space<hbm>> -> memref<160x128xf32, #tpu.memory_space<hbm>>
    tpu.wait_dma2 semaphore(%arg26 : memref<!tpu.dma_semaphore, #tpu.memory_space<semaphore_mem>>) src(%arg14 : memref<160x128xf32, #tpu.memory_space<vmem>>) dst(%dma_wait3A_303 : memref<160x128xf32, #tpu.memory_space<hbm>>)
    %dma_wait3A_304 = arith.constant 128 : i32
    %dma_wait3A_305 = tpu.memref_slice %arg6[%mul3A_23, %dma_wait3A_304] : memref<100000x256xf32, #tpu.memory_space<hbm>> -> memref<160x128xf32, #tpu.memory_space<hbm>>
    %dma_wait3A_306 = arith.constant 128 : i32
    %dma_wait3A_307 = tpu.memref_slice %arg6[%mul3A_23, %dma_wait3A_306] : memref<100000x256xf32, #tpu.memory_space<hbm>> -> memref<160x128xf32, #tpu.memory_space<hbm>>
    tpu.wait_dma2 semaphore(%arg29 : memref<!tpu.dma_semaphore, #tpu.memory_space<semaphore_mem>>) src(%arg17 : memref<160x128xf32, #tpu.memory_space<vmem>>) dst(%dma_wait3A_307 : memref<160x128xf32, #tpu.memory_space<hbm>>)
    %dma_wait3A_308 = tpu.memref_slice %arg3[%mul3A_35] : memref<100000xi32, #tpu.memory_space<hbm>> -> memref<160xi32, #tpu.memory_space<hbm>>
    %dma_wait3A_309 = tpu.memref_slice %arg3[%mul3A_35] : memref<100000xi32, #tpu.memory_space<hbm>> -> memref<160xi32, #tpu.memory_space<hbm>>
    tpu.wait_dma2 semaphore(%arg32 : memref<!tpu.dma_semaphore, #tpu.memory_space<semaphore_mem>>) src(%dma_wait3A_309 : memref<160xi32, #tpu.memory_space<hbm>>) dst(%arg11 : memref<160xi32, #tpu.memory_space<vmem>>)
    %dma_wait3A_310 = tpu.memref_slice %arg2[%mul3A_35] : memref<100000xi32, #tpu.memory_space<hbm>> -> memref<160xi32, #tpu.memory_space<hbm>>
    %dma_wait3A_311 = tpu.memref_slice %arg2[%mul3A_35] : memref<100000xi32, #tpu.memory_space<hbm>> -> memref<160xi32, #tpu.memory_space<hbm>>
    tpu.wait_dma2 semaphore(%arg35 : memref<!tpu.dma_semaphore, #tpu.memory_space<semaphore_mem>>) src(%dma_wait3A_311 : memref<160xi32, #tpu.memory_space<hbm>>) dst(%arg8 : memref<160xi32, #tpu.memory_space<vmem>>)
    %dma_start3A_312 = arith.constant 0 : i32
    %dma_start3A_313 = arith.constant 0 : i32
    %dma_start3A_314 = tpu.memref_slice %arg37[%dma_start3A_312, %dma_start3A_313] : memref<500x128xf32, #tpu.memory_space<vmem_shared>> -> memref<500x128xf32, #tpu.memory_space<vmem_shared>>
    tpu.enqueue_indirect_dma source(%dma_start3A_314 : memref<500x128xf32, #tpu.memory_space<vmem_shared>>) target(%arg14 : memref<160x128xf32, #tpu.memory_space<vmem>>) offsets(%arg11 : memref<160xi32, #tpu.memory_space<vmem>>) semaphore(%arg20 : memref<!tpu.dma_semaphore, #tpu.memory_space<semaphore_mem>>)
    %dma_start3A_315 = arith.constant 0 : i32
    %dma_start3A_316 = arith.constant 0 : i32
    %dma_start3A_317 = tpu.memref_slice %arg5[%dma_start3A_315, %dma_start3A_316] : memref<100000x128xf32, #tpu.memory_space<hbm>> -> memref<100000x128xf32, #tpu.memory_space<hbm>>
    tpu.enqueue_indirect_dma source(%dma_start3A_317 : memref<100000x128xf32, #tpu.memory_space<hbm>>) target(%arg17 : memref<160x128xf32, #tpu.memory_space<vmem>>) offsets(%arg8 : memref<160xi32, #tpu.memory_space<vmem>>) semaphore(%arg23 : memref<!tpu.dma_semaphore, #tpu.memory_space<semaphore_mem>>)
    %dma_start3A_318 = tpu.memref_slice %arg3[%mul3A_39] : memref<100000xi32, #tpu.memory_space<hbm>> -> memref<160xi32, #tpu.memory_space<hbm>>
    %dma_start3A_319 = tpu.memref_slice %arg3[%mul3A_39] : memref<100000xi32, #tpu.memory_space<hbm>> -> memref<160xi32, #tpu.memory_space<hbm>>
    tpu.enqueue_dma source(%dma_start3A_319 : memref<160xi32, #tpu.memory_space<hbm>>) target(%arg12 : memref<160xi32, #tpu.memory_space<vmem>>) target_semaphore(%arg33 : memref<!tpu.dma_semaphore, #tpu.memory_space<semaphore_mem>>)
    %dma_start3A_320 = tpu.memref_slice %arg2[%mul3A_39] : memref<100000xi32, #tpu.memory_space<hbm>> -> memref<160xi32, #tpu.memory_space<hbm>>
    %dma_start3A_321 = tpu.memref_slice %arg2[%mul3A_39] : memref<100000xi32, #tpu.memory_space<hbm>> -> memref<160xi32, #tpu.memory_space<hbm>>
    tpu.enqueue_dma source(%dma_start3A_321 : memref<160xi32, #tpu.memory_space<hbm>>) target(%arg9 : memref<160xi32, #tpu.memory_space<vmem>>) target_semaphore(%arg36 : memref<!tpu.dma_semaphore, #tpu.memory_space<semaphore_mem>>)
    %dma_wait3A_322 = arith.constant 0 : i32
    %dma_wait3A_323 = arith.constant 0 : i32
    %dma_wait3A_324 = tpu.memref_slice %arg37[%dma_wait3A_322, %dma_wait3A_323] : memref<500x128xf32, #tpu.memory_space<vmem_shared>> -> memref<500x128xf32, #tpu.memory_space<vmem_shared>>
    tpu.wait_indirect_dma semaphore(%arg19 : memref<!tpu.dma_semaphore, #tpu.memory_space<semaphore_mem>>) src(%dma_wait3A_324 : memref<500x128xf32, #tpu.memory_space<vmem_shared>>) dst(%arg13 : memref<160x128xf32, #tpu.memory_space<vmem>>)
    %dma_wait3A_325 = arith.constant 0 : i32
    %dma_wait3A_326 = arith.constant 0 : i32
    %dma_wait3A_327 = tpu.memref_slice %arg5[%dma_wait3A_325, %dma_wait3A_326] : memref<100000x128xf32, #tpu.memory_space<hbm>> -> memref<100000x128xf32, #tpu.memory_space<hbm>>
    tpu.wait_indirect_dma semaphore(%arg22 : memref<!tpu.dma_semaphore, #tpu.memory_space<semaphore_mem>>) src(%dma_wait3A_327 : memref<100000x128xf32, #tpu.memory_space<hbm>>) dst(%arg16 : memref<160x128xf32, #tpu.memory_space<vmem>>)
    %dma_start3A_328 = arith.constant 0 : i32
    %dma_start3A_329 = tpu.memref_slice %arg6[%mul3A_31, %dma_start3A_328] : memref<100000x256xf32, #tpu.memory_space<hbm>> -> memref<160x128xf32, #tpu.memory_space<hbm>>
    %dma_start3A_330 = arith.constant 0 : i32
    %dma_start3A_331 = tpu.memref_slice %arg6[%mul3A_31, %dma_start3A_330] : memref<100000x256xf32, #tpu.memory_space<hbm>> -> memref<160x128xf32, #tpu.memory_space<hbm>>
    tpu.enqueue_dma source(%arg13 : memref<160x128xf32, #tpu.memory_space<vmem>>) target(%dma_start3A_331 : memref<160x128xf32, #tpu.memory_space<hbm>>) target_semaphore(%arg25 : memref<!tpu.dma_semaphore, #tpu.memory_space<semaphore_mem>>)
    %dma_start3A_332 = arith.constant 128 : i32
    %dma_start3A_333 = tpu.memref_slice %arg6[%mul3A_31, %dma_start3A_332] : memref<100000x256xf32, #tpu.memory_space<hbm>> -> memref<160x128xf32, #tpu.memory_space<hbm>>
    %dma_start3A_334 = arith.constant 128 : i32
    %dma_start3A_335 = tpu.memref_slice %arg6[%mul3A_31, %dma_start3A_334] : memref<100000x256xf32, #tpu.memory_space<hbm>> -> memref<160x128xf32, #tpu.memory_space<hbm>>
    tpu.enqueue_dma source(%arg16 : memref<160x128xf32, #tpu.memory_space<vmem>>) target(%dma_start3A_335 : memref<160x128xf32, #tpu.memory_space<hbm>>) target_semaphore(%arg28 : memref<!tpu.dma_semaphore, #tpu.memory_space<semaphore_mem>>)
    %dma_wait3A_336 = arith.constant 0 : i32
    %dma_wait3A_337 = tpu.memref_slice %arg6[%mul3A_27, %dma_wait3A_336] : memref<100000x256xf32, #tpu.memory_space<hbm>> -> memref<160x128xf32, #tpu.memory_space<hbm>>
    %dma_wait3A_338 = arith.constant 0 : i32
    %dma_wait3A_339 = tpu.memref_slice %arg6[%mul3A_27, %dma_wait3A_338] : memref<100000x256xf32, #tpu.memory_space<hbm>> -> memref<160x128xf32, #tpu.memory_space<hbm>>
    tpu.wait_dma2 semaphore(%arg27 : memref<!tpu.dma_semaphore, #tpu.memory_space<semaphore_mem>>) src(%arg15 : memref<160x128xf32, #tpu.memory_space<vmem>>) dst(%dma_wait3A_339 : memref<160x128xf32, #tpu.memory_space<hbm>>)
    %dma_wait3A_340 = arith.constant 128 : i32
    %dma_wait3A_341 = tpu.memref_slice %arg6[%mul3A_27, %dma_wait3A_340] : memref<100000x256xf32, #tpu.memory_space<hbm>> -> memref<160x128xf32, #tpu.memory_space<hbm>>
    %dma_wait3A_342 = arith.constant 128 : i32
    %dma_wait3A_343 = tpu.memref_slice %arg6[%mul3A_27, %dma_wait3A_342] : memref<100000x256xf32, #tpu.memory_space<hbm>> -> memref<160x128xf32, #tpu.memory_space<hbm>>
    tpu.wait_dma2 semaphore(%arg30 : memref<!tpu.dma_semaphore, #tpu.memory_space<semaphore_mem>>) src(%arg18 : memref<160x128xf32, #tpu.memory_space<vmem>>) dst(%dma_wait3A_343 : memref<160x128xf32, #tpu.memory_space<hbm>>)
    %dma_wait3A_344 = tpu.memref_slice %arg3[%mul3A_39] : memref<100000xi32, #tpu.memory_space<hbm>> -> memref<160xi32, #tpu.memory_space<hbm>>
    %dma_wait3A_345 = tpu.memref_slice %arg3[%mul3A_39] : memref<100000xi32, #tpu.memory_space<hbm>> -> memref<160xi32, #tpu.memory_space<hbm>>
    tpu.wait_dma2 semaphore(%arg33 : memref<!tpu.dma_semaphore, #tpu.memory_space<semaphore_mem>>) src(%dma_wait3A_345 : memref<160xi32, #tpu.memory_space<hbm>>) dst(%arg12 : memref<160xi32, #tpu.memory_space<vmem>>)
    %dma_wait3A_346 = tpu.memref_slice %arg2[%mul3A_39] : memref<100000xi32, #tpu.memory_space<hbm>> -> memref<160xi32, #tpu.memory_space<hbm>>
    %dma_wait3A_347 = tpu.memref_slice %arg2[%mul3A_39] : memref<100000xi32, #tpu.memory_space<hbm>> -> memref<160xi32, #tpu.memory_space<hbm>>
    tpu.wait_dma2 semaphore(%arg36 : memref<!tpu.dma_semaphore, #tpu.memory_space<semaphore_mem>>) src(%dma_wait3A_347 : memref<160xi32, #tpu.memory_space<hbm>>) dst(%arg9 : memref<160xi32, #tpu.memory_space<vmem>>)
    %dma_start3A_348 = arith.constant 0 : i32
    %dma_start3A_349 = arith.constant 0 : i32
    %dma_start3A_350 = tpu.memref_slice %arg37[%dma_start3A_348, %dma_start3A_349] : memref<500x128xf32, #tpu.memory_space<vmem_shared>> -> memref<500x128xf32, #tpu.memory_space<vmem_shared>>
    tpu.enqueue_indirect_dma source(%dma_start3A_350 : memref<500x128xf32, #tpu.memory_space<vmem_shared>>) target(%arg15 : memref<160x128xf32, #tpu.memory_space<vmem>>) offsets(%arg12 : memref<160xi32, #tpu.memory_space<vmem>>) semaphore(%arg21 : memref<!tpu.dma_semaphore, #tpu.memory_space<semaphore_mem>>)
    %dma_start3A_351 = arith.constant 0 : i32
    %dma_start3A_352 = arith.constant 0 : i32
    %dma_start3A_353 = tpu.memref_slice %arg5[%dma_start3A_351, %dma_start3A_352] : memref<100000x128xf32, #tpu.memory_space<hbm>> -> memref<100000x128xf32, #tpu.memory_space<hbm>>
    tpu.enqueue_indirect_dma source(%dma_start3A_353 : memref<100000x128xf32, #tpu.memory_space<hbm>>) target(%arg18 : memref<160x128xf32, #tpu.memory_space<vmem>>) offsets(%arg9 : memref<160xi32, #tpu.memory_space<vmem>>) semaphore(%arg24 : memref<!tpu.dma_semaphore, #tpu.memory_space<semaphore_mem>>)
    %dma_start3A_354 = tpu.memref_slice %arg3[%mul3A_43] : memref<100000xi32, #tpu.memory_space<hbm>> -> memref<160xi32, #tpu.memory_space<hbm>>
    %dma_start3A_355 = tpu.memref_slice %arg3[%mul3A_43] : memref<100000xi32, #tpu.memory_space<hbm>> -> memref<160xi32, #tpu.memory_space<hbm>>
    tpu.enqueue_dma source(%dma_start3A_355 : memref<160xi32, #tpu.memory_space<hbm>>) target(%arg10 : memref<160xi32, #tpu.memory_space<vmem>>) target_semaphore(%arg31 : memref<!tpu.dma_semaphore, #tpu.memory_space<semaphore_mem>>)
    %dma_start3A_356 = tpu.memref_slice %arg2[%mul3A_43] : memref<100000xi32, #tpu.memory_space<hbm>> -> memref<160xi32, #tpu.memory_space<hbm>>
    %dma_start3A_357 = tpu.memref_slice %arg2[%mul3A_43] : memref<100000xi32, #tpu.memory_space<hbm>> -> memref<160xi32, #tpu.memory_space<hbm>>
    tpu.enqueue_dma source(%dma_start3A_357 : memref<160xi32, #tpu.memory_space<hbm>>) target(%arg7 : memref<160xi32, #tpu.memory_space<vmem>>) target_semaphore(%arg34 : memref<!tpu.dma_semaphore, #tpu.memory_space<semaphore_mem>>)
    %dma_wait3A_358 = arith.constant 0 : i32
    %dma_wait3A_359 = arith.constant 0 : i32
    %dma_wait3A_360 = tpu.memref_slice %arg37[%dma_wait3A_358, %dma_wait3A_359] : memref<500x128xf32, #tpu.memory_space<vmem_shared>> -> memref<500x128xf32, #tpu.memory_space<vmem_shared>>
    tpu.wait_indirect_dma semaphore(%arg20 : memref<!tpu.dma_semaphore, #tpu.memory_space<semaphore_mem>>) src(%dma_wait3A_360 : memref<500x128xf32, #tpu.memory_space<vmem_shared>>) dst(%arg14 : memref<160x128xf32, #tpu.memory_space<vmem>>)
    %dma_wait3A_361 = arith.constant 0 : i32
    %dma_wait3A_362 = arith.constant 0 : i32
    %dma_wait3A_363 = tpu.memref_slice %arg5[%dma_wait3A_361, %dma_wait3A_362] : memref<100000x128xf32, #tpu.memory_space<hbm>> -> memref<100000x128xf32, #tpu.memory_space<hbm>>
    tpu.wait_indirect_dma semaphore(%arg23 : memref<!tpu.dma_semaphore, #tpu.memory_space<semaphore_mem>>) src(%dma_wait3A_363 : memref<100000x128xf32, #tpu.memory_space<hbm>>) dst(%arg17 : memref<160x128xf32, #tpu.memory_space<vmem>>)
    %dma_start3A_364 = arith.constant 0 : i32
    %dma_start3A_365 = tpu.memref_slice %arg6[%mul3A_35, %dma_start3A_364] : memref<100000x256xf32, #tpu.memory_space<hbm>> -> memref<160x128xf32, #tpu.memory_space<hbm>>
    %dma_start3A_366 = arith.constant 0 : i32
    %dma_start3A_367 = tpu.memref_slice %arg6[%mul3A_35, %dma_start3A_366] : memref<100000x256xf32, #tpu.memory_space<hbm>> -> memref<160x128xf32, #tpu.memory_space<hbm>>
    tpu.enqueue_dma source(%arg14 : memref<160x128xf32, #tpu.memory_space<vmem>>) target(%dma_start3A_367 : memref<160x128xf32, #tpu.memory_space<hbm>>) target_semaphore(%arg26 : memref<!tpu.dma_semaphore, #tpu.memory_space<semaphore_mem>>)
    %dma_start3A_368 = arith.constant 128 : i32
    %dma_start3A_369 = tpu.memref_slice %arg6[%mul3A_35, %dma_start3A_368] : memref<100000x256xf32, #tpu.memory_space<hbm>> -> memref<160x128xf32, #tpu.memory_space<hbm>>
    %dma_start3A_370 = arith.constant 128 : i32
    %dma_start3A_371 = tpu.memref_slice %arg6[%mul3A_35, %dma_start3A_370] : memref<100000x256xf32, #tpu.memory_space<hbm>> -> memref<160x128xf32, #tpu.memory_space<hbm>>
    tpu.enqueue_dma source(%arg17 : memref<160x128xf32, #tpu.memory_space<vmem>>) target(%dma_start3A_371 : memref<160x128xf32, #tpu.memory_space<hbm>>) target_semaphore(%arg29 : memref<!tpu.dma_semaphore, #tpu.memory_space<semaphore_mem>>)
    %dma_wait3A_372 = arith.constant 0 : i32
    %dma_wait3A_373 = tpu.memref_slice %arg6[%mul3A_31, %dma_wait3A_372] : memref<100000x256xf32, #tpu.memory_space<hbm>> -> memref<160x128xf32, #tpu.memory_space<hbm>>
    %dma_wait3A_374 = arith.constant 0 : i32
    %dma_wait3A_375 = tpu.memref_slice %arg6[%mul3A_31, %dma_wait3A_374] : memref<100000x256xf32, #tpu.memory_space<hbm>> -> memref<160x128xf32, #tpu.memory_space<hbm>>
    tpu.wait_dma2 semaphore(%arg25 : memref<!tpu.dma_semaphore, #tpu.memory_space<semaphore_mem>>) src(%arg13 : memref<160x128xf32, #tpu.memory_space<vmem>>) dst(%dma_wait3A_375 : memref<160x128xf32, #tpu.memory_space<hbm>>)
    %dma_wait3A_376 = arith.constant 128 : i32
    %dma_wait3A_377 = tpu.memref_slice %arg6[%mul3A_31, %dma_wait3A_376] : memref<100000x256xf32, #tpu.memory_space<hbm>> -> memref<160x128xf32, #tpu.memory_space<hbm>>
    %dma_wait3A_378 = arith.constant 128 : i32
    %dma_wait3A_379 = tpu.memref_slice %arg6[%mul3A_31, %dma_wait3A_378] : memref<100000x256xf32, #tpu.memory_space<hbm>> -> memref<160x128xf32, #tpu.memory_space<hbm>>
    tpu.wait_dma2 semaphore(%arg28 : memref<!tpu.dma_semaphore, #tpu.memory_space<semaphore_mem>>) src(%arg16 : memref<160x128xf32, #tpu.memory_space<vmem>>) dst(%dma_wait3A_379 : memref<160x128xf32, #tpu.memory_space<hbm>>)
    %dma_wait3A_380 = tpu.memref_slice %arg3[%mul3A_43] : memref<100000xi32, #tpu.memory_space<hbm>> -> memref<160xi32, #tpu.memory_space<hbm>>
    %dma_wait3A_381 = tpu.memref_slice %arg3[%mul3A_43] : memref<100000xi32, #tpu.memory_space<hbm>> -> memref<160xi32, #tpu.memory_space<hbm>>
    tpu.wait_dma2 semaphore(%arg31 : memref<!tpu.dma_semaphore, #tpu.memory_space<semaphore_mem>>) src(%dma_wait3A_381 : memref<160xi32, #tpu.memory_space<hbm>>) dst(%arg10 : memref<160xi32, #tpu.memory_space<vmem>>)
    %dma_wait3A_382 = tpu.memref_slice %arg2[%mul3A_43] : memref<100000xi32, #tpu.memory_space<hbm>> -> memref<160xi32, #tpu.memory_space<hbm>>
    %dma_wait3A_383 = tpu.memref_slice %arg2[%mul3A_43] : memref<100000xi32, #tpu.memory_space<hbm>> -> memref<160xi32, #tpu.memory_space<hbm>>
    tpu.wait_dma2 semaphore(%arg34 : memref<!tpu.dma_semaphore, #tpu.memory_space<semaphore_mem>>) src(%dma_wait3A_383 : memref<160xi32, #tpu.memory_space<hbm>>) dst(%arg7 : memref<160xi32, #tpu.memory_space<vmem>>)
    %dma_start3A_384 = arith.constant 0 : i32
    %dma_start3A_385 = arith.constant 0 : i32
    %dma_start3A_386 = tpu.memref_slice %arg37[%dma_start3A_384, %dma_start3A_385] : memref<500x128xf32, #tpu.memory_space<vmem_shared>> -> memref<500x128xf32, #tpu.memory_space<vmem_shared>>
    tpu.enqueue_indirect_dma source(%dma_start3A_386 : memref<500x128xf32, #tpu.memory_space<vmem_shared>>) target(%arg13 : memref<160x128xf32, #tpu.memory_space<vmem>>) offsets(%arg10 : memref<160xi32, #tpu.memory_space<vmem>>) semaphore(%arg19 : memref<!tpu.dma_semaphore, #tpu.memory_space<semaphore_mem>>)
    %dma_start3A_387 = arith.constant 0 : i32
    %dma_start3A_388 = arith.constant 0 : i32
    %dma_start3A_389 = tpu.memref_slice %arg5[%dma_start3A_387, %dma_start3A_388] : memref<100000x128xf32, #tpu.memory_space<hbm>> -> memref<100000x128xf32, #tpu.memory_space<hbm>>
    tpu.enqueue_indirect_dma source(%dma_start3A_389 : memref<100000x128xf32, #tpu.memory_space<hbm>>) target(%arg16 : memref<160x128xf32, #tpu.memory_space<vmem>>) offsets(%arg7 : memref<160xi32, #tpu.memory_space<vmem>>) semaphore(%arg22 : memref<!tpu.dma_semaphore, #tpu.memory_space<semaphore_mem>>)
    %dma_start3A_390 = tpu.memref_slice %arg3[%mul3A_47] : memref<100000xi32, #tpu.memory_space<hbm>> -> memref<160xi32, #tpu.memory_space<hbm>>
    %dma_start3A_391 = tpu.memref_slice %arg3[%mul3A_47] : memref<100000xi32, #tpu.memory_space<hbm>> -> memref<160xi32, #tpu.memory_space<hbm>>
    tpu.enqueue_dma source(%dma_start3A_391 : memref<160xi32, #tpu.memory_space<hbm>>) target(%arg11 : memref<160xi32, #tpu.memory_space<vmem>>) target_semaphore(%arg32 : memref<!tpu.dma_semaphore, #tpu.memory_space<semaphore_mem>>)
    %dma_start3A_392 = tpu.memref_slice %arg2[%mul3A_47] : memref<100000xi32, #tpu.memory_space<hbm>> -> memref<160xi32, #tpu.memory_space<hbm>>
    %dma_start3A_393 = tpu.memref_slice %arg2[%mul3A_47] : memref<100000xi32, #tpu.memory_space<hbm>> -> memref<160xi32, #tpu.memory_space<hbm>>
    tpu.enqueue_dma source(%dma_start3A_393 : memref<160xi32, #tpu.memory_space<hbm>>) target(%arg8 : memref<160xi32, #tpu.memory_space<vmem>>) target_semaphore(%arg35 : memref<!tpu.dma_semaphore, #tpu.memory_space<semaphore_mem>>)
    %dma_wait3A_394 = arith.constant 0 : i32
    %dma_wait3A_395 = arith.constant 0 : i32
    %dma_wait3A_396 = tpu.memref_slice %arg37[%dma_wait3A_394, %dma_wait3A_395] : memref<500x128xf32, #tpu.memory_space<vmem_shared>> -> memref<500x128xf32, #tpu.memory_space<vmem_shared>>
    tpu.wait_indirect_dma semaphore(%arg21 : memref<!tpu.dma_semaphore, #tpu.memory_space<semaphore_mem>>) src(%dma_wait3A_396 : memref<500x128xf32, #tpu.memory_space<vmem_shared>>) dst(%arg15 : memref<160x128xf32, #tpu.memory_space<vmem>>)
    %dma_wait3A_397 = arith.constant 0 : i32
    %dma_wait3A_398 = arith.constant 0 : i32
    %dma_wait3A_399 = tpu.memref_slice %arg5[%dma_wait3A_397, %dma_wait3A_398] : memref<100000x128xf32, #tpu.memory_space<hbm>> -> memref<100000x128xf32, #tpu.memory_space<hbm>>
    tpu.wait_indirect_dma semaphore(%arg24 : memref<!tpu.dma_semaphore, #tpu.memory_space<semaphore_mem>>) src(%dma_wait3A_399 : memref<100000x128xf32, #tpu.memory_space<hbm>>) dst(%arg18 : memref<160x128xf32, #tpu.memory_space<vmem>>)
    %dma_start3A_400 = arith.constant 0 : i32
    %dma_start3A_401 = tpu.memref_slice %arg6[%mul3A_39, %dma_start3A_400] : memref<100000x256xf32, #tpu.memory_space<hbm>> -> memref<160x128xf32, #tpu.memory_space<hbm>>
    %dma_start3A_402 = arith.constant 0 : i32
    %dma_start3A_403 = tpu.memref_slice %arg6[%mul3A_39, %dma_start3A_402] : memref<100000x256xf32, #tpu.memory_space<hbm>> -> memref<160x128xf32, #tpu.memory_space<hbm>>
    tpu.enqueue_dma source(%arg15 : memref<160x128xf32, #tpu.memory_space<vmem>>) target(%dma_start3A_403 : memref<160x128xf32, #tpu.memory_space<hbm>>) target_semaphore(%arg27 : memref<!tpu.dma_semaphore, #tpu.memory_space<semaphore_mem>>)
    %dma_start3A_404 = arith.constant 128 : i32
    %dma_start3A_405 = tpu.memref_slice %arg6[%mul3A_39, %dma_start3A_404] : memref<100000x256xf32, #tpu.memory_space<hbm>> -> memref<160x128xf32, #tpu.memory_space<hbm>>
    %dma_start3A_406 = arith.constant 128 : i32
    %dma_start3A_407 = tpu.memref_slice %arg6[%mul3A_39, %dma_start3A_406] : memref<100000x256xf32, #tpu.memory_space<hbm>> -> memref<160x128xf32, #tpu.memory_space<hbm>>
    tpu.enqueue_dma source(%arg18 : memref<160x128xf32, #tpu.memory_space<vmem>>) target(%dma_start3A_407 : memref<160x128xf32, #tpu.memory_space<hbm>>) target_semaphore(%arg30 : memref<!tpu.dma_semaphore, #tpu.memory_space<semaphore_mem>>)
    %dma_wait3A_408 = arith.constant 0 : i32
    %dma_wait3A_409 = tpu.memref_slice %arg6[%mul3A_35, %dma_wait3A_408] : memref<100000x256xf32, #tpu.memory_space<hbm>> -> memref<160x128xf32, #tpu.memory_space<hbm>>
    %dma_wait3A_410 = arith.constant 0 : i32
    %dma_wait3A_411 = tpu.memref_slice %arg6[%mul3A_35, %dma_wait3A_410] : memref<100000x256xf32, #tpu.memory_space<hbm>> -> memref<160x128xf32, #tpu.memory_space<hbm>>
    tpu.wait_dma2 semaphore(%arg26 : memref<!tpu.dma_semaphore, #tpu.memory_space<semaphore_mem>>) src(%arg14 : memref<160x128xf32, #tpu.memory_space<vmem>>) dst(%dma_wait3A_411 : memref<160x128xf32, #tpu.memory_space<hbm>>)
    %dma_wait3A_412 = arith.constant 128 : i32
    %dma_wait3A_413 = tpu.memref_slice %arg6[%mul3A_35, %dma_wait3A_412] : memref<100000x256xf32, #tpu.memory_space<hbm>> -> memref<160x128xf32, #tpu.memory_space<hbm>>
    %dma_wait3A_414 = arith.constant 128 : i32
    %dma_wait3A_415 = tpu.memref_slice %arg6[%mul3A_35, %dma_wait3A_414] : memref<100000x256xf32, #tpu.memory_space<hbm>> -> memref<160x128xf32, #tpu.memory_space<hbm>>
    tpu.wait_dma2 semaphore(%arg29 : memref<!tpu.dma_semaphore, #tpu.memory_space<semaphore_mem>>) src(%arg17 : memref<160x128xf32, #tpu.memory_space<vmem>>) dst(%dma_wait3A_415 : memref<160x128xf32, #tpu.memory_space<hbm>>)
    %dma_wait3A_416 = tpu.memref_slice %arg3[%mul3A_47] : memref<100000xi32, #tpu.memory_space<hbm>> -> memref<160xi32, #tpu.memory_space<hbm>>
    %dma_wait3A_417 = tpu.memref_slice %arg3[%mul3A_47] : memref<100000xi32, #tpu.memory_space<hbm>> -> memref<160xi32, #tpu.memory_space<hbm>>
    tpu.wait_dma2 semaphore(%arg32 : memref<!tpu.dma_semaphore, #tpu.memory_space<semaphore_mem>>) src(%dma_wait3A_417 : memref<160xi32, #tpu.memory_space<hbm>>) dst(%arg11 : memref<160xi32, #tpu.memory_space<vmem>>)
    %dma_wait3A_418 = tpu.memref_slice %arg2[%mul3A_47] : memref<100000xi32, #tpu.memory_space<hbm>> -> memref<160xi32, #tpu.memory_space<hbm>>
    %dma_wait3A_419 = tpu.memref_slice %arg2[%mul3A_47] : memref<100000xi32, #tpu.memory_space<hbm>> -> memref<160xi32, #tpu.memory_space<hbm>>
    tpu.wait_dma2 semaphore(%arg35 : memref<!tpu.dma_semaphore, #tpu.memory_space<semaphore_mem>>) src(%dma_wait3A_419 : memref<160xi32, #tpu.memory_space<hbm>>) dst(%arg8 : memref<160xi32, #tpu.memory_space<vmem>>)
    %dma_start3A_420 = arith.constant 0 : i32
    %dma_start3A_421 = arith.constant 0 : i32
    %dma_start3A_422 = tpu.memref_slice %arg37[%dma_start3A_420, %dma_start3A_421] : memref<500x128xf32, #tpu.memory_space<vmem_shared>> -> memref<500x128xf32, #tpu.memory_space<vmem_shared>>
    tpu.enqueue_indirect_dma source(%dma_start3A_422 : memref<500x128xf32, #tpu.memory_space<vmem_shared>>) target(%arg14 : memref<160x128xf32, #tpu.memory_space<vmem>>) offsets(%arg11 : memref<160xi32, #tpu.memory_space<vmem>>) semaphore(%arg20 : memref<!tpu.dma_semaphore, #tpu.memory_space<semaphore_mem>>)
    %dma_start3A_423 = arith.constant 0 : i32
    %dma_start3A_424 = arith.constant 0 : i32
    %dma_start3A_425 = tpu.memref_slice %arg5[%dma_start3A_423, %dma_start3A_424] : memref<100000x128xf32, #tpu.memory_space<hbm>> -> memref<100000x128xf32, #tpu.memory_space<hbm>>
    tpu.enqueue_indirect_dma source(%dma_start3A_425 : memref<100000x128xf32, #tpu.memory_space<hbm>>) target(%arg17 : memref<160x128xf32, #tpu.memory_space<vmem>>) offsets(%arg8 : memref<160xi32, #tpu.memory_space<vmem>>) semaphore(%arg23 : memref<!tpu.dma_semaphore, #tpu.memory_space<semaphore_mem>>)
    %dma_start3A_426 = tpu.memref_slice %arg3[%mul3A_51] : memref<100000xi32, #tpu.memory_space<hbm>> -> memref<160xi32, #tpu.memory_space<hbm>>
    %dma_start3A_427 = tpu.memref_slice %arg3[%mul3A_51] : memref<100000xi32, #tpu.memory_space<hbm>> -> memref<160xi32, #tpu.memory_space<hbm>>
    tpu.enqueue_dma source(%dma_start3A_427 : memref<160xi32, #tpu.memory_space<hbm>>) target(%arg12 : memref<160xi32, #tpu.memory_space<vmem>>) target_semaphore(%arg33 : memref<!tpu.dma_semaphore, #tpu.memory_space<semaphore_mem>>)
    %dma_start3A_428 = tpu.memref_slice %arg2[%mul3A_51] : memref<100000xi32, #tpu.memory_space<hbm>> -> memref<160xi32, #tpu.memory_space<hbm>>
    %dma_start3A_429 = tpu.memref_slice %arg2[%mul3A_51] : memref<100000xi32, #tpu.memory_space<hbm>> -> memref<160xi32, #tpu.memory_space<hbm>>
    tpu.enqueue_dma source(%dma_start3A_429 : memref<160xi32, #tpu.memory_space<hbm>>) target(%arg9 : memref<160xi32, #tpu.memory_space<vmem>>) target_semaphore(%arg36 : memref<!tpu.dma_semaphore, #tpu.memory_space<semaphore_mem>>)
    %dma_wait3A_430 = arith.constant 0 : i32
    %dma_wait3A_431 = arith.constant 0 : i32
    %dma_wait3A_432 = tpu.memref_slice %arg37[%dma_wait3A_430, %dma_wait3A_431] : memref<500x128xf32, #tpu.memory_space<vmem_shared>> -> memref<500x128xf32, #tpu.memory_space<vmem_shared>>
    tpu.wait_indirect_dma semaphore(%arg19 : memref<!tpu.dma_semaphore, #tpu.memory_space<semaphore_mem>>) src(%dma_wait3A_432 : memref<500x128xf32, #tpu.memory_space<vmem_shared>>) dst(%arg13 : memref<160x128xf32, #tpu.memory_space<vmem>>)
    %dma_wait3A_433 = arith.constant 0 : i32
    %dma_wait3A_434 = arith.constant 0 : i32
    %dma_wait3A_435 = tpu.memref_slice %arg5[%dma_wait3A_433, %dma_wait3A_434] : memref<100000x128xf32, #tpu.memory_space<hbm>> -> memref<100000x128xf32, #tpu.memory_space<hbm>>
    tpu.wait_indirect_dma semaphore(%arg22 : memref<!tpu.dma_semaphore, #tpu.memory_space<semaphore_mem>>) src(%dma_wait3A_435 : memref<100000x128xf32, #tpu.memory_space<hbm>>) dst(%arg16 : memref<160x128xf32, #tpu.memory_space<vmem>>)
    %dma_start3A_436 = arith.constant 0 : i32
    %dma_start3A_437 = tpu.memref_slice %arg6[%mul3A_43, %dma_start3A_436] : memref<100000x256xf32, #tpu.memory_space<hbm>> -> memref<160x128xf32, #tpu.memory_space<hbm>>
    %dma_start3A_438 = arith.constant 0 : i32
    %dma_start3A_439 = tpu.memref_slice %arg6[%mul3A_43, %dma_start3A_438] : memref<100000x256xf32, #tpu.memory_space<hbm>> -> memref<160x128xf32, #tpu.memory_space<hbm>>
    tpu.enqueue_dma source(%arg13 : memref<160x128xf32, #tpu.memory_space<vmem>>) target(%dma_start3A_439 : memref<160x128xf32, #tpu.memory_space<hbm>>) target_semaphore(%arg25 : memref<!tpu.dma_semaphore, #tpu.memory_space<semaphore_mem>>)
    %dma_start3A_440 = arith.constant 128 : i32
    %dma_start3A_441 = tpu.memref_slice %arg6[%mul3A_43, %dma_start3A_440] : memref<100000x256xf32, #tpu.memory_space<hbm>> -> memref<160x128xf32, #tpu.memory_space<hbm>>
    %dma_start3A_442 = arith.constant 128 : i32
    %dma_start3A_443 = tpu.memref_slice %arg6[%mul3A_43, %dma_start3A_442] : memref<100000x256xf32, #tpu.memory_space<hbm>> -> memref<160x128xf32, #tpu.memory_space<hbm>>
    tpu.enqueue_dma source(%arg16 : memref<160x128xf32, #tpu.memory_space<vmem>>) target(%dma_start3A_443 : memref<160x128xf32, #tpu.memory_space<hbm>>) target_semaphore(%arg28 : memref<!tpu.dma_semaphore, #tpu.memory_space<semaphore_mem>>)
    %dma_wait3A_444 = arith.constant 0 : i32
    %dma_wait3A_445 = tpu.memref_slice %arg6[%mul3A_39, %dma_wait3A_444] : memref<100000x256xf32, #tpu.memory_space<hbm>> -> memref<160x128xf32, #tpu.memory_space<hbm>>
    %dma_wait3A_446 = arith.constant 0 : i32
    %dma_wait3A_447 = tpu.memref_slice %arg6[%mul3A_39, %dma_wait3A_446] : memref<100000x256xf32, #tpu.memory_space<hbm>> -> memref<160x128xf32, #tpu.memory_space<hbm>>
    tpu.wait_dma2 semaphore(%arg27 : memref<!tpu.dma_semaphore, #tpu.memory_space<semaphore_mem>>) src(%arg15 : memref<160x128xf32, #tpu.memory_space<vmem>>) dst(%dma_wait3A_447 : memref<160x128xf32, #tpu.memory_space<hbm>>)
    %dma_wait3A_448 = arith.constant 128 : i32
    %dma_wait3A_449 = tpu.memref_slice %arg6[%mul3A_39, %dma_wait3A_448] : memref<100000x256xf32, #tpu.memory_space<hbm>> -> memref<160x128xf32, #tpu.memory_space<hbm>>
    %dma_wait3A_450 = arith.constant 128 : i32
    %dma_wait3A_451 = tpu.memref_slice %arg6[%mul3A_39, %dma_wait3A_450] : memref<100000x256xf32, #tpu.memory_space<hbm>> -> memref<160x128xf32, #tpu.memory_space<hbm>>
    tpu.wait_dma2 semaphore(%arg30 : memref<!tpu.dma_semaphore, #tpu.memory_space<semaphore_mem>>) src(%arg18 : memref<160x128xf32, #tpu.memory_space<vmem>>) dst(%dma_wait3A_451 : memref<160x128xf32, #tpu.memory_space<hbm>>)
    %dma_wait3A_452 = tpu.memref_slice %arg3[%mul3A_51] : memref<100000xi32, #tpu.memory_space<hbm>> -> memref<160xi32, #tpu.memory_space<hbm>>
    %dma_wait3A_453 = tpu.memref_slice %arg3[%mul3A_51] : memref<100000xi32, #tpu.memory_space<hbm>> -> memref<160xi32, #tpu.memory_space<hbm>>
    tpu.wait_dma2 semaphore(%arg33 : memref<!tpu.dma_semaphore, #tpu.memory_space<semaphore_mem>>) src(%dma_wait3A_453 : memref<160xi32, #tpu.memory_space<hbm>>) dst(%arg12 : memref<160xi32, #tpu.memory_space<vmem>>)
    %dma_wait3A_454 = tpu.memref_slice %arg2[%mul3A_51] : memref<100000xi32, #tpu.memory_space<hbm>> -> memref<160xi32, #tpu.memory_space<hbm>>
    %dma_wait3A_455 = tpu.memref_slice %arg2[%mul3A_51] : memref<100000xi32, #tpu.memory_space<hbm>> -> memref<160xi32, #tpu.memory_space<hbm>>
    tpu.wait_dma2 semaphore(%arg36 : memref<!tpu.dma_semaphore, #tpu.memory_space<semaphore_mem>>) src(%dma_wait3A_455 : memref<160xi32, #tpu.memory_space<hbm>>) dst(%arg9 : memref<160xi32, #tpu.memory_space<vmem>>)
    %dma_start3A_456 = arith.constant 0 : i32
    %dma_start3A_457 = arith.constant 0 : i32
    %dma_start3A_458 = tpu.memref_slice %arg37[%dma_start3A_456, %dma_start3A_457] : memref<500x128xf32, #tpu.memory_space<vmem_shared>> -> memref<500x128xf32, #tpu.memory_space<vmem_shared>>
    tpu.enqueue_indirect_dma source(%dma_start3A_458 : memref<500x128xf32, #tpu.memory_space<vmem_shared>>) target(%arg15 : memref<160x128xf32, #tpu.memory_space<vmem>>) offsets(%arg12 : memref<160xi32, #tpu.memory_space<vmem>>) semaphore(%arg21 : memref<!tpu.dma_semaphore, #tpu.memory_space<semaphore_mem>>)
    %dma_start3A_459 = arith.constant 0 : i32
    %dma_start3A_460 = arith.constant 0 : i32
    %dma_start3A_461 = tpu.memref_slice %arg5[%dma_start3A_459, %dma_start3A_460] : memref<100000x128xf32, #tpu.memory_space<hbm>> -> memref<100000x128xf32, #tpu.memory_space<hbm>>
    tpu.enqueue_indirect_dma source(%dma_start3A_461 : memref<100000x128xf32, #tpu.memory_space<hbm>>) target(%arg18 : memref<160x128xf32, #tpu.memory_space<vmem>>) offsets(%arg9 : memref<160xi32, #tpu.memory_space<vmem>>) semaphore(%arg24 : memref<!tpu.dma_semaphore, #tpu.memory_space<semaphore_mem>>)
    %dma_start3A_462 = tpu.memref_slice %arg3[%mul3A_55] : memref<100000xi32, #tpu.memory_space<hbm>> -> memref<160xi32, #tpu.memory_space<hbm>>
    %dma_start3A_463 = tpu.memref_slice %arg3[%mul3A_55] : memref<100000xi32, #tpu.memory_space<hbm>> -> memref<160xi32, #tpu.memory_space<hbm>>
    tpu.enqueue_dma source(%dma_start3A_463 : memref<160xi32, #tpu.memory_space<hbm>>) target(%arg10 : memref<160xi32, #tpu.memory_space<vmem>>) target_semaphore(%arg31 : memref<!tpu.dma_semaphore, #tpu.memory_space<semaphore_mem>>)
    %dma_start3A_464 = tpu.memref_slice %arg2[%mul3A_55] : memref<100000xi32, #tpu.memory_space<hbm>> -> memref<160xi32, #tpu.memory_space<hbm>>
    %dma_start3A_465 = tpu.memref_slice %arg2[%mul3A_55] : memref<100000xi32, #tpu.memory_space<hbm>> -> memref<160xi32, #tpu.memory_space<hbm>>
    tpu.enqueue_dma source(%dma_start3A_465 : memref<160xi32, #tpu.memory_space<hbm>>) target(%arg7 : memref<160xi32, #tpu.memory_space<vmem>>) target_semaphore(%arg34 : memref<!tpu.dma_semaphore, #tpu.memory_space<semaphore_mem>>)
    %dma_wait3A_466 = arith.constant 0 : i32
    %dma_wait3A_467 = arith.constant 0 : i32
    %dma_wait3A_468 = tpu.memref_slice %arg37[%dma_wait3A_466, %dma_wait3A_467] : memref<500x128xf32, #tpu.memory_space<vmem_shared>> -> memref<500x128xf32, #tpu.memory_space<vmem_shared>>
    tpu.wait_indirect_dma semaphore(%arg20 : memref<!tpu.dma_semaphore, #tpu.memory_space<semaphore_mem>>) src(%dma_wait3A_468 : memref<500x128xf32, #tpu.memory_space<vmem_shared>>) dst(%arg14 : memref<160x128xf32, #tpu.memory_space<vmem>>)
    %dma_wait3A_469 = arith.constant 0 : i32
    %dma_wait3A_470 = arith.constant 0 : i32
    %dma_wait3A_471 = tpu.memref_slice %arg5[%dma_wait3A_469, %dma_wait3A_470] : memref<100000x128xf32, #tpu.memory_space<hbm>> -> memref<100000x128xf32, #tpu.memory_space<hbm>>
    tpu.wait_indirect_dma semaphore(%arg23 : memref<!tpu.dma_semaphore, #tpu.memory_space<semaphore_mem>>) src(%dma_wait3A_471 : memref<100000x128xf32, #tpu.memory_space<hbm>>) dst(%arg17 : memref<160x128xf32, #tpu.memory_space<vmem>>)
    %dma_start3A_472 = arith.constant 0 : i32
    %dma_start3A_473 = tpu.memref_slice %arg6[%mul3A_47, %dma_start3A_472] : memref<100000x256xf32, #tpu.memory_space<hbm>> -> memref<160x128xf32, #tpu.memory_space<hbm>>
    %dma_start3A_474 = arith.constant 0 : i32
    %dma_start3A_475 = tpu.memref_slice %arg6[%mul3A_47, %dma_start3A_474] : memref<100000x256xf32, #tpu.memory_space<hbm>> -> memref<160x128xf32, #tpu.memory_space<hbm>>
    tpu.enqueue_dma source(%arg14 : memref<160x128xf32, #tpu.memory_space<vmem>>) target(%dma_start3A_475 : memref<160x128xf32, #tpu.memory_space<hbm>>) target_semaphore(%arg26 : memref<!tpu.dma_semaphore, #tpu.memory_space<semaphore_mem>>)
    %dma_start3A_476 = arith.constant 128 : i32
    %dma_start3A_477 = tpu.memref_slice %arg6[%mul3A_47, %dma_start3A_476] : memref<100000x256xf32, #tpu.memory_space<hbm>> -> memref<160x128xf32, #tpu.memory_space<hbm>>
    %dma_start3A_478 = arith.constant 128 : i32
    %dma_start3A_479 = tpu.memref_slice %arg6[%mul3A_47, %dma_start3A_478] : memref<100000x256xf32, #tpu.memory_space<hbm>> -> memref<160x128xf32, #tpu.memory_space<hbm>>
    tpu.enqueue_dma source(%arg17 : memref<160x128xf32, #tpu.memory_space<vmem>>) target(%dma_start3A_479 : memref<160x128xf32, #tpu.memory_space<hbm>>) target_semaphore(%arg29 : memref<!tpu.dma_semaphore, #tpu.memory_space<semaphore_mem>>)
    %dma_wait3A_480 = arith.constant 0 : i32
    %dma_wait3A_481 = tpu.memref_slice %arg6[%mul3A_43, %dma_wait3A_480] : memref<100000x256xf32, #tpu.memory_space<hbm>> -> memref<160x128xf32, #tpu.memory_space<hbm>>
    %dma_wait3A_482 = arith.constant 0 : i32
    %dma_wait3A_483 = tpu.memref_slice %arg6[%mul3A_43, %dma_wait3A_482] : memref<100000x256xf32, #tpu.memory_space<hbm>> -> memref<160x128xf32, #tpu.memory_space<hbm>>
    tpu.wait_dma2 semaphore(%arg25 : memref<!tpu.dma_semaphore, #tpu.memory_space<semaphore_mem>>) src(%arg13 : memref<160x128xf32, #tpu.memory_space<vmem>>) dst(%dma_wait3A_483 : memref<160x128xf32, #tpu.memory_space<hbm>>)
    %dma_wait3A_484 = arith.constant 128 : i32
    %dma_wait3A_485 = tpu.memref_slice %arg6[%mul3A_43, %dma_wait3A_484] : memref<100000x256xf32, #tpu.memory_space<hbm>> -> memref<160x128xf32, #tpu.memory_space<hbm>>
    %dma_wait3A_486 = arith.constant 128 : i32
    %dma_wait3A_487 = tpu.memref_slice %arg6[%mul3A_43, %dma_wait3A_486] : memref<100000x256xf32, #tpu.memory_space<hbm>> -> memref<160x128xf32, #tpu.memory_space<hbm>>
    tpu.wait_dma2 semaphore(%arg28 : memref<!tpu.dma_semaphore, #tpu.memory_space<semaphore_mem>>) src(%arg16 : memref<160x128xf32, #tpu.memory_space<vmem>>) dst(%dma_wait3A_487 : memref<160x128xf32, #tpu.memory_space<hbm>>)
    %dma_wait3A_488 = tpu.memref_slice %arg3[%mul3A_55] : memref<100000xi32, #tpu.memory_space<hbm>> -> memref<160xi32, #tpu.memory_space<hbm>>
    %dma_wait3A_489 = tpu.memref_slice %arg3[%mul3A_55] : memref<100000xi32, #tpu.memory_space<hbm>> -> memref<160xi32, #tpu.memory_space<hbm>>
    tpu.wait_dma2 semaphore(%arg31 : memref<!tpu.dma_semaphore, #tpu.memory_space<semaphore_mem>>) src(%dma_wait3A_489 : memref<160xi32, #tpu.memory_space<hbm>>) dst(%arg10 : memref<160xi32, #tpu.memory_space<vmem>>)
    %dma_wait3A_490 = tpu.memref_slice %arg2[%mul3A_55] : memref<100000xi32, #tpu.memory_space<hbm>> -> memref<160xi32, #tpu.memory_space<hbm>>
    %dma_wait3A_491 = tpu.memref_slice %arg2[%mul3A_55] : memref<100000xi32, #tpu.memory_space<hbm>> -> memref<160xi32, #tpu.memory_space<hbm>>
    tpu.wait_dma2 semaphore(%arg34 : memref<!tpu.dma_semaphore, #tpu.memory_space<semaphore_mem>>) src(%dma_wait3A_491 : memref<160xi32, #tpu.memory_space<hbm>>) dst(%arg7 : memref<160xi32, #tpu.memory_space<vmem>>)
    %dma_start3A_492 = arith.constant 0 : i32
    %dma_start3A_493 = arith.constant 0 : i32
    %dma_start3A_494 = tpu.memref_slice %arg37[%dma_start3A_492, %dma_start3A_493] : memref<500x128xf32, #tpu.memory_space<vmem_shared>> -> memref<500x128xf32, #tpu.memory_space<vmem_shared>>
    tpu.enqueue_indirect_dma source(%dma_start3A_494 : memref<500x128xf32, #tpu.memory_space<vmem_shared>>) target(%arg13 : memref<160x128xf32, #tpu.memory_space<vmem>>) offsets(%arg10 : memref<160xi32, #tpu.memory_space<vmem>>) semaphore(%arg19 : memref<!tpu.dma_semaphore, #tpu.memory_space<semaphore_mem>>)
    %dma_start3A_495 = arith.constant 0 : i32
    %dma_start3A_496 = arith.constant 0 : i32
    %dma_start3A_497 = tpu.memref_slice %arg5[%dma_start3A_495, %dma_start3A_496] : memref<100000x128xf32, #tpu.memory_space<hbm>> -> memref<100000x128xf32, #tpu.memory_space<hbm>>
    tpu.enqueue_indirect_dma source(%dma_start3A_497 : memref<100000x128xf32, #tpu.memory_space<hbm>>) target(%arg16 : memref<160x128xf32, #tpu.memory_space<vmem>>) offsets(%arg7 : memref<160xi32, #tpu.memory_space<vmem>>) semaphore(%arg22 : memref<!tpu.dma_semaphore, #tpu.memory_space<semaphore_mem>>)
    %dma_start3A_498 = tpu.memref_slice %arg3[%mul3A_59] : memref<100000xi32, #tpu.memory_space<hbm>> -> memref<160xi32, #tpu.memory_space<hbm>>
    %dma_start3A_499 = tpu.memref_slice %arg3[%mul3A_59] : memref<100000xi32, #tpu.memory_space<hbm>> -> memref<160xi32, #tpu.memory_space<hbm>>
    tpu.enqueue_dma source(%dma_start3A_499 : memref<160xi32, #tpu.memory_space<hbm>>) target(%arg11 : memref<160xi32, #tpu.memory_space<vmem>>) target_semaphore(%arg32 : memref<!tpu.dma_semaphore, #tpu.memory_space<semaphore_mem>>)
    %dma_start3A_500 = tpu.memref_slice %arg2[%mul3A_59] : memref<100000xi32, #tpu.memory_space<hbm>> -> memref<160xi32, #tpu.memory_space<hbm>>
    %dma_start3A_501 = tpu.memref_slice %arg2[%mul3A_59] : memref<100000xi32, #tpu.memory_space<hbm>> -> memref<160xi32, #tpu.memory_space<hbm>>
    tpu.enqueue_dma source(%dma_start3A_501 : memref<160xi32, #tpu.memory_space<hbm>>) target(%arg8 : memref<160xi32, #tpu.memory_space<vmem>>) target_semaphore(%arg35 : memref<!tpu.dma_semaphore, #tpu.memory_space<semaphore_mem>>)
    %dma_wait3A_502 = arith.constant 0 : i32
    %dma_wait3A_503 = arith.constant 0 : i32
    %dma_wait3A_504 = tpu.memref_slice %arg37[%dma_wait3A_502, %dma_wait3A_503] : memref<500x128xf32, #tpu.memory_space<vmem_shared>> -> memref<500x128xf32, #tpu.memory_space<vmem_shared>>
    tpu.wait_indirect_dma semaphore(%arg21 : memref<!tpu.dma_semaphore, #tpu.memory_space<semaphore_mem>>) src(%dma_wait3A_504 : memref<500x128xf32, #tpu.memory_space<vmem_shared>>) dst(%arg15 : memref<160x128xf32, #tpu.memory_space<vmem>>)
    %dma_wait3A_505 = arith.constant 0 : i32
    %dma_wait3A_506 = arith.constant 0 : i32
    %dma_wait3A_507 = tpu.memref_slice %arg5[%dma_wait3A_505, %dma_wait3A_506] : memref<100000x128xf32, #tpu.memory_space<hbm>> -> memref<100000x128xf32, #tpu.memory_space<hbm>>
    tpu.wait_indirect_dma semaphore(%arg24 : memref<!tpu.dma_semaphore, #tpu.memory_space<semaphore_mem>>) src(%dma_wait3A_507 : memref<100000x128xf32, #tpu.memory_space<hbm>>) dst(%arg18 : memref<160x128xf32, #tpu.memory_space<vmem>>)
    %dma_start3A_508 = arith.constant 0 : i32
    %dma_start3A_509 = tpu.memref_slice %arg6[%mul3A_51, %dma_start3A_508] : memref<100000x256xf32, #tpu.memory_space<hbm>> -> memref<160x128xf32, #tpu.memory_space<hbm>>
    %dma_start3A_510 = arith.constant 0 : i32
    %dma_start3A_511 = tpu.memref_slice %arg6[%mul3A_51, %dma_start3A_510] : memref<100000x256xf32, #tpu.memory_space<hbm>> -> memref<160x128xf32, #tpu.memory_space<hbm>>
    tpu.enqueue_dma source(%arg15 : memref<160x128xf32, #tpu.memory_space<vmem>>) target(%dma_start3A_511 : memref<160x128xf32, #tpu.memory_space<hbm>>) target_semaphore(%arg27 : memref<!tpu.dma_semaphore, #tpu.memory_space<semaphore_mem>>)
    %dma_start3A_512 = arith.constant 128 : i32
    %dma_start3A_513 = tpu.memref_slice %arg6[%mul3A_51, %dma_start3A_512] : memref<100000x256xf32, #tpu.memory_space<hbm>> -> memref<160x128xf32, #tpu.memory_space<hbm>>
    %dma_start3A_514 = arith.constant 128 : i32
    %dma_start3A_515 = tpu.memref_slice %arg6[%mul3A_51, %dma_start3A_514] : memref<100000x256xf32, #tpu.memory_space<hbm>> -> memref<160x128xf32, #tpu.memory_space<hbm>>
    tpu.enqueue_dma source(%arg18 : memref<160x128xf32, #tpu.memory_space<vmem>>) target(%dma_start3A_515 : memref<160x128xf32, #tpu.memory_space<hbm>>) target_semaphore(%arg30 : memref<!tpu.dma_semaphore, #tpu.memory_space<semaphore_mem>>)
    %dma_wait3A_516 = arith.constant 0 : i32
    %dma_wait3A_517 = tpu.memref_slice %arg6[%mul3A_47, %dma_wait3A_516] : memref<100000x256xf32, #tpu.memory_space<hbm>> -> memref<160x128xf32, #tpu.memory_space<hbm>>
    %dma_wait3A_518 = arith.constant 0 : i32
    %dma_wait3A_519 = tpu.memref_slice %arg6[%mul3A_47, %dma_wait3A_518] : memref<100000x256xf32, #tpu.memory_space<hbm>> -> memref<160x128xf32, #tpu.memory_space<hbm>>
    tpu.wait_dma2 semaphore(%arg26 : memref<!tpu.dma_semaphore, #tpu.memory_space<semaphore_mem>>) src(%arg14 : memref<160x128xf32, #tpu.memory_space<vmem>>) dst(%dma_wait3A_519 : memref<160x128xf32, #tpu.memory_space<hbm>>)
    %dma_wait3A_520 = arith.constant 128 : i32
    %dma_wait3A_521 = tpu.memref_slice %arg6[%mul3A_47, %dma_wait3A_520] : memref<100000x256xf32, #tpu.memory_space<hbm>> -> memref<160x128xf32, #tpu.memory_space<hbm>>
    %dma_wait3A_522 = arith.constant 128 : i32
    %dma_wait3A_523 = tpu.memref_slice %arg6[%mul3A_47, %dma_wait3A_522] : memref<100000x256xf32, #tpu.memory_space<hbm>> -> memref<160x128xf32, #tpu.memory_space<hbm>>
    tpu.wait_dma2 semaphore(%arg29 : memref<!tpu.dma_semaphore, #tpu.memory_space<semaphore_mem>>) src(%arg17 : memref<160x128xf32, #tpu.memory_space<vmem>>) dst(%dma_wait3A_523 : memref<160x128xf32, #tpu.memory_space<hbm>>)
    %dma_wait3A_524 = tpu.memref_slice %arg3[%mul3A_59] : memref<100000xi32, #tpu.memory_space<hbm>> -> memref<160xi32, #tpu.memory_space<hbm>>
    %dma_wait3A_525 = tpu.memref_slice %arg3[%mul3A_59] : memref<100000xi32, #tpu.memory_space<hbm>> -> memref<160xi32, #tpu.memory_space<hbm>>
    tpu.wait_dma2 semaphore(%arg32 : memref<!tpu.dma_semaphore, #tpu.memory_space<semaphore_mem>>) src(%dma_wait3A_525 : memref<160xi32, #tpu.memory_space<hbm>>) dst(%arg11 : memref<160xi32, #tpu.memory_space<vmem>>)
    %dma_wait3A_526 = tpu.memref_slice %arg2[%mul3A_59] : memref<100000xi32, #tpu.memory_space<hbm>> -> memref<160xi32, #tpu.memory_space<hbm>>
    %dma_wait3A_527 = tpu.memref_slice %arg2[%mul3A_59] : memref<100000xi32, #tpu.memory_space<hbm>> -> memref<160xi32, #tpu.memory_space<hbm>>
    tpu.wait_dma2 semaphore(%arg35 : memref<!tpu.dma_semaphore, #tpu.memory_space<semaphore_mem>>) src(%dma_wait3A_527 : memref<160xi32, #tpu.memory_space<hbm>>) dst(%arg8 : memref<160xi32, #tpu.memory_space<vmem>>)
    %dma_start3A_528 = arith.constant 0 : i32
    %dma_start3A_529 = arith.constant 0 : i32
    %dma_start3A_530 = tpu.memref_slice %arg37[%dma_start3A_528, %dma_start3A_529] : memref<500x128xf32, #tpu.memory_space<vmem_shared>> -> memref<500x128xf32, #tpu.memory_space<vmem_shared>>
    tpu.enqueue_indirect_dma source(%dma_start3A_530 : memref<500x128xf32, #tpu.memory_space<vmem_shared>>) target(%arg14 : memref<160x128xf32, #tpu.memory_space<vmem>>) offsets(%arg11 : memref<160xi32, #tpu.memory_space<vmem>>) semaphore(%arg20 : memref<!tpu.dma_semaphore, #tpu.memory_space<semaphore_mem>>)
    %dma_start3A_531 = arith.constant 0 : i32
    %dma_start3A_532 = arith.constant 0 : i32
    %dma_start3A_533 = tpu.memref_slice %arg5[%dma_start3A_531, %dma_start3A_532] : memref<100000x128xf32, #tpu.memory_space<hbm>> -> memref<100000x128xf32, #tpu.memory_space<hbm>>
    tpu.enqueue_indirect_dma source(%dma_start3A_533 : memref<100000x128xf32, #tpu.memory_space<hbm>>) target(%arg17 : memref<160x128xf32, #tpu.memory_space<vmem>>) offsets(%arg8 : memref<160xi32, #tpu.memory_space<vmem>>) semaphore(%arg23 : memref<!tpu.dma_semaphore, #tpu.memory_space<semaphore_mem>>)
    %dma_start3A_534 = tpu.memref_slice %arg3[%mul3A_63] : memref<100000xi32, #tpu.memory_space<hbm>> -> memref<160xi32, #tpu.memory_space<hbm>>
    %dma_start3A_535 = tpu.memref_slice %arg3[%mul3A_63] : memref<100000xi32, #tpu.memory_space<hbm>> -> memref<160xi32, #tpu.memory_space<hbm>>
    tpu.enqueue_dma source(%dma_start3A_535 : memref<160xi32, #tpu.memory_space<hbm>>) target(%arg12 : memref<160xi32, #tpu.memory_space<vmem>>) target_semaphore(%arg33 : memref<!tpu.dma_semaphore, #tpu.memory_space<semaphore_mem>>)
    %dma_start3A_536 = tpu.memref_slice %arg2[%mul3A_63] : memref<100000xi32, #tpu.memory_space<hbm>> -> memref<160xi32, #tpu.memory_space<hbm>>
    %dma_start3A_537 = tpu.memref_slice %arg2[%mul3A_63] : memref<100000xi32, #tpu.memory_space<hbm>> -> memref<160xi32, #tpu.memory_space<hbm>>
    tpu.enqueue_dma source(%dma_start3A_537 : memref<160xi32, #tpu.memory_space<hbm>>) target(%arg9 : memref<160xi32, #tpu.memory_space<vmem>>) target_semaphore(%arg36 : memref<!tpu.dma_semaphore, #tpu.memory_space<semaphore_mem>>)
    %dma_wait3A_538 = arith.constant 0 : i32
    %dma_wait3A_539 = arith.constant 0 : i32
    %dma_wait3A_540 = tpu.memref_slice %arg37[%dma_wait3A_538, %dma_wait3A_539] : memref<500x128xf32, #tpu.memory_space<vmem_shared>> -> memref<500x128xf32, #tpu.memory_space<vmem_shared>>
    tpu.wait_indirect_dma semaphore(%arg19 : memref<!tpu.dma_semaphore, #tpu.memory_space<semaphore_mem>>) src(%dma_wait3A_540 : memref<500x128xf32, #tpu.memory_space<vmem_shared>>) dst(%arg13 : memref<160x128xf32, #tpu.memory_space<vmem>>)
    %dma_wait3A_541 = arith.constant 0 : i32
    %dma_wait3A_542 = arith.constant 0 : i32
    %dma_wait3A_543 = tpu.memref_slice %arg5[%dma_wait3A_541, %dma_wait3A_542] : memref<100000x128xf32, #tpu.memory_space<hbm>> -> memref<100000x128xf32, #tpu.memory_space<hbm>>
    tpu.wait_indirect_dma semaphore(%arg22 : memref<!tpu.dma_semaphore, #tpu.memory_space<semaphore_mem>>) src(%dma_wait3A_543 : memref<100000x128xf32, #tpu.memory_space<hbm>>) dst(%arg16 : memref<160x128xf32, #tpu.memory_space<vmem>>)
    %dma_start3A_544 = arith.constant 0 : i32
    %dma_start3A_545 = tpu.memref_slice %arg6[%mul3A_55, %dma_start3A_544] : memref<100000x256xf32, #tpu.memory_space<hbm>> -> memref<160x128xf32, #tpu.memory_space<hbm>>
    %dma_start3A_546 = arith.constant 0 : i32
    %dma_start3A_547 = tpu.memref_slice %arg6[%mul3A_55, %dma_start3A_546] : memref<100000x256xf32, #tpu.memory_space<hbm>> -> memref<160x128xf32, #tpu.memory_space<hbm>>
    tpu.enqueue_dma source(%arg13 : memref<160x128xf32, #tpu.memory_space<vmem>>) target(%dma_start3A_547 : memref<160x128xf32, #tpu.memory_space<hbm>>) target_semaphore(%arg25 : memref<!tpu.dma_semaphore, #tpu.memory_space<semaphore_mem>>)
    %dma_start3A_548 = arith.constant 128 : i32
    %dma_start3A_549 = tpu.memref_slice %arg6[%mul3A_55, %dma_start3A_548] : memref<100000x256xf32, #tpu.memory_space<hbm>> -> memref<160x128xf32, #tpu.memory_space<hbm>>
    %dma_start3A_550 = arith.constant 128 : i32
    %dma_start3A_551 = tpu.memref_slice %arg6[%mul3A_55, %dma_start3A_550] : memref<100000x256xf32, #tpu.memory_space<hbm>> -> memref<160x128xf32, #tpu.memory_space<hbm>>
    tpu.enqueue_dma source(%arg16 : memref<160x128xf32, #tpu.memory_space<vmem>>) target(%dma_start3A_551 : memref<160x128xf32, #tpu.memory_space<hbm>>) target_semaphore(%arg28 : memref<!tpu.dma_semaphore, #tpu.memory_space<semaphore_mem>>)
    %dma_wait3A_552 = arith.constant 0 : i32
    %dma_wait3A_553 = tpu.memref_slice %arg6[%mul3A_51, %dma_wait3A_552] : memref<100000x256xf32, #tpu.memory_space<hbm>> -> memref<160x128xf32, #tpu.memory_space<hbm>>
    %dma_wait3A_554 = arith.constant 0 : i32
    %dma_wait3A_555 = tpu.memref_slice %arg6[%mul3A_51, %dma_wait3A_554] : memref<100000x256xf32, #tpu.memory_space<hbm>> -> memref<160x128xf32, #tpu.memory_space<hbm>>
    tpu.wait_dma2 semaphore(%arg27 : memref<!tpu.dma_semaphore, #tpu.memory_space<semaphore_mem>>) src(%arg15 : memref<160x128xf32, #tpu.memory_space<vmem>>) dst(%dma_wait3A_555 : memref<160x128xf32, #tpu.memory_space<hbm>>)
    %dma_wait3A_556 = arith.constant 128 : i32
    %dma_wait3A_557 = tpu.memref_slice %arg6[%mul3A_51, %dma_wait3A_556] : memref<100000x256xf32, #tpu.memory_space<hbm>> -> memref<160x128xf32, #tpu.memory_space<hbm>>
    %dma_wait3A_558 = arith.constant 128 : i32
    %dma_wait3A_559 = tpu.memref_slice %arg6[%mul3A_51, %dma_wait3A_558] : memref<100000x256xf32, #tpu.memory_space<hbm>> -> memref<160x128xf32, #tpu.memory_space<hbm>>
    tpu.wait_dma2 semaphore(%arg30 : memref<!tpu.dma_semaphore, #tpu.memory_space<semaphore_mem>>) src(%arg18 : memref<160x128xf32, #tpu.memory_space<vmem>>) dst(%dma_wait3A_559 : memref<160x128xf32, #tpu.memory_space<hbm>>)
    %dma_wait3A_560 = tpu.memref_slice %arg3[%mul3A_63] : memref<100000xi32, #tpu.memory_space<hbm>> -> memref<160xi32, #tpu.memory_space<hbm>>
    %dma_wait3A_561 = tpu.memref_slice %arg3[%mul3A_63] : memref<100000xi32, #tpu.memory_space<hbm>> -> memref<160xi32, #tpu.memory_space<hbm>>
    tpu.wait_dma2 semaphore(%arg33 : memref<!tpu.dma_semaphore, #tpu.memory_space<semaphore_mem>>) src(%dma_wait3A_561 : memref<160xi32, #tpu.memory_space<hbm>>) dst(%arg12 : memref<160xi32, #tpu.memory_space<vmem>>)
    %dma_wait3A_562 = tpu.memref_slice %arg2[%mul3A_63] : memref<100000xi32, #tpu.memory_space<hbm>> -> memref<160xi32, #tpu.memory_space<hbm>>
    %dma_wait3A_563 = tpu.memref_slice %arg2[%mul3A_63] : memref<100000xi32, #tpu.memory_space<hbm>> -> memref<160xi32, #tpu.memory_space<hbm>>
    tpu.wait_dma2 semaphore(%arg36 : memref<!tpu.dma_semaphore, #tpu.memory_space<semaphore_mem>>) src(%dma_wait3A_563 : memref<160xi32, #tpu.memory_space<hbm>>) dst(%arg9 : memref<160xi32, #tpu.memory_space<vmem>>)
    %dma_start3A_564 = arith.constant 0 : i32
    %dma_start3A_565 = arith.constant 0 : i32
    %dma_start3A_566 = tpu.memref_slice %arg37[%dma_start3A_564, %dma_start3A_565] : memref<500x128xf32, #tpu.memory_space<vmem_shared>> -> memref<500x128xf32, #tpu.memory_space<vmem_shared>>
    tpu.enqueue_indirect_dma source(%dma_start3A_566 : memref<500x128xf32, #tpu.memory_space<vmem_shared>>) target(%arg15 : memref<160x128xf32, #tpu.memory_space<vmem>>) offsets(%arg12 : memref<160xi32, #tpu.memory_space<vmem>>) semaphore(%arg21 : memref<!tpu.dma_semaphore, #tpu.memory_space<semaphore_mem>>)
    %dma_start3A_567 = arith.constant 0 : i32
    %dma_start3A_568 = arith.constant 0 : i32
    %dma_start3A_569 = tpu.memref_slice %arg5[%dma_start3A_567, %dma_start3A_568] : memref<100000x128xf32, #tpu.memory_space<hbm>> -> memref<100000x128xf32, #tpu.memory_space<hbm>>
    tpu.enqueue_indirect_dma source(%dma_start3A_569 : memref<100000x128xf32, #tpu.memory_space<hbm>>) target(%arg18 : memref<160x128xf32, #tpu.memory_space<vmem>>) offsets(%arg9 : memref<160xi32, #tpu.memory_space<vmem>>) semaphore(%arg24 : memref<!tpu.dma_semaphore, #tpu.memory_space<semaphore_mem>>)
    %dma_start3A_570 = tpu.memref_slice %arg3[%mul3A_67] : memref<100000xi32, #tpu.memory_space<hbm>> -> memref<160xi32, #tpu.memory_space<hbm>>
    %dma_start3A_571 = tpu.memref_slice %arg3[%mul3A_67] : memref<100000xi32, #tpu.memory_space<hbm>> -> memref<160xi32, #tpu.memory_space<hbm>>
    tpu.enqueue_dma source(%dma_start3A_571 : memref<160xi32, #tpu.memory_space<hbm>>) target(%arg10 : memref<160xi32, #tpu.memory_space<vmem>>) target_semaphore(%arg31 : memref<!tpu.dma_semaphore, #tpu.memory_space<semaphore_mem>>)
    %dma_start3A_572 = tpu.memref_slice %arg2[%mul3A_67] : memref<100000xi32, #tpu.memory_space<hbm>> -> memref<160xi32, #tpu.memory_space<hbm>>
    %dma_start3A_573 = tpu.memref_slice %arg2[%mul3A_67] : memref<100000xi32, #tpu.memory_space<hbm>> -> memref<160xi32, #tpu.memory_space<hbm>>
    tpu.enqueue_dma source(%dma_start3A_573 : memref<160xi32, #tpu.memory_space<hbm>>) target(%arg7 : memref<160xi32, #tpu.memory_space<vmem>>) target_semaphore(%arg34 : memref<!tpu.dma_semaphore, #tpu.memory_space<semaphore_mem>>)
    %dma_wait3A_574 = arith.constant 0 : i32
    %dma_wait3A_575 = arith.constant 0 : i32
    %dma_wait3A_576 = tpu.memref_slice %arg37[%dma_wait3A_574, %dma_wait3A_575] : memref<500x128xf32, #tpu.memory_space<vmem_shared>> -> memref<500x128xf32, #tpu.memory_space<vmem_shared>>
    tpu.wait_indirect_dma semaphore(%arg20 : memref<!tpu.dma_semaphore, #tpu.memory_space<semaphore_mem>>) src(%dma_wait3A_576 : memref<500x128xf32, #tpu.memory_space<vmem_shared>>) dst(%arg14 : memref<160x128xf32, #tpu.memory_space<vmem>>)
    %dma_wait3A_577 = arith.constant 0 : i32
    %dma_wait3A_578 = arith.constant 0 : i32
    %dma_wait3A_579 = tpu.memref_slice %arg5[%dma_wait3A_577, %dma_wait3A_578] : memref<100000x128xf32, #tpu.memory_space<hbm>> -> memref<100000x128xf32, #tpu.memory_space<hbm>>
    tpu.wait_indirect_dma semaphore(%arg23 : memref<!tpu.dma_semaphore, #tpu.memory_space<semaphore_mem>>) src(%dma_wait3A_579 : memref<100000x128xf32, #tpu.memory_space<hbm>>) dst(%arg17 : memref<160x128xf32, #tpu.memory_space<vmem>>)
    %dma_start3A_580 = arith.constant 0 : i32
    %dma_start3A_581 = tpu.memref_slice %arg6[%mul3A_59, %dma_start3A_580] : memref<100000x256xf32, #tpu.memory_space<hbm>> -> memref<160x128xf32, #tpu.memory_space<hbm>>
    %dma_start3A_582 = arith.constant 0 : i32
    %dma_start3A_583 = tpu.memref_slice %arg6[%mul3A_59, %dma_start3A_582] : memref<100000x256xf32, #tpu.memory_space<hbm>> -> memref<160x128xf32, #tpu.memory_space<hbm>>
    tpu.enqueue_dma source(%arg14 : memref<160x128xf32, #tpu.memory_space<vmem>>) target(%dma_start3A_583 : memref<160x128xf32, #tpu.memory_space<hbm>>) target_semaphore(%arg26 : memref<!tpu.dma_semaphore, #tpu.memory_space<semaphore_mem>>)
    %dma_start3A_584 = arith.constant 128 : i32
    %dma_start3A_585 = tpu.memref_slice %arg6[%mul3A_59, %dma_start3A_584] : memref<100000x256xf32, #tpu.memory_space<hbm>> -> memref<160x128xf32, #tpu.memory_space<hbm>>
    %dma_start3A_586 = arith.constant 128 : i32
    %dma_start3A_587 = tpu.memref_slice %arg6[%mul3A_59, %dma_start3A_586] : memref<100000x256xf32, #tpu.memory_space<hbm>> -> memref<160x128xf32, #tpu.memory_space<hbm>>
    tpu.enqueue_dma source(%arg17 : memref<160x128xf32, #tpu.memory_space<vmem>>) target(%dma_start3A_587 : memref<160x128xf32, #tpu.memory_space<hbm>>) target_semaphore(%arg29 : memref<!tpu.dma_semaphore, #tpu.memory_space<semaphore_mem>>)
    %dma_wait3A_588 = arith.constant 0 : i32
    %dma_wait3A_589 = tpu.memref_slice %arg6[%mul3A_55, %dma_wait3A_588] : memref<100000x256xf32, #tpu.memory_space<hbm>> -> memref<160x128xf32, #tpu.memory_space<hbm>>
    %dma_wait3A_590 = arith.constant 0 : i32
    %dma_wait3A_591 = tpu.memref_slice %arg6[%mul3A_55, %dma_wait3A_590] : memref<100000x256xf32, #tpu.memory_space<hbm>> -> memref<160x128xf32, #tpu.memory_space<hbm>>
    tpu.wait_dma2 semaphore(%arg25 : memref<!tpu.dma_semaphore, #tpu.memory_space<semaphore_mem>>) src(%arg13 : memref<160x128xf32, #tpu.memory_space<vmem>>) dst(%dma_wait3A_591 : memref<160x128xf32, #tpu.memory_space<hbm>>)
    %dma_wait3A_592 = arith.constant 128 : i32
    %dma_wait3A_593 = tpu.memref_slice %arg6[%mul3A_55, %dma_wait3A_592] : memref<100000x256xf32, #tpu.memory_space<hbm>> -> memref<160x128xf32, #tpu.memory_space<hbm>>
    %dma_wait3A_594 = arith.constant 128 : i32
    %dma_wait3A_595 = tpu.memref_slice %arg6[%mul3A_55, %dma_wait3A_594] : memref<100000x256xf32, #tpu.memory_space<hbm>> -> memref<160x128xf32, #tpu.memory_space<hbm>>
    tpu.wait_dma2 semaphore(%arg28 : memref<!tpu.dma_semaphore, #tpu.memory_space<semaphore_mem>>) src(%arg16 : memref<160x128xf32, #tpu.memory_space<vmem>>) dst(%dma_wait3A_595 : memref<160x128xf32, #tpu.memory_space<hbm>>)
    %dma_wait3A_596 = tpu.memref_slice %arg3[%mul3A_67] : memref<100000xi32, #tpu.memory_space<hbm>> -> memref<160xi32, #tpu.memory_space<hbm>>
    %dma_wait3A_597 = tpu.memref_slice %arg3[%mul3A_67] : memref<100000xi32, #tpu.memory_space<hbm>> -> memref<160xi32, #tpu.memory_space<hbm>>
    tpu.wait_dma2 semaphore(%arg31 : memref<!tpu.dma_semaphore, #tpu.memory_space<semaphore_mem>>) src(%dma_wait3A_597 : memref<160xi32, #tpu.memory_space<hbm>>) dst(%arg10 : memref<160xi32, #tpu.memory_space<vmem>>)
    %dma_wait3A_598 = tpu.memref_slice %arg2[%mul3A_67] : memref<100000xi32, #tpu.memory_space<hbm>> -> memref<160xi32, #tpu.memory_space<hbm>>
    %dma_wait3A_599 = tpu.memref_slice %arg2[%mul3A_67] : memref<100000xi32, #tpu.memory_space<hbm>> -> memref<160xi32, #tpu.memory_space<hbm>>
    tpu.wait_dma2 semaphore(%arg34 : memref<!tpu.dma_semaphore, #tpu.memory_space<semaphore_mem>>) src(%dma_wait3A_599 : memref<160xi32, #tpu.memory_space<hbm>>) dst(%arg7 : memref<160xi32, #tpu.memory_space<vmem>>)
    %dma_start3A_600 = arith.constant 0 : i32
    %dma_start3A_601 = arith.constant 0 : i32
    %dma_start3A_602 = tpu.memref_slice %arg37[%dma_start3A_600, %dma_start3A_601] : memref<500x128xf32, #tpu.memory_space<vmem_shared>> -> memref<500x128xf32, #tpu.memory_space<vmem_shared>>
    tpu.enqueue_indirect_dma source(%dma_start3A_602 : memref<500x128xf32, #tpu.memory_space<vmem_shared>>) target(%arg13 : memref<160x128xf32, #tpu.memory_space<vmem>>) offsets(%arg10 : memref<160xi32, #tpu.memory_space<vmem>>) semaphore(%arg19 : memref<!tpu.dma_semaphore, #tpu.memory_space<semaphore_mem>>)
    %dma_start3A_603 = arith.constant 0 : i32
    %dma_start3A_604 = arith.constant 0 : i32
    %dma_start3A_605 = tpu.memref_slice %arg5[%dma_start3A_603, %dma_start3A_604] : memref<100000x128xf32, #tpu.memory_space<hbm>> -> memref<100000x128xf32, #tpu.memory_space<hbm>>
    tpu.enqueue_indirect_dma source(%dma_start3A_605 : memref<100000x128xf32, #tpu.memory_space<hbm>>) target(%arg16 : memref<160x128xf32, #tpu.memory_space<vmem>>) offsets(%arg7 : memref<160xi32, #tpu.memory_space<vmem>>) semaphore(%arg22 : memref<!tpu.dma_semaphore, #tpu.memory_space<semaphore_mem>>)
    %dma_start3A_606 = tpu.memref_slice %arg3[%mul3A_71] : memref<100000xi32, #tpu.memory_space<hbm>> -> memref<160xi32, #tpu.memory_space<hbm>>
    %dma_start3A_607 = tpu.memref_slice %arg3[%mul3A_71] : memref<100000xi32, #tpu.memory_space<hbm>> -> memref<160xi32, #tpu.memory_space<hbm>>
    tpu.enqueue_dma source(%dma_start3A_607 : memref<160xi32, #tpu.memory_space<hbm>>) target(%arg11 : memref<160xi32, #tpu.memory_space<vmem>>) target_semaphore(%arg32 : memref<!tpu.dma_semaphore, #tpu.memory_space<semaphore_mem>>)
    %dma_start3A_608 = tpu.memref_slice %arg2[%mul3A_71] : memref<100000xi32, #tpu.memory_space<hbm>> -> memref<160xi32, #tpu.memory_space<hbm>>
    %dma_start3A_609 = tpu.memref_slice %arg2[%mul3A_71] : memref<100000xi32, #tpu.memory_space<hbm>> -> memref<160xi32, #tpu.memory_space<hbm>>
    tpu.enqueue_dma source(%dma_start3A_609 : memref<160xi32, #tpu.memory_space<hbm>>) target(%arg8 : memref<160xi32, #tpu.memory_space<vmem>>) target_semaphore(%arg35 : memref<!tpu.dma_semaphore, #tpu.memory_space<semaphore_mem>>)
    %dma_wait3A_610 = arith.constant 0 : i32
    %dma_wait3A_611 = arith.constant 0 : i32
    %dma_wait3A_612 = tpu.memref_slice %arg37[%dma_wait3A_610, %dma_wait3A_611] : memref<500x128xf32, #tpu.memory_space<vmem_shared>> -> memref<500x128xf32, #tpu.memory_space<vmem_shared>>
    tpu.wait_indirect_dma semaphore(%arg21 : memref<!tpu.dma_semaphore, #tpu.memory_space<semaphore_mem>>) src(%dma_wait3A_612 : memref<500x128xf32, #tpu.memory_space<vmem_shared>>) dst(%arg15 : memref<160x128xf32, #tpu.memory_space<vmem>>)
    %dma_wait3A_613 = arith.constant 0 : i32
    %dma_wait3A_614 = arith.constant 0 : i32
    %dma_wait3A_615 = tpu.memref_slice %arg5[%dma_wait3A_613, %dma_wait3A_614] : memref<100000x128xf32, #tpu.memory_space<hbm>> -> memref<100000x128xf32, #tpu.memory_space<hbm>>
    tpu.wait_indirect_dma semaphore(%arg24 : memref<!tpu.dma_semaphore, #tpu.memory_space<semaphore_mem>>) src(%dma_wait3A_615 : memref<100000x128xf32, #tpu.memory_space<hbm>>) dst(%arg18 : memref<160x128xf32, #tpu.memory_space<vmem>>)
    %dma_start3A_616 = arith.constant 0 : i32
    %dma_start3A_617 = tpu.memref_slice %arg6[%mul3A_63, %dma_start3A_616] : memref<100000x256xf32, #tpu.memory_space<hbm>> -> memref<160x128xf32, #tpu.memory_space<hbm>>
    %dma_start3A_618 = arith.constant 0 : i32
    %dma_start3A_619 = tpu.memref_slice %arg6[%mul3A_63, %dma_start3A_618] : memref<100000x256xf32, #tpu.memory_space<hbm>> -> memref<160x128xf32, #tpu.memory_space<hbm>>
    tpu.enqueue_dma source(%arg15 : memref<160x128xf32, #tpu.memory_space<vmem>>) target(%dma_start3A_619 : memref<160x128xf32, #tpu.memory_space<hbm>>) target_semaphore(%arg27 : memref<!tpu.dma_semaphore, #tpu.memory_space<semaphore_mem>>)
    %dma_start3A_620 = arith.constant 128 : i32
    %dma_start3A_621 = tpu.memref_slice %arg6[%mul3A_63, %dma_start3A_620] : memref<100000x256xf32, #tpu.memory_space<hbm>> -> memref<160x128xf32, #tpu.memory_space<hbm>>
    %dma_start3A_622 = arith.constant 128 : i32
    %dma_start3A_623 = tpu.memref_slice %arg6[%mul3A_63, %dma_start3A_622] : memref<100000x256xf32, #tpu.memory_space<hbm>> -> memref<160x128xf32, #tpu.memory_space<hbm>>
    tpu.enqueue_dma source(%arg18 : memref<160x128xf32, #tpu.memory_space<vmem>>) target(%dma_start3A_623 : memref<160x128xf32, #tpu.memory_space<hbm>>) target_semaphore(%arg30 : memref<!tpu.dma_semaphore, #tpu.memory_space<semaphore_mem>>)
    %dma_wait3A_624 = arith.constant 0 : i32
    %dma_wait3A_625 = tpu.memref_slice %arg6[%mul3A_59, %dma_wait3A_624] : memref<100000x256xf32, #tpu.memory_space<hbm>> -> memref<160x128xf32, #tpu.memory_space<hbm>>
    %dma_wait3A_626 = arith.constant 0 : i32
    %dma_wait3A_627 = tpu.memref_slice %arg6[%mul3A_59, %dma_wait3A_626] : memref<100000x256xf32, #tpu.memory_space<hbm>> -> memref<160x128xf32, #tpu.memory_space<hbm>>
    tpu.wait_dma2 semaphore(%arg26 : memref<!tpu.dma_semaphore, #tpu.memory_space<semaphore_mem>>) src(%arg14 : memref<160x128xf32, #tpu.memory_space<vmem>>) dst(%dma_wait3A_627 : memref<160x128xf32, #tpu.memory_space<hbm>>)
    %dma_wait3A_628 = arith.constant 128 : i32
    %dma_wait3A_629 = tpu.memref_slice %arg6[%mul3A_59, %dma_wait3A_628] : memref<100000x256xf32, #tpu.memory_space<hbm>> -> memref<160x128xf32, #tpu.memory_space<hbm>>
    %dma_wait3A_630 = arith.constant 128 : i32
    %dma_wait3A_631 = tpu.memref_slice %arg6[%mul3A_59, %dma_wait3A_630] : memref<100000x256xf32, #tpu.memory_space<hbm>> -> memref<160x128xf32, #tpu.memory_space<hbm>>
    tpu.wait_dma2 semaphore(%arg29 : memref<!tpu.dma_semaphore, #tpu.memory_space<semaphore_mem>>) src(%arg17 : memref<160x128xf32, #tpu.memory_space<vmem>>) dst(%dma_wait3A_631 : memref<160x128xf32, #tpu.memory_space<hbm>>)
    %dma_wait3A_632 = tpu.memref_slice %arg3[%mul3A_71] : memref<100000xi32, #tpu.memory_space<hbm>> -> memref<160xi32, #tpu.memory_space<hbm>>
    %dma_wait3A_633 = tpu.memref_slice %arg3[%mul3A_71] : memref<100000xi32, #tpu.memory_space<hbm>> -> memref<160xi32, #tpu.memory_space<hbm>>
    tpu.wait_dma2 semaphore(%arg32 : memref<!tpu.dma_semaphore, #tpu.memory_space<semaphore_mem>>) src(%dma_wait3A_633 : memref<160xi32, #tpu.memory_space<hbm>>) dst(%arg11 : memref<160xi32, #tpu.memory_space<vmem>>)
    %dma_wait3A_634 = tpu.memref_slice %arg2[%mul3A_71] : memref<100000xi32, #tpu.memory_space<hbm>> -> memref<160xi32, #tpu.memory_space<hbm>>
    %dma_wait3A_635 = tpu.memref_slice %arg2[%mul3A_71] : memref<100000xi32, #tpu.memory_space<hbm>> -> memref<160xi32, #tpu.memory_space<hbm>>
    tpu.wait_dma2 semaphore(%arg35 : memref<!tpu.dma_semaphore, #tpu.memory_space<semaphore_mem>>) src(%dma_wait3A_635 : memref<160xi32, #tpu.memory_space<hbm>>) dst(%arg8 : memref<160xi32, #tpu.memory_space<vmem>>)
    %dma_start3A_636 = arith.constant 0 : i32
    %dma_start3A_637 = arith.constant 0 : i32
    %dma_start3A_638 = tpu.memref_slice %arg37[%dma_start3A_636, %dma_start3A_637] : memref<500x128xf32, #tpu.memory_space<vmem_shared>> -> memref<500x128xf32, #tpu.memory_space<vmem_shared>>
    tpu.enqueue_indirect_dma source(%dma_start3A_638 : memref<500x128xf32, #tpu.memory_space<vmem_shared>>) target(%arg14 : memref<160x128xf32, #tpu.memory_space<vmem>>) offsets(%arg11 : memref<160xi32, #tpu.memory_space<vmem>>) semaphore(%arg20 : memref<!tpu.dma_semaphore, #tpu.memory_space<semaphore_mem>>)
    %dma_start3A_639 = arith.constant 0 : i32
    %dma_start3A_640 = arith.constant 0 : i32
    %dma_start3A_641 = tpu.memref_slice %arg5[%dma_start3A_639, %dma_start3A_640] : memref<100000x128xf32, #tpu.memory_space<hbm>> -> memref<100000x128xf32, #tpu.memory_space<hbm>>
    tpu.enqueue_indirect_dma source(%dma_start3A_641 : memref<100000x128xf32, #tpu.memory_space<hbm>>) target(%arg17 : memref<160x128xf32, #tpu.memory_space<vmem>>) offsets(%arg8 : memref<160xi32, #tpu.memory_space<vmem>>) semaphore(%arg23 : memref<!tpu.dma_semaphore, #tpu.memory_space<semaphore_mem>>)
    %dma_start3A_642 = tpu.memref_slice %arg3[%mul3A_75] : memref<100000xi32, #tpu.memory_space<hbm>> -> memref<160xi32, #tpu.memory_space<hbm>>
    %dma_start3A_643 = tpu.memref_slice %arg3[%mul3A_75] : memref<100000xi32, #tpu.memory_space<hbm>> -> memref<160xi32, #tpu.memory_space<hbm>>
    tpu.enqueue_dma source(%dma_start3A_643 : memref<160xi32, #tpu.memory_space<hbm>>) target(%arg12 : memref<160xi32, #tpu.memory_space<vmem>>) target_semaphore(%arg33 : memref<!tpu.dma_semaphore, #tpu.memory_space<semaphore_mem>>)
    %dma_start3A_644 = tpu.memref_slice %arg2[%mul3A_75] : memref<100000xi32, #tpu.memory_space<hbm>> -> memref<160xi32, #tpu.memory_space<hbm>>
    %dma_start3A_645 = tpu.memref_slice %arg2[%mul3A_75] : memref<100000xi32, #tpu.memory_space<hbm>> -> memref<160xi32, #tpu.memory_space<hbm>>
    tpu.enqueue_dma source(%dma_start3A_645 : memref<160xi32, #tpu.memory_space<hbm>>) target(%arg9 : memref<160xi32, #tpu.memory_space<vmem>>) target_semaphore(%arg36 : memref<!tpu.dma_semaphore, #tpu.memory_space<semaphore_mem>>)
    %dma_wait3A_646 = arith.constant 0 : i32
    %dma_wait3A_647 = arith.constant 0 : i32
    %dma_wait3A_648 = tpu.memref_slice %arg37[%dma_wait3A_646, %dma_wait3A_647] : memref<500x128xf32, #tpu.memory_space<vmem_shared>> -> memref<500x128xf32, #tpu.memory_space<vmem_shared>>
    tpu.wait_indirect_dma semaphore(%arg19 : memref<!tpu.dma_semaphore, #tpu.memory_space<semaphore_mem>>) src(%dma_wait3A_648 : memref<500x128xf32, #tpu.memory_space<vmem_shared>>) dst(%arg13 : memref<160x128xf32, #tpu.memory_space<vmem>>)
    %dma_wait3A_649 = arith.constant 0 : i32
    %dma_wait3A_650 = arith.constant 0 : i32
    %dma_wait3A_651 = tpu.memref_slice %arg5[%dma_wait3A_649, %dma_wait3A_650] : memref<100000x128xf32, #tpu.memory_space<hbm>> -> memref<100000x128xf32, #tpu.memory_space<hbm>>
    tpu.wait_indirect_dma semaphore(%arg22 : memref<!tpu.dma_semaphore, #tpu.memory_space<semaphore_mem>>) src(%dma_wait3A_651 : memref<100000x128xf32, #tpu.memory_space<hbm>>) dst(%arg16 : memref<160x128xf32, #tpu.memory_space<vmem>>)
    %dma_start3A_652 = arith.constant 0 : i32
    %dma_start3A_653 = tpu.memref_slice %arg6[%mul3A_67, %dma_start3A_652] : memref<100000x256xf32, #tpu.memory_space<hbm>> -> memref<160x128xf32, #tpu.memory_space<hbm>>
    %dma_start3A_654 = arith.constant 0 : i32
    %dma_start3A_655 = tpu.memref_slice %arg6[%mul3A_67, %dma_start3A_654] : memref<100000x256xf32, #tpu.memory_space<hbm>> -> memref<160x128xf32, #tpu.memory_space<hbm>>
    tpu.enqueue_dma source(%arg13 : memref<160x128xf32, #tpu.memory_space<vmem>>) target(%dma_start3A_655 : memref<160x128xf32, #tpu.memory_space<hbm>>) target_semaphore(%arg25 : memref<!tpu.dma_semaphore, #tpu.memory_space<semaphore_mem>>)
    %dma_start3A_656 = arith.constant 128 : i32
    %dma_start3A_657 = tpu.memref_slice %arg6[%mul3A_67, %dma_start3A_656] : memref<100000x256xf32, #tpu.memory_space<hbm>> -> memref<160x128xf32, #tpu.memory_space<hbm>>
    %dma_start3A_658 = arith.constant 128 : i32
    %dma_start3A_659 = tpu.memref_slice %arg6[%mul3A_67, %dma_start3A_658] : memref<100000x256xf32, #tpu.memory_space<hbm>> -> memref<160x128xf32, #tpu.memory_space<hbm>>
    tpu.enqueue_dma source(%arg16 : memref<160x128xf32, #tpu.memory_space<vmem>>) target(%dma_start3A_659 : memref<160x128xf32, #tpu.memory_space<hbm>>) target_semaphore(%arg28 : memref<!tpu.dma_semaphore, #tpu.memory_space<semaphore_mem>>)
    %dma_wait3A_660 = arith.constant 0 : i32
    %dma_wait3A_661 = tpu.memref_slice %arg6[%mul3A_63, %dma_wait3A_660] : memref<100000x256xf32, #tpu.memory_space<hbm>> -> memref<160x128xf32, #tpu.memory_space<hbm>>
    %dma_wait3A_662 = arith.constant 0 : i32
    %dma_wait3A_663 = tpu.memref_slice %arg6[%mul3A_63, %dma_wait3A_662] : memref<100000x256xf32, #tpu.memory_space<hbm>> -> memref<160x128xf32, #tpu.memory_space<hbm>>
    tpu.wait_dma2 semaphore(%arg27 : memref<!tpu.dma_semaphore, #tpu.memory_space<semaphore_mem>>) src(%arg15 : memref<160x128xf32, #tpu.memory_space<vmem>>) dst(%dma_wait3A_663 : memref<160x128xf32, #tpu.memory_space<hbm>>)
    %dma_wait3A_664 = arith.constant 128 : i32
    %dma_wait3A_665 = tpu.memref_slice %arg6[%mul3A_63, %dma_wait3A_664] : memref<100000x256xf32, #tpu.memory_space<hbm>> -> memref<160x128xf32, #tpu.memory_space<hbm>>
    %dma_wait3A_666 = arith.constant 128 : i32
    %dma_wait3A_667 = tpu.memref_slice %arg6[%mul3A_63, %dma_wait3A_666] : memref<100000x256xf32, #tpu.memory_space<hbm>> -> memref<160x128xf32, #tpu.memory_space<hbm>>
    tpu.wait_dma2 semaphore(%arg30 : memref<!tpu.dma_semaphore, #tpu.memory_space<semaphore_mem>>) src(%arg18 : memref<160x128xf32, #tpu.memory_space<vmem>>) dst(%dma_wait3A_667 : memref<160x128xf32, #tpu.memory_space<hbm>>)
    %dma_wait3A_668 = tpu.memref_slice %arg3[%mul3A_75] : memref<100000xi32, #tpu.memory_space<hbm>> -> memref<160xi32, #tpu.memory_space<hbm>>
    %dma_wait3A_669 = tpu.memref_slice %arg3[%mul3A_75] : memref<100000xi32, #tpu.memory_space<hbm>> -> memref<160xi32, #tpu.memory_space<hbm>>
    tpu.wait_dma2 semaphore(%arg33 : memref<!tpu.dma_semaphore, #tpu.memory_space<semaphore_mem>>) src(%dma_wait3A_669 : memref<160xi32, #tpu.memory_space<hbm>>) dst(%arg12 : memref<160xi32, #tpu.memory_space<vmem>>)
    %dma_wait3A_670 = tpu.memref_slice %arg2[%mul3A_75] : memref<100000xi32, #tpu.memory_space<hbm>> -> memref<160xi32, #tpu.memory_space<hbm>>
    %dma_wait3A_671 = tpu.memref_slice %arg2[%mul3A_75] : memref<100000xi32, #tpu.memory_space<hbm>> -> memref<160xi32, #tpu.memory_space<hbm>>
    tpu.wait_dma2 semaphore(%arg36 : memref<!tpu.dma_semaphore, #tpu.memory_space<semaphore_mem>>) src(%dma_wait3A_671 : memref<160xi32, #tpu.memory_space<hbm>>) dst(%arg9 : memref<160xi32, #tpu.memory_space<vmem>>)
    %dma_start3A_672 = arith.constant 0 : i32
    %dma_start3A_673 = arith.constant 0 : i32
    %dma_start3A_674 = tpu.memref_slice %arg37[%dma_start3A_672, %dma_start3A_673] : memref<500x128xf32, #tpu.memory_space<vmem_shared>> -> memref<500x128xf32, #tpu.memory_space<vmem_shared>>
    tpu.enqueue_indirect_dma source(%dma_start3A_674 : memref<500x128xf32, #tpu.memory_space<vmem_shared>>) target(%arg15 : memref<160x128xf32, #tpu.memory_space<vmem>>) offsets(%arg12 : memref<160xi32, #tpu.memory_space<vmem>>) semaphore(%arg21 : memref<!tpu.dma_semaphore, #tpu.memory_space<semaphore_mem>>)
    %dma_start3A_675 = arith.constant 0 : i32
    %dma_start3A_676 = arith.constant 0 : i32
    %dma_start3A_677 = tpu.memref_slice %arg5[%dma_start3A_675, %dma_start3A_676] : memref<100000x128xf32, #tpu.memory_space<hbm>> -> memref<100000x128xf32, #tpu.memory_space<hbm>>
    tpu.enqueue_indirect_dma source(%dma_start3A_677 : memref<100000x128xf32, #tpu.memory_space<hbm>>) target(%arg18 : memref<160x128xf32, #tpu.memory_space<vmem>>) offsets(%arg9 : memref<160xi32, #tpu.memory_space<vmem>>) semaphore(%arg24 : memref<!tpu.dma_semaphore, #tpu.memory_space<semaphore_mem>>)
    %dma_start3A_678 = tpu.memref_slice %arg3[%mul3A_79] : memref<100000xi32, #tpu.memory_space<hbm>> -> memref<160xi32, #tpu.memory_space<hbm>>
    %dma_start3A_679 = tpu.memref_slice %arg3[%mul3A_79] : memref<100000xi32, #tpu.memory_space<hbm>> -> memref<160xi32, #tpu.memory_space<hbm>>
    tpu.enqueue_dma source(%dma_start3A_679 : memref<160xi32, #tpu.memory_space<hbm>>) target(%arg10 : memref<160xi32, #tpu.memory_space<vmem>>) target_semaphore(%arg31 : memref<!tpu.dma_semaphore, #tpu.memory_space<semaphore_mem>>)
    %dma_start3A_680 = tpu.memref_slice %arg2[%mul3A_79] : memref<100000xi32, #tpu.memory_space<hbm>> -> memref<160xi32, #tpu.memory_space<hbm>>
    %dma_start3A_681 = tpu.memref_slice %arg2[%mul3A_79] : memref<100000xi32, #tpu.memory_space<hbm>> -> memref<160xi32, #tpu.memory_space<hbm>>
    tpu.enqueue_dma source(%dma_start3A_681 : memref<160xi32, #tpu.memory_space<hbm>>) target(%arg7 : memref<160xi32, #tpu.memory_space<vmem>>) target_semaphore(%arg34 : memref<!tpu.dma_semaphore, #tpu.memory_space<semaphore_mem>>)
    %dma_wait3A_682 = arith.constant 0 : i32
    %dma_wait3A_683 = arith.constant 0 : i32
    %dma_wait3A_684 = tpu.memref_slice %arg37[%dma_wait3A_682, %dma_wait3A_683] : memref<500x128xf32, #tpu.memory_space<vmem_shared>> -> memref<500x128xf32, #tpu.memory_space<vmem_shared>>
    tpu.wait_indirect_dma semaphore(%arg20 : memref<!tpu.dma_semaphore, #tpu.memory_space<semaphore_mem>>) src(%dma_wait3A_684 : memref<500x128xf32, #tpu.memory_space<vmem_shared>>) dst(%arg14 : memref<160x128xf32, #tpu.memory_space<vmem>>)
    %dma_wait3A_685 = arith.constant 0 : i32
    %dma_wait3A_686 = arith.constant 0 : i32
    %dma_wait3A_687 = tpu.memref_slice %arg5[%dma_wait3A_685, %dma_wait3A_686] : memref<100000x128xf32, #tpu.memory_space<hbm>> -> memref<100000x128xf32, #tpu.memory_space<hbm>>
    tpu.wait_indirect_dma semaphore(%arg23 : memref<!tpu.dma_semaphore, #tpu.memory_space<semaphore_mem>>) src(%dma_wait3A_687 : memref<100000x128xf32, #tpu.memory_space<hbm>>) dst(%arg17 : memref<160x128xf32, #tpu.memory_space<vmem>>)
    %dma_start3A_688 = arith.constant 0 : i32
    %dma_start3A_689 = tpu.memref_slice %arg6[%mul3A_71, %dma_start3A_688] : memref<100000x256xf32, #tpu.memory_space<hbm>> -> memref<160x128xf32, #tpu.memory_space<hbm>>
    %dma_start3A_690 = arith.constant 0 : i32
    %dma_start3A_691 = tpu.memref_slice %arg6[%mul3A_71, %dma_start3A_690] : memref<100000x256xf32, #tpu.memory_space<hbm>> -> memref<160x128xf32, #tpu.memory_space<hbm>>
    tpu.enqueue_dma source(%arg14 : memref<160x128xf32, #tpu.memory_space<vmem>>) target(%dma_start3A_691 : memref<160x128xf32, #tpu.memory_space<hbm>>) target_semaphore(%arg26 : memref<!tpu.dma_semaphore, #tpu.memory_space<semaphore_mem>>)
    %dma_start3A_692 = arith.constant 128 : i32
    %dma_start3A_693 = tpu.memref_slice %arg6[%mul3A_71, %dma_start3A_692] : memref<100000x256xf32, #tpu.memory_space<hbm>> -> memref<160x128xf32, #tpu.memory_space<hbm>>
    %dma_start3A_694 = arith.constant 128 : i32
    %dma_start3A_695 = tpu.memref_slice %arg6[%mul3A_71, %dma_start3A_694] : memref<100000x256xf32, #tpu.memory_space<hbm>> -> memref<160x128xf32, #tpu.memory_space<hbm>>
    tpu.enqueue_dma source(%arg17 : memref<160x128xf32, #tpu.memory_space<vmem>>) target(%dma_start3A_695 : memref<160x128xf32, #tpu.memory_space<hbm>>) target_semaphore(%arg29 : memref<!tpu.dma_semaphore, #tpu.memory_space<semaphore_mem>>)
    %dma_wait3A_696 = arith.constant 0 : i32
    %dma_wait3A_697 = tpu.memref_slice %arg6[%mul3A_67, %dma_wait3A_696] : memref<100000x256xf32, #tpu.memory_space<hbm>> -> memref<160x128xf32, #tpu.memory_space<hbm>>
    %dma_wait3A_698 = arith.constant 0 : i32
    %dma_wait3A_699 = tpu.memref_slice %arg6[%mul3A_67, %dma_wait3A_698] : memref<100000x256xf32, #tpu.memory_space<hbm>> -> memref<160x128xf32, #tpu.memory_space<hbm>>
    tpu.wait_dma2 semaphore(%arg25 : memref<!tpu.dma_semaphore, #tpu.memory_space<semaphore_mem>>) src(%arg13 : memref<160x128xf32, #tpu.memory_space<vmem>>) dst(%dma_wait3A_699 : memref<160x128xf32, #tpu.memory_space<hbm>>)
    %dma_wait3A_700 = arith.constant 128 : i32
    %dma_wait3A_701 = tpu.memref_slice %arg6[%mul3A_67, %dma_wait3A_700] : memref<100000x256xf32, #tpu.memory_space<hbm>> -> memref<160x128xf32, #tpu.memory_space<hbm>>
    %dma_wait3A_702 = arith.constant 128 : i32
    %dma_wait3A_703 = tpu.memref_slice %arg6[%mul3A_67, %dma_wait3A_702] : memref<100000x256xf32, #tpu.memory_space<hbm>> -> memref<160x128xf32, #tpu.memory_space<hbm>>
    tpu.wait_dma2 semaphore(%arg28 : memref<!tpu.dma_semaphore, #tpu.memory_space<semaphore_mem>>) src(%arg16 : memref<160x128xf32, #tpu.memory_space<vmem>>) dst(%dma_wait3A_703 : memref<160x128xf32, #tpu.memory_space<hbm>>)
    %dma_wait3A_704 = tpu.memref_slice %arg3[%mul3A_79] : memref<100000xi32, #tpu.memory_space<hbm>> -> memref<160xi32, #tpu.memory_space<hbm>>
    %dma_wait3A_705 = tpu.memref_slice %arg3[%mul3A_79] : memref<100000xi32, #tpu.memory_space<hbm>> -> memref<160xi32, #tpu.memory_space<hbm>>
    tpu.wait_dma2 semaphore(%arg31 : memref<!tpu.dma_semaphore, #tpu.memory_space<semaphore_mem>>) src(%dma_wait3A_705 : memref<160xi32, #tpu.memory_space<hbm>>) dst(%arg10 : memref<160xi32, #tpu.memory_space<vmem>>)
    %dma_wait3A_706 = tpu.memref_slice %arg2[%mul3A_79] : memref<100000xi32, #tpu.memory_space<hbm>> -> memref<160xi32, #tpu.memory_space<hbm>>
    %dma_wait3A_707 = tpu.memref_slice %arg2[%mul3A_79] : memref<100000xi32, #tpu.memory_space<hbm>> -> memref<160xi32, #tpu.memory_space<hbm>>
    tpu.wait_dma2 semaphore(%arg34 : memref<!tpu.dma_semaphore, #tpu.memory_space<semaphore_mem>>) src(%dma_wait3A_707 : memref<160xi32, #tpu.memory_space<hbm>>) dst(%arg7 : memref<160xi32, #tpu.memory_space<vmem>>)
    %dma_start3A_708 = arith.constant 0 : i32
    %dma_start3A_709 = arith.constant 0 : i32
    %dma_start3A_710 = tpu.memref_slice %arg37[%dma_start3A_708, %dma_start3A_709] : memref<500x128xf32, #tpu.memory_space<vmem_shared>> -> memref<500x128xf32, #tpu.memory_space<vmem_shared>>
    tpu.enqueue_indirect_dma source(%dma_start3A_710 : memref<500x128xf32, #tpu.memory_space<vmem_shared>>) target(%arg13 : memref<160x128xf32, #tpu.memory_space<vmem>>) offsets(%arg10 : memref<160xi32, #tpu.memory_space<vmem>>) semaphore(%arg19 : memref<!tpu.dma_semaphore, #tpu.memory_space<semaphore_mem>>)
    %dma_start3A_711 = arith.constant 0 : i32
    %dma_start3A_712 = arith.constant 0 : i32
    %dma_start3A_713 = tpu.memref_slice %arg5[%dma_start3A_711, %dma_start3A_712] : memref<100000x128xf32, #tpu.memory_space<hbm>> -> memref<100000x128xf32, #tpu.memory_space<hbm>>
    tpu.enqueue_indirect_dma source(%dma_start3A_713 : memref<100000x128xf32, #tpu.memory_space<hbm>>) target(%arg16 : memref<160x128xf32, #tpu.memory_space<vmem>>) offsets(%arg7 : memref<160xi32, #tpu.memory_space<vmem>>) semaphore(%arg22 : memref<!tpu.dma_semaphore, #tpu.memory_space<semaphore_mem>>)
    %convert_element_type3A_714 = arith.extui %lt3A_1 : i1 to i32
    %cond3A_715 = arith.constant 0 : i32
    %cond3A_716 = arith.cmpi ne, %convert_element_type3A_714, %cond3A_715 : i32
    scf.if %cond3A_716 {
      %dma_start3A_775 = tpu.memref_slice %arg3[%mul3A_83] : memref<100000xi32, #tpu.memory_space<hbm>> -> memref<160xi32, #tpu.memory_space<hbm>>
      %dma_start3A_776 = tpu.memref_slice %arg3[%mul3A_83] : memref<100000xi32, #tpu.memory_space<hbm>> -> memref<160xi32, #tpu.memory_space<hbm>>
      tpu.enqueue_dma source(%dma_start3A_776 : memref<160xi32, #tpu.memory_space<hbm>>) target(%arg11 : memref<160xi32, #tpu.memory_space<vmem>>) target_semaphore(%arg32 : memref<!tpu.dma_semaphore, #tpu.memory_space<semaphore_mem>>)
      %dma_start3A_777 = tpu.memref_slice %arg2[%mul3A_83] : memref<100000xi32, #tpu.memory_space<hbm>> -> memref<160xi32, #tpu.memory_space<hbm>>
      %dma_start3A_778 = tpu.memref_slice %arg2[%mul3A_83] : memref<100000xi32, #tpu.memory_space<hbm>> -> memref<160xi32, #tpu.memory_space<hbm>>
      tpu.enqueue_dma source(%dma_start3A_778 : memref<160xi32, #tpu.memory_space<hbm>>) target(%arg8 : memref<160xi32, #tpu.memory_space<vmem>>) target_semaphore(%arg35 : memref<!tpu.dma_semaphore, #tpu.memory_space<semaphore_mem>>)
    } else {
    }
    %dma_wait3A_717 = arith.constant 0 : i32
    %dma_wait3A_718 = arith.constant 0 : i32
    %dma_wait3A_719 = tpu.memref_slice %arg37[%dma_wait3A_717, %dma_wait3A_718] : memref<500x128xf32, #tpu.memory_space<vmem_shared>> -> memref<500x128xf32, #tpu.memory_space<vmem_shared>>
    tpu.wait_indirect_dma semaphore(%arg21 : memref<!tpu.dma_semaphore, #tpu.memory_space<semaphore_mem>>) src(%dma_wait3A_719 : memref<500x128xf32, #tpu.memory_space<vmem_shared>>) dst(%arg15 : memref<160x128xf32, #tpu.memory_space<vmem>>)
    %dma_wait3A_720 = arith.constant 0 : i32
    %dma_wait3A_721 = arith.constant 0 : i32
    %dma_wait3A_722 = tpu.memref_slice %arg5[%dma_wait3A_720, %dma_wait3A_721] : memref<100000x128xf32, #tpu.memory_space<hbm>> -> memref<100000x128xf32, #tpu.memory_space<hbm>>
    tpu.wait_indirect_dma semaphore(%arg24 : memref<!tpu.dma_semaphore, #tpu.memory_space<semaphore_mem>>) src(%dma_wait3A_722 : memref<100000x128xf32, #tpu.memory_space<hbm>>) dst(%arg18 : memref<160x128xf32, #tpu.memory_space<vmem>>)
    %dma_start3A_723 = arith.constant 0 : i32
    %dma_start3A_724 = tpu.memref_slice %arg6[%mul3A_75, %dma_start3A_723] : memref<100000x256xf32, #tpu.memory_space<hbm>> -> memref<160x128xf32, #tpu.memory_space<hbm>>
    %dma_start3A_725 = arith.constant 0 : i32
    %dma_start3A_726 = tpu.memref_slice %arg6[%mul3A_75, %dma_start3A_725] : memref<100000x256xf32, #tpu.memory_space<hbm>> -> memref<160x128xf32, #tpu.memory_space<hbm>>
    tpu.enqueue_dma source(%arg15 : memref<160x128xf32, #tpu.memory_space<vmem>>) target(%dma_start3A_726 : memref<160x128xf32, #tpu.memory_space<hbm>>) target_semaphore(%arg27 : memref<!tpu.dma_semaphore, #tpu.memory_space<semaphore_mem>>)
    %dma_start3A_727 = arith.constant 128 : i32
    %dma_start3A_728 = tpu.memref_slice %arg6[%mul3A_75, %dma_start3A_727] : memref<100000x256xf32, #tpu.memory_space<hbm>> -> memref<160x128xf32, #tpu.memory_space<hbm>>
    %dma_start3A_729 = arith.constant 128 : i32
    %dma_start3A_730 = tpu.memref_slice %arg6[%mul3A_75, %dma_start3A_729] : memref<100000x256xf32, #tpu.memory_space<hbm>> -> memref<160x128xf32, #tpu.memory_space<hbm>>
    tpu.enqueue_dma source(%arg18 : memref<160x128xf32, #tpu.memory_space<vmem>>) target(%dma_start3A_730 : memref<160x128xf32, #tpu.memory_space<hbm>>) target_semaphore(%arg30 : memref<!tpu.dma_semaphore, #tpu.memory_space<semaphore_mem>>)
    %convert_element_type3A_731 = arith.extui %lt3A_1 : i1 to i32
    %cond3A_732 = arith.constant 0 : i32
    %cond3A_733 = arith.cmpi ne, %convert_element_type3A_731, %cond3A_732 : i32
    scf.if %cond3A_733 {
      %dma_wait3A_775 = arith.constant 0 : i32
      %dma_wait3A_776 = tpu.memref_slice %arg6[%mul3A_71, %dma_wait3A_775] : memref<100000x256xf32, #tpu.memory_space<hbm>> -> memref<160x128xf32, #tpu.memory_space<hbm>>
      %dma_wait3A_777 = arith.constant 0 : i32
      %dma_wait3A_778 = tpu.memref_slice %arg6[%mul3A_71, %dma_wait3A_777] : memref<100000x256xf32, #tpu.memory_space<hbm>> -> memref<160x128xf32, #tpu.memory_space<hbm>>
      tpu.wait_dma2 semaphore(%arg26 : memref<!tpu.dma_semaphore, #tpu.memory_space<semaphore_mem>>) src(%arg14 : memref<160x128xf32, #tpu.memory_space<vmem>>) dst(%dma_wait3A_778 : memref<160x128xf32, #tpu.memory_space<hbm>>)
      %dma_wait3A_779 = arith.constant 128 : i32
      %dma_wait3A_780 = tpu.memref_slice %arg6[%mul3A_71, %dma_wait3A_779] : memref<100000x256xf32, #tpu.memory_space<hbm>> -> memref<160x128xf32, #tpu.memory_space<hbm>>
      %dma_wait3A_781 = arith.constant 128 : i32
      %dma_wait3A_782 = tpu.memref_slice %arg6[%mul3A_71, %dma_wait3A_781] : memref<100000x256xf32, #tpu.memory_space<hbm>> -> memref<160x128xf32, #tpu.memory_space<hbm>>
      tpu.wait_dma2 semaphore(%arg29 : memref<!tpu.dma_semaphore, #tpu.memory_space<semaphore_mem>>) src(%arg17 : memref<160x128xf32, #tpu.memory_space<vmem>>) dst(%dma_wait3A_782 : memref<160x128xf32, #tpu.memory_space<hbm>>)
      %dma_wait3A_783 = tpu.memref_slice %arg3[%mul3A_83] : memref<100000xi32, #tpu.memory_space<hbm>> -> memref<160xi32, #tpu.memory_space<hbm>>
      %dma_wait3A_784 = tpu.memref_slice %arg3[%mul3A_83] : memref<100000xi32, #tpu.memory_space<hbm>> -> memref<160xi32, #tpu.memory_space<hbm>>
      tpu.wait_dma2 semaphore(%arg32 : memref<!tpu.dma_semaphore, #tpu.memory_space<semaphore_mem>>) src(%dma_wait3A_784 : memref<160xi32, #tpu.memory_space<hbm>>) dst(%arg11 : memref<160xi32, #tpu.memory_space<vmem>>)
      %dma_wait3A_785 = tpu.memref_slice %arg2[%mul3A_83] : memref<100000xi32, #tpu.memory_space<hbm>> -> memref<160xi32, #tpu.memory_space<hbm>>
      %dma_wait3A_786 = tpu.memref_slice %arg2[%mul3A_83] : memref<100000xi32, #tpu.memory_space<hbm>> -> memref<160xi32, #tpu.memory_space<hbm>>
      tpu.wait_dma2 semaphore(%arg35 : memref<!tpu.dma_semaphore, #tpu.memory_space<semaphore_mem>>) src(%dma_wait3A_786 : memref<160xi32, #tpu.memory_space<hbm>>) dst(%arg8 : memref<160xi32, #tpu.memory_space<vmem>>)
      %dma_start3A_787 = arith.constant 0 : i32
      %dma_start3A_788 = arith.constant 0 : i32
      %dma_start3A_789 = tpu.memref_slice %arg37[%dma_start3A_787, %dma_start3A_788] : memref<500x128xf32, #tpu.memory_space<vmem_shared>> -> memref<500x128xf32, #tpu.memory_space<vmem_shared>>
      tpu.enqueue_indirect_dma source(%dma_start3A_789 : memref<500x128xf32, #tpu.memory_space<vmem_shared>>) target(%arg14 : memref<160x128xf32, #tpu.memory_space<vmem>>) offsets(%arg11 : memref<160xi32, #tpu.memory_space<vmem>>) semaphore(%arg20 : memref<!tpu.dma_semaphore, #tpu.memory_space<semaphore_mem>>)
      %dma_start3A_790 = arith.constant 0 : i32
      %dma_start3A_791 = arith.constant 0 : i32
      %dma_start3A_792 = tpu.memref_slice %arg5[%dma_start3A_790, %dma_start3A_791] : memref<100000x128xf32, #tpu.memory_space<hbm>> -> memref<100000x128xf32, #tpu.memory_space<hbm>>
      tpu.enqueue_indirect_dma source(%dma_start3A_792 : memref<100000x128xf32, #tpu.memory_space<hbm>>) target(%arg17 : memref<160x128xf32, #tpu.memory_space<vmem>>) offsets(%arg8 : memref<160xi32, #tpu.memory_space<vmem>>) semaphore(%arg23 : memref<!tpu.dma_semaphore, #tpu.memory_space<semaphore_mem>>)
    } else {
    }
    %dma_wait3A_734 = arith.constant 0 : i32
    %dma_wait3A_735 = arith.constant 0 : i32
    %dma_wait3A_736 = tpu.memref_slice %arg37[%dma_wait3A_734, %dma_wait3A_735] : memref<500x128xf32, #tpu.memory_space<vmem_shared>> -> memref<500x128xf32, #tpu.memory_space<vmem_shared>>
    tpu.wait_indirect_dma semaphore(%arg19 : memref<!tpu.dma_semaphore, #tpu.memory_space<semaphore_mem>>) src(%dma_wait3A_736 : memref<500x128xf32, #tpu.memory_space<vmem_shared>>) dst(%arg13 : memref<160x128xf32, #tpu.memory_space<vmem>>)
    %dma_wait3A_737 = arith.constant 0 : i32
    %dma_wait3A_738 = arith.constant 0 : i32
    %dma_wait3A_739 = tpu.memref_slice %arg5[%dma_wait3A_737, %dma_wait3A_738] : memref<100000x128xf32, #tpu.memory_space<hbm>> -> memref<100000x128xf32, #tpu.memory_space<hbm>>
    tpu.wait_indirect_dma semaphore(%arg22 : memref<!tpu.dma_semaphore, #tpu.memory_space<semaphore_mem>>) src(%dma_wait3A_739 : memref<100000x128xf32, #tpu.memory_space<hbm>>) dst(%arg16 : memref<160x128xf32, #tpu.memory_space<vmem>>)
    %dma_start3A_740 = arith.constant 0 : i32
    %dma_start3A_741 = tpu.memref_slice %arg6[%mul3A_79, %dma_start3A_740] : memref<100000x256xf32, #tpu.memory_space<hbm>> -> memref<160x128xf32, #tpu.memory_space<hbm>>
    %dma_start3A_742 = arith.constant 0 : i32
    %dma_start3A_743 = tpu.memref_slice %arg6[%mul3A_79, %dma_start3A_742] : memref<100000x256xf32, #tpu.memory_space<hbm>> -> memref<160x128xf32, #tpu.memory_space<hbm>>
    tpu.enqueue_dma source(%arg13 : memref<160x128xf32, #tpu.memory_space<vmem>>) target(%dma_start3A_743 : memref<160x128xf32, #tpu.memory_space<hbm>>) target_semaphore(%arg25 : memref<!tpu.dma_semaphore, #tpu.memory_space<semaphore_mem>>)
    %dma_start3A_744 = arith.constant 128 : i32
    %dma_start3A_745 = tpu.memref_slice %arg6[%mul3A_79, %dma_start3A_744] : memref<100000x256xf32, #tpu.memory_space<hbm>> -> memref<160x128xf32, #tpu.memory_space<hbm>>
    %dma_start3A_746 = arith.constant 128 : i32
    %dma_start3A_747 = tpu.memref_slice %arg6[%mul3A_79, %dma_start3A_746] : memref<100000x256xf32, #tpu.memory_space<hbm>> -> memref<160x128xf32, #tpu.memory_space<hbm>>
    tpu.enqueue_dma source(%arg16 : memref<160x128xf32, #tpu.memory_space<vmem>>) target(%dma_start3A_747 : memref<160x128xf32, #tpu.memory_space<hbm>>) target_semaphore(%arg28 : memref<!tpu.dma_semaphore, #tpu.memory_space<semaphore_mem>>)
    %convert_element_type3A_748 = arith.extui %lt3A_1 : i1 to i32
    %cond3A_749 = arith.constant 0 : i32
    %cond3A_750 = arith.cmpi ne, %convert_element_type3A_748, %cond3A_749 : i32
    scf.if %cond3A_750 {
      %dma_wait3A_775 = arith.constant 0 : i32
      %dma_wait3A_776 = arith.constant 0 : i32
      %dma_wait3A_777 = tpu.memref_slice %arg37[%dma_wait3A_775, %dma_wait3A_776] : memref<500x128xf32, #tpu.memory_space<vmem_shared>> -> memref<500x128xf32, #tpu.memory_space<vmem_shared>>
      tpu.wait_indirect_dma semaphore(%arg20 : memref<!tpu.dma_semaphore, #tpu.memory_space<semaphore_mem>>) src(%dma_wait3A_777 : memref<500x128xf32, #tpu.memory_space<vmem_shared>>) dst(%arg14 : memref<160x128xf32, #tpu.memory_space<vmem>>)
      %dma_wait3A_778 = arith.constant 0 : i32
      %dma_wait3A_779 = arith.constant 0 : i32
      %dma_wait3A_780 = tpu.memref_slice %arg5[%dma_wait3A_778, %dma_wait3A_779] : memref<100000x128xf32, #tpu.memory_space<hbm>> -> memref<100000x128xf32, #tpu.memory_space<hbm>>
      tpu.wait_indirect_dma semaphore(%arg23 : memref<!tpu.dma_semaphore, #tpu.memory_space<semaphore_mem>>) src(%dma_wait3A_780 : memref<100000x128xf32, #tpu.memory_space<hbm>>) dst(%arg17 : memref<160x128xf32, #tpu.memory_space<vmem>>)
      %dma_start3A_781 = arith.constant 0 : i32
      %dma_start3A_782 = tpu.memref_slice %arg6[%mul3A_83, %dma_start3A_781] : memref<100000x256xf32, #tpu.memory_space<hbm>> -> memref<160x128xf32, #tpu.memory_space<hbm>>
      %dma_start3A_783 = arith.constant 0 : i32
      %dma_start3A_784 = tpu.memref_slice %arg6[%mul3A_83, %dma_start3A_783] : memref<100000x256xf32, #tpu.memory_space<hbm>> -> memref<160x128xf32, #tpu.memory_space<hbm>>
      tpu.enqueue_dma source(%arg14 : memref<160x128xf32, #tpu.memory_space<vmem>>) target(%dma_start3A_784 : memref<160x128xf32, #tpu.memory_space<hbm>>) target_semaphore(%arg26 : memref<!tpu.dma_semaphore, #tpu.memory_space<semaphore_mem>>)
      %dma_start3A_785 = arith.constant 128 : i32
      %dma_start3A_786 = tpu.memref_slice %arg6[%mul3A_83, %dma_start3A_785] : memref<100000x256xf32, #tpu.memory_space<hbm>> -> memref<160x128xf32, #tpu.memory_space<hbm>>
      %dma_start3A_787 = arith.constant 128 : i32
      %dma_start3A_788 = tpu.memref_slice %arg6[%mul3A_83, %dma_start3A_787] : memref<100000x256xf32, #tpu.memory_space<hbm>> -> memref<160x128xf32, #tpu.memory_space<hbm>>
      tpu.enqueue_dma source(%arg17 : memref<160x128xf32, #tpu.memory_space<vmem>>) target(%dma_start3A_788 : memref<160x128xf32, #tpu.memory_space<hbm>>) target_semaphore(%arg29 : memref<!tpu.dma_semaphore, #tpu.memory_space<semaphore_mem>>)
    } else {
    }
    %dma_wait3A_751 = arith.constant 0 : i32
    %dma_wait3A_752 = tpu.memref_slice %arg6[%mul3A_83, %dma_wait3A_751] : memref<100000x256xf32, #tpu.memory_space<hbm>> -> memref<160x128xf32, #tpu.memory_space<hbm>>
    %dma_wait3A_753 = arith.constant 0 : i32
    %dma_wait3A_754 = tpu.memref_slice %arg6[%mul3A_83, %dma_wait3A_753] : memref<100000x256xf32, #tpu.memory_space<hbm>> -> memref<160x128xf32, #tpu.memory_space<hbm>>
    tpu.wait_dma2 semaphore(%arg26 : memref<!tpu.dma_semaphore, #tpu.memory_space<semaphore_mem>>) src(%arg14 : memref<160x128xf32, #tpu.memory_space<vmem>>) dst(%dma_wait3A_754 : memref<160x128xf32, #tpu.memory_space<hbm>>)
    %dma_wait3A_755 = arith.constant 128 : i32
    %dma_wait3A_756 = tpu.memref_slice %arg6[%mul3A_83, %dma_wait3A_755] : memref<100000x256xf32, #tpu.memory_space<hbm>> -> memref<160x128xf32, #tpu.memory_space<hbm>>
    %dma_wait3A_757 = arith.constant 128 : i32
    %dma_wait3A_758 = tpu.memref_slice %arg6[%mul3A_83, %dma_wait3A_757] : memref<100000x256xf32, #tpu.memory_space<hbm>> -> memref<160x128xf32, #tpu.memory_space<hbm>>
    tpu.wait_dma2 semaphore(%arg29 : memref<!tpu.dma_semaphore, #tpu.memory_space<semaphore_mem>>) src(%arg17 : memref<160x128xf32, #tpu.memory_space<vmem>>) dst(%dma_wait3A_758 : memref<160x128xf32, #tpu.memory_space<hbm>>)
    %dma_wait3A_759 = arith.constant 0 : i32
    %dma_wait3A_760 = tpu.memref_slice %arg6[%mul3A_79, %dma_wait3A_759] : memref<100000x256xf32, #tpu.memory_space<hbm>> -> memref<160x128xf32, #tpu.memory_space<hbm>>
    %dma_wait3A_761 = arith.constant 0 : i32
    %dma_wait3A_762 = tpu.memref_slice %arg6[%mul3A_79, %dma_wait3A_761] : memref<100000x256xf32, #tpu.memory_space<hbm>> -> memref<160x128xf32, #tpu.memory_space<hbm>>
    tpu.wait_dma2 semaphore(%arg25 : memref<!tpu.dma_semaphore, #tpu.memory_space<semaphore_mem>>) src(%arg13 : memref<160x128xf32, #tpu.memory_space<vmem>>) dst(%dma_wait3A_762 : memref<160x128xf32, #tpu.memory_space<hbm>>)
    %dma_wait3A_763 = arith.constant 128 : i32
    %dma_wait3A_764 = tpu.memref_slice %arg6[%mul3A_79, %dma_wait3A_763] : memref<100000x256xf32, #tpu.memory_space<hbm>> -> memref<160x128xf32, #tpu.memory_space<hbm>>
    %dma_wait3A_765 = arith.constant 128 : i32
    %dma_wait3A_766 = tpu.memref_slice %arg6[%mul3A_79, %dma_wait3A_765] : memref<100000x256xf32, #tpu.memory_space<hbm>> -> memref<160x128xf32, #tpu.memory_space<hbm>>
    tpu.wait_dma2 semaphore(%arg28 : memref<!tpu.dma_semaphore, #tpu.memory_space<semaphore_mem>>) src(%arg16 : memref<160x128xf32, #tpu.memory_space<vmem>>) dst(%dma_wait3A_766 : memref<160x128xf32, #tpu.memory_space<hbm>>)
    %dma_wait3A_767 = arith.constant 0 : i32
    %dma_wait3A_768 = tpu.memref_slice %arg6[%mul3A_75, %dma_wait3A_767] : memref<100000x256xf32, #tpu.memory_space<hbm>> -> memref<160x128xf32, #tpu.memory_space<hbm>>
    %dma_wait3A_769 = arith.constant 0 : i32
    %dma_wait3A_770 = tpu.memref_slice %arg6[%mul3A_75, %dma_wait3A_769] : memref<100000x256xf32, #tpu.memory_space<hbm>> -> memref<160x128xf32, #tpu.memory_space<hbm>>
    tpu.wait_dma2 semaphore(%arg27 : memref<!tpu.dma_semaphore, #tpu.memory_space<semaphore_mem>>) src(%arg15 : memref<160x128xf32, #tpu.memory_space<vmem>>) dst(%dma_wait3A_770 : memref<160x128xf32, #tpu.memory_space<hbm>>)
    %dma_wait3A_771 = arith.constant 128 : i32
    %dma_wait3A_772 = tpu.memref_slice %arg6[%mul3A_75, %dma_wait3A_771] : memref<100000x256xf32, #tpu.memory_space<hbm>> -> memref<160x128xf32, #tpu.memory_space<hbm>>
    %dma_wait3A_773 = arith.constant 128 : i32
    %dma_wait3A_774 = tpu.memref_slice %arg6[%mul3A_75, %dma_wait3A_773] : memref<100000x256xf32, #tpu.memory_space<hbm>> -> memref<160x128xf32, #tpu.memory_space<hbm>>
    tpu.wait_dma2 semaphore(%arg30 : memref<!tpu.dma_semaphore, #tpu.memory_space<semaphore_mem>>) src(%arg18 : memref<160x128xf32, #tpu.memory_space<vmem>>) dst(%dma_wait3A_774 : memref<160x128xf32, #tpu.memory_space<hbm>>)
    return
  }
}

</mosaic_0001>

<sc_bundles>
// kernel: kernel.3.cloned.1.call-start
scs
__scs_entry_jumppad:
0x0: {  	(pc) =	sbr.rel $0x88, $3  }
0x1: {  	(tag) =	ssettag $0x0;
	lr =	simm.s32 $0x1  }
0x2: {  	[smem:$0x3F9D] =	sst lr;
	_ =	strace $0xD0000000  }
0x3: {  	_ = 	snop  }
0x4: {  	_ = 	snop  }
0x5: {  	_ = 	snop  }
0x6: {  	_ = 	snop  }
0x7: {  	_ = 	snop  }
__scs_overlays_trampoline_lowered:
0x8: {  	[smem:$0x3FAC] =	sst s0  }
0x9: {  	[smem:$0x3FAD] =	sst s1  }
0xa: {  	[smem:$0x3FAE] =	sst s2  }
0xb: {  	[smem:$0x3FAF] =	sst s3  }
0xc: {  	[smem:$0x3FB0] =	sst s4  }
0xd: {  	[smem:$0x3FB1] =	sst s5  }
0xe: {  	[smem:$0x3FB2] =	sst s6  }
0xf: {  	[smem:$0x3FB3] =	sst s7  }
0x10: {  	[smem:$0x3FB4] =	sst s8  }
0x11: {  	[smem:$0x3FB5] =	sst s9;
	s0 =	simm.s32 @!p0 $0x0  }
0x12: {  	s1 =	sld [smem:$0x3F9B];
	s0 =	simm.s32 @p0 $0x1  }
0x13: {  	[smem:$0x3FB6] =	sst s0;
	s0 =	simm.s32 @!p1 $0x0  }
0x14: {  	s2 =	sld [smem:$0x3F9A];
	s0 =	simm.s32 @p1 $0x1  }
0x15: {  	[smem:$0x3FB7] =	sst s0;
	s0 =	simm.s32 @!p2 $0x0  }
0x16: {  	s3 =	sld [smem:$0x3FDB];
	s0 =	simm.s32 @p2 $0x1  }
0x17: {  	s4 =	simm.s32 $0x1BF5;
	[smem:$0x3FB9] =	sst s0  }
0x18: {  	s0 =	sld [smem:$0x3F9C];
	_ =	swait.ge [sflag:s4], $0x0  }
0x19: {  	s7 =	sld [smem:$0x3F9D]  }
0x1a: {  	s8 =	sadd.s32 $0xFFFFE003, lr  }
0x1b: {  	s9 =	sadd.s32 $0xFFFFFEF7, lr;
	s5 =	simm.s32 $0xFFFFFFFF;
	p2 =	slt.u32 s8, $0xFFFFF086  }
0x1c: {  	p1 =	slt.u32 s9, $0xF7A;
	s5 =	simm.s32 @!p2 $0x0  }
0x1d: {  	s5 =	simm.s32 @p1 $0x1;
	p0 =	seq.s32 s7, s2  }
0x1e: {  	s7 =	smul.u32 @!p0 $0xF7A, s2;
	p2 =	seq.s32 @!p0 s5, $0x0  }
0x1f: {  	s9 =	smul.u32 $0xF7A, s1;
	s8 =	simm.s32 @!p0 $0x1BF5;
	p2 =	por !p2, p0  }
0x20: {  	[sflag:s8] =	ssyncset.s32 @!p0 $0xFFFFF086;
	s6 =	sadd.s32 @!p0 s3, s7;
	s7 =	simm.s32 @!p0 $0x108  }
0x21: {  	s3 =	sadd.s32 s3, s9;
	s6 =	sadd.s32 @!p0 $0x88, s6;
	s7 =	simm.s32 @p2 $0x1082  }
0x22: {  	[simem:s7], [sflag:s8] =	dma.local @!p0 [hbm:s6], $0xF7A  }
0x23: {  	s9 =	sor.u32 $0xD0000000, s2;
	s6 =	simm.s32 $0x108;
	_ =	swait.ge @!p0 [sflag:s8], $0x0  }
0x24: {  	s3 =	sadd.s32 $0x88, s3;
	s6 =	simm.s32 @!p1 $0x1082;
	[sflag:s4] =	ssyncset.s32 $0xFFFFF086  }
0x25: {  	[simem:s6], [sflag:s4] =	dma.local [hbm:s3], $0xF7A  }
0x26: {  	[smem:$0x3F9D] =	sst s1;
	(tag) =	ssettag s2;
	_ =	strace s9  }
0x27: {  	s1 =	sld [smem:$0x3FAD]  }
0x28: {  	s2 =	sld [smem:$0x3FAE]  }
0x29: {  	s4 =	sld [smem:$0x3FB0]  }
0x2a: {  	p0 =	seq.s32 s5, $0x0;
	s5 =	sld [smem:$0x3FB1]  }
0x2b: {  	s6 =	sld [smem:$0x3FB2]  }
0x2c: {  	s7 =	sld [smem:$0x3FB3]  }
0x2d: {  	s3 =	simm.s32 $0x108;
	s8 =	sld [smem:$0x3FB4]  }
0x2e: {  	s3 =	simm.s32 @!p0 $0x1082;
	s9 =	sld [smem:$0x3FB5]  }
0x2f: {  	lr =	sadd.s32 s0, s3;
	s0 =	sld [smem:$0x3FAC]  }
0x30: {  	s3 =	sld [smem:$0x3FAF]  }
0x31: {  	[smem:$0x3FB8] =	sst s10  }
0x32: {  	s10 =	sld [smem:$0x3FB6];
	_ =	sdelay $0x3  }
0x33: {  	p0 =	seq.s32 s10, $0x1;
	s10 =	sld [smem:$0x3FB8];
	_ =	sdelay $0x3  }
0x34: {  	[smem:$0x3FB8] =	sst s10  }
0x35: {  	s10 =	sld [smem:$0x3FB7];
	_ =	sdelay $0x3  }
0x36: {  	p1 =	seq.s32 s10, $0x1;
	s10 =	sld [smem:$0x3FB8];
	_ =	sdelay $0x3  }
0x37: {  	[smem:$0x3FB8] =	sst s10  }
0x38: {  	s10 =	sld [smem:$0x3FB9]  }
0x39: {  	_ = 	snop;
	(pc) =	sbr.ind lr, $3  }
0x3a: {  	_ = 	snop  }
0x3b: {  	_ = 	snop  }
0x3c: {  	p2 =	seq.s32 s10, $0x1;
	s10 =	sld [smem:$0x3FB8]  }
0x3d: {  	_ =	shalt  }
0x3e: {  	_ =	shalt  }
0x3f: {  	_ =	shalt  }
0x40: {  	_ =	shalt  }
0x41: {  	_ =	shalt  }
0x42: {  	_ =	shalt  }
0x43: {  	_ =	shalt  }
0x44: {  	_ =	shalt  }
0x45: {  	_ =	shalt  }
0x46: {  	_ =	shalt  }
0x47: {  	_ =	shalt  }
0x48: {  	_ =	shalt  }
0x49: {  	_ =	shalt  }
0x4a: {  	_ =	shalt  }
0x4b: {  	_ =	shalt  }
0x4c: {  	_ =	shalt  }
0x4d: {  	_ =	shalt  }
0x4e: {  	_ =	shalt  }
0x4f: {  	_ =	shalt  }
0x50: {  	_ =	shalt  }
0x51: {  	_ =	shalt  }
0x52: {  	_ =	shalt  }
0x53: {  	_ =	shalt  }
0x54: {  	_ =	shalt  }
0x55: {  	_ =	shalt  }
0x56: {  	_ =	shalt  }
0x57: {  	_ =	shalt  }
0x58: {  	_ =	shalt  }
0x59: {  	_ =	shalt  }
0x5a: {  	_ =	shalt  }
0x5b: {  	_ =	shalt  }
0x5c: {  	_ =	shalt  }
0x5d: {  	_ =	shalt  }
0x5e: {  	_ =	shalt  }
0x5f: {  	_ =	shalt  }
0x60: {  	_ =	shalt  }
0x61: {  	_ =	shalt  }
0x62: {  	_ =	shalt  }
0x63: {  	_ =	shalt  }
0x64: {  	_ =	shalt  }
0x65: {  	_ =	shalt  }
0x66: {  	_ =	shalt  }
0x67: {  	_ =	shalt  }
0x68: {  	_ =	shalt  }
0x69: {  	_ =	shalt  }
0x6a: {  	_ =	shalt  }
0x6b: {  	_ =	shalt  }
0x6c: {  	_ =	shalt  }
0x6d: {  	_ =	shalt  }
0x6e: {  	_ =	shalt  }
0x6f: {  	_ =	shalt  }
0x70: {  	_ =	shalt  }
0x71: {  	_ =	shalt  }
0x72: {  	_ =	shalt  }
0x73: {  	_ =	shalt  }
0x74: {  	_ =	shalt  }
0x75: {  	_ =	shalt  }
0x76: {  	_ =	shalt  }
0x77: {  	_ =	shalt  }
0x78: {  	_ =	shalt  }
0x79: {  	_ =	shalt  }
0x7a: {  	_ =	shalt  }
0x7b: {  	_ =	shalt  }
0x7c: {  	_ =	shalt  }
0x7d: {  	_ =	shalt  }
0x7e: {  	_ =	shalt  }
0x7f: {  	_ =	shalt  }
0x80: {  	_ =	shalt  }
0x81: {  	_ =	shalt  }
0x82: {  	_ =	shalt  }
0x83: {  	_ =	shalt  }
0x84: {  	_ =	shalt  }
0x85: {  	_ =	shalt  }
0x86: {  	_ =	shalt  }
0x87: {  	_ =	shalt  }
.Lfunc_end0:
.L_simem_size_0:
called_computation_lowered:
.L_overlay_start_0:
0x88: {  	s2 =	sld [smem:$0x3FD9]  }
0x89: {  	s3 =	sld [smem:$0x3FFE];
	_ =	sdelay $0x1  }
0x8a: {  	s1 =	srdreg.scid  }
0x8b: {  	s0 =	sand.u32 $0x1, s1  }
0x8c: {  	s18 =	sshll.u32 s0, $0xA;
	s2 =	sadd.s32 s3, s2  }
0x8d: {  	s2 =	sadd.s32 s2, s18  }
0x8e: {  	[smem:$0x3FC4] =	sst s2  }
0x8f: {  	_ = 	snop  }
0x90: {  	s2 =	sld [smem:$0x3FC9]  }
0x91: {  	s19 =	sld [smem:$0x3FC8]  }
0x92: {  	s4 =	sld [smem:$0x3FC7]  }
0x93: {  	s5 =	sld [smem:$0x3FC6]  }
0x94: {  	s6 =	sld [smem:$0x3FD0];
	(tm) =	ssettm $0x1  }
0x95: {  	s7 =	sld [smem:$0x3FFB];
	_ =	sdelay $0x3  }
0x96: {  	_ =	strace s7  }
0x97: {  	s7 =	sld [smem:$0x3FFC];
	_ =	sdelay $0x3  }
0x98: {  	_ =	strace s7  }
0x99: {  	s7 =	sld [smem:$0x3FFD];
	_ =	sdelay $0x3  }
0x9a: {  	_ =	strace s7  }
0x9b: {  	_ =	strace $0x8FFFFFFF  }
0x9c: {  	s20 =	sld [smem:$0x3FDB];
	_ =	sdelay $0x1  }
0x9d: {  	s8 =	simm.s32 $_scs_section_size  }
0x9e: {  	s9 =	simm.s32 $_size__tile_overlayer_lowered;
	s10 =	simm.s32 $_tile_overlayer_lowered  }
0x9f: {  	s23 =	simm.s32 $0x1BFF;
	s22 =	sshll.u32 s10, $0x1;
	s7 =	sadd.s32 s8, s20  }
0xa0: {  	s11 =	simm.s32 $0x0;
	s21 =	sshll.u32 s9, $0x1;
	s9 =	sadd.s32 s22, s7  }
0xa1: {  	[timem:s11], [sflag:s23] =	dma.local [hbm:s9], s21  }
0xa2: {  	_ =	swait.ge [sflag:s23], s21  }
0xa3: {  	s8 =	ssub.s32 $0x0, s21;
	[sflag:s23] =	ssyncset.done $0x0  }
0xa4: {  	[sflag:s23] =	ssyncadd.s32 s8;
	_ =	sdelay $0x1  }
0xa5: {  	s24 =	simm.s32 $0x1B8B  }
0xa6: {  	_ =	swait.ge [sflag:s24], $0x1  }
0xa7: {  	[sflag:s24] =	ssyncset.done $0x0  }
0xa8: {  	s25 =	simm.s32 $0x1B8E;
	[sflag:s24] =	ssyncadd.s32 $0xFFFFFFFF  }
0xa9: {  	s26 =	simm.s32 $execute0_lowered;
	[smem:$0x3FD2] =	sst s25  }
0xaa: {  	s8 =	sshll.u32 s26, $0x1;
	_ =	strace $0x80000046;
	[dreg:$0x1] =	wrdreg $0xFFFFFFFF  }
0xab: {  	s28 =	simm.s32 $_size_execute0_lowered;
	s7 =	sadd.s32 s7, s8;
	[dreg:$0x0] =	wrdreg $0x0  }
0xac: {  	s8 =	sshll.u32 s28, $0x1;
	[dreg:$0x2] =	wrdreg s7  }
0xad: {  	[dreg:$0x3] =	wrdreg s8  }
0xae: {  	[dreg:$0x4] =	wrdreg $0xC0  }
0xaf: {  	_ =	task [dreg:s11], $0x5FFFF  }
0xb0: {  	[dreg:$0x1] =	wrdreg $0xFFFFFFFF  }
0xb1: {  	[dreg:$0x0] =	wrdreg $0x60  }
0xb2: {  	[dreg:$0x2] =	wrdreg s2  }
0xb3: {  	[dreg:$0x3] =	wrdreg s19  }
0xb4: {  	[dreg:$0x4] =	wrdreg s4  }
0xb5: {  	[dreg:$0x5] =	wrdreg s5  }
0xb6: {  	[dreg:$0x6] =	wrdreg s6  }
0xb7: {  	[dreg:$0x7] =	wrdreg $0x1E6000  }
0xb8: {  	[dreg:$0x8] =	wrdreg $0x9  }
0xb9: {  	_ =	task.clear_ibuf [dreg:s11], $0x9FFFF;
	_ =	strace $0x90000046  }
0xba: {  	s29 =	simm.s32 $0x9;
	_ =	strace $0x80000048  }
0xbb: {  	_ =	swait.ge [sflag:s29], $0x1  }
0xbc: {  	[sflag:s29] =	ssyncadd.s32 $0xFFFFFFFF  }
0xbd: {  	_ =	strace $0x90000048  }
0xbe: {  	_ =	sfence  }
0xbf: {  	s30 =	sld [smem:$0x0];
	_ =	sdelay $0x2  }
0xc0: {  	s31 =	sshll.u32 s1, $0xD;
	s1 =	sshrl.u32 s1, $0x2  }
0xc1: {  	s3 =	sand.u32 $0x4000, s31;
	s1 =	sadd.s32 s1, s30  }
0xc2: {  	s0 =	sor.u32 s3, s0;
	s1 =	sshll.u32 s1, $0x11  }
0xc3: {  	s0 =	sor.u32 s1, s0  }
0xc4: {  	s0 =	sadd.s32 $0x8F2B, s0  }
0xc5: {  	[sflag:s0] =	ssyncadd.remote.s32 $0x1  }
0xc6: {  	_ =	sfence.sel $0xFFFF  }
0xc7: {  	[dreg:$0x0] =	wrdreg $0xFFFFFFFF;
	(pc) =	sbr.abs _section_cstart, $3  }
0xc8: {  	[dreg:$0x1] =	wrdreg $0xFFFFFFFF  }
0xc9: {  	_ =	task.clear_ibuf [dreg:s11], $0x2FFFF;
	_ =	strace $0x9FFFFFFF  }
0xca: {  	(tm) =	ssettm $0x7FFFFFFF  }
0xcb: {  	_ =	shalt  }
tec
execute0_lowered:
.L_overlay_start_1:
0x0: {  	(tag) =	ssettag $0x1  }
0x1: {  	s7 =	rddreg [dreg:$0x0]  }
0x2: {  	s8 =	rddreg [dreg:$0x1]  }
0x3: {  	s0 =	rddreg [dreg:$0x2];
	s2 =	srdreg.scid  }
0x4: {  	[dreg:$0x7] =	wrdreg s0;
	s0 =	stileid.u32  }
0x5: {  	s28 =	rddreg [dreg:$0x3];
	s6 =	sand.u32 $0x1, s2;
	s19 =	sshll.u32 s0, $0x1  }
0x6: {  	s5 =	rddreg [dreg:$0x4];
	s4 =	sor.u32 s6, s19  }
0x7: {  	s22 =	rddreg [dreg:$0x5];
	s3 =	simm.s32 $0x0;
	s9 =	smul.u32 $0x14, s4  }
0x8: {  	[smem:$0x7FF] =	sst s3;
	s10 =	smul.u32 $0xA0, s4  }
0x9: {  	_ =	strace $0x80000047;
	s14 =	smul.u32 $0x1400, s4;
	s12 =	sadd.s32 s8, s9  }
0xa: {  	s11 =	sadd.s32 $0x1400, s10;
	s9 =	sadd.s32 s7, s9;
	[dreg:$0x8] =	wrdreg s12  }
0xb: {  	s29 =	sadd.s32 s5, s14;
	s20 =	sshrl.u32 s11, $0x3;
	[dreg:$0x9] =	wrdreg s9  }
0xc: {  	s13 =	sadd.s32 $0x2800, s10;
	[dreg:$0xe] =	wrdreg s29;
	s21 =	sadd.s32 s8, s20  }
0xd: {  	s24 =	sshrl.u32 s13, $0x3;
	s23 =	sadd.s32 s7, s20;
	[dreg:$0xa] =	wrdreg s21  }
0xe: {  	s15 =	sadd.s32 $0x3C00, s10;
	s25 =	sadd.s32 s8, s24;
	[dreg:$0xb] =	wrdreg s23  }
0xf: {  	s9 =	sadd.s32 $0x80, s5;
	s26 =	sadd.s32 s7, s24;
	[dreg:$0xc] =	wrdreg s25  }
0x10: {  	s2 =	sshrl.u32 s15, $0x3;
	s1 =	sadd.s32 s14, s9;
	[dreg:$0xd] =	wrdreg s26  }
0x11: {  	s16 =	sadd.s32 s8, s2;
	[dreg:$0xf] =	wrdreg s1  }
0x12: {  	s11 =	sshll.u32 s11, $0x5;
	s17 =	sadd.s32 s7, s2;
	[dreg:$0x10] =	wrdreg s16  }
0x13: {  	s18 =	sadd.s32 s5, s11;
	[dreg:$0x11] =	wrdreg s17  }
0x14: {  	s11 =	sadd.s32 s11, s9;
	s2 =	sshll.u32 s15, $0x5;
	[dreg:$0x12] =	wrdreg s18  }
0x15: {  	s14 =	sadd.s32 $0x5000, s10;
	[dreg:$0x13] =	wrdreg s11;
	s16 =	sadd.s32 s5, s2  }
0x16: {  	s19 =	sshrl.u32 s14, $0x3;
	s17 =	sadd.s32 s2, s9;
	[dreg:$0x1a] =	wrdreg s16  }
0x17: {  	s15 =	sadd.s32 $0x7800, s10;
	s20 =	sadd.s32 s8, s19;
	[dreg:$0x1b] =	wrdreg s17  }
0x18: {  	s23 =	sshll.u32 s13, $0x5;
	s21 =	sadd.s32 s7, s19;
	[dreg:$0x14] =	wrdreg s20  }
0x19: {  	s13 =	sadd.s32 $0x6400, s10;
	s24 =	sadd.s32 s5, s23;
	[dreg:$0x15] =	wrdreg s21  }
0x1a: {  	s18 =	sshrl.u32 s15, $0x3;
	s25 =	sadd.s32 s23, s9;
	[dreg:$0x16] =	wrdreg s24  }
0x1b: {  	s26 =	sshrl.u32 s13, $0x3;
	s19 =	sadd.s32 s8, s18;
	[dreg:$0x17] =	wrdreg s25  }
0x1c: {  	s29 =	sadd.s32 s8, s26;
	[dreg:$0x1c] =	wrdreg s19  }
0x1d: {  	s30 =	simm.s32 $0x200;
	s1 =	sadd.s32 s7, s26;
	[dreg:$0x18] =	wrdreg s29  }
0x1e: {  	s20 =	sadd.s32 s7, s18;
	s21 =	sshll.u32 s14, $0x5;
	[dreg:$0x19] =	wrdreg s1  }
0x1f: {  	s31 =	simm.s32 $0x12;
	[dreg:$0x1d] =	wrdreg s20;
	s23 =	sadd.s32 s5, s21  }
0x20: {  	s19 =	sshll.u32 s15, $0x5;
	s24 =	sadd.s32 s21, s9;
	[dreg:$0x1e] =	wrdreg s23  }
0x21: {  	s14 =	sadd.s32 $0x8C00, s10;
	s20 =	sadd.s32 s5, s19;
	[dreg:$0x1f] =	wrdreg s24  }
0x22: {  	s25 =	sshrl.u32 s14, $0x3;
	s21 =	sadd.s32 s19, s9;
	[smem:$0x7CC] =	sst s20  }
0x23: {  	p2 =	por $0x0, $0x0;
	s26 =	sadd.s32 s8, s25;
	[smem:$0x7CD] =	sst s21  }
0x24: {  	s1 =	sshll.u32 s13, $0x5;
	s29 =	sadd.s32 s7, s25;
	[smem:$0x7C6] =	sst s26  }
0x25: {  	s13 =	sor.u32 $0xA000, s10;
	s2 =	sadd.s32 s5, s1;
	[smem:$0x7C7] =	sst s29  }
0x26: {  	s12 =	sadd.s32 s1, s9;
	s16 =	sshrl.u32 s13, $0x3;
	[smem:$0x7C8] =	sst s2  }
0x27: {  	s15 =	sadd.s32 $0xB400, s10;
	[smem:$0x7C9] =	sst s12;
	s17 =	sadd.s32 s8, s16  }
0x28: {  	s23 =	sshrl.u32 s15, $0x3;
	s18 =	sadd.s32 s7, s16;
	[smem:$0x7CA] =	sst s17  }
0x29: {  	p0 =	sne.s32 s0, $0x0;
	s24 =	sadd.s32 s8, s23;
	[smem:$0x7CB] =	sst s18  }
0x2a: {  	s25 =	sadd.s32 s7, s23;
	s26 =	sshll.u32 s14, $0x5;
	[smem:$0x7CE] =	sst s24  }
0x2b: {  	s14 =	sadd.s32 $0xC800, s10;
	[smem:$0x7CF] =	sst s25;
	s29 =	sadd.s32 s5, s26  }
0x2c: {  	s1 =	sadd.s32 s26, s9;
	s2 =	sshrl.u32 s14, $0x3;
	[smem:$0x7D0] =	sst s29  }
0x2d: {  	s0 =	simm.s32 $0x500;
	[smem:$0x7D1] =	sst s1;
	s16 =	sadd.s32 s8, s2  }
0x2e: {  	s18 =	sshll.u32 s13, $0x5;
	s17 =	sadd.s32 s7, s2;
	[smem:$0x7D2] =	sst s16  }
0x2f: {  	s6 =	ssub.s32 $0x2, s6;
	s19 =	sadd.s32 s5, s18;
	[smem:$0x7D3] =	sst s17  }
0x30: {  	s25 =	sshll.u32 s15, $0x5;
	s20 =	sadd.s32 s18, s9;
	[smem:$0x7D4] =	sst s19  }
0x31: {  	s13 =	sadd.s32 $0xDC00, s10;
	s26 =	sadd.s32 s5, s25;
	[smem:$0x7D5] =	sst s20  }
0x32: {  	s21 =	sshrl.u32 s13, $0x3;
	s29 =	sadd.s32 s25, s9;
	[smem:$0x7D8] =	sst s26  }
0x33: {  	s15 =	sadd.s32 $0xF000, s10;
	s23 =	sadd.s32 s8, s21;
	[smem:$0x7D9] =	sst s29  }
0x34: {  	s1 =	sshrl.u32 s15, $0x3;
	s24 =	sadd.s32 s7, s21;
	[smem:$0x7D6] =	sst s23  }
0x35: {  	p1 =	sgt.u32 s4, $0x10;
	s2 =	sadd.s32 s8, s1;
	[smem:$0x7D7] =	sst s24  }
0x36: {  	s12 =	sadd.s32 s7, s1;
	s16 =	sshll.u32 s14, $0x5;
	[smem:$0x7DA] =	sst s2  }
0x37: {  	s14 =	sadd.s32 $0x10400, s10;
	[smem:$0x7DB] =	sst s12;
	s17 =	sadd.s32 s5, s16  }
0x38: {  	s18 =	sadd.s32 s16, s9;
	s19 =	sshrl.u32 s14, $0x3;
	[smem:$0x7DC] =	sst s17  }
0x39: {  	s4 =	simm.s32 $0x3;
	[smem:$0x7DD] =	sst s18;
	s20 =	sadd.s32 s8, s19  }
0x3a: {  	s23 =	sshll.u32 s13, $0x5;
	s21 =	sadd.s32 s7, s19;
	[smem:$0x7DE] =	sst s20  }
0x3b: {  	s13 =	sadd.s32 $0x11800, s10;
	s24 =	sadd.s32 s5, s23;
	[smem:$0x7DF] =	sst s21  }
0x3c: {  	s2 =	sshll.u32 s15, $0x5;
	s25 =	sadd.s32 s23, s9;
	[smem:$0x7E0] =	sst s24  }
0x3d: {  	s15 =	sadd.s32 $0x12C00, s10;
	s16 =	sadd.s32 s5, s2;
	[smem:$0x7E1] =	sst s25  }
0x3e: {  	s26 =	sshrl.u32 s13, $0x3;
	s17 =	sadd.s32 s2, s9;
	[smem:$0x7E4] =	sst s16  }
0x3f: {  	s12 =	simm.s32 $0x10;
	s29 =	sadd.s32 s8, s26;
	[smem:$0x7E5] =	sst s17  }
0x40: {  	s18 =	sshrl.u32 s15, $0x3;
	s1 =	sadd.s32 s7, s26;
	[smem:$0x7E2] =	sst s29  }
0x41: {  	s19 =	sadd.s32 s8, s18;
	s20 =	sadd.s32 s7, s18;
	[smem:$0x7E3] =	sst s1  }
0x42: {  	s21 =	sshll.u32 s14, $0x5;
	s14 =	sor.u32 $0x14000, s10;
	[smem:$0x7E6] =	sst s19  }
0x43: {  	[smem:$0x7E7] =	sst s20;
	s23 =	sadd.s32 s5, s21;
	s24 =	sadd.s32 s21, s9  }
0x44: {  	s25 =	sshrl.u32 s14, $0x3;
	s1 =	sshll.u32 s13, $0x5;
	s13 =	sadd.s32 $0x15400, s10  }
0x45: {  	s20 =	sshll.u32 s15, $0x5;
	s21 =	sadd.s32 $0x16800, s10;
	[smem:$0x7E8] =	sst s23  }
0x46: {  	s10 =	sadd.s32 $0x17C00, s10;
	[smem:$0x7E9] =	sst s24;
	s26 =	sadd.s32 s8, s25  }
0x47: {  	s15 =	simm.s32 $0x1;
	s29 =	sadd.s32 s7, s25;
	[smem:$0x7EA] =	sst s26  }
0x48: {  	s2 =	sadd.s32 s5, s1;
	s16 =	sadd.s32 s1, s9;
	[smem:$0x7EB] =	sst s29  }
0x49: {  	s17 =	sshrl.u32 s13, $0x3;
	s23 =	sadd.s32 s5, s20;
	[smem:$0x7EC] =	sst s2  }
0x4a: {  	s24 =	sadd.s32 s20, s9;
	s25 =	sshrl.u32 s21, $0x3;
	[smem:$0x7ED] =	sst s16  }
0x4b: {  	s1 =	sshll.u32 s14, $0x5;
	s20 =	sshll.u32 s21, $0x5;
	[smem:$0x7F0] =	sst s23  }
0x4c: {  	s18 =	sadd.s32 s8, s17;
	s19 =	sadd.s32 s7, s17;
	[smem:$0x7F1] =	sst s24  }
0x4d: {  	s26 =	sadd.s32 s8, s25;
	s29 =	sadd.s32 s7, s25;
	[smem:$0x7EE] =	sst s18  }
0x4e: {  	s2 =	sadd.s32 s5, s1;
	s14 =	sadd.s32 s1, s9;
	[smem:$0x7EF] =	sst s19  }
0x4f: {  	s16 =	sshrl.u32 s10, $0x3;
	s17 =	sshll.u32 s13, $0x5;
	[smem:$0x7F2] =	sst s26  }
0x50: {  	s21 =	sadd.s32 s5, s20;
	s23 =	sadd.s32 s20, s9;
	[smem:$0x7F3] =	sst s29  }
0x51: {  	s24 =	sshll.u32 s10, $0x5;
	s25 =	sshrl.u32 s6, $0x1;
	[smem:$0x7F4] =	sst s2  }
0x52: {  	s20 =	simm.s32 $0xD;
	s10 =	simm.s32 $0x600;
	[smem:$0x7F5] =	sst s14  }
0x53: {  	s8 =	sadd.s32 s8, s16;
	s7 =	sadd.s32 s7, s16;
	[smem:$0x7FA] =	sst s21  }
0x54: {  	s18 =	sadd.s32 s5, s17;
	s19 =	sadd.s32 s17, s9;
	[smem:$0x7FB] =	sst s23  }
0x55: {  	s5 =	sadd.s32 s5, s24;
	s26 =	sadd.s32 s24, s9;
	s6 =	ssub.s32 s6, s25  }
0x56: {  	s17 =	simm.s32 $0x300;
	[smem:$0x7F6] =	sst s8;
	s29 =	smax.u32 s6, $0x1  }
0x57: {  	s21 =	simm.s32 $0x400;
	[smem:$0x7F7] =	sst s7;
	s11 =	sadd.s32 $0xFFFFFFFF, s29  }
0x58: {  	s23 =	simm.s32 $0xF600;
	[smem:$0x7F8] =	sst s18;
	p3 =	sne.s32 s11, $0x0  }
.Ltmp0:
0x59: {  	s16 =	simm.s32 $0x14600;
	[smem:$0x7F9] =	sst s19;
	(pc) =	sbr.rel @!p3 .LBB2_1-.Ltmp0, $4  }
0x5a: {  	s14 =	simm.s32 $0x4;
	s24 =	simm.s32 $0x2;
	[smem:$0x7FC] =	sst s5  }
0x5b: {  	s9 =	sshrl.u32 @!p0 s22, $0x3;
	[smem:$0x7FD] =	sst s26;
	s18 =	simm.s32 $0xA0  }
0x5c: {  	s6 =	simm.s32 $0x5600;
	s19 =	simm.s32 $0x5;
	s7 =	simm.s32 $0x7  }
0x5d: {  	s5 =	simm.s32 $0xA;
	s8 =	simm.s32 $0xC;
	s26 =	rddreg [dreg:$0x7]  }
0x5e: {  	s1 =	simm.s32 @!p0 $0x1C13;
	[smem:$0x7C5] =	sst s11;
	s11 =	simm.s32 @!p0 $0x13  }
0x5f: {  	[spmem:s9], [sflag:s1] =	dma.local @!p0 [hbm:s26], $0x1F40  }
0x60: {  	_ =	swait.ge @!p0 [sflag:s11], $0x1F40  }
0x61: {  	s1 =	rddreg [dreg:$0x8];
	[sflag:s11] =	ssyncset.done @!p0 $0x0  }
0x62: {  	s25 =	rddreg [dreg:$0x9];
	[sflag:s11] =	ssyncadd.s32 @!p0 $0xFFFFE0C0  }
0x63: {  	[tilespmem:s17], [sflag:$0xD] =	stream.linear.gather [hbm4b:s1+s3], $0xA0, $0x38;
	[tilespmem:$0x1F5A0] =	vst v63  }
0x64: {  	s2 =	rddreg [dreg:$0xa]  }
0x65: {  	[tilespmem:s3], [sflag:$0x10] =	stream.linear.gather [hbm4b:s25+s3], $0xA0, $0x38;
	[tilespmem:$0x1F5A0] =	vst v63  }
0x66: {  	[smem:$0x7C4] =	sst s9  }
0x67: {  	[tilespmem:s21], [sflag:$0xE] =	stream.linear.gather [hbm4b:s2+s3], $0xA0, $0x38;
	[tilespmem:$0x1F5A0] =	vst v63  }
0x68: {  	s13 =	simm.s32 $0x100;
	s11 =	rddreg [dreg:$0xb]  }
0x69: {  	[tilespmem:s13], [sflag:$0x11] =	stream.linear.gather [hbm4b:s11+s3], $0xA0, $0x38;
	[tilespmem:$0x1F5A0] =	vst v63  }
0x6a: {  	[bflag:$0x0] =	sbarrier.arrive $0xFFFF  }
0x6b: {  	_ =	swait.ge [sflag:s20], $0xA0  }
0x6c: {  	[sflag:s20] =	ssyncset.done $0x0  }
0x6d: {  	[sflag:s20] =	ssyncadd.s32 $0xFFFFFF60  }
0x6e: {  	_ =	swait.ge [sflag:s12], $0xA0  }
0x6f: {  	[sflag:s12] =	ssyncset.done $0x0  }
0x70: {  	[sflag:s12] =	ssyncadd.s32 $0xFFFFFF60  }
0x71: {  	[tilespmem:s10], [sflag:$0x1] =	stream.indirect.gather [spmem:s22], $0x80, s17, s18, $0xb8;
	[tilespmem:$0x1F5A0] =	vst v63  }
0x72: {  	s9 =	simm.s32 $0xE  }
0x73: {  	[tilespmem:s23], [sflag:$0x4] =	stream.indirect.gather [hbm4b:s28+s18], $0x80, s3, s18, $0xb8;
	[tilespmem:$0x1F5A0] =	vst v63  }
0x74: {  	_ =	swait.ge [sflag:s9], $0xA0  }
0x75: {  	[sflag:s9] =	ssyncset.done $0x0  }
0x76: {  	s11 =	simm.s32 $0x11;
	[sflag:s9] =	ssyncadd.s32 $0xFFFFFF60  }
0x77: {  	_ =	swait.ge [sflag:s11], $0xA0  }
0x78: {  	[sflag:s11] =	ssyncset.done $0x0  }
0x79: {  	[sflag:s11] =	ssyncadd.s32 $0xFFFFFF60  }
0x7a: {  	[tilespmem:s6], [sflag:$0x2] =	stream.indirect.gather [spmem:s22], $0x80, s21, s18, $0xb8;
	[tilespmem:$0x1F5A0] =	vst v63  }
0x7b: {  	s25 =	simm.s32 $0x100  }
0x7c: {  	[tilespmem:s16], [sflag:$0x5] =	stream.indirect.gather [hbm4b:s28+s18], $0x80, s25, s18, $0xb8;
	[tilespmem:$0x1F5A0] =	vst v63  }
0x7d: {  	s26 =	rddreg [dreg:$0xc]  }
0x7e: {  	[tilespmem:s0], [sflag:$0xF] =	stream.linear.gather [hbm4b:s26+s3], $0xA0, $0x38;
	[tilespmem:$0x1F5A0] =	vst v63  }
0x7f: {  	s29 =	rddreg [dreg:$0xd]  }
0x80: {  	[tilespmem:s30], [sflag:$0x12] =	stream.linear.gather [hbm4b:s29+s3], $0xA0, $0x38;
	[tilespmem:$0x1F5A0] =	vst v63  }
0x81: {  	_ =	swait.ge [sflag:s15], $0x5000  }
0x82: {  	[sflag:s15] =	ssyncset.done $0x0  }
0x83: {  	[sflag:s15] =	ssyncadd.s32 $0xFFFFB000  }
0x84: {  	_ =	swait.ge [sflag:s14], $0x5000  }
0x85: {  	[sflag:s14] =	ssyncset.done $0x0  }
0x86: {  	s13 =	simm.s32 $0x800;
	s1 =	rddreg [dreg:$0xe];
	[sflag:s14] =	ssyncadd.s32 $0xFFFFB000  }
0x87: {  	[hbm4b:s1+s21] =	stream.strided.scatter [tilespmem:s10], [sflag:$0x7], $0x5000, s13, s21, $0x38;
	[tilespmem:$0x1F5A0] =	vst v63  }
0x88: {  	s2 =	rddreg [dreg:$0xf]  }
0x89: {  	[hbm4b:s2+s21] =	stream.strided.scatter [tilespmem:s23], [sflag:$0xA], $0x5000, s13, s21, $0x38;
	[tilespmem:$0x1F5A0] =	vst v63  }
0x8a: {  	s2 =	simm.s32 $0xF  }
0x8b: {  	_ =	swait.ge [sflag:s2], $0xA0  }
0x8c: {  	[sflag:s2] =	ssyncset.done $0x0  }
0x8d: {  	[sflag:s2] =	ssyncadd.s32 $0xFFFFFF60  }
0x8e: {  	_ =	swait.ge [sflag:s31], $0xA0  }
0x8f: {  	[sflag:s31] =	ssyncset.done $0x0  }
0x90: {  	s25 =	simm.s32 $0xA600;
	[sflag:s31] =	ssyncadd.s32 $0xFFFFFF60  }
0x91: {  	[tilespmem:s25], [sflag:$0x3] =	stream.indirect.gather [spmem:s22], $0x80, s0, s18, $0xb8;
	[tilespmem:$0x1F5A0] =	vst v63  }
0x92: {  	s1 =	simm.s32 $0x19600  }
0x93: {  	[tilespmem:s1], [sflag:$0x6] =	stream.indirect.gather [hbm4b:s28+s18], $0x80, s30, s18, $0xb8;
	[tilespmem:$0x1F5A0] =	vst v63  }
0x94: {  	s26 =	rddreg [dreg:$0x10]  }
0x95: {  	[tilespmem:s17], [sflag:$0xD] =	stream.linear.gather [hbm4b:s26+s3], $0xA0, $0x38;
	[tilespmem:$0x1F5A0] =	vst v63  }
0x96: {  	s29 =	rddreg [dreg:$0x11]  }
0x97: {  	[tilespmem:s3], [sflag:$0x10] =	stream.linear.gather [hbm4b:s29+s3], $0xA0, $0x38;
	[tilespmem:$0x1F5A0] =	vst v63  }
0x98: {  	_ =	swait.ge [sflag:s24], $0x5000  }
0x99: {  	[sflag:s24] =	ssyncset.done $0x0  }
0x9a: {  	[sflag:s24] =	ssyncadd.s32 $0xFFFFB000  }
0x9b: {  	_ =	swait.ge [sflag:s19], $0x5000  }
0x9c: {  	[sflag:s19] =	ssyncset.done $0x0  }
0x9d: {  	s26 =	rddreg [dreg:$0x12];
	[sflag:s19] =	ssyncadd.s32 $0xFFFFB000  }
0x9e: {  	[hbm4b:s26+s21] =	stream.strided.scatter [tilespmem:s6], [sflag:$0x8], $0x5000, s13, s21, $0x38;
	[tilespmem:$0x1F5A0] =	vst v63  }
0x9f: {  	s29 =	rddreg [dreg:$0x13]  }
0xa0: {  	[hbm4b:s29+s21] =	stream.strided.scatter [tilespmem:s16], [sflag:$0xB], $0x5000, s13, s21, $0x38;
	[tilespmem:$0x1F5A0] =	vst v63  }
0xa1: {  	_ =	swait.ge [sflag:s7], $0x5000  }
0xa2: {  	[sflag:s7] =	ssyncset.done $0x0  }
0xa3: {  	[sflag:s7] =	ssyncadd.s32 $0xFFFFB000  }
0xa4: {  	_ =	swait.ge [sflag:s5], $0x5000  }
0xa5: {  	[sflag:s5] =	ssyncset.done $0x0  }
0xa6: {  	[sflag:s5] =	ssyncadd.s32 $0xFFFFB000  }
0xa7: {  	_ =	swait.ge [sflag:s20], $0xA0  }
0xa8: {  	[sflag:s20] =	ssyncset.done $0x0  }
0xa9: {  	[sflag:s20] =	ssyncadd.s32 $0xFFFFFF60  }
0xaa: {  	_ =	swait.ge [sflag:s12], $0xA0  }
0xab: {  	[sflag:s12] =	ssyncset.done $0x0  }
0xac: {  	[sflag:s12] =	ssyncadd.s32 $0xFFFFFF60  }
0xad: {  	[tilespmem:s10], [sflag:$0x1] =	stream.indirect.gather [spmem:s22], $0x80, s17, s18, $0xb8;
	[tilespmem:$0x1F5A0] =	vst v63  }
0xae: {  	_ = 	snop  }
0xaf: {  	[tilespmem:s23], [sflag:$0x4] =	stream.indirect.gather [hbm4b:s28+s18], $0x80, s3, s18, $0xb8;
	[tilespmem:$0x1F5A0] =	vst v63  }
0xb0: {  	s26 =	rddreg [dreg:$0x14]  }
0xb1: {  	[tilespmem:s21], [sflag:$0xE] =	stream.linear.gather [hbm4b:s26+s3], $0xA0, $0x38;
	[tilespmem:$0x1F5A0] =	vst v63  }
0xb2: {  	s6 =	simm.s32 $0x100;
	s29 =	rddreg [dreg:$0x15]  }
0xb3: {  	[tilespmem:s6], [sflag:$0x11] =	stream.linear.gather [hbm4b:s29+s3], $0xA0, $0x38;
	[tilespmem:$0x1F5A0] =	vst v63  }
0xb4: {  	_ =	swait.ge [sflag:s4], $0x5000  }
0xb5: {  	[sflag:s4] =	ssyncset.done $0x0  }
0xb6: {  	s29 =	simm.s32 $0x6;
	[sflag:s4] =	ssyncadd.s32 $0xFFFFB000  }
0xb7: {  	_ =	swait.ge [sflag:s29], $0x5000  }
0xb8: {  	[sflag:s29] =	ssyncset.done $0x0  }
0xb9: {  	s25 =	rddreg [dreg:$0x16];
	[sflag:s29] =	ssyncadd.s32 $0xFFFFB000;
	s29 =	simm.s32 $0xA600  }
0xba: {  	[hbm4b:s25+s21] =	stream.strided.scatter [tilespmem:s29], [sflag:$0x9], $0x5000, s13, s21, $0x38;
	[tilespmem:$0x1F5A0] =	vst v63  }
0xbb: {  	s26 =	rddreg [dreg:$0x17];
	s29 =	simm.s32 $0x8  }
0xbc: {  	[hbm4b:s26+s21] =	stream.strided.scatter [tilespmem:s1], [sflag:$0xC], $0x5000, s13, s21, $0x38;
	[tilespmem:$0x1F5A0] =	vst v63  }
0xbd: {  	_ =	swait.ge [sflag:s29], $0x5000  }
0xbe: {  	[sflag:s29] =	ssyncset.done $0x0  }
0xbf: {  	s25 =	simm.s32 $0xB;
	[sflag:s29] =	ssyncadd.s32 $0xFFFFB000  }
0xc0: {  	_ =	swait.ge [sflag:s25], $0x5000  }
0xc1: {  	[sflag:s25] =	ssyncset.done $0x0  }
0xc2: {  	[sflag:s25] =	ssyncadd.s32 $0xFFFFB000  }
0xc3: {  	_ =	swait.ge [sflag:s9], $0xA0  }
0xc4: {  	[sflag:s9] =	ssyncset.done $0x0  }
0xc5: {  	[sflag:s9] =	ssyncadd.s32 $0xFFFFFF60  }
0xc6: {  	_ =	swait.ge [sflag:s11], $0xA0  }
0xc7: {  	[sflag:s11] =	ssyncset.done $0x0  }
0xc8: {  	s16 =	simm.s32 $0x5600;
	[sflag:s11] =	ssyncadd.s32 $0xFFFFFF60  }
0xc9: {  	[tilespmem:s16], [sflag:$0x2] =	stream.indirect.gather [spmem:s22], $0x80, s21, s18, $0xb8;
	[tilespmem:$0x1F5A0] =	vst v63  }
0xca: {  	s29 =	simm.s32 $0x14600  }
0xcb: {  	[tilespmem:s29], [sflag:$0x5] =	stream.indirect.gather [hbm4b:s28+s18], $0x80, s6, s18, $0xb8;
	[tilespmem:$0x1F5A0] =	vst v63  }
0xcc: {  	s26 =	rddreg [dreg:$0x18]  }
0xcd: {  	[tilespmem:s0], [sflag:$0xF] =	stream.linear.gather [hbm4b:s26+s3], $0xA0, $0x38;
	[tilespmem:$0x1F5A0] =	vst v63  }
0xce: {  	s6 =	rddreg [dreg:$0x19]  }
0xcf: {  	[tilespmem:s30], [sflag:$0x12] =	stream.linear.gather [hbm4b:s6+s3], $0xA0, $0x38;
	[tilespmem:$0x1F5A0] =	vst v63  }
0xd0: {  	_ =	swait.ge [sflag:s15], $0x5000  }
0xd1: {  	[sflag:s15] =	ssyncset.done $0x0  }
0xd2: {  	[sflag:s15] =	ssyncadd.s32 $0xFFFFB000  }
0xd3: {  	_ =	swait.ge [sflag:s14], $0x5000  }
0xd4: {  	[sflag:s14] =	ssyncset.done $0x0  }
0xd5: {  	s26 =	rddreg [dreg:$0x1a];
	[sflag:s14] =	ssyncadd.s32 $0xFFFFB000  }
0xd6: {  	[hbm4b:s26+s21] =	stream.strided.scatter [tilespmem:s10], [sflag:$0x7], $0x5000, s13, s21, $0x38;
	[tilespmem:$0x1F5A0] =	vst v63  }
0xd7: {  	s6 =	simm.s32 $0x9;
	s1 =	rddreg [dreg:$0x1b]  }
0xd8: {  	[hbm4b:s1+s21] =	stream.strided.scatter [tilespmem:s23], [sflag:$0xA], $0x5000, s13, s21, $0x38;
	[tilespmem:$0x1F5A0] =	vst v63  }
0xd9: {  	_ =	swait.ge [sflag:s6], $0x5000  }
0xda: {  	[sflag:s6] =	ssyncset.done $0x0  }
0xdb: {  	[sflag:s6] =	ssyncadd.s32 $0xFFFFB000  }
0xdc: {  	_ =	swait.ge [sflag:s8], $0x5000  }
0xdd: {  	[sflag:s8] =	ssyncset.done $0x0  }
0xde: {  	[sflag:s8] =	ssyncadd.s32 $0xFFFFB000  }
0xdf: {  	_ =	swait.ge [sflag:s2], $0xA0  }
0xe0: {  	[sflag:s2] =	ssyncset.done $0x0  }
0xe1: {  	[sflag:s2] =	ssyncadd.s32 $0xFFFFFF60  }
0xe2: {  	_ =	swait.ge [sflag:s31], $0xA0  }
0xe3: {  	[sflag:s31] =	ssyncset.done $0x0  }
0xe4: {  	s25 =	simm.s32 $0xA600;
	[sflag:s31] =	ssyncadd.s32 $0xFFFFFF60  }
0xe5: {  	[tilespmem:s25], [sflag:$0x3] =	stream.indirect.gather [spmem:s22], $0x80, s0, s18, $0xb8;
	[tilespmem:$0x1F5A0] =	vst v63  }
0xe6: {  	s26 =	simm.s32 $0x19600  }
0xe7: {  	[tilespmem:s26], [sflag:$0x6] =	stream.indirect.gather [hbm4b:s28+s18], $0x80, s30, s18, $0xb8;
	[tilespmem:$0x1F5A0] =	vst v63  }
0xe8: {  	s25 =	rddreg [dreg:$0x1c]  }
0xe9: {  	[tilespmem:s17], [sflag:$0xD] =	stream.linear.gather [hbm4b:s25+s3], $0xA0, $0x38;
	[tilespmem:$0x1F5A0] =	vst v63  }
0xea: {  	s26 =	rddreg [dreg:$0x1d]  }
0xeb: {  	[tilespmem:s3], [sflag:$0x10] =	stream.linear.gather [hbm4b:s26+s3], $0xA0, $0x38;
	[tilespmem:$0x1F5A0] =	vst v63  }
0xec: {  	_ =	swait.ge [sflag:s24], $0x5000  }
0xed: {  	[sflag:s24] =	ssyncset.done $0x0  }
0xee: {  	[sflag:s24] =	ssyncadd.s32 $0xFFFFB000  }
0xef: {  	_ =	swait.ge [sflag:s19], $0x5000  }
0xf0: {  	[sflag:s19] =	ssyncset.done $0x0  }
0xf1: {  	s16 =	simm.s32 $0x5600;
	s25 =	rddreg [dreg:$0x1e];
	[sflag:s19] =	ssyncadd.s32 $0xFFFFB000  }
0xf2: {  	[hbm4b:s25+s21] =	stream.strided.scatter [tilespmem:s16], [sflag:$0x8], $0x5000, s13, s21, $0x38;
	[tilespmem:$0x1F5A0] =	vst v63  }
0xf3: {  	s29 =	simm.s32 $0x14600;
	s26 =	rddreg [dreg:$0x1f]  }
0xf4: {  	[hbm4b:s26+s21] =	stream.strided.scatter [tilespmem:s29], [sflag:$0xB], $0x5000, s13, s21, $0x38;
	[tilespmem:$0x1F5A0] =	vst v63  }
0xf5: {  	_ =	swait.ge [sflag:s7], $0x5000  }
0xf6: {  	[sflag:s7] =	ssyncset.done $0x0  }
0xf7: {  	[sflag:s7] =	ssyncadd.s32 $0xFFFFB000  }
0xf8: {  	_ =	swait.ge [sflag:s5], $0x5000  }
0xf9: {  	[sflag:s5] =	ssyncset.done $0x0  }
0xfa: {  	[sflag:s5] =	ssyncadd.s32 $0xFFFFB000  }
0xfb: {  	_ =	swait.ge [sflag:s20], $0xA0  }
0xfc: {  	[sflag:s20] =	ssyncset.done $0x0  }
0xfd: {  	[sflag:s20] =	ssyncadd.s32 $0xFFFFFF60  }
0xfe: {  	_ =	swait.ge [sflag:s12], $0xA0  }
0xff: {  	[sflag:s12] =	ssyncset.done $0x0  }
0x100: {  	[sflag:s12] =	ssyncadd.s32 $0xFFFFFF60  }
0x101: {  	[tilespmem:s10], [sflag:$0x1] =	stream.indirect.gather [spmem:s22], $0x80, s17, s18, $0xb8;
	[tilespmem:$0x1F5A0] =	vst v63  }
0x102: {  	s26 =	sld [smem:$0x7C6]  }
0x103: {  	[tilespmem:s23], [sflag:$0x4] =	stream.indirect.gather [hbm4b:s28+s18], $0x80, s3, s18, $0xb8;
	[tilespmem:$0x1F5A0] =	vst v63  }
0x104: {  	s29 =	sld [smem:$0x7C7]  }
0x105: {  	[tilespmem:s21], [sflag:$0xE] =	stream.linear.gather [hbm4b:s26+s3], $0xA0, $0x38;
	[tilespmem:$0x1F5A0] =	vst v63  }
0x106: {  	s16 =	simm.s32 $0x100  }
0x107: {  	[tilespmem:s16], [sflag:$0x11] =	stream.linear.gather [hbm4b:s29+s3], $0xA0, $0x38;
	[tilespmem:$0x1F5A0] =	vst v63  }
0x108: {  	_ =	swait.ge [sflag:s4], $0x5000  }
0x109: {  	[sflag:s4] =	ssyncset.done $0x0  }
0x10a: {  	s29 =	simm.s32 $0x6;
	[sflag:s4] =	ssyncadd.s32 $0xFFFFB000  }
0x10b: {  	_ =	swait.ge [sflag:s29], $0x5000  }
0x10c: {  	s25 =	sld [smem:$0x7C8]  }
0x10d: {  	[sflag:s29] =	ssyncset.done $0x0  }
0x10e: {  	s26 =	sld [smem:$0x7C9];
	[sflag:s29] =	ssyncadd.s32 $0xFFFFB000;
	s29 =	simm.s32 $0xA600  }
0x10f: {  	[hbm4b:s25+s21] =	stream.strided.scatter [tilespmem:s29], [sflag:$0x9], $0x5000, s13, s21, $0x38;
	[tilespmem:$0x1F5A0] =	vst v63  }
0x110: {  	s6 =	simm.s32 $0x19600  }
0x111: {  	[hbm4b:s26+s21] =	stream.strided.scatter [tilespmem:s6], [sflag:$0xC], $0x5000, s13, s21, $0x38;
	[tilespmem:$0x1F5A0] =	vst v63  }
0x112: {  	s26 =	simm.s32 $0x8  }
0x113: {  	_ =	swait.ge [sflag:s26], $0x5000  }
0x114: {  	[sflag:s26] =	ssyncset.done $0x0  }
0x115: {  	s29 =	simm.s32 $0xB;
	[sflag:s26] =	ssyncadd.s32 $0xFFFFB000  }
0x116: {  	_ =	swait.ge [sflag:s29], $0x5000  }
0x117: {  	[sflag:s29] =	ssyncset.done $0x0  }
0x118: {  	[sflag:s29] =	ssyncadd.s32 $0xFFFFB000  }
0x119: {  	_ =	swait.ge [sflag:s9], $0xA0  }
0x11a: {  	[sflag:s9] =	ssyncset.done $0x0  }
0x11b: {  	[sflag:s9] =	ssyncadd.s32 $0xFFFFFF60  }
0x11c: {  	_ =	swait.ge [sflag:s11], $0xA0  }
0x11d: {  	[sflag:s11] =	ssyncset.done $0x0  }
0x11e: {  	s26 =	simm.s32 $0x5600;
	[sflag:s11] =	ssyncadd.s32 $0xFFFFFF60  }
0x11f: {  	[tilespmem:s26], [sflag:$0x2] =	stream.indirect.gather [spmem:s22], $0x80, s21, s18, $0xb8;
	[tilespmem:$0x1F5A0] =	vst v63  }
0x120: {  	s29 =	simm.s32 $0x14600;
	s25 =	sld [smem:$0x7CA]  }
0x121: {  	[tilespmem:s29], [sflag:$0x5] =	stream.indirect.gather [hbm4b:s28+s18], $0x80, s16, s18, $0xb8;
	[tilespmem:$0x1F5A0] =	vst v63  }
0x122: {  	s16 =	sld [smem:$0x7CB]  }
0x123: {  	[tilespmem:s0], [sflag:$0xF] =	stream.linear.gather [hbm4b:s25+s3], $0xA0, $0x38;
	[tilespmem:$0x1F5A0] =	vst v63  }
0x124: {  	_ = 	snop  }
0x125: {  	[tilespmem:s30], [sflag:$0x12] =	stream.linear.gather [hbm4b:s16+s3], $0xA0, $0x38;
	[tilespmem:$0x1F5A0] =	vst v63  }
0x126: {  	_ =	swait.ge [sflag:s15], $0x5000  }
0x127: {  	[sflag:s15] =	ssyncset.done $0x0  }
0x128: {  	[sflag:s15] =	ssyncadd.s32 $0xFFFFB000  }
0x129: {  	_ =	swait.ge [sflag:s14], $0x5000  }
0x12a: {  	s26 =	sld [smem:$0x7CC]  }
0x12b: {  	[sflag:s14] =	ssyncset.done $0x0  }
0x12c: {  	s16 =	sld [smem:$0x7CD];
	[sflag:s14] =	ssyncadd.s32 $0xFFFFB000  }
0x12d: {  	[hbm4b:s26+s21] =	stream.strided.scatter [tilespmem:s10], [sflag:$0x7], $0x5000, s13, s21, $0x38;
	[tilespmem:$0x1F5A0] =	vst v63  }
0x12e: {  	s1 =	simm.s32 $0x9  }
0x12f: {  	[hbm4b:s16+s21] =	stream.strided.scatter [tilespmem:s23], [sflag:$0xA], $0x5000, s13, s21, $0x38;
	[tilespmem:$0x1F5A0] =	vst v63  }
0x130: {  	_ =	swait.ge [sflag:s1], $0x5000  }
0x131: {  	[sflag:s1] =	ssyncset.done $0x0  }
0x132: {  	[sflag:s1] =	ssyncadd.s32 $0xFFFFB000  }
0x133: {  	_ =	swait.ge [sflag:s8], $0x5000  }
0x134: {  	[sflag:s8] =	ssyncset.done $0x0  }
0x135: {  	[sflag:s8] =	ssyncadd.s32 $0xFFFFB000  }
0x136: {  	_ =	swait.ge [sflag:s2], $0xA0  }
0x137: {  	[sflag:s2] =	ssyncset.done $0x0  }
0x138: {  	[sflag:s2] =	ssyncadd.s32 $0xFFFFFF60  }
0x139: {  	_ =	swait.ge [sflag:s31], $0xA0  }
0x13a: {  	[sflag:s31] =	ssyncset.done $0x0  }
0x13b: {  	s25 =	simm.s32 $0xA600;
	[sflag:s31] =	ssyncadd.s32 $0xFFFFFF60  }
0x13c: {  	[tilespmem:s25], [sflag:$0x3] =	stream.indirect.gather [spmem:s22], $0x80, s0, s18, $0xb8;
	[tilespmem:$0x1F5A0] =	vst v63  }
0x13d: {  	s6 =	simm.s32 $0x19600;
	s26 =	sld [smem:$0x7CE]  }
0x13e: {  	[tilespmem:s6], [sflag:$0x6] =	stream.indirect.gather [hbm4b:s28+s18], $0x80, s30, s18, $0xb8;
	[tilespmem:$0x1F5A0] =	vst v63  }
0x13f: {  	s1 =	sld [smem:$0x7CF]  }
0x140: {  	[tilespmem:s17], [sflag:$0xD] =	stream.linear.gather [hbm4b:s26+s3], $0xA0, $0x38;
	[tilespmem:$0x1F5A0] =	vst v63  }
0x141: {  	_ = 	snop  }
0x142: {  	[tilespmem:s3], [sflag:$0x10] =	stream.linear.gather [hbm4b:s1+s3], $0xA0, $0x38;
	[tilespmem:$0x1F5A0] =	vst v63  }
0x143: {  	_ =	swait.ge [sflag:s24], $0x5000  }
0x144: {  	[sflag:s24] =	ssyncset.done $0x0  }
0x145: {  	[sflag:s24] =	ssyncadd.s32 $0xFFFFB000  }
0x146: {  	_ =	swait.ge [sflag:s19], $0x5000  }
0x147: {  	s25 =	sld [smem:$0x7D0]  }
0x148: {  	[sflag:s19] =	ssyncset.done $0x0  }
0x149: {  	s1 =	simm.s32 $0x5600;
	s26 =	sld [smem:$0x7D1];
	[sflag:s19] =	ssyncadd.s32 $0xFFFFB000  }
0x14a: {  	[hbm4b:s25+s21] =	stream.strided.scatter [tilespmem:s1], [sflag:$0x8], $0x5000, s13, s21, $0x38;
	[tilespmem:$0x1F5A0] =	vst v63  }
0x14b: {  	s29 =	simm.s32 $0x14600  }
0x14c: {  	[hbm4b:s26+s21] =	stream.strided.scatter [tilespmem:s29], [sflag:$0xB], $0x5000, s13, s21, $0x38;
	[tilespmem:$0x1F5A0] =	vst v63  }
0x14d: {  	_ =	swait.ge [sflag:s7], $0x5000  }
0x14e: {  	[sflag:s7] =	ssyncset.done $0x0  }
0x14f: {  	[sflag:s7] =	ssyncadd.s32 $0xFFFFB000  }
0x150: {  	_ =	swait.ge [sflag:s5], $0x5000  }
0x151: {  	[sflag:s5] =	ssyncset.done $0x0  }
0x152: {  	[sflag:s5] =	ssyncadd.s32 $0xFFFFB000  }
0x153: {  	_ =	swait.ge [sflag:s20], $0xA0  }
0x154: {  	[sflag:s20] =	ssyncset.done $0x0  }
0x155: {  	[sflag:s20] =	ssyncadd.s32 $0xFFFFFF60  }
0x156: {  	_ =	swait.ge [sflag:s12], $0xA0  }
0x157: {  	[sflag:s12] =	ssyncset.done $0x0  }
0x158: {  	[sflag:s12] =	ssyncadd.s32 $0xFFFFFF60  }
0x159: {  	[tilespmem:s10], [sflag:$0x1] =	stream.indirect.gather [spmem:s22], $0x80, s17, s18, $0xb8;
	[tilespmem:$0x1F5A0] =	vst v63  }
0x15a: {  	s29 =	sld [smem:$0x7D2]  }
0x15b: {  	[tilespmem:s23], [sflag:$0x4] =	stream.indirect.gather [hbm4b:s28+s18], $0x80, s3, s18, $0xb8;
	[tilespmem:$0x1F5A0] =	vst v63  }
0x15c: {  	s1 =	sld [smem:$0x7D3]  }
0x15d: {  	[tilespmem:s21], [sflag:$0xE] =	stream.linear.gather [hbm4b:s29+s3], $0xA0, $0x38;
	[tilespmem:$0x1F5A0] =	vst v63  }
0x15e: {  	s29 =	simm.s32 $0x100  }
0x15f: {  	[tilespmem:s29], [sflag:$0x11] =	stream.linear.gather [hbm4b:s1+s3], $0xA0, $0x38;
	[tilespmem:$0x1F5A0] =	vst v63  }
0x160: {  	_ =	swait.ge [sflag:s4], $0x5000  }
0x161: {  	[sflag:s4] =	ssyncset.done $0x0  }
0x162: {  	s25 =	simm.s32 $0x6;
	[sflag:s4] =	ssyncadd.s32 $0xFFFFB000  }
0x163: {  	_ =	swait.ge [sflag:s25], $0x5000  }
0x164: {  	s26 =	sld [smem:$0x7D4]  }
0x165: {  	[sflag:s25] =	ssyncset.done $0x0  }
0x166: {  	s16 =	simm.s32 $0xA600;
	s1 =	sld [smem:$0x7D5];
	[sflag:s25] =	ssyncadd.s32 $0xFFFFB000  }
0x167: {  	[hbm4b:s26+s21] =	stream.strided.scatter [tilespmem:s16], [sflag:$0x9], $0x5000, s13, s21, $0x38;
	[tilespmem:$0x1F5A0] =	vst v63  }
0x168: {  	s6 =	simm.s32 $0x19600;
	s26 =	simm.s32 $0x8  }
0x169: {  	[hbm4b:s1+s21] =	stream.strided.scatter [tilespmem:s6], [sflag:$0xC], $0x5000, s13, s21, $0x38;
	[tilespmem:$0x1F5A0] =	vst v63  }
0x16a: {  	_ =	swait.ge [sflag:s26], $0x5000  }
0x16b: {  	[sflag:s26] =	ssyncset.done $0x0  }
0x16c: {  	s6 =	simm.s32 $0xB;
	[sflag:s26] =	ssyncadd.s32 $0xFFFFB000  }
0x16d: {  	_ =	swait.ge [sflag:s6], $0x5000  }
0x16e: {  	[sflag:s6] =	ssyncset.done $0x0  }
0x16f: {  	[sflag:s6] =	ssyncadd.s32 $0xFFFFB000  }
0x170: {  	_ =	swait.ge [sflag:s9], $0xA0  }
0x171: {  	[sflag:s9] =	ssyncset.done $0x0  }
0x172: {  	[sflag:s9] =	ssyncadd.s32 $0xFFFFFF60  }
0x173: {  	_ =	swait.ge [sflag:s11], $0xA0  }
0x174: {  	[sflag:s11] =	ssyncset.done $0x0  }
0x175: {  	s25 =	simm.s32 $0x5600;
	[sflag:s11] =	ssyncadd.s32 $0xFFFFFF60  }
0x176: {  	[tilespmem:s25], [sflag:$0x2] =	stream.indirect.gather [spmem:s22], $0x80, s21, s18, $0xb8;
	[tilespmem:$0x1F5A0] =	vst v63  }
0x177: {  	s26 =	simm.s32 $0x14600;
	s25 =	sld [smem:$0x7D6]  }
0x178: {  	[tilespmem:s26], [sflag:$0x5] =	stream.indirect.gather [hbm4b:s28+s18], $0x80, s29, s18, $0xb8;
	[tilespmem:$0x1F5A0] =	vst v63  }
0x179: {  	s1 =	sld [smem:$0x7D7]  }
0x17a: {  	[tilespmem:s0], [sflag:$0xF] =	stream.linear.gather [hbm4b:s25+s3], $0xA0, $0x38;
	[tilespmem:$0x1F5A0] =	vst v63  }
0x17b: {  	_ = 	snop  }
0x17c: {  	[tilespmem:s30], [sflag:$0x12] =	stream.linear.gather [hbm4b:s1+s3], $0xA0, $0x38;
	[tilespmem:$0x1F5A0] =	vst v63  }
0x17d: {  	_ =	swait.ge [sflag:s15], $0x5000  }
0x17e: {  	[sflag:s15] =	ssyncset.done $0x0  }
0x17f: {  	[sflag:s15] =	ssyncadd.s32 $0xFFFFB000  }
0x180: {  	_ =	swait.ge [sflag:s14], $0x5000  }
0x181: {  	s29 =	sld [smem:$0x7D8]  }
0x182: {  	[sflag:s14] =	ssyncset.done $0x0  }
0x183: {  	s1 =	sld [smem:$0x7D9];
	[sflag:s14] =	ssyncadd.s32 $0xFFFFB000  }
0x184: {  	[hbm4b:s29+s21] =	stream.strided.scatter [tilespmem:s10], [sflag:$0x7], $0x5000, s13, s21, $0x38;
	[tilespmem:$0x1F5A0] =	vst v63  }
0x185: {  	s29 =	simm.s32 $0x9  }
0x186: {  	[hbm4b:s1+s21] =	stream.strided.scatter [tilespmem:s23], [sflag:$0xA], $0x5000, s13, s21, $0x38;
	[tilespmem:$0x1F5A0] =	vst v63  }
0x187: {  	_ =	swait.ge [sflag:s29], $0x5000  }
0x188: {  	[sflag:s29] =	ssyncset.done $0x0  }
0x189: {  	[sflag:s29] =	ssyncadd.s32 $0xFFFFB000  }
0x18a: {  	_ =	swait.ge [sflag:s8], $0x5000  }
0x18b: {  	[sflag:s8] =	ssyncset.done $0x0  }
0x18c: {  	[sflag:s8] =	ssyncadd.s32 $0xFFFFB000  }
0x18d: {  	_ =	swait.ge [sflag:s2], $0xA0  }
0x18e: {  	[sflag:s2] =	ssyncset.done $0x0  }
0x18f: {  	[sflag:s2] =	ssyncadd.s32 $0xFFFFFF60  }
0x190: {  	_ =	swait.ge [sflag:s31], $0xA0  }
0x191: {  	[sflag:s31] =	ssyncset.done $0x0  }
0x192: {  	s16 =	simm.s32 $0xA600;
	[sflag:s31] =	ssyncadd.s32 $0xFFFFFF60  }
0x193: {  	[tilespmem:s16], [sflag:$0x3] =	stream.indirect.gather [spmem:s22], $0x80, s0, s18, $0xb8;
	[tilespmem:$0x1F5A0] =	vst v63  }
0x194: {  	s1 =	simm.s32 $0x19600;
	s2 =	sld [smem:$0x7DA]  }
0x195: {  	[tilespmem:s1], [sflag:$0x6] =	stream.indirect.gather [hbm4b:s28+s18], $0x80, s30, s18, $0xb8;
	[tilespmem:$0x1F5A0] =	vst v63  }
0x196: {  	s16 =	sld [smem:$0x7DB]  }
0x197: {  	[tilespmem:s17], [sflag:$0xD] =	stream.linear.gather [hbm4b:s2+s3], $0xA0, $0x38;
	[tilespmem:$0x1F5A0] =	vst v63  }
0x198: {  	_ = 	snop  }
0x199: {  	[tilespmem:s3], [sflag:$0x10] =	stream.linear.gather [hbm4b:s16+s3], $0xA0, $0x38;
	[tilespmem:$0x1F5A0] =	vst v63  }
0x19a: {  	_ =	swait.ge [sflag:s24], $0x5000  }
0x19b: {  	[sflag:s24] =	ssyncset.done $0x0  }
0x19c: {  	[sflag:s24] =	ssyncadd.s32 $0xFFFFB000  }
0x19d: {  	_ =	swait.ge [sflag:s19], $0x5000  }
0x19e: {  	s29 =	sld [smem:$0x7DC]  }
0x19f: {  	[sflag:s19] =	ssyncset.done $0x0  }
0x1a0: {  	s16 =	simm.s32 $0x5600;
	s2 =	sld [smem:$0x7DD];
	[sflag:s19] =	ssyncadd.s32 $0xFFFFB000  }
0x1a1: {  	[hbm4b:s29+s21] =	stream.strided.scatter [tilespmem:s16], [sflag:$0x8], $0x5000, s13, s21, $0x38;
	[tilespmem:$0x1F5A0] =	vst v63  }
0x1a2: {  	s25 =	simm.s32 $0x14600  }
0x1a3: {  	[hbm4b:s2+s21] =	stream.strided.scatter [tilespmem:s25], [sflag:$0xB], $0x5000, s13, s21, $0x38;
	[tilespmem:$0x1F5A0] =	vst v63  }
0x1a4: {  	_ =	swait.ge [sflag:s7], $0x5000  }
0x1a5: {  	[sflag:s7] =	ssyncset.done $0x0  }
0x1a6: {  	[sflag:s7] =	ssyncadd.s32 $0xFFFFB000  }
0x1a7: {  	_ =	swait.ge [sflag:s5], $0x5000  }
0x1a8: {  	[sflag:s5] =	ssyncset.done $0x0  }
0x1a9: {  	[sflag:s5] =	ssyncadd.s32 $0xFFFFB000  }
0x1aa: {  	_ =	swait.ge [sflag:s20], $0xA0  }
0x1ab: {  	[sflag:s20] =	ssyncset.done $0x0  }
0x1ac: {  	[sflag:s20] =	ssyncadd.s32 $0xFFFFFF60  }
0x1ad: {  	_ =	swait.ge [sflag:s12], $0xA0  }
0x1ae: {  	[sflag:s12] =	ssyncset.done $0x0  }
0x1af: {  	[sflag:s12] =	ssyncadd.s32 $0xFFFFFF60  }
0x1b0: {  	[tilespmem:s10], [sflag:$0x1] =	stream.indirect.gather [spmem:s22], $0x80, s17, s18, $0xb8;
	[tilespmem:$0x1F5A0] =	vst v63  }
0x1b1: {  	s26 =	sld [smem:$0x7DE]  }
0x1b2: {  	[tilespmem:s23], [sflag:$0x4] =	stream.indirect.gather [hbm4b:s28+s18], $0x80, s3, s18, $0xb8;
	[tilespmem:$0x1F5A0] =	vst v63  }
0x1b3: {  	s29 =	sld [smem:$0x7DF]  }
0x1b4: {  	[tilespmem:s21], [sflag:$0xE] =	stream.linear.gather [hbm4b:s26+s3], $0xA0, $0x38;
	[tilespmem:$0x1F5A0] =	vst v63  }
0x1b5: {  	s2 =	simm.s32 $0x100  }
0x1b6: {  	[tilespmem:s2], [sflag:$0x11] =	stream.linear.gather [hbm4b:s29+s3], $0xA0, $0x38;
	[tilespmem:$0x1F5A0] =	vst v63  }
0x1b7: {  	_ =	swait.ge [sflag:s4], $0x5000  }
0x1b8: {  	[sflag:s4] =	ssyncset.done $0x0  }
0x1b9: {  	s29 =	simm.s32 $0x6;
	[sflag:s4] =	ssyncadd.s32 $0xFFFFB000  }
0x1ba: {  	_ =	swait.ge [sflag:s29], $0x5000  }
0x1bb: {  	s25 =	sld [smem:$0x7E0]  }
0x1bc: {  	[sflag:s29] =	ssyncset.done $0x0  }
0x1bd: {  	s26 =	sld [smem:$0x7E1];
	[sflag:s29] =	ssyncadd.s32 $0xFFFFB000;
	s29 =	simm.s32 $0xA600  }
0x1be: {  	[hbm4b:s25+s21] =	stream.strided.scatter [tilespmem:s29], [sflag:$0x9], $0x5000, s13, s21, $0x38;
	[tilespmem:$0x1F5A0] =	vst v63  }
0x1bf: {  	_ = 	snop  }
0x1c0: {  	[hbm4b:s26+s21] =	stream.strided.scatter [tilespmem:s1], [sflag:$0xC], $0x5000, s13, s21, $0x38;
	[tilespmem:$0x1F5A0] =	vst v63  }
0x1c1: {  	s26 =	simm.s32 $0x8  }
0x1c2: {  	_ =	swait.ge [sflag:s26], $0x5000  }
0x1c3: {  	[sflag:s26] =	ssyncset.done $0x0  }
0x1c4: {  	s6 =	simm.s32 $0xB;
	[sflag:s26] =	ssyncadd.s32 $0xFFFFB000  }
0x1c5: {  	_ =	swait.ge [sflag:s6], $0x5000  }
0x1c6: {  	[sflag:s6] =	ssyncset.done $0x0  }
0x1c7: {  	[sflag:s6] =	ssyncadd.s32 $0xFFFFB000  }
0x1c8: {  	_ =	swait.ge [sflag:s9], $0xA0  }
0x1c9: {  	[sflag:s9] =	ssyncset.done $0x0  }
0x1ca: {  	[sflag:s9] =	ssyncadd.s32 $0xFFFFFF60  }
0x1cb: {  	_ =	swait.ge [sflag:s11], $0xA0  }
0x1cc: {  	[sflag:s11] =	ssyncset.done $0x0  }
0x1cd: {  	[sflag:s11] =	ssyncadd.s32 $0xFFFFFF60  }
0x1ce: {  	[tilespmem:s16], [sflag:$0x2] =	stream.indirect.gather [spmem:s22], $0x80, s21, s18, $0xb8;
	[tilespmem:$0x1F5A0] =	vst v63  }
0x1cf: {  	s6 =	simm.s32 $0x14600;
	s1 =	sld [smem:$0x7E2]  }
0x1d0: {  	[tilespmem:s6], [sflag:$0x5] =	stream.indirect.gather [hbm4b:s28+s18], $0x80, s2, s18, $0xb8;
	[tilespmem:$0x1F5A0] =	vst v63  }
0x1d1: {  	s2 =	sld [smem:$0x7E3]  }
0x1d2: {  	[tilespmem:s0], [sflag:$0xF] =	stream.linear.gather [hbm4b:s1+s3], $0xA0, $0x38;
	[tilespmem:$0x1F5A0] =	vst v63  }
0x1d3: {  	_ = 	snop  }
0x1d4: {  	[tilespmem:s30], [sflag:$0x12] =	stream.linear.gather [hbm4b:s2+s3], $0xA0, $0x38;
	[tilespmem:$0x1F5A0] =	vst v63  }
0x1d5: {  	_ =	swait.ge [sflag:s15], $0x5000  }
0x1d6: {  	[sflag:s15] =	ssyncset.done $0x0  }
0x1d7: {  	[sflag:s15] =	ssyncadd.s32 $0xFFFFB000  }
0x1d8: {  	_ =	swait.ge [sflag:s14], $0x5000  }
0x1d9: {  	s26 =	sld [smem:$0x7E4]  }
0x1da: {  	[sflag:s14] =	ssyncset.done $0x0  }
0x1db: {  	s1 =	sld [smem:$0x7E5];
	[sflag:s14] =	ssyncadd.s32 $0xFFFFB000  }
0x1dc: {  	[hbm4b:s26+s21] =	stream.strided.scatter [tilespmem:s10], [sflag:$0x7], $0x5000, s13, s21, $0x38;
	[tilespmem:$0x1F5A0] =	vst v63  }
0x1dd: {  	s2 =	simm.s32 $0x9  }
0x1de: {  	[hbm4b:s1+s21] =	stream.strided.scatter [tilespmem:s23], [sflag:$0xA], $0x5000, s13, s21, $0x38;
	[tilespmem:$0x1F5A0] =	vst v63  }
0x1df: {  	_ =	swait.ge [sflag:s2], $0x5000  }
0x1e0: {  	[sflag:s2] =	ssyncset.done $0x0  }
0x1e1: {  	[sflag:s2] =	ssyncadd.s32 $0xFFFFB000  }
0x1e2: {  	_ =	swait.ge [sflag:s8], $0x5000  }
0x1e3: {  	[sflag:s8] =	ssyncset.done $0x0  }
0x1e4: {  	s25 =	simm.s32 $0xF;
	[sflag:s8] =	ssyncadd.s32 $0xFFFFB000  }
0x1e5: {  	_ =	swait.ge [sflag:s25], $0xA0  }
0x1e6: {  	[sflag:s25] =	ssyncset.done $0x0  }
0x1e7: {  	[sflag:s25] =	ssyncadd.s32 $0xFFFFFF60  }
0x1e8: {  	_ =	swait.ge [sflag:s31], $0xA0  }
0x1e9: {  	[sflag:s31] =	ssyncset.done $0x0  }
0x1ea: {  	s29 =	simm.s32 $0xA600;
	[sflag:s31] =	ssyncadd.s32 $0xFFFFFF60  }
0x1eb: {  	[tilespmem:s29], [sflag:$0x3] =	stream.indirect.gather [spmem:s22], $0x80, s0, s18, $0xb8;
	[tilespmem:$0x1F5A0] =	vst v63  }
0x1ec: {  	s26 =	sld [smem:$0x7E6];
	s29 =	simm.s32 $0x19600  }
0x1ed: {  	[tilespmem:s29], [sflag:$0x6] =	stream.indirect.gather [hbm4b:s28+s18], $0x80, s30, s18, $0xb8;
	[tilespmem:$0x1F5A0] =	vst v63  }
0x1ee: {  	s1 =	sld [smem:$0x7E7]  }
0x1ef: {  	[tilespmem:s17], [sflag:$0xD] =	stream.linear.gather [hbm4b:s26+s3], $0xA0, $0x38;
	[tilespmem:$0x1F5A0] =	vst v63  }
0x1f0: {  	_ = 	snop  }
0x1f1: {  	[tilespmem:s3], [sflag:$0x10] =	stream.linear.gather [hbm4b:s1+s3], $0xA0, $0x38;
	[tilespmem:$0x1F5A0] =	vst v63  }
0x1f2: {  	_ =	swait.ge [sflag:s24], $0x5000  }
0x1f3: {  	[sflag:s24] =	ssyncset.done $0x0  }
0x1f4: {  	[sflag:s24] =	ssyncadd.s32 $0xFFFFB000  }
0x1f5: {  	_ =	swait.ge [sflag:s19], $0x5000  }
0x1f6: {  	s29 =	sld [smem:$0x7E8]  }
0x1f7: {  	[sflag:s19] =	ssyncset.done $0x0  }
0x1f8: {  	s16 =	simm.s32 $0x5600;
	s1 =	sld [smem:$0x7E9];
	[sflag:s19] =	ssyncadd.s32 $0xFFFFB000  }
0x1f9: {  	[hbm4b:s29+s21] =	stream.strided.scatter [tilespmem:s16], [sflag:$0x8], $0x5000, s13, s21, $0x38;
	[tilespmem:$0x1F5A0] =	vst v63  }
0x1fa: {  	_ = 	snop  }
0x1fb: {  	[hbm4b:s1+s21] =	stream.strided.scatter [tilespmem:s6], [sflag:$0xB], $0x5000, s13, s21, $0x38;
	[tilespmem:$0x1F5A0] =	vst v63  }
0x1fc: {  	_ =	swait.ge [sflag:s7], $0x5000  }
0x1fd: {  	[sflag:s7] =	ssyncset.done $0x0  }
0x1fe: {  	[sflag:s7] =	ssyncadd.s32 $0xFFFFB000  }
0x1ff: {  	_ =	swait.ge [sflag:s5], $0x5000  }
0x200: {  	[sflag:s5] =	ssyncset.done $0x0  }
0x201: {  	[sflag:s5] =	ssyncadd.s32 $0xFFFFB000  }
0x202: {  	_ =	swait.ge [sflag:s20], $0xA0  }
0x203: {  	[sflag:s20] =	ssyncset.done $0x0  }
0x204: {  	[sflag:s20] =	ssyncadd.s32 $0xFFFFFF60  }
0x205: {  	_ =	swait.ge [sflag:s12], $0xA0  }
0x206: {  	[sflag:s12] =	ssyncset.done $0x0  }
0x207: {  	[sflag:s12] =	ssyncadd.s32 $0xFFFFFF60  }
0x208: {  	[tilespmem:s10], [sflag:$0x1] =	stream.indirect.gather [spmem:s22], $0x80, s17, s18, $0xb8;
	[tilespmem:$0x1F5A0] =	vst v63  }
0x209: {  	s26 =	sld [smem:$0x7EA]  }
0x20a: {  	[tilespmem:s23], [sflag:$0x4] =	stream.indirect.gather [hbm4b:s28+s18], $0x80, s3, s18, $0xb8;
	[tilespmem:$0x1F5A0] =	vst v63  }
0x20b: {  	s1 =	sld [smem:$0x7EB]  }
0x20c: {  	[tilespmem:s21], [sflag:$0xE] =	stream.linear.gather [hbm4b:s26+s3], $0xA0, $0x38;
	[tilespmem:$0x1F5A0] =	vst v63  }
0x20d: {  	s6 =	simm.s32 $0x100  }
0x20e: {  	[tilespmem:s6], [sflag:$0x11] =	stream.linear.gather [hbm4b:s1+s3], $0xA0, $0x38;
	[tilespmem:$0x1F5A0] =	vst v63  }
0x20f: {  	_ =	swait.ge [sflag:s4], $0x5000  }
0x210: {  	[sflag:s4] =	ssyncset.done $0x0  }
0x211: {  	s26 =	simm.s32 $0x6;
	[sflag:s4] =	ssyncadd.s32 $0xFFFFB000  }
0x212: {  	_ =	swait.ge [sflag:s26], $0x5000  }
0x213: {  	s25 =	sld [smem:$0x7EC]  }
0x214: {  	[sflag:s26] =	ssyncset.done $0x0  }
0x215: {  	s1 =	simm.s32 $0xA600;
	[sflag:s26] =	ssyncadd.s32 $0xFFFFB000;
	s26 =	sld [smem:$0x7ED]  }
0x216: {  	[hbm4b:s25+s21] =	stream.strided.scatter [tilespmem:s1], [sflag:$0x9], $0x5000, s13, s21, $0x38;
	[tilespmem:$0x1F5A0] =	vst v63  }
0x217: {  	s2 =	simm.s32 $0x19600;
	s25 =	simm.s32 $0x8  }
0x218: {  	[hbm4b:s26+s21] =	stream.strided.scatter [tilespmem:s2], [sflag:$0xC], $0x5000, s13, s21, $0x38;
	[tilespmem:$0x1F5A0] =	vst v63  }
0x219: {  	_ =	swait.ge [sflag:s25], $0x5000  }
0x21a: {  	[sflag:s25] =	ssyncset.done $0x0  }
0x21b: {  	s26 =	simm.s32 $0xB;
	[sflag:s25] =	ssyncadd.s32 $0xFFFFB000  }
0x21c: {  	_ =	swait.ge [sflag:s26], $0x5000  }
0x21d: {  	[sflag:s26] =	ssyncset.done $0x0  }
0x21e: {  	[sflag:s26] =	ssyncadd.s32 $0xFFFFB000  }
0x21f: {  	_ =	swait.ge [sflag:s9], $0xA0  }
0x220: {  	[sflag:s9] =	ssyncset.done $0x0  }
0x221: {  	[sflag:s9] =	ssyncadd.s32 $0xFFFFFF60  }
0x222: {  	_ =	swait.ge [sflag:s11], $0xA0  }
0x223: {  	[sflag:s11] =	ssyncset.done $0x0  }
0x224: {  	s16 =	simm.s32 $0x5600;
	[sflag:s11] =	ssyncadd.s32 $0xFFFFFF60  }
0x225: {  	[tilespmem:s16], [sflag:$0x2] =	stream.indirect.gather [spmem:s22], $0x80, s21, s18, $0xb8;
	[tilespmem:$0x1F5A0] =	vst v63  }
0x226: {  	s29 =	simm.s32 $0x14600;
	s2 =	sld [smem:$0x7EE]  }
0x227: {  	[tilespmem:s29], [sflag:$0x5] =	stream.indirect.gather [hbm4b:s28+s18], $0x80, s6, s18, $0xb8;
	[tilespmem:$0x1F5A0] =	vst v63  }
0x228: {  	s6 =	sld [smem:$0x7EF]  }
0x229: {  	[tilespmem:s0], [sflag:$0xF] =	stream.linear.gather [hbm4b:s2+s3], $0xA0, $0x38;
	[tilespmem:$0x1F5A0] =	vst v63  }
0x22a: {  	_ = 	snop  }
0x22b: {  	[tilespmem:s30], [sflag:$0x12] =	stream.linear.gather [hbm4b:s6+s3], $0xA0, $0x38;
	[tilespmem:$0x1F5A0] =	vst v63  }
0x22c: {  	_ =	swait.ge [sflag:s15], $0x5000  }
0x22d: {  	[sflag:s15] =	ssyncset.done $0x0  }
0x22e: {  	[sflag:s15] =	ssyncadd.s32 $0xFFFFB000  }
0x22f: {  	_ =	swait.ge [sflag:s14], $0x5000  }
0x230: {  	s9 =	sld [smem:$0x7F0]  }
0x231: {  	[sflag:s14] =	ssyncset.done $0x0  }
0x232: {  	s11 =	sld [smem:$0x7F1];
	[sflag:s14] =	ssyncadd.s32 $0xFFFFB000  }
0x233: {  	[hbm4b:s9+s21] =	stream.strided.scatter [tilespmem:s10], [sflag:$0x7], $0x5000, s13, s21, $0x38;
	[tilespmem:$0x1F5A0] =	vst v63  }
0x234: {  	s2 =	simm.s32 $0x9  }
0x235: {  	[hbm4b:s11+s21] =	stream.strided.scatter [tilespmem:s23], [sflag:$0xA], $0x5000, s13, s21, $0x38;
	[tilespmem:$0x1F5A0] =	vst v63  }
0x236: {  	_ =	swait.ge [sflag:s2], $0x5000  }
0x237: {  	[sflag:s2] =	ssyncset.done $0x0  }
0x238: {  	[sflag:s2] =	ssyncadd.s32 $0xFFFFB000  }
0x239: {  	_ =	swait.ge [sflag:s8], $0x5000  }
0x23a: {  	[sflag:s8] =	ssyncset.done $0x0  }
0x23b: {  	s6 =	simm.s32 $0xF;
	[sflag:s8] =	ssyncadd.s32 $0xFFFFB000  }
0x23c: {  	_ =	swait.ge [sflag:s6], $0xA0  }
0x23d: {  	[sflag:s6] =	ssyncset.done $0x0  }
0x23e: {  	[sflag:s6] =	ssyncadd.s32 $0xFFFFFF60  }
0x23f: {  	_ =	swait.ge [sflag:s31], $0xA0  }
0x240: {  	[sflag:s31] =	ssyncset.done $0x0  }
0x241: {  	[sflag:s31] =	ssyncadd.s32 $0xFFFFFF60  }
0x242: {  	[tilespmem:s1], [sflag:$0x3] =	stream.indirect.gather [spmem:s22], $0x80, s0, s18, $0xb8;
	[tilespmem:$0x1F5A0] =	vst v63  }
0x243: {  	s26 =	sld [smem:$0x7F2];
	s31 =	simm.s32 $0x19600  }
0x244: {  	[tilespmem:s31], [sflag:$0x6] =	stream.indirect.gather [hbm4b:s28+s18], $0x80, s30, s18, $0xb8;
	[tilespmem:$0x1F5A0] =	vst v63  }
0x245: {  	s0 =	sld [smem:$0x7F3]  }
0x246: {  	[tilespmem:s17], [sflag:$0xD] =	stream.linear.gather [hbm4b:s26+s3], $0xA0, $0x38;
	[tilespmem:$0x1F5A0] =	vst v63  }
0x247: {  	_ = 	snop  }
0x248: {  	[tilespmem:s3], [sflag:$0x10] =	stream.linear.gather [hbm4b:s0+s3], $0xA0, $0x38;
	[tilespmem:$0x1F5A0] =	vst v63  }
0x249: {  	_ =	swait.ge [sflag:s24], $0x5000  }
0x24a: {  	[sflag:s24] =	ssyncset.done $0x0  }
0x24b: {  	[sflag:s24] =	ssyncadd.s32 $0xFFFFB000  }
0x24c: {  	_ =	swait.ge [sflag:s19], $0x5000  }
0x24d: {  	s1 =	sld [smem:$0x7F4]  }
0x24e: {  	[sflag:s19] =	ssyncset.done $0x0  }
0x24f: {  	s6 =	sld [smem:$0x7F5];
	[sflag:s19] =	ssyncadd.s32 $0xFFFFB000  }
0x250: {  	[hbm4b:s1+s21] =	stream.strided.scatter [tilespmem:s16], [sflag:$0x8], $0x5000, s13, s21, $0x38;
	[tilespmem:$0x1F5A0] =	vst v63  }
0x251: {  	_ = 	snop  }
0x252: {  	[hbm4b:s6+s21] =	stream.strided.scatter [tilespmem:s29], [sflag:$0xB], $0x5000, s13, s21, $0x38;
	[tilespmem:$0x1F5A0] =	vst v63  }
0x253: {  	_ =	swait.ge [sflag:s7], $0x5000  }
0x254: {  	[sflag:s7] =	ssyncset.done $0x0  }
0x255: {  	[sflag:s7] =	ssyncadd.s32 $0xFFFFB000  }
0x256: {  	_ =	swait.ge [sflag:s5], $0x5000  }
0x257: {  	[sflag:s5] =	ssyncset.done $0x0  }
0x258: {  	[sflag:s5] =	ssyncadd.s32 $0xFFFFB000  }
0x259: {  	_ =	swait.ge [sflag:s20], $0xA0  }
0x25a: {  	[sflag:s20] =	ssyncset.done $0x0  }
0x25b: {  	[sflag:s20] =	ssyncadd.s32 $0xFFFFFF60  }
0x25c: {  	_ =	swait.ge [sflag:s12], $0xA0  }
0x25d: {  	[sflag:s12] =	ssyncset.done $0x0  }
0x25e: {  	[sflag:s12] =	ssyncadd.s32 $0xFFFFFF60  }
0x25f: {  	[tilespmem:s10], [sflag:$0x1] =	stream.indirect.gather [spmem:s22], $0x80, s17, s18, $0xb8;
	[tilespmem:$0x1F5A0] =	vst v63  }
0x260: {  	s25 =	sld [smem:$0x7F6]  }
0x261: {  	[tilespmem:s23], [sflag:$0x4] =	stream.indirect.gather [hbm4b:s28+s18], $0x80, s3, s18, $0xb8;
	[tilespmem:$0x1F5A0] =	vst v63  }
0x262: {  	s0 =	simm.s32 @!p1 $0x0;
	s1 =	simm.s32 @!p1 $0x400;
	s26 =	sld [smem:$0x7F7]  }
0x263: {  	[tilespmem:s1], [sflag:$0xE] =	stream.linear.gather @!p1 [hbm4b:s25+s0], $0xA0, $0x38;
	[tilespmem:$0x1F5A0] =	vst v63  }
0x264: {  	s6 =	simm.s32 @!p1 $0x100  }
0x265: {  	[tilespmem:s6], [sflag:$0x11] =	stream.linear.gather @!p1 [hbm4b:s26+s0], $0xA0, $0x38;
	[tilespmem:$0x1F5A0] =	vst v63  }
0x266: {  	_ =	swait.ge [sflag:s4], $0x5000  }
0x267: {  	[sflag:s4] =	ssyncset.done $0x0  }
0x268: {  	s19 =	simm.s32 $0x6;
	[sflag:s4] =	ssyncadd.s32 $0xFFFFB000  }
0x269: {  	_ =	swait.ge [sflag:s19], $0x5000  }
0x26a: {  	s20 =	sld [smem:$0x7F8]  }
0x26b: {  	[sflag:s19] =	ssyncset.done $0x0  }
0x26c: {  	s9 =	simm.s32 $0xA600;
	s24 =	sld [smem:$0x7F9];
	[sflag:s19] =	ssyncadd.s32 $0xFFFFB000  }
0x26d: {  	[hbm4b:s20+s21] =	stream.strided.scatter [tilespmem:s9], [sflag:$0x9], $0x5000, s13, s21, $0x38;
	[tilespmem:$0x1F5A0] =	vst v63  }
0x26e: {  	s0 =	simm.s32 @!p1 $0x8  }
0x26f: {  	[hbm4b:s24+s21] =	stream.strided.scatter [tilespmem:s31], [sflag:$0xC], $0x5000, s13, s21, $0x38;
	[tilespmem:$0x1F5A0] =	vst v63  }
0x270: {  	_ =	swait.ge @!p1 [sflag:s0], $0x5000  }
0x271: {  	[sflag:s0] =	ssyncset.done @!p1 $0x0  }
0x272: {  	[sflag:s0] =	ssyncadd.s32 @!p1 $0xFFFFB000;
	s0 =	simm.s32 @!p1 $0xB  }
0x273: {  	_ =	swait.ge @!p1 [sflag:s0], $0x5000  }
0x274: {  	[sflag:s0] =	ssyncset.done @!p1 $0x0  }
0x275: {  	[sflag:s0] =	ssyncadd.s32 @!p1 $0xFFFFB000;
	s0 =	simm.s32 @!p1 $0xE  }
0x276: {  	_ =	swait.ge @!p1 [sflag:s0], $0xA0  }
0x277: {  	[sflag:s0] =	ssyncset.done @!p1 $0x0  }
0x278: {  	[sflag:s0] =	ssyncadd.s32 @!p1 $0xFFFFFF60;
	s0 =	simm.s32 @!p1 $0x11  }
0x279: {  	_ =	swait.ge @!p1 [sflag:s0], $0xA0  }
0x27a: {  	[sflag:s0] =	ssyncset.done @!p1 $0x0  }
0x27b: {  	s2 =	simm.s32 @!p1 $0x5600;
	[sflag:s0] =	ssyncadd.s32 @!p1 $0xFFFFFF60;
	s0 =	simm.s32 @!p1 $0xA0  }
0x27c: {  	[tilespmem:s2], [sflag:$0x2] =	stream.indirect.gather @!p1 [spmem:s22], $0x80, s1, s0, $0xb8;
	[tilespmem:$0x1F5A0] =	vst v63  }
0x27d: {  	s9 =	simm.s32 @!p1 $0x14600  }
0x27e: {  	[tilespmem:s9], [sflag:$0x5] =	stream.indirect.gather @!p1 [hbm4b:s28+s0], $0x80, s6, s0, $0xb8;
	[tilespmem:$0x1F5A0] =	vst v63  }
0x27f: {  	_ =	swait.ge [sflag:s15], $0x5000  }
0x280: {  	[sflag:s15] =	ssyncset.done $0x0  }
0x281: {  	[sflag:s15] =	ssyncadd.s32 $0xFFFFB000  }
0x282: {  	_ =	swait.ge [sflag:s14], $0x5000  }
0x283: {  	s26 =	sld [smem:$0x7FA]  }
0x284: {  	[sflag:s14] =	ssyncset.done $0x0  }
0x285: {  	s28 =	sld [smem:$0x7FB];
	[sflag:s14] =	ssyncadd.s32 $0xFFFFB000  }
0x286: {  	[hbm4b:s26+s21] =	stream.strided.scatter [tilespmem:s10], [sflag:$0x7], $0x5000, s13, s21, $0x38;
	[tilespmem:$0x1F5A0] =	vst v63  }
0x287: {  	s0 =	simm.s32 @!p1 $0x2  }
0x288: {  	[hbm4b:s28+s21] =	stream.strided.scatter [tilespmem:s23], [sflag:$0xA], $0x5000, s13, s21, $0x38;
	[tilespmem:$0x1F5A0] =	vst v63  }
0x289: {  	_ =	swait.ge @!p1 [sflag:s0], $0x5000  }
0x28a: {  	[sflag:s0] =	ssyncset.done @!p1 $0x0  }
0x28b: {  	[sflag:s0] =	ssyncadd.s32 @!p1 $0xFFFFB000;
	s0 =	simm.s32 @!p1 $0x5  }
0x28c: {  	_ =	swait.ge @!p1 [sflag:s0], $0x5000  }
0x28d: {  	s25 =	sld [smem:$0x7FC]  }
0x28e: {  	[sflag:s0] =	ssyncset.done @!p1 $0x0  }
0x28f: {  	s26 =	sld [smem:$0x7FD];
	[sflag:s0] =	ssyncadd.s32 @!p1 $0xFFFFB000;
	s0 =	simm.s32 @!p1 $0x800  }
0x290: {  	[hbm4b:s25+s1] =	stream.strided.scatter @!p1 [tilespmem:s2], [sflag:$0x8], $0x5000, s0, s1, $0x38;
	[tilespmem:$0x1F5A0] =	vst v63  }
0x291: {  	s29 =	simm.s32 $0x8  }
0x292: {  	[hbm4b:s26+s1] =	stream.strided.scatter @!p1 [tilespmem:s9], [sflag:$0xB], $0x5000, s0, s1, $0x38;
	[tilespmem:$0x1F5A0] =	vst v63  }
0x293: {  	_ =	swait.ge [sflag:s29], $0x5000  }
0x294: {  	[sflag:s29] =	ssyncset.done $0x0  }
0x295: {  	s30 =	simm.s32 $0xB;
	[sflag:s29] =	ssyncadd.s32 $0xFFFFB000  }
0x296: {  	_ =	swait.ge [sflag:s30], $0x5000  }
0x297: {  	[sflag:s30] =	ssyncset.done $0x0  }
0x298: {  	[sflag:s30] =	ssyncadd.s32 $0xFFFFB000  }
0x299: {  	_ =	swait.ge [sflag:s7], $0x5000  }
0x29a: {  	[sflag:s7] =	ssyncset.done $0x0  }
0x29b: {  	[sflag:s7] =	ssyncadd.s32 $0xFFFFB000  }
0x29c: {  	_ =	swait.ge [sflag:s5], $0x5000  }
0x29d: {  	[sflag:s5] =	ssyncset.done $0x0  }
0x29e: {  	s11 =	simm.s32 $0x9;
	[sflag:s5] =	ssyncadd.s32 $0xFFFFB000  }
0x29f: {  	_ =	swait.ge [sflag:s11], $0x5000  }
0x2a0: {  	s31 =	sld [smem:$0x7C5];
	_ =	sdelay $0x2  }
0x2a1: {  	s25 =	sadd.s32 $0xFFFFFFFF, s31  }
0x2a2: {  	p3 =	sne.s32 s25, $0x0  }
.Ltmp1:
0x2a3: {  	_ = 	snop;
	(pc) =	sbr.rel @!p3 .LBB2_7-.Ltmp1, $4  }
0x2a4: {  	[sflag:s11] =	ssyncset.done $0x0  }
0x2a5: {  	[sflag:s11] =	ssyncadd.s32 $0xFFFFB000  }
0x2a6: {  	p2 =	por $0x1, $0x1;
	_ =	swait.ge [sflag:s8], $0x5000  }
0x2a7: {  	s11 =	simm.s32 $0x0;
	s26 =	rddreg [dreg:$0x7];
	[sflag:s8] =	ssyncset.done $0x0  }
0x2a8: {  	s9 =	simm.s32 $0xD  }
0x2a9: {  	s14 =	simm.s32 $0x10;
	s17 =	simm.s32 $0x12;
	s19 =	simm.s32 $0x2  }
0x2aa: {  	s24 =	simm.s32 $0x5;
	s15 =	simm.s32 $0x7;
	s22 =	simm.s32 $0x6  }
.LBB2_4:
0x2ab: {  	s0 =	sld [smem:$0x7C4]  }
0x2ac: {  	s25 =	sadd.s32 $0xFFFFFFFF, s25  }
0x2ad: {  	[sflag:s8] =	ssyncadd.s32 $0xFFFFB000;
	s6 =	simm.s32 @!p0 $0x1C13;
	[smem:$0x7C3] =	sst s25  }
0x2ae: {  	[spmem:s0], [sflag:s6] =	dma.local @!p0 [hbm:s26], $0x1F40  }
0x2af: {  	s0 =	simm.s32 @!p0 $0x13  }
0x2b0: {  	_ =	swait.ge @!p0 [sflag:s0], $0x1F40  }
0x2b1: {  	[sflag:s0] =	ssyncset.done @!p0 $0x0  }
0x2b2: {  	s30 =	simm.s32 $0x300;
	s29 =	rddreg [dreg:$0x8];
	[sflag:s0] =	ssyncadd.s32 @!p0 $0xFFFFE0C0  }
0x2b3: {  	[tilespmem:s30], [sflag:$0xD] =	stream.linear.gather [hbm4b:s29+s11], $0xA0, $0x38;
	[tilespmem:$0x1F5A0] =	vst v63  }
0x2b4: {  	s28 =	rddreg [dreg:$0x9]  }
0x2b5: {  	[tilespmem:s11], [sflag:$0x10] =	stream.linear.gather [hbm4b:s28+s11], $0xA0, $0x38;
	[tilespmem:$0x1F5A0] =	vst v63  }
0x2b6: {  	s31 =	rddreg [dreg:$0xa]  }
0x2b7: {  	[tilespmem:s21], [sflag:$0xE] =	stream.linear.gather [hbm4b:s31+s11], $0xA0, $0x38;
	[tilespmem:$0x1F5A0] =	vst v63  }
0x2b8: {  	s1 =	simm.s32 $0x100;
	s0 =	rddreg [dreg:$0xb]  }
0x2b9: {  	[tilespmem:s1], [sflag:$0x11] =	stream.linear.gather [hbm4b:s0+s11], $0xA0, $0x38;
	[tilespmem:$0x1F5A0] =	vst v63  }
0x2ba: {  	[bflag:$0x0] =	sbarrier.arrive $0xFFFF  }
0x2bb: {  	_ =	swait.ge [sflag:s9], $0xA0  }
0x2bc: {  	[sflag:s9] =	ssyncset.done $0x0  }
0x2bd: {  	[sflag:s9] =	ssyncadd.s32 $0xFFFFFF60  }
0x2be: {  	_ =	swait.ge [sflag:s14], $0xA0  }
0x2bf: {  	[sflag:s14] =	ssyncset.done $0x0  }
0x2c0: {  	s2 =	simm.s32 $0x300;
	[sflag:s14] =	ssyncadd.s32 $0xFFFFFF60  }
0x2c1: {  	s3 =	simm.s32 $0x600;
	s7 =	simm.s32 $0x0;
	s30 =	rddreg [dreg:$0x5]  }
0x2c2: {  	[tilespmem:s3], [sflag:$0x1] =	stream.indirect.gather [spmem:s30], $0x80, s2, s18, $0xb8;
	[tilespmem:$0x1F5A0] =	vst v63  }
0x2c3: {  	s4 =	simm.s32 $0xF600;
	s13 =	simm.s32 $0xE;
	s12 =	rddreg [dreg:$0x3]  }
0x2c4: {  	[tilespmem:s4], [sflag:$0x4] =	stream.indirect.gather [hbm4b:s12+s18], $0x80, s7, s18, $0xb8;
	[tilespmem:$0x1F5A0] =	vst v63  }
0x2c5: {  	_ =	swait.ge [sflag:s13], $0xA0  }
0x2c6: {  	[sflag:s13] =	ssyncset.done $0x0  }
0x2c7: {  	s31 =	simm.s32 $0x11;
	[sflag:s13] =	ssyncadd.s32 $0xFFFFFF60  }
0x2c8: {  	_ =	swait.ge [sflag:s31], $0xA0  }
0x2c9: {  	[sflag:s31] =	ssyncset.done $0x0  }
0x2ca: {  	s10 =	simm.s32 $0x5600;
	[sflag:s31] =	ssyncadd.s32 $0xFFFFFF60  }
0x2cb: {  	[tilespmem:s10], [sflag:$0x2] =	stream.indirect.gather [spmem:s30], $0x80, s21, s18, $0xb8;
	[tilespmem:$0x1F5A0] =	vst v63  }
0x2cc: {  	s6 =	simm.s32 $0x14600;
	s1 =	simm.s32 $0x100  }
0x2cd: {  	[tilespmem:s6], [sflag:$0x5] =	stream.indirect.gather [hbm4b:s12+s18], $0x80, s1, s18, $0xb8;
	[tilespmem:$0x1F5A0] =	vst v63  }
0x2ce: {  	s5 =	rddreg [dreg:$0xc];
	s10 =	simm.s32 $0x500  }
0x2cf: {  	[tilespmem:s10], [sflag:$0xF] =	stream.linear.gather [hbm4b:s5+s7], $0xA0, $0x38;
	[tilespmem:$0x1F5A0] =	vst v63  }
0x2d0: {  	s4 =	simm.s32 $0x1;
	s8 =	rddreg [dreg:$0xd];
	s18 =	simm.s32 $0x200  }
0x2d1: {  	[tilespmem:s18], [sflag:$0x12] =	stream.linear.gather [hbm4b:s8+s7], $0xA0, $0x38;
	[tilespmem:$0x1F5A0] =	vst v63  }
0x2d2: {  	_ =	swait.ge [sflag:s4], $0x5000  }
0x2d3: {  	[sflag:s4] =	ssyncset.done $0x0  }
0x2d4: {  	s3 =	simm.s32 $0x4;
	[sflag:s4] =	ssyncadd.s32 $0xFFFFB000  }
0x2d5: {  	_ =	swait.ge [sflag:s3], $0x5000  }
0x2d6: {  	s11 =	simm.s32 $0x600;
	[sflag:s3] =	ssyncset.done $0x0  }
0x2d7: {  	s2 =	simm.s32 $0x800;
	s23 =	rddreg [dreg:$0xe];
	[sflag:s3] =	ssyncadd.s32 $0xFFFFB000  }
0x2d8: {  	[hbm4b:s23+s21] =	stream.strided.scatter [tilespmem:s11], [sflag:$0x7], $0x5000, s2, s21, $0x38;
	[tilespmem:$0x1F5A0] =	vst v63  }
0x2d9: {  	p3 =	sne.s32 s25, $0x0;
	s25 =	simm.s32 $0xF600;
	s0 =	rddreg [dreg:$0xf]  }
0x2da: {  	[hbm4b:s0+s21] =	stream.strided.scatter [tilespmem:s25], [sflag:$0xA], $0x5000, s2, s21, $0x38;
	[tilespmem:$0x1F5A0] =	vst v63  }
0x2db: {  	s25 =	simm.s32 $0xF  }
0x2dc: {  	_ =	swait.ge [sflag:s25], $0xA0  }
0x2dd: {  	[sflag:s25] =	ssyncset.done $0x0  }
0x2de: {  	[sflag:s25] =	ssyncadd.s32 $0xFFFFFF60  }
0x2df: {  	_ =	swait.ge [sflag:s17], $0xA0  }
0x2e0: {  	s16 =	simm.s32 $0x500;
	[sflag:s17] =	ssyncset.done $0x0  }
0x2e1: {  	s5 =	simm.s32 $0xA600;
	s2 =	simm.s32 $0xA0;
	[sflag:s17] =	ssyncadd.s32 $0xFFFFFF60  }
0x2e2: {  	[tilespmem:s5], [sflag:$0x3] =	stream.indirect.gather [spmem:s30], $0x80, s16, s2, $0xb8;
	[tilespmem:$0x1F5A0] =	vst v63  }
0x2e3: {  	s20 =	simm.s32 $0x200;
	s16 =	simm.s32 $0x19600  }
0x2e4: {  	[tilespmem:s16], [sflag:$0x6] =	stream.indirect.gather [hbm4b:s12+s2], $0x80, s20, s2, $0xb8;
	[tilespmem:$0x1F5A0] =	vst v63  }
0x2e5: {  	s0 =	simm.s32 $0x300;
	s6 =	rddreg [dreg:$0x10]  }
0x2e6: {  	[tilespmem:s0], [sflag:$0xD] =	stream.linear.gather [hbm4b:s6+s7], $0xA0, $0x38;
	[tilespmem:$0x1F5A0] =	vst v63  }
0x2e7: {  	s20 =	rddreg [dreg:$0x11]  }
0x2e8: {  	[tilespmem:s7], [sflag:$0x10] =	stream.linear.gather [hbm4b:s20+s7], $0xA0, $0x38;
	[tilespmem:$0x1F5A0] =	vst v63  }
0x2e9: {  	_ =	swait.ge [sflag:s19], $0x5000  }
0x2ea: {  	[sflag:s19] =	ssyncset.done $0x0  }
0x2eb: {  	[sflag:s19] =	ssyncadd.s32 $0xFFFFB000  }
0x2ec: {  	_ =	swait.ge [sflag:s24], $0x5000  }
0x2ed: {  	s1 =	simm.s32 $0x5600;
	[sflag:s24] =	ssyncset.done $0x0  }
0x2ee: {  	s18 =	simm.s32 $0x800;
	s16 =	rddreg [dreg:$0x12];
	[sflag:s24] =	ssyncadd.s32 $0xFFFFB000  }
0x2ef: {  	[hbm4b:s16+s21] =	stream.strided.scatter [tilespmem:s1], [sflag:$0x8], $0x5000, s18, s21, $0x38;
	[tilespmem:$0x1F5A0] =	vst v63  }
0x2f0: {  	s29 =	simm.s32 $0x14600;
	s20 =	rddreg [dreg:$0x13]  }
0x2f1: {  	[hbm4b:s20+s21] =	stream.strided.scatter [tilespmem:s29], [sflag:$0xB], $0x5000, s18, s21, $0x38;
	[tilespmem:$0x1F5A0] =	vst v63  }
0x2f2: {  	_ =	swait.ge [sflag:s15], $0x5000  }
0x2f3: {  	[sflag:s15] =	ssyncset.done $0x0  }
0x2f4: {  	s5 =	simm.s32 $0xA;
	[sflag:s15] =	ssyncadd.s32 $0xFFFFB000  }
0x2f5: {  	_ =	swait.ge [sflag:s5], $0x5000  }
0x2f6: {  	[sflag:s5] =	ssyncset.done $0x0  }
0x2f7: {  	[sflag:s5] =	ssyncadd.s32 $0xFFFFB000  }
0x2f8: {  	_ =	swait.ge [sflag:s9], $0xA0  }
0x2f9: {  	[sflag:s9] =	ssyncset.done $0x0  }
0x2fa: {  	[sflag:s9] =	ssyncadd.s32 $0xFFFFFF60  }
0x2fb: {  	_ =	swait.ge [sflag:s14], $0xA0  }
0x2fc: {  	[sflag:s14] =	ssyncset.done $0x0  }
0x2fd: {  	s11 =	simm.s32 $0x600;
	[sflag:s14] =	ssyncadd.s32 $0xFFFFFF60  }
0x2fe: {  	[tilespmem:s11], [sflag:$0x1] =	stream.indirect.gather [spmem:s30], $0x80, s0, s2, $0xb8;
	[tilespmem:$0x1F5A0] =	vst v63  }
0x2ff: {  	s8 =	simm.s32 $0xF600  }
0x300: {  	[tilespmem:s8], [sflag:$0x4] =	stream.indirect.gather [hbm4b:s12+s2], $0x80, s7, s2, $0xb8;
	[tilespmem:$0x1F5A0] =	vst v63  }
0x301: {  	s0 =	rddreg [dreg:$0x14]  }
0x302: {  	[tilespmem:s21], [sflag:$0xE] =	stream.linear.gather [hbm4b:s0+s7], $0xA0, $0x38;
	[tilespmem:$0x1F5A0] =	vst v63  }
0x303: {  	s16 =	simm.s32 $0x100;
	s29 =	simm.s32 $0x3;
	s6 =	rddreg [dreg:$0x15]  }
0x304: {  	[tilespmem:s16], [sflag:$0x11] =	stream.linear.gather [hbm4b:s6+s7], $0xA0, $0x38;
	[tilespmem:$0x1F5A0] =	vst v63  }
0x305: {  	_ =	swait.ge [sflag:s29], $0x5000  }
0x306: {  	[sflag:s29] =	ssyncset.done $0x0  }
0x307: {  	[sflag:s29] =	ssyncadd.s32 $0xFFFFB000  }
0x308: {  	_ =	swait.ge [sflag:s22], $0x5000  }
0x309: {  	[sflag:s22] =	ssyncset.done $0x0  }
0x30a: {  	s23 =	simm.s32 $0xA600;
	s20 =	rddreg [dreg:$0x16];
	[sflag:s22] =	ssyncadd.s32 $0xFFFFB000  }
0x30b: {  	[hbm4b:s20+s21] =	stream.strided.scatter [tilespmem:s23], [sflag:$0x9], $0x5000, s18, s21, $0x38;
	[tilespmem:$0x1F5A0] =	vst v63  }
0x30c: {  	s10 =	simm.s32 $0x19600;
	s0 =	rddreg [dreg:$0x17]  }
0x30d: {  	[hbm4b:s0+s21] =	stream.strided.scatter [tilespmem:s10], [sflag:$0xC], $0x5000, s18, s21, $0x38;
	[tilespmem:$0x1F5A0] =	vst v63  }
0x30e: {  	s21 =	simm.s32 $0x8  }
0x30f: {  	_ =	swait.ge [sflag:s21], $0x5000  }
0x310: {  	[sflag:s21] =	ssyncset.done $0x0  }
0x311: {  	s10 =	simm.s32 $0xB;
	[sflag:s21] =	ssyncadd.s32 $0xFFFFB000  }
0x312: {  	_ =	swait.ge [sflag:s10], $0x5000  }
0x313: {  	[sflag:s10] =	ssyncset.done $0x0  }
0x314: {  	[sflag:s10] =	ssyncadd.s32 $0xFFFFB000  }
0x315: {  	_ =	swait.ge [sflag:s13], $0xA0  }
0x316: {  	[sflag:s13] =	ssyncset.done $0x0  }
0x317: {  	[sflag:s13] =	ssyncadd.s32 $0xFFFFFF60  }
0x318: {  	_ =	swait.ge [sflag:s31], $0xA0  }
0x319: {  	[sflag:s31] =	ssyncset.done $0x0  }
0x31a: {  	s0 =	simm.s32 $0x400;
	[sflag:s31] =	ssyncadd.s32 $0xFFFFFF60  }
0x31b: {  	[tilespmem:s1], [sflag:$0x2] =	stream.indirect.gather [spmem:s30], $0x80, s0, s2, $0xb8;
	[tilespmem:$0x1F5A0] =	vst v63  }
0x31c: {  	s23 =	simm.s32 $0x14600  }
0x31d: {  	[tilespmem:s23], [sflag:$0x5] =	stream.indirect.gather [hbm4b:s12+s2], $0x80, s16, s2, $0xb8;
	[tilespmem:$0x1F5A0] =	vst v63  }
0x31e: {  	s6 =	simm.s32 $0x500;
	s1 =	rddreg [dreg:$0x18]  }
0x31f: {  	[tilespmem:s6], [sflag:$0xF] =	stream.linear.gather [hbm4b:s1+s7], $0xA0, $0x38;
	[tilespmem:$0x1F5A0] =	vst v63  }
0x320: {  	s16 =	rddreg [dreg:$0x19];
	s1 =	simm.s32 $0x200  }
0x321: {  	[tilespmem:s1], [sflag:$0x12] =	stream.linear.gather [hbm4b:s16+s7], $0xA0, $0x38;
	[tilespmem:$0x1F5A0] =	vst v63  }
0x322: {  	_ =	swait.ge [sflag:s4], $0x5000  }
0x323: {  	[sflag:s4] =	ssyncset.done $0x0  }
0x324: {  	[sflag:s4] =	ssyncadd.s32 $0xFFFFB000  }
0x325: {  	_ =	swait.ge [sflag:s3], $0x5000  }
0x326: {  	[sflag:s3] =	ssyncset.done $0x0  }
0x327: {  	s11 =	simm.s32 $0x600;
	s26 =	rddreg [dreg:$0x1a];
	[sflag:s3] =	ssyncadd.s32 $0xFFFFB000  }
0x328: {  	[hbm4b:s26+s0] =	stream.strided.scatter [tilespmem:s11], [sflag:$0x7], $0x5000, s18, s0, $0x38;
	[tilespmem:$0x1F5A0] =	vst v63  }
0x329: {  	s8 =	simm.s32 $0xF600;
	s16 =	rddreg [dreg:$0x1b]  }
0x32a: {  	[hbm4b:s16+s0] =	stream.strided.scatter [tilespmem:s8], [sflag:$0xA], $0x5000, s18, s0, $0x38;
	[tilespmem:$0x1F5A0] =	vst v63  }
0x32b: {  	s16 =	simm.s32 $0x9  }
0x32c: {  	_ =	swait.ge [sflag:s16], $0x5000  }
0x32d: {  	[sflag:s16] =	ssyncset.done $0x0  }
0x32e: {  	s28 =	simm.s32 $0xC;
	[sflag:s16] =	ssyncadd.s32 $0xFFFFB000  }
0x32f: {  	s8 =	simm.s32 $0xC;
	_ =	swait.ge [sflag:s28], $0x5000  }
0x330: {  	s11 =	simm.s32 $0xC;
	[sflag:s8] =	ssyncset.done $0x0  }
0x331: {  	[sflag:s11] =	ssyncadd.s32 $0xFFFFB000  }
0x332: {  	_ =	swait.ge [sflag:s25], $0xA0  }
0x333: {  	[sflag:s25] =	ssyncset.done $0x0  }
0x334: {  	[sflag:s25] =	ssyncadd.s32 $0xFFFFFF60  }
0x335: {  	_ =	swait.ge [sflag:s17], $0xA0  }
0x336: {  	[sflag:s17] =	ssyncset.done $0x0  }
0x337: {  	s20 =	simm.s32 $0xA600;
	[sflag:s17] =	ssyncadd.s32 $0xFFFFFF60  }
0x338: {  	[tilespmem:s20], [sflag:$0x3] =	stream.indirect.gather [spmem:s30], $0x80, s6, s2, $0xb8;
	[tilespmem:$0x1F5A0] =	vst v63  }
0x339: {  	s28 =	simm.s32 $0x19600  }
0x33a: {  	[tilespmem:s28], [sflag:$0x6] =	stream.indirect.gather [hbm4b:s12+s2], $0x80, s1, s2, $0xb8;
	[tilespmem:$0x1F5A0] =	vst v63  }
0x33b: {  	s26 =	rddreg [dreg:$0x1c];
	s1 =	simm.s32 $0x300  }
0x33c: {  	[tilespmem:s1], [sflag:$0xD] =	stream.linear.gather [hbm4b:s26+s7], $0xA0, $0x38;
	[tilespmem:$0x1F5A0] =	vst v63  }
0x33d: {  	s20 =	rddreg [dreg:$0x1d]  }
0x33e: {  	[tilespmem:s7], [sflag:$0x10] =	stream.linear.gather [hbm4b:s20+s7], $0xA0, $0x38;
	[tilespmem:$0x1F5A0] =	vst v63  }
0x33f: {  	_ =	swait.ge [sflag:s19], $0x5000  }
0x340: {  	[sflag:s19] =	ssyncset.done $0x0  }
0x341: {  	[sflag:s19] =	ssyncadd.s32 $0xFFFFB000  }
0x342: {  	_ =	swait.ge [sflag:s24], $0x5000  }
0x343: {  	[sflag:s24] =	ssyncset.done $0x0  }
0x344: {  	s20 =	simm.s32 $0x5600;
	s26 =	rddreg [dreg:$0x1e];
	[sflag:s24] =	ssyncadd.s32 $0xFFFFB000  }
0x345: {  	[hbm4b:s26+s0] =	stream.strided.scatter [tilespmem:s20], [sflag:$0x8], $0x5000, s18, s0, $0x38;
	[tilespmem:$0x1F5A0] =	vst v63  }
0x346: {  	s28 =	rddreg [dreg:$0x1f]  }
0x347: {  	[hbm4b:s28+s0] =	stream.strided.scatter [tilespmem:s23], [sflag:$0xB], $0x5000, s18, s0, $0x38;
	[tilespmem:$0x1F5A0] =	vst v63  }
0x348: {  	_ =	swait.ge [sflag:s15], $0x5000  }
0x349: {  	[sflag:s15] =	ssyncset.done $0x0  }
0x34a: {  	[sflag:s15] =	ssyncadd.s32 $0xFFFFB000  }
0x34b: {  	_ =	swait.ge [sflag:s5], $0x5000  }
0x34c: {  	[sflag:s5] =	ssyncset.done $0x0  }
0x34d: {  	[sflag:s5] =	ssyncadd.s32 $0xFFFFB000  }
0x34e: {  	_ =	swait.ge [sflag:s9], $0xA0  }
0x34f: {  	[sflag:s9] =	ssyncset.done $0x0  }
0x350: {  	[sflag:s9] =	ssyncadd.s32 $0xFFFFFF60  }
0x351: {  	_ =	swait.ge [sflag:s14], $0xA0  }
0x352: {  	[sflag:s14] =	ssyncset.done $0x0  }
0x353: {  	s28 =	simm.s32 $0x600;
	[sflag:s14] =	ssyncadd.s32 $0xFFFFFF60  }
0x354: {  	[tilespmem:s28], [sflag:$0x1] =	stream.indirect.gather [spmem:s30], $0x80, s1, s2, $0xb8;
	[tilespmem:$0x1F5A0] =	vst v63  }
0x355: {  	s20 =	simm.s32 $0xF600;
	s26 =	sld [smem:$0x7C6]  }
0x356: {  	[tilespmem:s20], [sflag:$0x4] =	stream.indirect.gather [hbm4b:s12+s2], $0x80, s7, s2, $0xb8;
	[tilespmem:$0x1F5A0] =	vst v63  }
0x357: {  	s28 =	sld [smem:$0x7C7]  }
0x358: {  	[tilespmem:s0], [sflag:$0xE] =	stream.linear.gather [hbm4b:s26+s7], $0xA0, $0x38;
	[tilespmem:$0x1F5A0] =	vst v63  }
0x359: {  	s1 =	simm.s32 $0x100  }
0x35a: {  	[tilespmem:s1], [sflag:$0x11] =	stream.linear.gather [hbm4b:s28+s7], $0xA0, $0x38;
	[tilespmem:$0x1F5A0] =	vst v63  }
0x35b: {  	_ =	swait.ge [sflag:s29], $0x5000  }
0x35c: {  	[sflag:s29] =	ssyncset.done $0x0  }
0x35d: {  	[sflag:s29] =	ssyncadd.s32 $0xFFFFB000  }
0x35e: {  	_ =	swait.ge [sflag:s22], $0x5000  }
0x35f: {  	s26 =	sld [smem:$0x7C8]  }
0x360: {  	[sflag:s22] =	ssyncset.done $0x0  }
0x361: {  	s11 =	simm.s32 $0xA600;
	s28 =	sld [smem:$0x7C9];
	[sflag:s22] =	ssyncadd.s32 $0xFFFFB000  }
0x362: {  	[hbm4b:s26+s0] =	stream.strided.scatter [tilespmem:s11], [sflag:$0x9], $0x5000, s18, s0, $0x38;
	[tilespmem:$0x1F5A0] =	vst v63  }
0x363: {  	s8 =	simm.s32 $0x19600  }
0x364: {  	[hbm4b:s28+s0] =	stream.strided.scatter [tilespmem:s8], [sflag:$0xC], $0x5000, s18, s0, $0x38;
	[tilespmem:$0x1F5A0] =	vst v63  }
0x365: {  	_ =	swait.ge [sflag:s21], $0x5000  }
0x366: {  	[sflag:s21] =	ssyncset.done $0x0  }
0x367: {  	[sflag:s21] =	ssyncadd.s32 $0xFFFFB000  }
0x368: {  	_ =	swait.ge [sflag:s10], $0x5000  }
0x369: {  	[sflag:s10] =	ssyncset.done $0x0  }
0x36a: {  	[sflag:s10] =	ssyncadd.s32 $0xFFFFB000  }
0x36b: {  	_ =	swait.ge [sflag:s13], $0xA0  }
0x36c: {  	[sflag:s13] =	ssyncset.done $0x0  }
0x36d: {  	[sflag:s13] =	ssyncadd.s32 $0xFFFFFF60  }
0x36e: {  	_ =	swait.ge [sflag:s31], $0xA0  }
0x36f: {  	[sflag:s31] =	ssyncset.done $0x0  }
0x370: {  	s28 =	simm.s32 $0x5600;
	[sflag:s31] =	ssyncadd.s32 $0xFFFFFF60  }
0x371: {  	[tilespmem:s28], [sflag:$0x2] =	stream.indirect.gather [spmem:s30], $0x80, s0, s2, $0xb8;
	[tilespmem:$0x1F5A0] =	vst v63  }
0x372: {  	s23 =	simm.s32 $0x14600;
	s11 =	sld [smem:$0x7CA]  }
0x373: {  	[tilespmem:s23], [sflag:$0x5] =	stream.indirect.gather [hbm4b:s12+s2], $0x80, s1, s2, $0xb8;
	[tilespmem:$0x1F5A0] =	vst v63  }
0x374: {  	s1 =	sld [smem:$0x7CB]  }
0x375: {  	[tilespmem:s6], [sflag:$0xF] =	stream.linear.gather [hbm4b:s11+s7], $0xA0, $0x38;
	[tilespmem:$0x1F5A0] =	vst v63  }
0x376: {  	s23 =	simm.s32 $0x200  }
0x377: {  	[tilespmem:s23], [sflag:$0x12] =	stream.linear.gather [hbm4b:s1+s7], $0xA0, $0x38;
	[tilespmem:$0x1F5A0] =	vst v63  }
0x378: {  	_ =	swait.ge [sflag:s4], $0x5000  }
0x379: {  	[sflag:s4] =	ssyncset.done $0x0  }
0x37a: {  	[sflag:s4] =	ssyncadd.s32 $0xFFFFB000  }
0x37b: {  	_ =	swait.ge [sflag:s3], $0x5000  }
0x37c: {  	s1 =	sld [smem:$0x7CC]  }
0x37d: {  	[sflag:s3] =	ssyncset.done $0x0  }
0x37e: {  	s6 =	simm.s32 $0x600;
	s28 =	sld [smem:$0x7CD];
	[sflag:s3] =	ssyncadd.s32 $0xFFFFB000  }
0x37f: {  	[hbm4b:s1+s0] =	stream.strided.scatter [tilespmem:s6], [sflag:$0x7], $0x5000, s18, s0, $0x38;
	[tilespmem:$0x1F5A0] =	vst v63  }
0x380: {  	s20 =	simm.s32 $0xF600  }
0x381: {  	[hbm4b:s28+s0] =	stream.strided.scatter [tilespmem:s20], [sflag:$0xA], $0x5000, s18, s0, $0x38;
	[tilespmem:$0x1F5A0] =	vst v63  }
0x382: {  	_ =	swait.ge [sflag:s16], $0x5000  }
0x383: {  	[sflag:s16] =	ssyncset.done $0x0  }
0x384: {  	s26 =	simm.s32 $0xC;
	[sflag:s16] =	ssyncadd.s32 $0xFFFFB000  }
0x385: {  	s28 =	simm.s32 $0xC;
	_ =	swait.ge [sflag:s26], $0x5000  }
0x386: {  	s6 =	simm.s32 $0xC;
	[sflag:s28] =	ssyncset.done $0x0  }
0x387: {  	[sflag:s6] =	ssyncadd.s32 $0xFFFFB000  }
0x388: {  	_ =	swait.ge [sflag:s25], $0xA0  }
0x389: {  	[sflag:s25] =	ssyncset.done $0x0  }
0x38a: {  	[sflag:s25] =	ssyncadd.s32 $0xFFFFFF60  }
0x38b: {  	_ =	swait.ge [sflag:s17], $0xA0  }
0x38c: {  	[sflag:s17] =	ssyncset.done $0x0  }
0x38d: {  	s11 =	simm.s32 $0x500;
	s20 =	simm.s32 $0xA600;
	[sflag:s17] =	ssyncadd.s32 $0xFFFFFF60  }
0x38e: {  	[tilespmem:s20], [sflag:$0x3] =	stream.indirect.gather [spmem:s30], $0x80, s11, s2, $0xb8;
	[tilespmem:$0x1F5A0] =	vst v63  }
0x38f: {  	s1 =	simm.s32 $0x19600;
	s11 =	sld [smem:$0x7CE]  }
0x390: {  	[tilespmem:s1], [sflag:$0x6] =	stream.indirect.gather [hbm4b:s12+s2], $0x80, s23, s2, $0xb8;
	[tilespmem:$0x1F5A0] =	vst v63  }
0x391: {  	s6 =	simm.s32 $0x300;
	s23 =	smov.u32 s12;
	s12 =	sld [smem:$0x7CF]  }
0x392: {  	[tilespmem:s6], [sflag:$0xD] =	stream.linear.gather [hbm4b:s11+s7], $0xA0, $0x38;
	[tilespmem:$0x1F5A0] =	vst v63  }
0x393: {  	_ = 	snop  }
0x394: {  	[tilespmem:s7], [sflag:$0x10] =	stream.linear.gather [hbm4b:s12+s7], $0xA0, $0x38;
	[tilespmem:$0x1F5A0] =	vst v63  }
0x395: {  	_ =	swait.ge [sflag:s19], $0x5000  }
0x396: {  	[sflag:s19] =	ssyncset.done $0x0  }
0x397: {  	[sflag:s19] =	ssyncadd.s32 $0xFFFFB000  }
0x398: {  	_ =	swait.ge [sflag:s24], $0x5000  }
0x399: {  	s11 =	sld [smem:$0x7D0]  }
0x39a: {  	[sflag:s24] =	ssyncset.done $0x0  }
0x39b: {  	s12 =	simm.s32 $0x5600;
	s28 =	sld [smem:$0x7D1];
	[sflag:s24] =	ssyncadd.s32 $0xFFFFB000  }
0x39c: {  	[hbm4b:s11+s0] =	stream.strided.scatter [tilespmem:s12], [sflag:$0x8], $0x5000, s18, s0, $0x38;
	[tilespmem:$0x1F5A0] =	vst v63  }
0x39d: {  	s8 =	simm.s32 $0x14600  }
0x39e: {  	[hbm4b:s28+s0] =	stream.strided.scatter [tilespmem:s8], [sflag:$0xB], $0x5000, s18, s0, $0x38;
	[tilespmem:$0x1F5A0] =	vst v63  }
0x39f: {  	_ =	swait.ge [sflag:s15], $0x5000  }
0x3a0: {  	[sflag:s15] =	ssyncset.done $0x0  }
0x3a1: {  	[sflag:s15] =	ssyncadd.s32 $0xFFFFB000  }
0x3a2: {  	_ =	swait.ge [sflag:s5], $0x5000  }
0x3a3: {  	[sflag:s5] =	ssyncset.done $0x0  }
0x3a4: {  	[sflag:s5] =	ssyncadd.s32 $0xFFFFB000  }
0x3a5: {  	_ =	swait.ge [sflag:s9], $0xA0  }
0x3a6: {  	[sflag:s9] =	ssyncset.done $0x0  }
0x3a7: {  	[sflag:s9] =	ssyncadd.s32 $0xFFFFFF60  }
0x3a8: {  	_ =	swait.ge [sflag:s14], $0xA0  }
0x3a9: {  	[sflag:s14] =	ssyncset.done $0x0  }
0x3aa: {  	s8 =	simm.s32 $0x600;
	[sflag:s14] =	ssyncadd.s32 $0xFFFFFF60  }
0x3ab: {  	[tilespmem:s8], [sflag:$0x1] =	stream.indirect.gather [spmem:s30], $0x80, s6, s2, $0xb8;
	[tilespmem:$0x1F5A0] =	vst v63  }
0x3ac: {  	s28 =	simm.s32 $0xF600;
	s26 =	sld [smem:$0x7D2]  }
0x3ad: {  	[tilespmem:s28], [sflag:$0x4] =	stream.indirect.gather [hbm4b:s23+s2], $0x80, s7, s2, $0xb8;
	[tilespmem:$0x1F5A0] =	vst v63  }
0x3ae: {  	s28 =	sld [smem:$0x7D3]  }
0x3af: {  	[tilespmem:s0], [sflag:$0xE] =	stream.linear.gather [hbm4b:s26+s7], $0xA0, $0x38;
	[tilespmem:$0x1F5A0] =	vst v63  }
0x3b0: {  	s6 =	simm.s32 $0x100  }
0x3b1: {  	[tilespmem:s6], [sflag:$0x11] =	stream.linear.gather [hbm4b:s28+s7], $0xA0, $0x38;
	[tilespmem:$0x1F5A0] =	vst v63  }
0x3b2: {  	_ =	swait.ge [sflag:s29], $0x5000  }
0x3b3: {  	[sflag:s29] =	ssyncset.done $0x0  }
0x3b4: {  	[sflag:s29] =	ssyncadd.s32 $0xFFFFB000  }
0x3b5: {  	_ =	swait.ge [sflag:s22], $0x5000  }
0x3b6: {  	s26 =	sld [smem:$0x7D4]  }
0x3b7: {  	[sflag:s22] =	ssyncset.done $0x0  }
0x3b8: {  	s28 =	sld [smem:$0x7D5];
	[sflag:s22] =	ssyncadd.s32 $0xFFFFB000  }
0x3b9: {  	[hbm4b:s26+s0] =	stream.strided.scatter [tilespmem:s20], [sflag:$0x9], $0x5000, s18, s0, $0x38;
	[tilespmem:$0x1F5A0] =	vst v63  }
0x3ba: {  	_ = 	snop  }
0x3bb: {  	[hbm4b:s28+s0] =	stream.strided.scatter [tilespmem:s1], [sflag:$0xC], $0x5000, s18, s0, $0x38;
	[tilespmem:$0x1F5A0] =	vst v63  }
0x3bc: {  	_ =	swait.ge [sflag:s21], $0x5000  }
0x3bd: {  	[sflag:s21] =	ssyncset.done $0x0  }
0x3be: {  	[sflag:s21] =	ssyncadd.s32 $0xFFFFB000  }
0x3bf: {  	_ =	swait.ge [sflag:s10], $0x5000  }
0x3c0: {  	[sflag:s10] =	ssyncset.done $0x0  }
0x3c1: {  	[sflag:s10] =	ssyncadd.s32 $0xFFFFB000  }
0x3c2: {  	_ =	swait.ge [sflag:s13], $0xA0  }
0x3c3: {  	[sflag:s13] =	ssyncset.done $0x0  }
0x3c4: {  	[sflag:s13] =	ssyncadd.s32 $0xFFFFFF60  }
0x3c5: {  	_ =	swait.ge [sflag:s31], $0xA0  }
0x3c6: {  	[sflag:s31] =	ssyncset.done $0x0  }
0x3c7: {  	s11 =	simm.s32 $0x5600;
	[sflag:s31] =	ssyncadd.s32 $0xFFFFFF60  }
0x3c8: {  	[tilespmem:s11], [sflag:$0x2] =	stream.indirect.gather [spmem:s30], $0x80, s0, s2, $0xb8;
	[tilespmem:$0x1F5A0] =	vst v63  }
0x3c9: {  	s12 =	simm.s32 $0x14600;
	s11 =	sld [smem:$0x7D6]  }
0x3ca: {  	[tilespmem:s12], [sflag:$0x5] =	stream.indirect.gather [hbm4b:s23+s2], $0x80, s6, s2, $0xb8;
	[tilespmem:$0x1F5A0] =	vst v63  }
0x3cb: {  	s1 =	sld [smem:$0x7D7];
	s6 =	simm.s32 $0x500  }
0x3cc: {  	[tilespmem:s6], [sflag:$0xF] =	stream.linear.gather [hbm4b:s11+s7], $0xA0, $0x38;
	[tilespmem:$0x1F5A0] =	vst v63  }
0x3cd: {  	s11 =	simm.s32 $0x200  }
0x3ce: {  	[tilespmem:s11], [sflag:$0x12] =	stream.linear.gather [hbm4b:s1+s7], $0xA0, $0x38;
	[tilespmem:$0x1F5A0] =	vst v63  }
0x3cf: {  	_ =	swait.ge [sflag:s4], $0x5000  }
0x3d0: {  	[sflag:s4] =	ssyncset.done $0x0  }
0x3d1: {  	[sflag:s4] =	ssyncadd.s32 $0xFFFFB000  }
0x3d2: {  	_ =	swait.ge [sflag:s3], $0x5000  }
0x3d3: {  	s26 =	sld [smem:$0x7D8]  }
0x3d4: {  	[sflag:s3] =	ssyncset.done $0x0  }
0x3d5: {  	s1 =	sld [smem:$0x7D9];
	[sflag:s3] =	ssyncadd.s32 $0xFFFFB000  }
0x3d6: {  	[hbm4b:s26+s0] =	stream.strided.scatter [tilespmem:s8], [sflag:$0x7], $0x5000, s18, s0, $0x38;
	[tilespmem:$0x1F5A0] =	vst v63  }
0x3d7: {  	s26 =	simm.s32 $0xF600  }
0x3d8: {  	[hbm4b:s1+s0] =	stream.strided.scatter [tilespmem:s26], [sflag:$0xA], $0x5000, s18, s0, $0x38;
	[tilespmem:$0x1F5A0] =	vst v63  }
0x3d9: {  	_ =	swait.ge [sflag:s16], $0x5000  }
0x3da: {  	[sflag:s16] =	ssyncset.done $0x0  }
0x3db: {  	s28 =	simm.s32 $0xC;
	[sflag:s16] =	ssyncadd.s32 $0xFFFFB000  }
0x3dc: {  	s8 =	simm.s32 $0xC;
	_ =	swait.ge [sflag:s28], $0x5000  }
0x3dd: {  	s26 =	simm.s32 $0xC;
	[sflag:s8] =	ssyncset.done $0x0  }
0x3de: {  	[sflag:s26] =	ssyncadd.s32 $0xFFFFB000  }
0x3df: {  	_ =	swait.ge [sflag:s25], $0xA0  }
0x3e0: {  	[sflag:s25] =	ssyncset.done $0x0  }
0x3e1: {  	[sflag:s25] =	ssyncadd.s32 $0xFFFFFF60  }
0x3e2: {  	_ =	swait.ge [sflag:s17], $0xA0  }
0x3e3: {  	[sflag:s17] =	ssyncset.done $0x0  }
0x3e4: {  	s28 =	simm.s32 $0xA600;
	[sflag:s17] =	ssyncadd.s32 $0xFFFFFF60  }
0x3e5: {  	[tilespmem:s28], [sflag:$0x3] =	stream.indirect.gather [spmem:s30], $0x80, s6, s2, $0xb8;
	[tilespmem:$0x1F5A0] =	vst v63  }
0x3e6: {  	s26 =	sld [smem:$0x7DA];
	s6 =	simm.s32 $0x19600  }
0x3e7: {  	[tilespmem:s6], [sflag:$0x6] =	stream.indirect.gather [hbm4b:s23+s2], $0x80, s11, s2, $0xb8;
	[tilespmem:$0x1F5A0] =	vst v63  }
0x3e8: {  	s1 =	simm.s32 $0x300;
	s11 =	sld [smem:$0x7DB]  }
0x3e9: {  	[tilespmem:s1], [sflag:$0xD] =	stream.linear.gather [hbm4b:s26+s7], $0xA0, $0x38;
	[tilespmem:$0x1F5A0] =	vst v63  }
0x3ea: {  	_ = 	snop  }
0x3eb: {  	[tilespmem:s7], [sflag:$0x10] =	stream.linear.gather [hbm4b:s11+s7], $0xA0, $0x38;
	[tilespmem:$0x1F5A0] =	vst v63  }
0x3ec: {  	_ =	swait.ge [sflag:s19], $0x5000  }
0x3ed: {  	[sflag:s19] =	ssyncset.done $0x0  }
0x3ee: {  	[sflag:s19] =	ssyncadd.s32 $0xFFFFB000  }
0x3ef: {  	_ =	swait.ge [sflag:s24], $0x5000  }
0x3f0: {  	s26 =	sld [smem:$0x7DC]  }
0x3f1: {  	[sflag:s24] =	ssyncset.done $0x0  }
0x3f2: {  	s20 =	simm.s32 $0x5600;
	s11 =	sld [smem:$0x7DD];
	[sflag:s24] =	ssyncadd.s32 $0xFFFFB000  }
0x3f3: {  	[hbm4b:s26+s0] =	stream.strided.scatter [tilespmem:s20], [sflag:$0x8], $0x5000, s18, s0, $0x38;
	[tilespmem:$0x1F5A0] =	vst v63  }
0x3f4: {  	s12 =	simm.s32 $0x14600  }
0x3f5: {  	[hbm4b:s11+s0] =	stream.strided.scatter [tilespmem:s12], [sflag:$0xB], $0x5000, s18, s0, $0x38;
	[tilespmem:$0x1F5A0] =	vst v63  }
0x3f6: {  	_ =	swait.ge [sflag:s15], $0x5000  }
0x3f7: {  	[sflag:s15] =	ssyncset.done $0x0  }
0x3f8: {  	[sflag:s15] =	ssyncadd.s32 $0xFFFFB000  }
0x3f9: {  	_ =	swait.ge [sflag:s5], $0x5000  }
0x3fa: {  	[sflag:s5] =	ssyncset.done $0x0  }
0x3fb: {  	[sflag:s5] =	ssyncadd.s32 $0xFFFFB000  }
0x3fc: {  	_ =	swait.ge [sflag:s9], $0xA0  }
0x3fd: {  	[sflag:s9] =	ssyncset.done $0x0  }
0x3fe: {  	[sflag:s9] =	ssyncadd.s32 $0xFFFFFF60  }
0x3ff: {  	_ =	swait.ge [sflag:s14], $0xA0  }
0x400: {  	[sflag:s14] =	ssyncset.done $0x0  }
0x401: {  	s28 =	simm.s32 $0x600;
	[sflag:s14] =	ssyncadd.s32 $0xFFFFFF60  }
0x402: {  	[tilespmem:s28], [sflag:$0x1] =	stream.indirect.gather [spmem:s30], $0x80, s1, s2, $0xb8;
	[tilespmem:$0x1F5A0] =	vst v63  }
0x403: {  	s12 =	sld [smem:$0x7DE];
	s1 =	simm.s32 $0xF600  }
0x404: {  	[tilespmem:s1], [sflag:$0x4] =	stream.indirect.gather [hbm4b:s23+s2], $0x80, s7, s2, $0xb8;
	[tilespmem:$0x1F5A0] =	vst v63  }
0x405: {  	s28 =	sld [smem:$0x7DF]  }
0x406: {  	[tilespmem:s0], [sflag:$0xE] =	stream.linear.gather [hbm4b:s12+s7], $0xA0, $0x38;
	[tilespmem:$0x1F5A0] =	vst v63  }
0x407: {  	s12 =	simm.s32 $0x100  }
0x408: {  	[tilespmem:s12], [sflag:$0x11] =	stream.linear.gather [hbm4b:s28+s7], $0xA0, $0x38;
	[tilespmem:$0x1F5A0] =	vst v63  }
0x409: {  	_ =	swait.ge [sflag:s29], $0x5000  }
0x40a: {  	[sflag:s29] =	ssyncset.done $0x0  }
0x40b: {  	[sflag:s29] =	ssyncadd.s32 $0xFFFFB000  }
0x40c: {  	_ =	swait.ge [sflag:s22], $0x5000  }
0x40d: {  	s26 =	sld [smem:$0x7E0]  }
0x40e: {  	[sflag:s22] =	ssyncset.done $0x0  }
0x40f: {  	s8 =	simm.s32 $0xA600;
	s28 =	sld [smem:$0x7E1];
	[sflag:s22] =	ssyncadd.s32 $0xFFFFB000  }
0x410: {  	[hbm4b:s26+s0] =	stream.strided.scatter [tilespmem:s8], [sflag:$0x9], $0x5000, s18, s0, $0x38;
	[tilespmem:$0x1F5A0] =	vst v63  }
0x411: {  	s6 =	simm.s32 $0x19600  }
0x412: {  	[hbm4b:s28+s0] =	stream.strided.scatter [tilespmem:s6], [sflag:$0xC], $0x5000, s18, s0, $0x38;
	[tilespmem:$0x1F5A0] =	vst v63  }
0x413: {  	_ =	swait.ge [sflag:s21], $0x5000  }
0x414: {  	[sflag:s21] =	ssyncset.done $0x0  }
0x415: {  	[sflag:s21] =	ssyncadd.s32 $0xFFFFB000  }
0x416: {  	_ =	swait.ge [sflag:s10], $0x5000  }
0x417: {  	[sflag:s10] =	ssyncset.done $0x0  }
0x418: {  	[sflag:s10] =	ssyncadd.s32 $0xFFFFB000  }
0x419: {  	_ =	swait.ge [sflag:s13], $0xA0  }
0x41a: {  	[sflag:s13] =	ssyncset.done $0x0  }
0x41b: {  	[sflag:s13] =	ssyncadd.s32 $0xFFFFFF60  }
0x41c: {  	_ =	swait.ge [sflag:s31], $0xA0  }
0x41d: {  	[sflag:s31] =	ssyncset.done $0x0  }
0x41e: {  	s20 =	simm.s32 $0x5600;
	s21 =	simm.s32 $0x400;
	[sflag:s31] =	ssyncadd.s32 $0xFFFFFF60  }
0x41f: {  	[tilespmem:s20], [sflag:$0x2] =	stream.indirect.gather [spmem:s30], $0x80, s21, s2, $0xb8;
	[tilespmem:$0x1F5A0] =	vst v63  }
0x420: {  	s28 =	simm.s32 $0x14600;
	s10 =	sld [smem:$0x7E2]  }
0x421: {  	[tilespmem:s28], [sflag:$0x5] =	stream.indirect.gather [hbm4b:s23+s2], $0x80, s12, s2, $0xb8;
	[tilespmem:$0x1F5A0] =	vst v63  }
0x422: {  	s0 =	simm.s32 $0x500;
	s6 =	sld [smem:$0x7E3]  }
0x423: {  	[tilespmem:s0], [sflag:$0xF] =	stream.linear.gather [hbm4b:s10+s7], $0xA0, $0x38;
	[tilespmem:$0x1F5A0] =	vst v63  }
0x424: {  	s8 =	simm.s32 $0x200  }
0x425: {  	[tilespmem:s8], [sflag:$0x12] =	stream.linear.gather [hbm4b:s6+s7], $0xA0, $0x38;
	[tilespmem:$0x1F5A0] =	vst v63  }
0x426: {  	_ =	swait.ge [sflag:s4], $0x5000  }
0x427: {  	[sflag:s4] =	ssyncset.done $0x0  }
0x428: {  	[sflag:s4] =	ssyncadd.s32 $0xFFFFB000  }
0x429: {  	_ =	swait.ge [sflag:s3], $0x5000  }
0x42a: {  	s10 =	sld [smem:$0x7E4]  }
0x42b: {  	[sflag:s3] =	ssyncset.done $0x0  }
0x42c: {  	s11 =	simm.s32 $0x600;
	s12 =	sld [smem:$0x7E5];
	[sflag:s3] =	ssyncadd.s32 $0xFFFFB000  }
0x42d: {  	[hbm4b:s10+s21] =	stream.strided.scatter [tilespmem:s11], [sflag:$0x7], $0x5000, s18, s21, $0x38;
	[tilespmem:$0x1F5A0] =	vst v63  }
0x42e: {  	_ = 	snop  }
0x42f: {  	[hbm4b:s12+s21] =	stream.strided.scatter [tilespmem:s1], [sflag:$0xA], $0x5000, s18, s21, $0x38;
	[tilespmem:$0x1F5A0] =	vst v63  }
0x430: {  	_ =	swait.ge [sflag:s16], $0x5000  }
0x431: {  	[sflag:s16] =	ssyncset.done $0x0  }
0x432: {  	s28 =	simm.s32 $0xC;
	[sflag:s16] =	ssyncadd.s32 $0xFFFFB000  }
0x433: {  	s3 =	simm.s32 $0xC;
	_ =	swait.ge [sflag:s28], $0x5000  }
0x434: {  	s4 =	simm.s32 $0xC;
	[sflag:s3] =	ssyncset.done $0x0  }
0x435: {  	[sflag:s4] =	ssyncadd.s32 $0xFFFFB000  }
0x436: {  	_ =	swait.ge [sflag:s25], $0xA0  }
0x437: {  	[sflag:s25] =	ssyncset.done $0x0  }
0x438: {  	[sflag:s25] =	ssyncadd.s32 $0xFFFFFF60  }
0x439: {  	_ =	swait.ge [sflag:s17], $0xA0  }
0x43a: {  	[sflag:s17] =	ssyncset.done $0x0  }
0x43b: {  	s3 =	simm.s32 $0xA600;
	[sflag:s17] =	ssyncadd.s32 $0xFFFFFF60  }
0x43c: {  	[tilespmem:s3], [sflag:$0x3] =	stream.indirect.gather [spmem:s30], $0x80, s0, s2, $0xb8;
	[tilespmem:$0x1F5A0] =	vst v63  }
0x43d: {  	s1 =	simm.s32 $0x19600;
	s11 =	sld [smem:$0x7E6]  }
0x43e: {  	[tilespmem:s1], [sflag:$0x6] =	stream.indirect.gather [hbm4b:s23+s2], $0x80, s8, s2, $0xb8;
	[tilespmem:$0x1F5A0] =	vst v63  }
0x43f: {  	s12 =	sld [smem:$0x7E7];
	s0 =	simm.s32 $0x300  }
0x440: {  	[tilespmem:s0], [sflag:$0xD] =	stream.linear.gather [hbm4b:s11+s7], $0xA0, $0x38;
	[tilespmem:$0x1F5A0] =	vst v63  }
0x441: {  	_ = 	snop  }
0x442: {  	[tilespmem:s7], [sflag:$0x10] =	stream.linear.gather [hbm4b:s12+s7], $0xA0, $0x38;
	[tilespmem:$0x1F5A0] =	vst v63  }
0x443: {  	_ =	swait.ge [sflag:s19], $0x5000  }
0x444: {  	[sflag:s19] =	ssyncset.done $0x0  }
0x445: {  	[sflag:s19] =	ssyncadd.s32 $0xFFFFB000  }
0x446: {  	_ =	swait.ge [sflag:s24], $0x5000  }
0x447: {  	s4 =	sld [smem:$0x7E8]  }
0x448: {  	[sflag:s24] =	ssyncset.done $0x0  }
0x449: {  	s20 =	simm.s32 $0x5600;
	s11 =	sld [smem:$0x7E9];
	[sflag:s24] =	ssyncadd.s32 $0xFFFFB000  }
0x44a: {  	[hbm4b:s4+s21] =	stream.strided.scatter [tilespmem:s20], [sflag:$0x8], $0x5000, s18, s21, $0x38;
	[tilespmem:$0x1F5A0] =	vst v63  }
0x44b: {  	s4 =	simm.s32 $0x14600  }
0x44c: {  	[hbm4b:s11+s21] =	stream.strided.scatter [tilespmem:s4], [sflag:$0xB], $0x5000, s18, s21, $0x38;
	[tilespmem:$0x1F5A0] =	vst v63  }
0x44d: {  	_ =	swait.ge [sflag:s15], $0x5000  }
0x44e: {  	[sflag:s15] =	ssyncset.done $0x0  }
0x44f: {  	[sflag:s15] =	ssyncadd.s32 $0xFFFFB000  }
0x450: {  	_ =	swait.ge [sflag:s5], $0x5000  }
0x451: {  	[sflag:s5] =	ssyncset.done $0x0  }
0x452: {  	[sflag:s5] =	ssyncadd.s32 $0xFFFFB000  }
0x453: {  	_ =	swait.ge [sflag:s9], $0xA0  }
0x454: {  	[sflag:s9] =	ssyncset.done $0x0  }
0x455: {  	[sflag:s9] =	ssyncadd.s32 $0xFFFFFF60  }
0x456: {  	_ =	swait.ge [sflag:s14], $0xA0  }
0x457: {  	[sflag:s14] =	ssyncset.done $0x0  }
0x458: {  	s6 =	simm.s32 $0x600;
	[sflag:s14] =	ssyncadd.s32 $0xFFFFFF60  }
0x459: {  	[tilespmem:s6], [sflag:$0x1] =	stream.indirect.gather [spmem:s30], $0x80, s0, s2, $0xb8;
	[tilespmem:$0x1F5A0] =	vst v63  }
0x45a: {  	s10 =	simm.s32 $0xF600;
	s20 =	sld [smem:$0x7EA]  }
0x45b: {  	[tilespmem:s10], [sflag:$0x4] =	stream.indirect.gather [hbm4b:s23+s2], $0x80, s7, s2, $0xb8;
	[tilespmem:$0x1F5A0] =	vst v63  }
0x45c: {  	s0 =	sld [smem:$0x7EB]  }
0x45d: {  	[tilespmem:s21], [sflag:$0xE] =	stream.linear.gather [hbm4b:s20+s7], $0xA0, $0x38;
	[tilespmem:$0x1F5A0] =	vst v63  }
0x45e: {  	s6 =	simm.s32 $0x100  }
0x45f: {  	[tilespmem:s6], [sflag:$0x11] =	stream.linear.gather [hbm4b:s0+s7], $0xA0, $0x38;
	[tilespmem:$0x1F5A0] =	vst v63  }
0x460: {  	_ =	swait.ge [sflag:s29], $0x5000  }
0x461: {  	[sflag:s29] =	ssyncset.done $0x0  }
0x462: {  	[sflag:s29] =	ssyncadd.s32 $0xFFFFB000  }
0x463: {  	_ =	swait.ge [sflag:s22], $0x5000  }
0x464: {  	s11 =	sld [smem:$0x7EC]  }
0x465: {  	[sflag:s22] =	ssyncset.done $0x0  }
0x466: {  	s20 =	sld [smem:$0x7ED];
	[sflag:s22] =	ssyncadd.s32 $0xFFFFB000  }
0x467: {  	[hbm4b:s11+s21] =	stream.strided.scatter [tilespmem:s3], [sflag:$0x9], $0x5000, s18, s21, $0x38;
	[tilespmem:$0x1F5A0] =	vst v63  }
0x468: {  	s26 =	simm.s32 $0x8  }
0x469: {  	[hbm4b:s20+s21] =	stream.strided.scatter [tilespmem:s1], [sflag:$0xC], $0x5000, s18, s21, $0x38;
	[tilespmem:$0x1F5A0] =	vst v63  }
0x46a: {  	_ =	swait.ge [sflag:s26], $0x5000  }
0x46b: {  	[sflag:s26] =	ssyncset.done $0x0  }
0x46c: {  	s28 =	simm.s32 $0xB;
	[sflag:s26] =	ssyncadd.s32 $0xFFFFB000  }
0x46d: {  	_ =	swait.ge [sflag:s28], $0x5000  }
0x46e: {  	[sflag:s28] =	ssyncset.done $0x0  }
0x46f: {  	[sflag:s28] =	ssyncadd.s32 $0xFFFFB000  }
0x470: {  	_ =	swait.ge [sflag:s13], $0xA0  }
0x471: {  	[sflag:s13] =	ssyncset.done $0x0  }
0x472: {  	[sflag:s13] =	ssyncadd.s32 $0xFFFFFF60  }
0x473: {  	_ =	swait.ge [sflag:s31], $0xA0  }
0x474: {  	[sflag:s31] =	ssyncset.done $0x0  }
0x475: {  	s12 =	simm.s32 $0x5600;
	[sflag:s31] =	ssyncadd.s32 $0xFFFFFF60  }
0x476: {  	[tilespmem:s12], [sflag:$0x2] =	stream.indirect.gather [spmem:s30], $0x80, s21, s2, $0xb8;
	[tilespmem:$0x1F5A0] =	vst v63  }
0x477: {  	s31 =	sld [smem:$0x7EE]  }
0x478: {  	[tilespmem:s4], [sflag:$0x5] =	stream.indirect.gather [hbm4b:s23+s2], $0x80, s6, s2, $0xb8;
	[tilespmem:$0x1F5A0] =	vst v63  }
0x479: {  	s1 =	simm.s32 $0x500;
	s0 =	sld [smem:$0x7EF]  }
0x47a: {  	[tilespmem:s1], [sflag:$0xF] =	stream.linear.gather [hbm4b:s31+s7], $0xA0, $0x38;
	[tilespmem:$0x1F5A0] =	vst v63  }
0x47b: {  	s8 =	simm.s32 $0x200;
	s2 =	simm.s32 $0x1  }
0x47c: {  	[tilespmem:s8], [sflag:$0x12] =	stream.linear.gather [hbm4b:s0+s7], $0xA0, $0x38;
	[tilespmem:$0x1F5A0] =	vst v63  }
0x47d: {  	_ =	swait.ge [sflag:s2], $0x5000  }
0x47e: {  	[sflag:s2] =	ssyncset.done $0x0  }
0x47f: {  	s3 =	simm.s32 $0x4;
	[sflag:s2] =	ssyncadd.s32 $0xFFFFB000  }
0x480: {  	_ =	swait.ge [sflag:s3], $0x5000  }
0x481: {  	s4 =	sld [smem:$0x7F0]  }
0x482: {  	[sflag:s3] =	ssyncset.done $0x0  }
0x483: {  	s2 =	simm.s32 $0x600;
	s11 =	sld [smem:$0x7F1];
	[sflag:s3] =	ssyncadd.s32 $0xFFFFB000  }
0x484: {  	[hbm4b:s4+s21] =	stream.strided.scatter [tilespmem:s2], [sflag:$0x7], $0x5000, s18, s21, $0x38;
	[tilespmem:$0x1F5A0] =	vst v63  }
0x485: {  	s13 =	simm.s32 $0xF600  }
0x486: {  	[hbm4b:s11+s21] =	stream.strided.scatter [tilespmem:s13], [sflag:$0xA], $0x5000, s18, s21, $0x38;
	[tilespmem:$0x1F5A0] =	vst v63  }
0x487: {  	_ =	swait.ge [sflag:s16], $0x5000  }
0x488: {  	[sflag:s16] =	ssyncset.done $0x0  }
0x489: {  	s26 =	simm.s32 $0xC;
	[sflag:s16] =	ssyncadd.s32 $0xFFFFB000  }
0x48a: {  	s28 =	simm.s32 $0xC;
	_ =	swait.ge [sflag:s26], $0x5000  }
0x48b: {  	s3 =	simm.s32 $0xC;
	[sflag:s28] =	ssyncset.done $0x0  }
0x48c: {  	[sflag:s3] =	ssyncadd.s32 $0xFFFFB000  }
0x48d: {  	_ =	swait.ge [sflag:s25], $0xA0  }
0x48e: {  	[sflag:s25] =	ssyncset.done $0x0  }
0x48f: {  	[sflag:s25] =	ssyncadd.s32 $0xFFFFFF60  }
0x490: {  	_ =	swait.ge [sflag:s17], $0xA0  }
0x491: {  	[sflag:s17] =	ssyncset.done $0x0  }
0x492: {  	s10 =	simm.s32 $0xA600;
	s18 =	simm.s32 $0xA0;
	[sflag:s17] =	ssyncadd.s32 $0xFFFFFF60  }
0x493: {  	[tilespmem:s10], [sflag:$0x3] =	stream.indirect.gather [spmem:s30], $0x80, s1, s18, $0xb8;
	[tilespmem:$0x1F5A0] =	vst v63  }
0x494: {  	s4 =	sld [smem:$0x7F2];
	s1 =	simm.s32 $0x19600  }
0x495: {  	[tilespmem:s1], [sflag:$0x6] =	stream.indirect.gather [hbm4b:s23+s18], $0x80, s8, s18, $0xb8;
	[tilespmem:$0x1F5A0] =	vst v63  }
0x496: {  	s11 =	simm.s32 $0x0;
	s25 =	simm.s32 $0x300;
	s8 =	sld [smem:$0x7F3]  }
0x497: {  	[tilespmem:s25], [sflag:$0xD] =	stream.linear.gather [hbm4b:s4+s11], $0xA0, $0x38;
	[tilespmem:$0x1F5A0] =	vst v63  }
0x498: {  	_ = 	snop  }
0x499: {  	[tilespmem:s11], [sflag:$0x10] =	stream.linear.gather [hbm4b:s8+s11], $0xA0, $0x38;
	[tilespmem:$0x1F5A0] =	vst v63  }
0x49a: {  	_ =	swait.ge [sflag:s19], $0x5000  }
0x49b: {  	[sflag:s19] =	ssyncset.done $0x0  }
0x49c: {  	[sflag:s19] =	ssyncadd.s32 $0xFFFFB000  }
0x49d: {  	_ =	swait.ge [sflag:s24], $0x5000  }
0x49e: {  	s4 =	sld [smem:$0x7F4]  }
0x49f: {  	[sflag:s24] =	ssyncset.done $0x0  }
0x4a0: {  	s3 =	simm.s32 $0x800;
	s8 =	sld [smem:$0x7F5];
	[sflag:s24] =	ssyncadd.s32 $0xFFFFB000  }
0x4a1: {  	[hbm4b:s4+s21] =	stream.strided.scatter [tilespmem:s12], [sflag:$0x8], $0x5000, s3, s21, $0x38;
	[tilespmem:$0x1F5A0] =	vst v63  }
0x4a2: {  	s6 =	simm.s32 $0x14600  }
0x4a3: {  	[hbm4b:s8+s21] =	stream.strided.scatter [tilespmem:s6], [sflag:$0xB], $0x5000, s3, s21, $0x38;
	[tilespmem:$0x1F5A0] =	vst v63  }
0x4a4: {  	_ =	swait.ge [sflag:s15], $0x5000  }
0x4a5: {  	[sflag:s15] =	ssyncset.done $0x0  }
0x4a6: {  	[sflag:s15] =	ssyncadd.s32 $0xFFFFB000  }
0x4a7: {  	_ =	swait.ge [sflag:s5], $0x5000  }
0x4a8: {  	[sflag:s5] =	ssyncset.done $0x0  }
0x4a9: {  	[sflag:s5] =	ssyncadd.s32 $0xFFFFB000  }
0x4aa: {  	_ =	swait.ge [sflag:s9], $0xA0  }
0x4ab: {  	[sflag:s9] =	ssyncset.done $0x0  }
0x4ac: {  	[sflag:s9] =	ssyncadd.s32 $0xFFFFFF60  }
0x4ad: {  	_ =	swait.ge [sflag:s14], $0xA0  }
0x4ae: {  	[sflag:s14] =	ssyncset.done $0x0  }
0x4af: {  	[sflag:s14] =	ssyncadd.s32 $0xFFFFFF60  }
0x4b0: {  	[tilespmem:s2], [sflag:$0x1] =	stream.indirect.gather [spmem:s30], $0x80, s25, s18, $0xb8;
	[tilespmem:$0x1F5A0] =	vst v63  }
0x4b1: {  	s26 =	sld [smem:$0x7F6]  }
0x4b2: {  	[tilespmem:s13], [sflag:$0x4] =	stream.indirect.gather [hbm4b:s23+s18], $0x80, s11, s18, $0xb8;
	[tilespmem:$0x1F5A0] =	vst v63  }
0x4b3: {  	s0 =	simm.s32 @!p1 $0x0;
	s6 =	simm.s32 @!p1 $0x400;
	s28 =	sld [smem:$0x7F7]  }
0x4b4: {  	[tilespmem:s6], [sflag:$0xE] =	stream.linear.gather @!p1 [hbm4b:s26+s0], $0xA0, $0x38;
	[tilespmem:$0x1F5A0] =	vst v63  }
0x4b5: {  	s8 =	simm.s32 @!p1 $0x100  }
0x4b6: {  	[tilespmem:s8], [sflag:$0x11] =	stream.linear.gather @!p1 [hbm4b:s28+s0], $0xA0, $0x38;
	[tilespmem:$0x1F5A0] =	vst v63  }
0x4b7: {  	_ =	swait.ge [sflag:s29], $0x5000  }
0x4b8: {  	[sflag:s29] =	ssyncset.done $0x0  }
0x4b9: {  	[sflag:s29] =	ssyncadd.s32 $0xFFFFB000  }
0x4ba: {  	_ =	swait.ge [sflag:s22], $0x5000  }
0x4bb: {  	s12 =	sld [smem:$0x7F8]  }
0x4bc: {  	[sflag:s22] =	ssyncset.done $0x0  }
0x4bd: {  	s13 =	sld [smem:$0x7F9];
	[sflag:s22] =	ssyncadd.s32 $0xFFFFB000  }
0x4be: {  	[hbm4b:s12+s21] =	stream.strided.scatter [tilespmem:s10], [sflag:$0x9], $0x5000, s3, s21, $0x38;
	[tilespmem:$0x1F5A0] =	vst v63  }
0x4bf: {  	s0 =	simm.s32 @!p1 $0x8  }
0x4c0: {  	[hbm4b:s13+s21] =	stream.strided.scatter [tilespmem:s1], [sflag:$0xC], $0x5000, s3, s21, $0x38;
	[tilespmem:$0x1F5A0] =	vst v63  }
0x4c1: {  	_ =	swait.ge @!p1 [sflag:s0], $0x5000  }
0x4c2: {  	[sflag:s0] =	ssyncset.done @!p1 $0x0  }
0x4c3: {  	[sflag:s0] =	ssyncadd.s32 @!p1 $0xFFFFB000;
	s0 =	simm.s32 @!p1 $0xB  }
0x4c4: {  	_ =	swait.ge @!p1 [sflag:s0], $0x5000  }
0x4c5: {  	[sflag:s0] =	ssyncset.done @!p1 $0x0  }
0x4c6: {  	[sflag:s0] =	ssyncadd.s32 @!p1 $0xFFFFB000;
	s0 =	simm.s32 @!p1 $0xE  }
0x4c7: {  	_ =	swait.ge @!p1 [sflag:s0], $0xA0  }
0x4c8: {  	[sflag:s0] =	ssyncset.done @!p1 $0x0  }
0x4c9: {  	[sflag:s0] =	ssyncadd.s32 @!p1 $0xFFFFFF60;
	s0 =	simm.s32 @!p1 $0x11  }
0x4ca: {  	_ =	swait.ge @!p1 [sflag:s0], $0xA0  }
0x4cb: {  	[sflag:s0] =	ssyncset.done @!p1 $0x0  }
0x4cc: {  	s25 =	simm.s32 @!p1 $0x5600;
	[sflag:s0] =	ssyncadd.s32 @!p1 $0xFFFFFF60;
	s0 =	simm.s32 @!p1 $0xA0  }
0x4cd: {  	[tilespmem:s25], [sflag:$0x2] =	stream.indirect.gather @!p1 [spmem:s30], $0x80, s6, s0, $0xb8;
	[tilespmem:$0x1F5A0] =	vst v63  }
0x4ce: {  	s31 =	simm.s32 $0x1;
	s30 =	simm.s32 @!p1 $0x14600  }
0x4cf: {  	[tilespmem:s30], [sflag:$0x5] =	stream.indirect.gather @!p1 [hbm4b:s23+s0], $0x80, s8, s0, $0xb8;
	[tilespmem:$0x1F5A0] =	vst v63  }
0x4d0: {  	_ =	swait.ge [sflag:s31], $0x5000  }
0x4d1: {  	[sflag:s31] =	ssyncset.done $0x0  }
0x4d2: {  	s7 =	simm.s32 $0x4;
	[sflag:s31] =	ssyncadd.s32 $0xFFFFB000  }
0x4d3: {  	_ =	swait.ge [sflag:s7], $0x5000  }
0x4d4: {  	s23 =	sld [smem:$0x7FA]  }
0x4d5: {  	[sflag:s7] =	ssyncset.done $0x0  }
0x4d6: {  	s29 =	sld [smem:$0x7FB];
	[sflag:s7] =	ssyncadd.s32 $0xFFFFB000  }
0x4d7: {  	[hbm4b:s23+s21] =	stream.strided.scatter [tilespmem:s2], [sflag:$0x7], $0x5000, s3, s21, $0x38;
	[tilespmem:$0x1F5A0] =	vst v63  }
0x4d8: {  	s4 =	simm.s32 $0xF600;
	s0 =	simm.s32 @!p1 $0x2  }
0x4d9: {  	[hbm4b:s29+s21] =	stream.strided.scatter [tilespmem:s4], [sflag:$0xA], $0x5000, s3, s21, $0x38;
	[tilespmem:$0x1F5A0] =	vst v63  }
0x4da: {  	_ =	swait.ge @!p1 [sflag:s0], $0x5000  }
0x4db: {  	[sflag:s0] =	ssyncset.done @!p1 $0x0  }
0x4dc: {  	[sflag:s0] =	ssyncadd.s32 @!p1 $0xFFFFB000;
	s0 =	simm.s32 @!p1 $0x5  }
0x4dd: {  	_ =	swait.ge @!p1 [sflag:s0], $0x5000  }
0x4de: {  	s26 =	sld [smem:$0x7FC]  }
0x4df: {  	[sflag:s0] =	ssyncset.done @!p1 $0x0  }
0x4e0: {  	s28 =	sld [smem:$0x7FD];
	[sflag:s0] =	ssyncadd.s32 @!p1 $0xFFFFB000;
	s0 =	simm.s32 @!p1 $0x800  }
0x4e1: {  	[hbm4b:s26+s6] =	stream.strided.scatter @!p1 [tilespmem:s25], [sflag:$0x8], $0x5000, s0, s6, $0x38;
	[tilespmem:$0x1F5A0] =	vst v63  }
0x4e2: {  	s20 =	simm.s32 $0x8  }
0x4e3: {  	[hbm4b:s28+s6] =	stream.strided.scatter @!p1 [tilespmem:s30], [sflag:$0xB], $0x5000, s0, s6, $0x38;
	[tilespmem:$0x1F5A0] =	vst v63  }
0x4e4: {  	s25 =	sld [smem:$0x7C3];
	_ =	swait.ge [sflag:s20], $0x5000  }
0x4e5: {  	[sflag:s20] =	ssyncset.done $0x0  }
0x4e6: {  	s30 =	simm.s32 $0xB;
	[sflag:s20] =	ssyncadd.s32 $0xFFFFB000  }
0x4e7: {  	_ =	swait.ge [sflag:s30], $0x5000  }
0x4e8: {  	s31 =	simm.s32 $0xB;
	[sflag:s30] =	ssyncset.done $0x0  }
0x4e9: {  	[sflag:s31] =	ssyncadd.s32 $0xFFFFB000  }
0x4ea: {  	_ =	swait.ge [sflag:s15], $0x5000  }
0x4eb: {  	[sflag:s15] =	ssyncset.done $0x0  }
0x4ec: {  	[sflag:s15] =	ssyncadd.s32 $0xFFFFB000  }
0x4ed: {  	_ =	swait.ge [sflag:s5], $0x5000  }
0x4ee: {  	[sflag:s5] =	ssyncset.done $0x0  }
0x4ef: {  	[sflag:s5] =	ssyncadd.s32 $0xFFFFB000  }
.Ltmp2:
0x4f0: {  	_ =	swait.ge [sflag:s16], $0x5000;
	(pc) =	sbr.rel @p3 .LBB2_4-.Ltmp2, $4  }
0x4f1: {  	[sflag:s16] =	ssyncset.done $0x0  }
0x4f2: {  	s8 =	simm.s32 $0xC;
	[sflag:s16] =	ssyncadd.s32 $0xFFFFB000  }
0x4f3: {  	_ =	swait.ge [sflag:s8], $0x5000  }
0x4f4: {  	s26 =	rddreg [dreg:$0x7];
	[sflag:s8] =	ssyncset.done $0x0  }
0x4f5: {  	s8 =	simm.s32 $0xC;
	s10 =	simm.s32 $0x600;
	s23 =	simm.s32 $0xF600  }
0x4f6: {  	s17 =	simm.s32 $0x300;
	s6 =	simm.s32 $0x5600;
	s28 =	rddreg [dreg:$0x3]  }
0x4f7: {  	s22 =	rddreg [dreg:$0x5];
	s4 =	simm.s32 $0x3;
	s16 =	simm.s32 $0x14600  }
0x4f8: {  	s30 =	simm.s32 $0x200;
	s0 =	simm.s32 $0x500;
	s19 =	simm.s32 $0x5  }
0x4f9: {  	s24 =	simm.s32 $0x2;
	s31 =	simm.s32 $0x12;
	s5 =	simm.s32 $0xA  }
0x4fa: {  	s7 =	simm.s32 $0x7;
	s14 =	simm.s32 $0x4;
	s15 =	simm.s32 $0x1  }
0x4fb: {  	s12 =	simm.s32 $0x10;
	s20 =	simm.s32 $0xD;
	s9 =	sld [smem:$0x7C4]  }
.LBB2_6:
0x4fc: {  	_ = 	snop  }
0x4fd: {  	[sflag:s8] =	ssyncadd.s32 @p2 $0xFFFFB000;
	s25 =	simm.s32 @!p0 $0x1C13  }
0x4fe: {  	[spmem:s9], [sflag:s25] =	dma.local @!p0 [hbm:s26], $0x1F40  }
0x4ff: {  	s25 =	simm.s32 @!p0 $0x13  }
0x500: {  	_ =	swait.ge @!p0 [sflag:s25], $0x1F40  }
0x501: {  	[sflag:s25] =	ssyncset.done @!p0 $0x0  }
0x502: {  	s13 =	rddreg [dreg:$0x8];
	[sflag:s25] =	ssyncadd.s32 @!p0 $0xFFFFE0C0  }
0x503: {  	[tilespmem:s17], [sflag:$0xD] =	stream.linear.gather [hbm4b:s13+s11], $0xA0, $0x38;
	[tilespmem:$0x1F5A0] =	vst v63  }
0x504: {  	s29 =	rddreg [dreg:$0x9]  }
0x505: {  	[tilespmem:s11], [sflag:$0x10] =	stream.linear.gather [hbm4b:s29+s11], $0xA0, $0x38;
	[tilespmem:$0x1F5A0] =	vst v63  }
0x506: {  	s1 =	rddreg [dreg:$0xa]  }
0x507: {  	[tilespmem:s21], [sflag:$0xE] =	stream.linear.gather [hbm4b:s1+s11], $0xA0, $0x38;
	[tilespmem:$0x1F5A0] =	vst v63  }
0x508: {  	s2 =	rddreg [dreg:$0xb];
	s1 =	simm.s32 $0x100  }
0x509: {  	[tilespmem:s1], [sflag:$0x11] =	stream.linear.gather [hbm4b:s2+s11], $0xA0, $0x38;
	[tilespmem:$0x1F5A0] =	vst v63  }
0x50a: {  	[bflag:$0x0] =	sbarrier.arrive $0xFFFF  }
0x50b: {  	_ =	swait.ge [sflag:s20], $0xA0  }
0x50c: {  	[sflag:s20] =	ssyncset.done $0x0  }
0x50d: {  	[sflag:s20] =	ssyncadd.s32 $0xFFFFFF60  }
0x50e: {  	_ =	swait.ge [sflag:s12], $0xA0  }
0x50f: {  	[sflag:s12] =	ssyncset.done $0x0  }
0x510: {  	[sflag:s12] =	ssyncadd.s32 $0xFFFFFF60  }
0x511: {  	[tilespmem:s10], [sflag:$0x1] =	stream.indirect.gather [spmem:s22], $0x80, s17, s18, $0xb8;
	[tilespmem:$0x1F5A0] =	vst v63  }
0x512: {  	s8 =	simm.s32 $0xE  }
0x513: {  	[tilespmem:s23], [sflag:$0x4] =	stream.indirect.gather [hbm4b:s28+s18], $0x80, s11, s18, $0xb8;
	[tilespmem:$0x1F5A0] =	vst v63  }
0x514: {  	_ =	swait.ge [sflag:s8], $0xA0  }
0x515: {  	[sflag:s8] =	ssyncset.done $0x0  }
0x516: {  	s17 =	simm.s32 $0x11;
	[sflag:s8] =	ssyncadd.s32 $0xFFFFFF60  }
0x517: {  	_ =	swait.ge [sflag:s17], $0xA0  }
0x518: {  	[sflag:s17] =	ssyncset.done $0x0  }
0x519: {  	[sflag:s17] =	ssyncadd.s32 $0xFFFFFF60  }
0x51a: {  	[tilespmem:s6], [sflag:$0x2] =	stream.indirect.gather [spmem:s22], $0x80, s21, s18, $0xb8;
	[tilespmem:$0x1F5A0] =	vst v63  }
0x51b: {  	s2 =	simm.s32 $0x100  }
0x51c: {  	[tilespmem:s16], [sflag:$0x5] =	stream.indirect.gather [hbm4b:s28+s18], $0x80, s2, s18, $0xb8;
	[tilespmem:$0x1F5A0] =	vst v63  }
0x51d: {  	s3 =	rddreg [dreg:$0xc]  }
0x51e: {  	[tilespmem:s0], [sflag:$0xF] =	stream.linear.gather [hbm4b:s3+s11], $0xA0, $0x38;
	[tilespmem:$0x1F5A0] =	vst v63  }
0x51f: {  	s6 =	rddreg [dreg:$0xd]  }
0x520: {  	[tilespmem:s30], [sflag:$0x12] =	stream.linear.gather [hbm4b:s6+s11], $0xA0, $0x38;
	[tilespmem:$0x1F5A0] =	vst v63  }
0x521: {  	_ =	swait.ge [sflag:s15], $0x5000  }
0x522: {  	[sflag:s15] =	ssyncset.done $0x0  }
0x523: {  	[sflag:s15] =	ssyncadd.s32 $0xFFFFB000  }
0x524: {  	_ =	swait.ge [sflag:s14], $0x5000  }
0x525: {  	[sflag:s14] =	ssyncset.done $0x0  }
0x526: {  	s13 =	simm.s32 $0x800;
	s9 =	rddreg [dreg:$0xe];
	[sflag:s14] =	ssyncadd.s32 $0xFFFFB000  }
0x527: {  	[hbm4b:s9+s21] =	stream.strided.scatter [tilespmem:s10], [sflag:$0x7], $0x5000, s13, s21, $0x38;
	[tilespmem:$0x1F5A0] =	vst v63  }
0x528: {  	s15 =	rddreg [dreg:$0xf];
	s9 =	simm.s32 $0xF  }
0x529: {  	[hbm4b:s15+s21] =	stream.strided.scatter [tilespmem:s23], [sflag:$0xA], $0x5000, s13, s21, $0x38;
	[tilespmem:$0x1F5A0] =	vst v63  }
0x52a: {  	_ =	swait.ge [sflag:s9], $0xA0  }
0x52b: {  	[sflag:s9] =	ssyncset.done $0x0  }
0x52c: {  	[sflag:s9] =	ssyncadd.s32 $0xFFFFFF60  }
0x52d: {  	_ =	swait.ge [sflag:s31], $0xA0  }
0x52e: {  	[sflag:s31] =	ssyncset.done $0x0  }
0x52f: {  	s3 =	simm.s32 $0xA600;
	[sflag:s31] =	ssyncadd.s32 $0xFFFFFF60  }
0x530: {  	[tilespmem:s3], [sflag:$0x3] =	stream.indirect.gather [spmem:s22], $0x80, s0, s18, $0xb8;
	[tilespmem:$0x1F5A0] =	vst v63  }
0x531: {  	s3 =	simm.s32 $0x19600  }
0x532: {  	[tilespmem:s3], [sflag:$0x6] =	stream.indirect.gather [hbm4b:s28+s18], $0x80, s30, s18, $0xb8;
	[tilespmem:$0x1F5A0] =	vst v63  }
0x533: {  	s29 =	simm.s32 $0x300;
	s31 =	rddreg [dreg:$0x10]  }
0x534: {  	[tilespmem:s29], [sflag:$0xD] =	stream.linear.gather [hbm4b:s31+s11], $0xA0, $0x38;
	[tilespmem:$0x1F5A0] =	vst v63  }
0x535: {  	s14 =	rddreg [dreg:$0x11]  }
0x536: {  	[tilespmem:s11], [sflag:$0x10] =	stream.linear.gather [hbm4b:s14+s11], $0xA0, $0x38;
	[tilespmem:$0x1F5A0] =	vst v63  }
0x537: {  	_ =	swait.ge [sflag:s24], $0x5000  }
0x538: {  	[sflag:s24] =	ssyncset.done $0x0  }
0x539: {  	[sflag:s24] =	ssyncadd.s32 $0xFFFFB000  }
0x53a: {  	_ =	swait.ge [sflag:s19], $0x5000  }
0x53b: {  	[sflag:s19] =	ssyncset.done $0x0  }
0x53c: {  	s6 =	simm.s32 $0x5600;
	s26 =	rddreg [dreg:$0x12];
	[sflag:s19] =	ssyncadd.s32 $0xFFFFB000  }
0x53d: {  	[hbm4b:s26+s21] =	stream.strided.scatter [tilespmem:s6], [sflag:$0x8], $0x5000, s13, s21, $0x38;
	[tilespmem:$0x1F5A0] =	vst v63  }
0x53e: {  	s29 =	rddreg [dreg:$0x13]  }
0x53f: {  	[hbm4b:s29+s21] =	stream.strided.scatter [tilespmem:s16], [sflag:$0xB], $0x5000, s13, s21, $0x38;
	[tilespmem:$0x1F5A0] =	vst v63  }
0x540: {  	_ =	swait.ge [sflag:s7], $0x5000  }
0x541: {  	[sflag:s7] =	ssyncset.done $0x0  }
0x542: {  	[sflag:s7] =	ssyncadd.s32 $0xFFFFB000  }
0x543: {  	_ =	swait.ge [sflag:s5], $0x5000  }
0x544: {  	[sflag:s5] =	ssyncset.done $0x0  }
0x545: {  	[sflag:s5] =	ssyncadd.s32 $0xFFFFB000  }
0x546: {  	_ =	swait.ge [sflag:s20], $0xA0  }
0x547: {  	[sflag:s20] =	ssyncset.done $0x0  }
0x548: {  	[sflag:s20] =	ssyncadd.s32 $0xFFFFFF60  }
0x549: {  	_ =	swait.ge [sflag:s12], $0xA0  }
0x54a: {  	[sflag:s12] =	ssyncset.done $0x0  }
0x54b: {  	s2 =	simm.s32 $0x600;
	s15 =	simm.s32 $0x300;
	[sflag:s12] =	ssyncadd.s32 $0xFFFFFF60  }
0x54c: {  	[tilespmem:s2], [sflag:$0x1] =	stream.indirect.gather [spmem:s22], $0x80, s15, s18, $0xb8;
	[tilespmem:$0x1F5A0] =	vst v63  }
0x54d: {  	s1 =	simm.s32 $0xF600  }
0x54e: {  	[tilespmem:s1], [sflag:$0x4] =	stream.indirect.gather [hbm4b:s28+s18], $0x80, s11, s18, $0xb8;
	[tilespmem:$0x1F5A0] =	vst v63  }
0x54f: {  	s30 =	rddreg [dreg:$0x14]  }
0x550: {  	[tilespmem:s21], [sflag:$0xE] =	stream.linear.gather [hbm4b:s30+s11], $0xA0, $0x38;
	[tilespmem:$0x1F5A0] =	vst v63  }
0x551: {  	s0 =	simm.s32 $0x100;
	s31 =	rddreg [dreg:$0x15]  }
0x552: {  	[tilespmem:s0], [sflag:$0x11] =	stream.linear.gather [hbm4b:s31+s11], $0xA0, $0x38;
	[tilespmem:$0x1F5A0] =	vst v63  }
0x553: {  	_ =	swait.ge [sflag:s4], $0x5000  }
0x554: {  	[sflag:s4] =	ssyncset.done $0x0  }
0x555: {  	s6 =	simm.s32 $0x6;
	[sflag:s4] =	ssyncadd.s32 $0xFFFFB000  }
0x556: {  	_ =	swait.ge [sflag:s6], $0x5000  }
0x557: {  	[sflag:s6] =	ssyncset.done $0x0  }
0x558: {  	s19 =	simm.s32 $0xA600;
	s1 =	rddreg [dreg:$0x16];
	[sflag:s6] =	ssyncadd.s32 $0xFFFFB000  }
0x559: {  	[hbm4b:s1+s21] =	stream.strided.scatter [tilespmem:s19], [sflag:$0x9], $0x5000, s13, s21, $0x38;
	[tilespmem:$0x1F5A0] =	vst v63  }
0x55a: {  	s25 =	simm.s32 $0x8;
	s5 =	simm.s32 $0x19600;
	s4 =	rddreg [dreg:$0x17]  }
0x55b: {  	[hbm4b:s4+s21] =	stream.strided.scatter [tilespmem:s5], [sflag:$0xC], $0x5000, s13, s21, $0x38;
	[tilespmem:$0x1F5A0] =	vst v63  }
0x55c: {  	_ =	swait.ge [sflag:s25], $0x5000  }
0x55d: {  	[sflag:s25] =	ssyncset.done $0x0  }
0x55e: {  	s26 =	simm.s32 $0xB;
	[sflag:s25] =	ssyncadd.s32 $0xFFFFB000  }
0x55f: {  	_ =	swait.ge [sflag:s26], $0x5000  }
0x560: {  	[sflag:s26] =	ssyncset.done $0x0  }
0x561: {  	[sflag:s26] =	ssyncadd.s32 $0xFFFFB000  }
0x562: {  	_ =	swait.ge [sflag:s8], $0xA0  }
0x563: {  	[sflag:s8] =	ssyncset.done $0x0  }
0x564: {  	[sflag:s8] =	ssyncadd.s32 $0xFFFFFF60  }
0x565: {  	_ =	swait.ge [sflag:s17], $0xA0  }
0x566: {  	[sflag:s17] =	ssyncset.done $0x0  }
0x567: {  	s1 =	simm.s32 $0x5600;
	[sflag:s17] =	ssyncadd.s32 $0xFFFFFF60  }
0x568: {  	[tilespmem:s1], [sflag:$0x2] =	stream.indirect.gather [spmem:s22], $0x80, s21, s18, $0xb8;
	[tilespmem:$0x1F5A0] =	vst v63  }
0x569: {  	s3 =	simm.s32 $0x14600  }
0x56a: {  	[tilespmem:s3], [sflag:$0x5] =	stream.indirect.gather [hbm4b:s28+s18], $0x80, s0, s18, $0xb8;
	[tilespmem:$0x1F5A0] =	vst v63  }
0x56b: {  	s30 =	simm.s32 $0x500;
	s4 =	rddreg [dreg:$0x18]  }
0x56c: {  	[tilespmem:s30], [sflag:$0xF] =	stream.linear.gather [hbm4b:s4+s11], $0xA0, $0x38;
	[tilespmem:$0x1F5A0] =	vst v63  }
0x56d: {  	s15 =	simm.s32 $0x1;
	s2 =	simm.s32 $0x200;
	s5 =	rddreg [dreg:$0x19]  }
0x56e: {  	[tilespmem:s2], [sflag:$0x12] =	stream.linear.gather [hbm4b:s5+s11], $0xA0, $0x38;
	[tilespmem:$0x1F5A0] =	vst v63  }
0x56f: {  	_ =	swait.ge [sflag:s15], $0x5000  }
0x570: {  	[sflag:s15] =	ssyncset.done $0x0  }
0x571: {  	s20 =	simm.s32 $0x4;
	[sflag:s15] =	ssyncadd.s32 $0xFFFFB000  }
0x572: {  	_ =	swait.ge [sflag:s20], $0x5000  }
0x573: {  	[sflag:s20] =	ssyncset.done $0x0  }
0x574: {  	s4 =	simm.s32 $0x600;
	s5 =	rddreg [dreg:$0x1a];
	[sflag:s20] =	ssyncadd.s32 $0xFFFFB000  }
0x575: {  	[hbm4b:s5+s21] =	stream.strided.scatter [tilespmem:s4], [sflag:$0x7], $0x5000, s13, s21, $0x38;
	[tilespmem:$0x1F5A0] =	vst v63  }
0x576: {  	s11 =	rddreg [dreg:$0x1b];
	s5 =	simm.s32 $0xF600  }
0x577: {  	[hbm4b:s11+s21] =	stream.strided.scatter [tilespmem:s5], [sflag:$0xA], $0x5000, s13, s21, $0x38;
	[tilespmem:$0x1F5A0] =	vst v63  }
0x578: {  	s11 =	simm.s32 $0x9  }
0x579: {  	_ =	swait.ge [sflag:s11], $0x5000  }
0x57a: {  	[sflag:s11] =	ssyncset.done $0x0  }
0x57b: {  	s23 =	simm.s32 $0xC;
	[sflag:s11] =	ssyncadd.s32 $0xFFFFB000  }
0x57c: {  	_ =	swait.ge [sflag:s23], $0x5000  }
0x57d: {  	[sflag:s23] =	ssyncset.done $0x0  }
0x57e: {  	[sflag:s23] =	ssyncadd.s32 $0xFFFFB000  }
0x57f: {  	_ =	swait.ge [sflag:s9], $0xA0  }
0x580: {  	[sflag:s9] =	ssyncset.done $0x0  }
0x581: {  	s24 =	simm.s32 $0x12;
	[sflag:s9] =	ssyncadd.s32 $0xFFFFFF60  }
0x582: {  	_ =	swait.ge [sflag:s24], $0xA0  }
0x583: {  	[sflag:s24] =	ssyncset.done $0x0  }
0x584: {  	s0 =	simm.s32 $0x500;
	[sflag:s24] =	ssyncadd.s32 $0xFFFFFF60  }
0x585: {  	[tilespmem:s19], [sflag:$0x3] =	stream.indirect.gather [spmem:s22], $0x80, s0, s18, $0xb8;
	[tilespmem:$0x1F5A0] =	vst v63  }
0x586: {  	s2 =	simm.s32 $0x200;
	s0 =	simm.s32 $0x19600  }
0x587: {  	[tilespmem:s0], [sflag:$0x6] =	stream.indirect.gather [hbm4b:s28+s18], $0x80, s2, s18, $0xb8;
	[tilespmem:$0x1F5A0] =	vst v63  }
0x588: {  	s3 =	simm.s32 $0x0;
	s26 =	rddreg [dreg:$0x1c];
	s2 =	simm.s32 $0x300  }
0x589: {  	[tilespmem:s2], [sflag:$0xD] =	stream.linear.gather [hbm4b:s26+s3], $0xA0, $0x38;
	[tilespmem:$0x1F5A0] =	vst v63  }
0x58a: {  	s31 =	simm.s32 $0x2;
	s19 =	rddreg [dreg:$0x1d]  }
0x58b: {  	[tilespmem:s3], [sflag:$0x10] =	stream.linear.gather [hbm4b:s19+s3], $0xA0, $0x38;
	[tilespmem:$0x1F5A0] =	vst v63  }
0x58c: {  	_ =	swait.ge [sflag:s31], $0x5000  }
0x58d: {  	[sflag:s31] =	ssyncset.done $0x0  }
0x58e: {  	s16 =	simm.s32 $0x5;
	[sflag:s31] =	ssyncadd.s32 $0xFFFFB000  }
0x58f: {  	_ =	swait.ge [sflag:s16], $0x5000  }
0x590: {  	[sflag:s16] =	ssyncset.done $0x0  }
0x591: {  	s23 =	rddreg [dreg:$0x1e];
	[sflag:s16] =	ssyncadd.s32 $0xFFFFB000  }
0x592: {  	[hbm4b:s23+s21] =	stream.strided.scatter [tilespmem:s1], [sflag:$0x8], $0x5000, s13, s21, $0x38;
	[tilespmem:$0x1F5A0] =	vst v63  }
0x593: {  	s10 =	simm.s32 $0x7;
	s19 =	simm.s32 $0x14600;
	s26 =	rddreg [dreg:$0x1f]  }
0x594: {  	[hbm4b:s26+s21] =	stream.strided.scatter [tilespmem:s19], [sflag:$0xB], $0x5000, s13, s21, $0x38;
	[tilespmem:$0x1F5A0] =	vst v63  }
0x595: {  	_ =	swait.ge [sflag:s10], $0x5000  }
0x596: {  	[sflag:s10] =	ssyncset.done $0x0  }
0x597: {  	s14 =	simm.s32 $0xA;
	[sflag:s10] =	ssyncadd.s32 $0xFFFFB000  }
0x598: {  	_ =	swait.ge [sflag:s14], $0x5000  }
0x599: {  	[sflag:s14] =	ssyncset.done $0x0  }
0x59a: {  	s7 =	simm.s32 $0xD;
	[sflag:s14] =	ssyncadd.s32 $0xFFFFB000  }
0x59b: {  	_ =	swait.ge [sflag:s7], $0xA0  }
0x59c: {  	[sflag:s7] =	ssyncset.done $0x0  }
0x59d: {  	s12 =	simm.s32 $0x10;
	[sflag:s7] =	ssyncadd.s32 $0xFFFFFF60  }
0x59e: {  	_ =	swait.ge [sflag:s12], $0xA0  }
0x59f: {  	[sflag:s12] =	ssyncset.done $0x0  }
0x5a0: {  	[sflag:s12] =	ssyncadd.s32 $0xFFFFFF60  }
0x5a1: {  	[tilespmem:s4], [sflag:$0x1] =	stream.indirect.gather [spmem:s22], $0x80, s2, s18, $0xb8;
	[tilespmem:$0x1F5A0] =	vst v63  }
0x5a2: {  	s2 =	sld [smem:$0x7C6]  }
0x5a3: {  	[tilespmem:s5], [sflag:$0x4] =	stream.indirect.gather [hbm4b:s28+s18], $0x80, s3, s18, $0xb8;
	[tilespmem:$0x1F5A0] =	vst v63  }
0x5a4: {  	s4 =	sld [smem:$0x7C7]  }
0x5a5: {  	[tilespmem:s21], [sflag:$0xE] =	stream.linear.gather [hbm4b:s2+s3], $0xA0, $0x38;
	[tilespmem:$0x1F5A0] =	vst v63  }
0x5a6: {  	s29 =	simm.s32 $0x3;
	s2 =	simm.s32 $0x100  }
0x5a7: {  	[tilespmem:s2], [sflag:$0x11] =	stream.linear.gather [hbm4b:s4+s3], $0xA0, $0x38;
	[tilespmem:$0x1F5A0] =	vst v63  }
0x5a8: {  	_ =	swait.ge [sflag:s29], $0x5000  }
0x5a9: {  	[sflag:s29] =	ssyncset.done $0x0  }
0x5aa: {  	[sflag:s29] =	ssyncadd.s32 $0xFFFFB000  }
0x5ab: {  	_ =	swait.ge [sflag:s6], $0x5000  }
0x5ac: {  	s5 =	sld [smem:$0x7C8]  }
0x5ad: {  	[sflag:s6] =	ssyncset.done $0x0  }
0x5ae: {  	s30 =	simm.s32 $0xA600;
	s7 =	sld [smem:$0x7C9];
	[sflag:s6] =	ssyncadd.s32 $0xFFFFB000  }
0x5af: {  	[hbm4b:s5+s21] =	stream.strided.scatter [tilespmem:s30], [sflag:$0x9], $0x5000, s13, s21, $0x38;
	[tilespmem:$0x1F5A0] =	vst v63  }
0x5b0: {  	s29 =	simm.s32 $0x8  }
0x5b1: {  	[hbm4b:s7+s21] =	stream.strided.scatter [tilespmem:s0], [sflag:$0xC], $0x5000, s13, s21, $0x38;
	[tilespmem:$0x1F5A0] =	vst v63  }
0x5b2: {  	_ =	swait.ge [sflag:s29], $0x5000  }
0x5b3: {  	[sflag:s29] =	ssyncset.done $0x0  }
0x5b4: {  	s30 =	simm.s32 $0xB;
	[sflag:s29] =	ssyncadd.s32 $0xFFFFB000  }
0x5b5: {  	_ =	swait.ge [sflag:s30], $0x5000  }
0x5b6: {  	[sflag:s30] =	ssyncset.done $0x0  }
0x5b7: {  	[sflag:s30] =	ssyncadd.s32 $0xFFFFB000  }
0x5b8: {  	_ =	swait.ge [sflag:s8], $0xA0  }
0x5b9: {  	[sflag:s8] =	ssyncset.done $0x0  }
0x5ba: {  	[sflag:s8] =	ssyncadd.s32 $0xFFFFFF60  }
0x5bb: {  	_ =	swait.ge [sflag:s17], $0xA0  }
0x5bc: {  	[sflag:s17] =	ssyncset.done $0x0  }
0x5bd: {  	s23 =	simm.s32 $0x5600;
	[sflag:s17] =	ssyncadd.s32 $0xFFFFFF60  }
0x5be: {  	[tilespmem:s23], [sflag:$0x2] =	stream.indirect.gather [spmem:s22], $0x80, s21, s18, $0xb8;
	[tilespmem:$0x1F5A0] =	vst v63  }
0x5bf: {  	s4 =	sld [smem:$0x7CA]  }
0x5c0: {  	[tilespmem:s19], [sflag:$0x5] =	stream.indirect.gather [hbm4b:s28+s18], $0x80, s2, s18, $0xb8;
	[tilespmem:$0x1F5A0] =	vst v63  }
0x5c1: {  	s29 =	simm.s32 $0x500;
	s23 =	sld [smem:$0x7CB]  }
0x5c2: {  	[tilespmem:s29], [sflag:$0xF] =	stream.linear.gather [hbm4b:s4+s3], $0xA0, $0x38;
	[tilespmem:$0x1F5A0] =	vst v63  }
0x5c3: {  	s4 =	simm.s32 $0x200  }
0x5c4: {  	[tilespmem:s4], [sflag:$0x12] =	stream.linear.gather [hbm4b:s23+s3], $0xA0, $0x38;
	[tilespmem:$0x1F5A0] =	vst v63  }
0x5c5: {  	_ =	swait.ge [sflag:s15], $0x5000  }
0x5c6: {  	[sflag:s15] =	ssyncset.done $0x0  }
0x5c7: {  	[sflag:s15] =	ssyncadd.s32 $0xFFFFB000  }
0x5c8: {  	_ =	swait.ge [sflag:s20], $0x5000  }
0x5c9: {  	s2 =	sld [smem:$0x7CC]  }
0x5ca: {  	[sflag:s20] =	ssyncset.done $0x0  }
0x5cb: {  	s12 =	simm.s32 $0x600;
	s23 =	sld [smem:$0x7CD];
	[sflag:s20] =	ssyncadd.s32 $0xFFFFB000  }
0x5cc: {  	[hbm4b:s2+s21] =	stream.strided.scatter [tilespmem:s12], [sflag:$0x7], $0x5000, s13, s21, $0x38;
	[tilespmem:$0x1F5A0] =	vst v63  }
0x5cd: {  	s1 =	simm.s32 $0xF600  }
0x5ce: {  	[hbm4b:s23+s21] =	stream.strided.scatter [tilespmem:s1], [sflag:$0xA], $0x5000, s13, s21, $0x38;
	[tilespmem:$0x1F5A0] =	vst v63  }
0x5cf: {  	_ =	swait.ge [sflag:s11], $0x5000  }
0x5d0: {  	[sflag:s11] =	ssyncset.done $0x0  }
0x5d1: {  	s25 =	simm.s32 $0xC;
	[sflag:s11] =	ssyncadd.s32 $0xFFFFB000  }
0x5d2: {  	_ =	swait.ge [sflag:s25], $0x5000  }
0x5d3: {  	[sflag:s25] =	ssyncset.done $0x0  }
0x5d4: {  	[sflag:s25] =	ssyncadd.s32 $0xFFFFB000  }
0x5d5: {  	_ =	swait.ge [sflag:s9], $0xA0  }
0x5d6: {  	[sflag:s9] =	ssyncset.done $0x0  }
0x5d7: {  	[sflag:s9] =	ssyncadd.s32 $0xFFFFFF60  }
0x5d8: {  	_ =	swait.ge [sflag:s24], $0xA0  }
0x5d9: {  	[sflag:s24] =	ssyncset.done $0x0  }
0x5da: {  	s5 =	simm.s32 $0xA600;
	[sflag:s24] =	ssyncadd.s32 $0xFFFFFF60  }
0x5db: {  	[tilespmem:s5], [sflag:$0x3] =	stream.indirect.gather [spmem:s22], $0x80, s29, s18, $0xb8;
	[tilespmem:$0x1F5A0] =	vst v63  }
0x5dc: {  	s0 =	simm.s32 $0x19600;
	s26 =	sld [smem:$0x7CE]  }
0x5dd: {  	[tilespmem:s0], [sflag:$0x6] =	stream.indirect.gather [hbm4b:s28+s18], $0x80, s4, s18, $0xb8;
	[tilespmem:$0x1F5A0] =	vst v63  }
0x5de: {  	s1 =	simm.s32 $0x300;
	s4 =	sld [smem:$0x7CF]  }
0x5df: {  	[tilespmem:s1], [sflag:$0xD] =	stream.linear.gather [hbm4b:s26+s3], $0xA0, $0x38;
	[tilespmem:$0x1F5A0] =	vst v63  }
0x5e0: {  	_ = 	snop  }
0x5e1: {  	[tilespmem:s3], [sflag:$0x10] =	stream.linear.gather [hbm4b:s4+s3], $0xA0, $0x38;
	[tilespmem:$0x1F5A0] =	vst v63  }
0x5e2: {  	_ =	swait.ge [sflag:s31], $0x5000  }
0x5e3: {  	[sflag:s31] =	ssyncset.done $0x0  }
0x5e4: {  	[sflag:s31] =	ssyncadd.s32 $0xFFFFB000  }
0x5e5: {  	_ =	swait.ge [sflag:s16], $0x5000  }
0x5e6: {  	s12 =	sld [smem:$0x7D0]  }
0x5e7: {  	[sflag:s16] =	ssyncset.done $0x0  }
0x5e8: {  	s7 =	simm.s32 $0x5600;
	s19 =	sld [smem:$0x7D1];
	[sflag:s16] =	ssyncadd.s32 $0xFFFFB000  }
0x5e9: {  	[hbm4b:s12+s21] =	stream.strided.scatter [tilespmem:s7], [sflag:$0x8], $0x5000, s13, s21, $0x38;
	[tilespmem:$0x1F5A0] =	vst v63  }
0x5ea: {  	s30 =	simm.s32 $0x14600  }
0x5eb: {  	[hbm4b:s19+s21] =	stream.strided.scatter [tilespmem:s30], [sflag:$0xB], $0x5000, s13, s21, $0x38;
	[tilespmem:$0x1F5A0] =	vst v63  }
0x5ec: {  	_ =	swait.ge [sflag:s10], $0x5000  }
0x5ed: {  	[sflag:s10] =	ssyncset.done $0x0  }
0x5ee: {  	[sflag:s10] =	ssyncadd.s32 $0xFFFFB000  }
0x5ef: {  	_ =	swait.ge [sflag:s14], $0x5000  }
0x5f0: {  	[sflag:s14] =	ssyncset.done $0x0  }
0x5f1: {  	s26 =	simm.s32 $0xD;
	[sflag:s14] =	ssyncadd.s32 $0xFFFFB000  }
0x5f2: {  	_ =	swait.ge [sflag:s26], $0xA0  }
0x5f3: {  	[sflag:s26] =	ssyncset.done $0x0  }
0x5f4: {  	s30 =	simm.s32 $0x10;
	[sflag:s26] =	ssyncadd.s32 $0xFFFFFF60  }
0x5f5: {  	_ =	swait.ge [sflag:s30], $0xA0  }
0x5f6: {  	[sflag:s30] =	ssyncset.done $0x0  }
0x5f7: {  	s19 =	simm.s32 $0x600;
	[sflag:s30] =	ssyncadd.s32 $0xFFFFFF60  }
0x5f8: {  	[tilespmem:s19], [sflag:$0x1] =	stream.indirect.gather [spmem:s22], $0x80, s1, s18, $0xb8;
	[tilespmem:$0x1F5A0] =	vst v63  }
0x5f9: {  	s2 =	simm.s32 $0xF600;
	s0 =	sld [smem:$0x7D2]  }
0x5fa: {  	[tilespmem:s2], [sflag:$0x4] =	stream.indirect.gather [hbm4b:s28+s18], $0x80, s3, s18, $0xb8;
	[tilespmem:$0x1F5A0] =	vst v63  }
0x5fb: {  	s1 =	sld [smem:$0x7D3]  }
0x5fc: {  	[tilespmem:s21], [sflag:$0xE] =	stream.linear.gather [hbm4b:s0+s3], $0xA0, $0x38;
	[tilespmem:$0x1F5A0] =	vst v63  }
0x5fd: {  	s2 =	simm.s32 $0x3;
	s0 =	simm.s32 $0x100  }
0x5fe: {  	[tilespmem:s0], [sflag:$0x11] =	stream.linear.gather [hbm4b:s1+s3], $0xA0, $0x38;
	[tilespmem:$0x1F5A0] =	vst v63  }
0x5ff: {  	_ =	swait.ge [sflag:s2], $0x5000  }
0x600: {  	[sflag:s2] =	ssyncset.done $0x0  }
0x601: {  	[sflag:s2] =	ssyncadd.s32 $0xFFFFB000  }
0x602: {  	_ =	swait.ge [sflag:s6], $0x5000  }
0x603: {  	s7 =	sld [smem:$0x7D4]  }
0x604: {  	[sflag:s6] =	ssyncset.done $0x0  }
0x605: {  	s29 =	simm.s32 $0xA600;
	s14 =	sld [smem:$0x7D5];
	[sflag:s6] =	ssyncadd.s32 $0xFFFFB000  }
0x606: {  	[hbm4b:s7+s21] =	stream.strided.scatter [tilespmem:s29], [sflag:$0x9], $0x5000, s13, s21, $0x38;
	[tilespmem:$0x1F5A0] =	vst v63  }
0x607: {  	s25 =	simm.s32 $0x8;
	s5 =	simm.s32 $0x19600  }
0x608: {  	[hbm4b:s14+s21] =	stream.strided.scatter [tilespmem:s5], [sflag:$0xC], $0x5000, s13, s21, $0x38;
	[tilespmem:$0x1F5A0] =	vst v63  }
0x609: {  	_ =	swait.ge [sflag:s25], $0x5000  }
0x60a: {  	[sflag:s25] =	ssyncset.done $0x0  }
0x60b: {  	s26 =	simm.s32 $0xB;
	[sflag:s25] =	ssyncadd.s32 $0xFFFFB000  }
0x60c: {  	_ =	swait.ge [sflag:s26], $0x5000  }
0x60d: {  	[sflag:s26] =	ssyncset.done $0x0  }
0x60e: {  	[sflag:s26] =	ssyncadd.s32 $0xFFFFB000  }
0x60f: {  	_ =	swait.ge [sflag:s8], $0xA0  }
0x610: {  	[sflag:s8] =	ssyncset.done $0x0  }
0x611: {  	[sflag:s8] =	ssyncadd.s32 $0xFFFFFF60  }
0x612: {  	_ =	swait.ge [sflag:s17], $0xA0  }
0x613: {  	[sflag:s17] =	ssyncset.done $0x0  }
0x614: {  	s30 =	simm.s32 $0x5600;
	[sflag:s17] =	ssyncadd.s32 $0xFFFFFF60  }
0x615: {  	[tilespmem:s30], [sflag:$0x2] =	stream.indirect.gather [spmem:s22], $0x80, s21, s18, $0xb8;
	[tilespmem:$0x1F5A0] =	vst v63  }
0x616: {  	s5 =	simm.s32 $0x14600;
	s25 =	sld [smem:$0x7D6]  }
0x617: {  	[tilespmem:s5], [sflag:$0x5] =	stream.indirect.gather [hbm4b:s28+s18], $0x80, s0, s18, $0xb8;
	[tilespmem:$0x1F5A0] =	vst v63  }
0x618: {  	s1 =	simm.s32 $0x500;
	s26 =	sld [smem:$0x7D7]  }
0x619: {  	[tilespmem:s1], [sflag:$0xF] =	stream.linear.gather [hbm4b:s25+s3], $0xA0, $0x38;
	[tilespmem:$0x1F5A0] =	vst v63  }
0x61a: {  	s5 =	simm.s32 $0x200  }
0x61b: {  	[tilespmem:s5], [sflag:$0x12] =	stream.linear.gather [hbm4b:s26+s3], $0xA0, $0x38;
	[tilespmem:$0x1F5A0] =	vst v63  }
0x61c: {  	_ =	swait.ge [sflag:s15], $0x5000  }
0x61d: {  	[sflag:s15] =	ssyncset.done $0x0  }
0x61e: {  	[sflag:s15] =	ssyncadd.s32 $0xFFFFB000  }
0x61f: {  	_ =	swait.ge [sflag:s20], $0x5000  }
0x620: {  	s25 =	sld [smem:$0x7D8]  }
0x621: {  	[sflag:s20] =	ssyncset.done $0x0  }
0x622: {  	s26 =	sld [smem:$0x7D9];
	[sflag:s20] =	ssyncadd.s32 $0xFFFFB000  }
0x623: {  	[hbm4b:s25+s21] =	stream.strided.scatter [tilespmem:s19], [sflag:$0x7], $0x5000, s13, s21, $0x38;
	[tilespmem:$0x1F5A0] =	vst v63  }
0x624: {  	s10 =	simm.s32 $0xF600  }
0x625: {  	[hbm4b:s26+s21] =	stream.strided.scatter [tilespmem:s10], [sflag:$0xA], $0x5000, s13, s21, $0x38;
	[tilespmem:$0x1F5A0] =	vst v63  }
0x626: {  	_ =	swait.ge [sflag:s11], $0x5000  }
0x627: {  	[sflag:s11] =	ssyncset.done $0x0  }
0x628: {  	s23 =	simm.s32 $0xC;
	[sflag:s11] =	ssyncadd.s32 $0xFFFFB000  }
0x629: {  	_ =	swait.ge [sflag:s23], $0x5000  }
0x62a: {  	[sflag:s23] =	ssyncset.done $0x0  }
0x62b: {  	[sflag:s23] =	ssyncadd.s32 $0xFFFFB000  }
0x62c: {  	_ =	swait.ge [sflag:s9], $0xA0  }
0x62d: {  	[sflag:s9] =	ssyncset.done $0x0  }
0x62e: {  	[sflag:s9] =	ssyncadd.s32 $0xFFFFFF60  }
0x62f: {  	_ =	swait.ge [sflag:s24], $0xA0  }
0x630: {  	[sflag:s24] =	ssyncset.done $0x0  }
0x631: {  	s29 =	simm.s32 $0xA600;
	[sflag:s24] =	ssyncadd.s32 $0xFFFFFF60  }
0x632: {  	[tilespmem:s29], [sflag:$0x3] =	stream.indirect.gather [spmem:s22], $0x80, s1, s18, $0xb8;
	[tilespmem:$0x1F5A0] =	vst v63  }
0x633: {  	s26 =	sld [smem:$0x7DA];
	s29 =	simm.s32 $0x19600  }
0x634: {  	[tilespmem:s29], [sflag:$0x6] =	stream.indirect.gather [hbm4b:s28+s18], $0x80, s5, s18, $0xb8;
	[tilespmem:$0x1F5A0] =	vst v63  }
0x635: {  	s5 =	sld [smem:$0x7DB];
	s29 =	simm.s32 $0x300  }
0x636: {  	[tilespmem:s29], [sflag:$0xD] =	stream.linear.gather [hbm4b:s26+s3], $0xA0, $0x38;
	[tilespmem:$0x1F5A0] =	vst v63  }
0x637: {  	_ = 	snop  }
0x638: {  	[tilespmem:s3], [sflag:$0x10] =	stream.linear.gather [hbm4b:s5+s3], $0xA0, $0x38;
	[tilespmem:$0x1F5A0] =	vst v63  }
0x639: {  	_ =	swait.ge [sflag:s31], $0x5000  }
0x63a: {  	[sflag:s31] =	ssyncset.done $0x0  }
0x63b: {  	[sflag:s31] =	ssyncadd.s32 $0xFFFFB000  }
0x63c: {  	_ =	swait.ge [sflag:s16], $0x5000  }
0x63d: {  	s10 =	sld [smem:$0x7DC]  }
0x63e: {  	[sflag:s16] =	ssyncset.done $0x0  }
0x63f: {  	s30 =	simm.s32 $0x5600;
	[sflag:s16] =	ssyncadd.s32 $0xFFFFB000;
	s16 =	sld [smem:$0x7DD]  }
0x640: {  	[hbm4b:s10+s21] =	stream.strided.scatter [tilespmem:s30], [sflag:$0x8], $0x5000, s13, s21, $0x38;
	[tilespmem:$0x1F5A0] =	vst v63  }
0x641: {  	s0 =	simm.s32 $0x14600;
	s25 =	simm.s32 $0x7  }
0x642: {  	[hbm4b:s16+s21] =	stream.strided.scatter [tilespmem:s0], [sflag:$0xB], $0x5000, s13, s21, $0x38;
	[tilespmem:$0x1F5A0] =	vst v63  }
0x643: {  	_ =	swait.ge [sflag:s25], $0x5000  }
0x644: {  	[sflag:s25] =	ssyncset.done $0x0  }
0x645: {  	s26 =	simm.s32 $0xA;
	[sflag:s25] =	ssyncadd.s32 $0xFFFFB000  }
0x646: {  	_ =	swait.ge [sflag:s26], $0x5000  }
0x647: {  	[sflag:s26] =	ssyncset.done $0x0  }
0x648: {  	s12 =	simm.s32 $0xD;
	[sflag:s26] =	ssyncadd.s32 $0xFFFFB000  }
0x649: {  	_ =	swait.ge [sflag:s12], $0xA0  }
0x64a: {  	[sflag:s12] =	ssyncset.done $0x0  }
0x64b: {  	s4 =	simm.s32 $0x10;
	[sflag:s12] =	ssyncadd.s32 $0xFFFFFF60  }
0x64c: {  	_ =	swait.ge [sflag:s4], $0xA0  }
0x64d: {  	[sflag:s4] =	ssyncset.done $0x0  }
0x64e: {  	[sflag:s4] =	ssyncadd.s32 $0xFFFFFF60  }
0x64f: {  	[tilespmem:s19], [sflag:$0x1] =	stream.indirect.gather [spmem:s22], $0x80, s29, s18, $0xb8;
	[tilespmem:$0x1F5A0] =	vst v63  }
0x650: {  	s30 =	sld [smem:$0x7DE];
	s4 =	simm.s32 $0xF600  }
0x651: {  	[tilespmem:s4], [sflag:$0x4] =	stream.indirect.gather [hbm4b:s28+s18], $0x80, s3, s18, $0xb8;
	[tilespmem:$0x1F5A0] =	vst v63  }
0x652: {  	s12 =	sld [smem:$0x7DF]  }
0x653: {  	[tilespmem:s21], [sflag:$0xE] =	stream.linear.gather [hbm4b:s30+s3], $0xA0, $0x38;
	[tilespmem:$0x1F5A0] =	vst v63  }
0x654: {  	s2 =	simm.s32 $0x3;
	s16 =	simm.s32 $0x100  }
0x655: {  	[tilespmem:s16], [sflag:$0x11] =	stream.linear.gather [hbm4b:s12+s3], $0xA0, $0x38;
	[tilespmem:$0x1F5A0] =	vst v63  }
0x656: {  	_ =	swait.ge [sflag:s2], $0x5000  }
0x657: {  	[sflag:s2] =	ssyncset.done $0x0  }
0x658: {  	[sflag:s2] =	ssyncadd.s32 $0xFFFFB000  }
0x659: {  	_ =	swait.ge [sflag:s6], $0x5000  }
0x65a: {  	s26 =	sld [smem:$0x7E0]  }
0x65b: {  	[sflag:s6] =	ssyncset.done $0x0  }
0x65c: {  	s12 =	simm.s32 $0xA600;
	s30 =	sld [smem:$0x7E1];
	[sflag:s6] =	ssyncadd.s32 $0xFFFFB000  }
0x65d: {  	[hbm4b:s26+s21] =	stream.strided.scatter [tilespmem:s12], [sflag:$0x9], $0x5000, s13, s21, $0x38;
	[tilespmem:$0x1F5A0] =	vst v63  }
0x65e: {  	s7 =	simm.s32 $0x8;
	s2 =	simm.s32 $0x19600  }
0x65f: {  	[hbm4b:s30+s21] =	stream.strided.scatter [tilespmem:s2], [sflag:$0xC], $0x5000, s13, s21, $0x38;
	[tilespmem:$0x1F5A0] =	vst v63  }
0x660: {  	_ =	swait.ge [sflag:s7], $0x5000  }
0x661: {  	[sflag:s7] =	ssyncset.done $0x0  }
0x662: {  	s14 =	simm.s32 $0xB;
	[sflag:s7] =	ssyncadd.s32 $0xFFFFB000  }
0x663: {  	_ =	swait.ge [sflag:s14], $0x5000  }
0x664: {  	[sflag:s14] =	ssyncset.done $0x0  }
0x665: {  	[sflag:s14] =	ssyncadd.s32 $0xFFFFB000  }
0x666: {  	_ =	swait.ge [sflag:s8], $0xA0  }
0x667: {  	[sflag:s8] =	ssyncset.done $0x0  }
0x668: {  	[sflag:s8] =	ssyncadd.s32 $0xFFFFFF60  }
0x669: {  	_ =	swait.ge [sflag:s17], $0xA0  }
0x66a: {  	[sflag:s17] =	ssyncset.done $0x0  }
0x66b: {  	s5 =	simm.s32 $0x5600;
	[sflag:s17] =	ssyncadd.s32 $0xFFFFFF60  }
0x66c: {  	[tilespmem:s5], [sflag:$0x2] =	stream.indirect.gather [spmem:s22], $0x80, s21, s18, $0xb8;
	[tilespmem:$0x1F5A0] =	vst v63  }
0x66d: {  	s0 =	simm.s32 $0x14600;
	s30 =	sld [smem:$0x7E2]  }
0x66e: {  	[tilespmem:s0], [sflag:$0x5] =	stream.indirect.gather [hbm4b:s28+s18], $0x80, s16, s18, $0xb8;
	[tilespmem:$0x1F5A0] =	vst v63  }
0x66f: {  	s23 =	simm.s32 $0x500;
	s0 =	sld [smem:$0x7E3]  }
0x670: {  	[tilespmem:s23], [sflag:$0xF] =	stream.linear.gather [hbm4b:s30+s3], $0xA0, $0x38;
	[tilespmem:$0x1F5A0] =	vst v63  }
0x671: {  	s7 =	simm.s32 $0x200  }
0x672: {  	[tilespmem:s7], [sflag:$0x12] =	stream.linear.gather [hbm4b:s0+s3], $0xA0, $0x38;
	[tilespmem:$0x1F5A0] =	vst v63  }
0x673: {  	_ =	swait.ge [sflag:s15], $0x5000  }
0x674: {  	[sflag:s15] =	ssyncset.done $0x0  }
0x675: {  	[sflag:s15] =	ssyncadd.s32 $0xFFFFB000  }
0x676: {  	_ =	swait.ge [sflag:s20], $0x5000  }
0x677: {  	s14 =	sld [smem:$0x7E4]  }
0x678: {  	[sflag:s20] =	ssyncset.done $0x0  }
0x679: {  	s16 =	sld [smem:$0x7E5];
	[sflag:s20] =	ssyncadd.s32 $0xFFFFB000  }
0x67a: {  	[hbm4b:s14+s21] =	stream.strided.scatter [tilespmem:s19], [sflag:$0x7], $0x5000, s13, s21, $0x38;
	[tilespmem:$0x1F5A0] =	vst v63  }
0x67b: {  	_ = 	snop  }
0x67c: {  	[hbm4b:s16+s21] =	stream.strided.scatter [tilespmem:s4], [sflag:$0xA], $0x5000, s13, s21, $0x38;
	[tilespmem:$0x1F5A0] =	vst v63  }
0x67d: {  	_ =	swait.ge [sflag:s11], $0x5000  }
0x67e: {  	[sflag:s11] =	ssyncset.done $0x0  }
0x67f: {  	s30 =	simm.s32 $0xC;
	[sflag:s11] =	ssyncadd.s32 $0xFFFFB000  }
0x680: {  	_ =	swait.ge [sflag:s30], $0x5000  }
0x681: {  	[sflag:s30] =	ssyncset.done $0x0  }
0x682: {  	[sflag:s30] =	ssyncadd.s32 $0xFFFFB000  }
0x683: {  	_ =	swait.ge [sflag:s9], $0xA0  }
0x684: {  	[sflag:s9] =	ssyncset.done $0x0  }
0x685: {  	[sflag:s9] =	ssyncadd.s32 $0xFFFFFF60  }
0x686: {  	_ =	swait.ge [sflag:s24], $0xA0  }
0x687: {  	[sflag:s24] =	ssyncset.done $0x0  }
0x688: {  	[sflag:s24] =	ssyncadd.s32 $0xFFFFFF60  }
0x689: {  	[tilespmem:s12], [sflag:$0x3] =	stream.indirect.gather [spmem:s22], $0x80, s23, s18, $0xb8;
	[tilespmem:$0x1F5A0] =	vst v63  }
0x68a: {  	s4 =	sld [smem:$0x7E6]  }
0x68b: {  	[tilespmem:s2], [sflag:$0x6] =	stream.indirect.gather [hbm4b:s28+s18], $0x80, s7, s18, $0xb8;
	[tilespmem:$0x1F5A0] =	vst v63  }
0x68c: {  	s29 =	simm.s32 $0x300;
	s7 =	sld [smem:$0x7E7]  }
0x68d: {  	[tilespmem:s29], [sflag:$0xD] =	stream.linear.gather [hbm4b:s4+s3], $0xA0, $0x38;
	[tilespmem:$0x1F5A0] =	vst v63  }
0x68e: {  	_ = 	snop  }
0x68f: {  	[tilespmem:s3], [sflag:$0x10] =	stream.linear.gather [hbm4b:s7+s3], $0xA0, $0x38;
	[tilespmem:$0x1F5A0] =	vst v63  }
0x690: {  	_ =	swait.ge [sflag:s31], $0x5000  }
0x691: {  	[sflag:s31] =	ssyncset.done $0x0  }
0x692: {  	s30 =	simm.s32 $0x5;
	[sflag:s31] =	ssyncadd.s32 $0xFFFFB000  }
0x693: {  	_ =	swait.ge [sflag:s30], $0x5000  }
0x694: {  	s0 =	sld [smem:$0x7E8]  }
0x695: {  	[sflag:s30] =	ssyncset.done $0x0  }
0x696: {  	s4 =	sld [smem:$0x7E9];
	[sflag:s30] =	ssyncadd.s32 $0xFFFFB000  }
0x697: {  	[hbm4b:s0+s21] =	stream.strided.scatter [tilespmem:s5], [sflag:$0x8], $0x5000, s13, s21, $0x38;
	[tilespmem:$0x1F5A0] =	vst v63  }
0x698: {  	s10 =	simm.s32 $0x7;
	s0 =	simm.s32 $0x14600  }
0x699: {  	[hbm4b:s4+s21] =	stream.strided.scatter [tilespmem:s0], [sflag:$0xB], $0x5000, s13, s21, $0x38;
	[tilespmem:$0x1F5A0] =	vst v63  }
0x69a: {  	_ =	swait.ge [sflag:s10], $0x5000  }
0x69b: {  	[sflag:s10] =	ssyncset.done $0x0  }
0x69c: {  	s1 =	simm.s32 $0xA;
	[sflag:s10] =	ssyncadd.s32 $0xFFFFB000  }
0x69d: {  	_ =	swait.ge [sflag:s1], $0x5000  }
0x69e: {  	[sflag:s1] =	ssyncset.done $0x0  }
0x69f: {  	s25 =	simm.s32 $0xD;
	[sflag:s1] =	ssyncadd.s32 $0xFFFFB000  }
0x6a0: {  	_ =	swait.ge [sflag:s25], $0xA0  }
0x6a1: {  	[sflag:s25] =	ssyncset.done $0x0  }
0x6a2: {  	s26 =	simm.s32 $0x10;
	[sflag:s25] =	ssyncadd.s32 $0xFFFFFF60  }
0x6a3: {  	_ =	swait.ge [sflag:s26], $0xA0  }
0x6a4: {  	[sflag:s26] =	ssyncset.done $0x0  }
0x6a5: {  	[sflag:s26] =	ssyncadd.s32 $0xFFFFFF60  }
0x6a6: {  	[tilespmem:s19], [sflag:$0x1] =	stream.indirect.gather [spmem:s22], $0x80, s29, s18, $0xb8;
	[tilespmem:$0x1F5A0] =	vst v63  }
0x6a7: {  	s14 =	simm.s32 $0xF600;
	s30 =	sld [smem:$0x7EA]  }
0x6a8: {  	[tilespmem:s14], [sflag:$0x4] =	stream.indirect.gather [hbm4b:s28+s18], $0x80, s3, s18, $0xb8;
	[tilespmem:$0x1F5A0] =	vst v63  }
0x6a9: {  	s1 =	sld [smem:$0x7EB]  }
0x6aa: {  	[tilespmem:s21], [sflag:$0xE] =	stream.linear.gather [hbm4b:s30+s3], $0xA0, $0x38;
	[tilespmem:$0x1F5A0] =	vst v63  }
0x6ab: {  	s2 =	simm.s32 $0x100;
	s5 =	simm.s32 $0x3  }
0x6ac: {  	[tilespmem:s2], [sflag:$0x11] =	stream.linear.gather [hbm4b:s1+s3], $0xA0, $0x38;
	[tilespmem:$0x1F5A0] =	vst v63  }
0x6ad: {  	_ =	swait.ge [sflag:s5], $0x5000  }
0x6ae: {  	[sflag:s5] =	ssyncset.done $0x0  }
0x6af: {  	[sflag:s5] =	ssyncadd.s32 $0xFFFFB000  }
0x6b0: {  	_ =	swait.ge [sflag:s6], $0x5000  }
0x6b1: {  	s14 =	sld [smem:$0x7EC]  }
0x6b2: {  	[sflag:s6] =	ssyncset.done $0x0  }
0x6b3: {  	s23 =	simm.s32 $0xA600;
	s19 =	sld [smem:$0x7ED];
	[sflag:s6] =	ssyncadd.s32 $0xFFFFB000  }
0x6b4: {  	[hbm4b:s14+s21] =	stream.strided.scatter [tilespmem:s23], [sflag:$0x9], $0x5000, s13, s21, $0x38;
	[tilespmem:$0x1F5A0] =	vst v63  }
0x6b5: {  	s12 =	simm.s32 $0x19600;
	s25 =	simm.s32 $0x8  }
0x6b6: {  	[hbm4b:s19+s21] =	stream.strided.scatter [tilespmem:s12], [sflag:$0xC], $0x5000, s13, s21, $0x38;
	[tilespmem:$0x1F5A0] =	vst v63  }
0x6b7: {  	_ =	swait.ge [sflag:s25], $0x5000  }
0x6b8: {  	[sflag:s25] =	ssyncset.done $0x0  }
0x6b9: {  	s26 =	simm.s32 $0xB;
	[sflag:s25] =	ssyncadd.s32 $0xFFFFB000  }
0x6ba: {  	_ =	swait.ge [sflag:s26], $0x5000  }
0x6bb: {  	[sflag:s26] =	ssyncset.done $0x0  }
0x6bc: {  	[sflag:s26] =	ssyncadd.s32 $0xFFFFB000  }
0x6bd: {  	_ =	swait.ge [sflag:s8], $0xA0  }
0x6be: {  	[sflag:s8] =	ssyncset.done $0x0  }
0x6bf: {  	[sflag:s8] =	ssyncadd.s32 $0xFFFFFF60  }
0x6c0: {  	_ =	swait.ge [sflag:s17], $0xA0  }
0x6c1: {  	[sflag:s17] =	ssyncset.done $0x0  }
0x6c2: {  	s26 =	simm.s32 $0x5600;
	[sflag:s17] =	ssyncadd.s32 $0xFFFFFF60  }
0x6c3: {  	[tilespmem:s26], [sflag:$0x2] =	stream.indirect.gather [spmem:s22], $0x80, s21, s18, $0xb8;
	[tilespmem:$0x1F5A0] =	vst v63  }
0x6c4: {  	s29 =	sld [smem:$0x7EE]  }
0x6c5: {  	[tilespmem:s0], [sflag:$0x5] =	stream.indirect.gather [hbm4b:s28+s18], $0x80, s2, s18, $0xb8;
	[tilespmem:$0x1F5A0] =	vst v63  }
0x6c6: {  	s1 =	sld [smem:$0x7EF];
	s2 =	simm.s32 $0x500  }
0x6c7: {  	[tilespmem:s2], [sflag:$0xF] =	stream.linear.gather [hbm4b:s29+s3], $0xA0, $0x38;
	[tilespmem:$0x1F5A0] =	vst v63  }
0x6c8: {  	s5 =	simm.s32 $0x200  }
0x6c9: {  	[tilespmem:s5], [sflag:$0x12] =	stream.linear.gather [hbm4b:s1+s3], $0xA0, $0x38;
	[tilespmem:$0x1F5A0] =	vst v63  }
0x6ca: {  	_ =	swait.ge [sflag:s15], $0x5000  }
0x6cb: {  	[sflag:s15] =	ssyncset.done $0x0  }
0x6cc: {  	[sflag:s15] =	ssyncadd.s32 $0xFFFFB000  }
0x6cd: {  	_ =	swait.ge [sflag:s20], $0x5000  }
0x6ce: {  	s19 =	sld [smem:$0x7F0]  }
0x6cf: {  	[sflag:s20] =	ssyncset.done $0x0  }
0x6d0: {  	s25 =	simm.s32 $0x600;
	s23 =	sld [smem:$0x7F1];
	[sflag:s20] =	ssyncadd.s32 $0xFFFFB000  }
0x6d1: {  	[hbm4b:s19+s21] =	stream.strided.scatter [tilespmem:s25], [sflag:$0x7], $0x5000, s13, s21, $0x38;
	[tilespmem:$0x1F5A0] =	vst v63  }
0x6d2: {  	s1 =	simm.s32 $0xF600  }
0x6d3: {  	[hbm4b:s23+s21] =	stream.strided.scatter [tilespmem:s1], [sflag:$0xA], $0x5000, s13, s21, $0x38;
	[tilespmem:$0x1F5A0] =	vst v63  }
0x6d4: {  	_ =	swait.ge [sflag:s11], $0x5000  }
0x6d5: {  	[sflag:s11] =	ssyncset.done $0x0  }
0x6d6: {  	s16 =	simm.s32 $0xC;
	[sflag:s11] =	ssyncadd.s32 $0xFFFFB000  }
0x6d7: {  	_ =	swait.ge [sflag:s16], $0x5000  }
0x6d8: {  	[sflag:s16] =	ssyncset.done $0x0  }
0x6d9: {  	[sflag:s16] =	ssyncadd.s32 $0xFFFFB000  }
0x6da: {  	_ =	swait.ge [sflag:s9], $0xA0  }
0x6db: {  	[sflag:s9] =	ssyncset.done $0x0  }
0x6dc: {  	[sflag:s9] =	ssyncadd.s32 $0xFFFFFF60  }
0x6dd: {  	_ =	swait.ge [sflag:s24], $0xA0  }
0x6de: {  	[sflag:s24] =	ssyncset.done $0x0  }
0x6df: {  	s19 =	simm.s32 $0xA600;
	[sflag:s24] =	ssyncadd.s32 $0xFFFFFF60  }
0x6e0: {  	[tilespmem:s19], [sflag:$0x3] =	stream.indirect.gather [spmem:s22], $0x80, s2, s18, $0xb8;
	[tilespmem:$0x1F5A0] =	vst v63  }
0x6e1: {  	s29 =	sld [smem:$0x7F2];
	s2 =	simm.s32 $0x19600  }
0x6e2: {  	[tilespmem:s2], [sflag:$0x6] =	stream.indirect.gather [hbm4b:s28+s18], $0x80, s5, s18, $0xb8;
	[tilespmem:$0x1F5A0] =	vst v63  }
0x6e3: {  	s9 =	simm.s32 $0x300;
	s5 =	sld [smem:$0x7F3]  }
0x6e4: {  	[tilespmem:s9], [sflag:$0xD] =	stream.linear.gather [hbm4b:s29+s3], $0xA0, $0x38;
	[tilespmem:$0x1F5A0] =	vst v63  }
0x6e5: {  	_ = 	snop  }
0x6e6: {  	[tilespmem:s3], [sflag:$0x10] =	stream.linear.gather [hbm4b:s5+s3], $0xA0, $0x38;
	[tilespmem:$0x1F5A0] =	vst v63  }
0x6e7: {  	_ =	swait.ge [sflag:s31], $0x5000  }
0x6e8: {  	[sflag:s31] =	ssyncset.done $0x0  }
0x6e9: {  	s7 =	simm.s32 $0x5;
	[sflag:s31] =	ssyncadd.s32 $0xFFFFB000  }
0x6ea: {  	_ =	swait.ge [sflag:s7], $0x5000  }
0x6eb: {  	s24 =	sld [smem:$0x7F4]  }
0x6ec: {  	[sflag:s7] =	ssyncset.done $0x0  }
0x6ed: {  	s29 =	sld [smem:$0x7F5];
	[sflag:s7] =	ssyncadd.s32 $0xFFFFB000  }
0x6ee: {  	[hbm4b:s24+s21] =	stream.strided.scatter [tilespmem:s26], [sflag:$0x8], $0x5000, s13, s21, $0x38;
	[tilespmem:$0x1F5A0] =	vst v63  }
0x6ef: {  	s8 =	simm.s32 $0x14600;
	s31 =	simm.s32 $0x7  }
0x6f0: {  	[hbm4b:s29+s21] =	stream.strided.scatter [tilespmem:s8], [sflag:$0xB], $0x5000, s13, s21, $0x38;
	[tilespmem:$0x1F5A0] =	vst v63  }
0x6f1: {  	_ =	swait.ge [sflag:s31], $0x5000  }
0x6f2: {  	[sflag:s31] =	ssyncset.done $0x0  }
0x6f3: {  	s17 =	simm.s32 $0xA;
	[sflag:s31] =	ssyncadd.s32 $0xFFFFB000  }
0x6f4: {  	_ =	swait.ge [sflag:s17], $0x5000  }
0x6f5: {  	[sflag:s17] =	ssyncset.done $0x0  }
0x6f6: {  	s10 =	simm.s32 $0xD;
	[sflag:s17] =	ssyncadd.s32 $0xFFFFB000  }
0x6f7: {  	_ =	swait.ge [sflag:s10], $0xA0  }
0x6f8: {  	[sflag:s10] =	ssyncset.done $0x0  }
0x6f9: {  	s4 =	simm.s32 $0x10;
	[sflag:s10] =	ssyncadd.s32 $0xFFFFFF60  }
0x6fa: {  	_ =	swait.ge [sflag:s4], $0xA0  }
0x6fb: {  	[sflag:s4] =	ssyncset.done $0x0  }
0x6fc: {  	[sflag:s4] =	ssyncadd.s32 $0xFFFFFF60  }
0x6fd: {  	[tilespmem:s25], [sflag:$0x1] =	stream.indirect.gather [spmem:s22], $0x80, s9, s18, $0xb8;
	[tilespmem:$0x1F5A0] =	vst v63  }
0x6fe: {  	s0 =	sld [smem:$0x7F6]  }
0x6ff: {  	[tilespmem:s1], [sflag:$0x4] =	stream.indirect.gather [hbm4b:s28+s18], $0x80, s3, s18, $0xb8;
	[tilespmem:$0x1F5A0] =	vst v63  }
0x700: {  	s5 =	simm.s32 @!p1 $0x400;
	s17 =	sld [smem:$0x7F7];
	s3 =	simm.s32 @!p1 $0x0  }
0x701: {  	[tilespmem:s5], [sflag:$0xE] =	stream.linear.gather @!p1 [hbm4b:s0+s3], $0xA0, $0x38;
	[tilespmem:$0x1F5A0] =	vst v63  }
0x702: {  	s30 =	simm.s32 $0x3;
	s0 =	simm.s32 @!p1 $0x100  }
0x703: {  	[tilespmem:s0], [sflag:$0x11] =	stream.linear.gather @!p1 [hbm4b:s17+s3], $0xA0, $0x38;
	[tilespmem:$0x1F5A0] =	vst v63  }
0x704: {  	_ =	swait.ge [sflag:s30], $0x5000  }
0x705: {  	[sflag:s30] =	ssyncset.done $0x0  }
0x706: {  	[sflag:s30] =	ssyncadd.s32 $0xFFFFB000  }
0x707: {  	_ =	swait.ge [sflag:s6], $0x5000  }
0x708: {  	s26 =	sld [smem:$0x7F8]  }
0x709: {  	[sflag:s6] =	ssyncset.done $0x0  }
0x70a: {  	s29 =	sld [smem:$0x7F9];
	[sflag:s6] =	ssyncadd.s32 $0xFFFFB000  }
0x70b: {  	[hbm4b:s26+s21] =	stream.strided.scatter [tilespmem:s19], [sflag:$0x9], $0x5000, s13, s21, $0x38;
	[tilespmem:$0x1F5A0] =	vst v63  }
0x70c: {  	s3 =	simm.s32 @!p1 $0x8  }
0x70d: {  	[hbm4b:s29+s21] =	stream.strided.scatter [tilespmem:s2], [sflag:$0xC], $0x5000, s13, s21, $0x38;
	[tilespmem:$0x1F5A0] =	vst v63  }
0x70e: {  	_ =	swait.ge @!p1 [sflag:s3], $0x5000  }
0x70f: {  	[sflag:s3] =	ssyncset.done @!p1 $0x0  }
0x710: {  	[sflag:s3] =	ssyncadd.s32 @!p1 $0xFFFFB000;
	s3 =	simm.s32 @!p1 $0xB  }
0x711: {  	_ =	swait.ge @!p1 [sflag:s3], $0x5000  }
0x712: {  	[sflag:s3] =	ssyncset.done @!p1 $0x0  }
0x713: {  	[sflag:s3] =	ssyncadd.s32 @!p1 $0xFFFFB000;
	s3 =	simm.s32 @!p1 $0xE  }
0x714: {  	_ =	swait.ge @!p1 [sflag:s3], $0xA0  }
0x715: {  	[sflag:s3] =	ssyncset.done @!p1 $0x0  }
0x716: {  	[sflag:s3] =	ssyncadd.s32 @!p1 $0xFFFFFF60;
	s3 =	simm.s32 @!p1 $0x11  }
0x717: {  	_ =	swait.ge @!p1 [sflag:s3], $0xA0  }
0x718: {  	[sflag:s3] =	ssyncset.done @!p1 $0x0  }
0x719: {  	s17 =	simm.s32 @!p1 $0x5600;
	[sflag:s3] =	ssyncadd.s32 @!p1 $0xFFFFFF60;
	s3 =	simm.s32 @!p1 $0xA0  }
0x71a: {  	[tilespmem:s17], [sflag:$0x2] =	stream.indirect.gather @!p1 [spmem:s22], $0x80, s5, s3, $0xb8;
	[tilespmem:$0x1F5A0] =	vst v63  }
0x71b: {  	s2 =	simm.s32 @!p1 $0x14600  }
0x71c: {  	[tilespmem:s2], [sflag:$0x5] =	stream.indirect.gather @!p1 [hbm4b:s28+s3], $0x80, s0, s3, $0xb8;
	[tilespmem:$0x1F5A0] =	vst v63  }
0x71d: {  	_ =	swait.ge [sflag:s15], $0x5000  }
0x71e: {  	[sflag:s15] =	ssyncset.done $0x0  }
0x71f: {  	[sflag:s15] =	ssyncadd.s32 $0xFFFFB000  }
0x720: {  	_ =	swait.ge [sflag:s20], $0x5000  }
0x721: {  	s30 =	sld [smem:$0x7FA]  }
0x722: {  	[sflag:s20] =	ssyncset.done $0x0  }
0x723: {  	s24 =	simm.s32 $0x600;
	s31 =	sld [smem:$0x7FB];
	[sflag:s20] =	ssyncadd.s32 $0xFFFFB000  }
0x724: {  	[hbm4b:s30+s21] =	stream.strided.scatter [tilespmem:s24], [sflag:$0x7], $0x5000, s13, s21, $0x38;
	[tilespmem:$0x1F5A0] =	vst v63  }
0x725: {  	s25 =	simm.s32 $0xF600;
	s0 =	simm.s32 @!p1 $0x2  }
0x726: {  	[hbm4b:s31+s21] =	stream.strided.scatter [tilespmem:s25], [sflag:$0xA], $0x5000, s13, s21, $0x38;
	[tilespmem:$0x1F5A0] =	vst v63  }
0x727: {  	_ =	swait.ge @!p1 [sflag:s0], $0x5000  }
0x728: {  	[sflag:s0] =	ssyncset.done @!p1 $0x0  }
0x729: {  	[sflag:s0] =	ssyncadd.s32 @!p1 $0xFFFFB000;
	s0 =	simm.s32 @!p1 $0x5  }
0x72a: {  	_ =	swait.ge @!p1 [sflag:s0], $0x5000  }
0x72b: {  	s1 =	sld [smem:$0x7FC]  }
0x72c: {  	[sflag:s0] =	ssyncset.done @!p1 $0x0  }
0x72d: {  	s3 =	sld [smem:$0x7FD];
	[sflag:s0] =	ssyncadd.s32 @!p1 $0xFFFFB000;
	s0 =	simm.s32 @!p1 $0x800  }
0x72e: {  	[hbm4b:s1+s5] =	stream.strided.scatter @!p1 [tilespmem:s17], [sflag:$0x8], $0x5000, s0, s5, $0x38;
	[tilespmem:$0x1F5A0] =	vst v63  }
0x72f: {  	s12 =	simm.s32 $0x8  }
0x730: {  	[hbm4b:s3+s5] =	stream.strided.scatter @!p1 [tilespmem:s2], [sflag:$0xB], $0x5000, s0, s5, $0x38;
	[tilespmem:$0x1F5A0] =	vst v63  }
0x731: {  	_ =	swait.ge [sflag:s12], $0x5000  }
0x732: {  	[sflag:s12] =	ssyncset.done $0x0  }
0x733: {  	s14 =	simm.s32 $0xB;
	[sflag:s12] =	ssyncadd.s32 $0xFFFFB000  }
0x734: {  	_ =	swait.ge [sflag:s14], $0x5000  }
0x735: {  	[sflag:s14] =	ssyncset.done $0x0  }
0x736: {  	s7 =	simm.s32 $0x7;
	[sflag:s14] =	ssyncadd.s32 $0xFFFFB000  }
0x737: {  	_ =	swait.ge [sflag:s7], $0x5000  }
0x738: {  	[sflag:s7] =	ssyncset.done $0x0  }
0x739: {  	s23 =	simm.s32 $0xA;
	[sflag:s7] =	ssyncadd.s32 $0xFFFFB000  }
0x73a: {  	_ =	swait.ge [sflag:s23], $0x5000  }
0x73b: {  	[sflag:s23] =	ssyncset.done $0x0  }
0x73c: {  	[sflag:s23] =	ssyncadd.s32 $0xFFFFB000  }
0x73d: {  	_ =	swait.ge [sflag:s11], $0x5000  }
0x73e: {  	[sflag:s11] =	ssyncset.done $0x0  }
0x73f: {  	[sflag:s11] =	ssyncadd.s32 $0xFFFFB000  }
0x740: {  	_ =	swait.ge [sflag:s16], $0x5000  }
0x741: {  	[sflag:s16] =	ssyncset.done $0x0  }
0x742: {  	[sflag:s16] =	ssyncadd.s32 $0xFFFFB000  }
0x743: {  	_ =	sfence.sel $0x180000  }
0x744: {  	[bflag:$0x0] =	sbarrier.arrive $0xFFFF  }
0x745: {  	_ =	strace $0x90000047  }
0x746: {  	[bflag:$0x2] =	sbarrier.arrive $0xFFFF  }
0x747: {  	s0 =	rddreg [dreg:$0x6]  }
0x748: {  	s0 =	sadd.s32 @!p0 $0x100000, s0  }
0x749: {  	[sflag:s0] =	ssyncadd.tile.s32 @!p0 $0x1;
	_ =	shalt  }
.LBB2_1:
.Ltmp3:
0x74a: {  	(pc) =	sbr.rel .LBB2_6-.Ltmp3, $2  }
0x74b: {  	_ =	sdelay $0x2  }
0x74c: {  	s11 =	simm.s32 $0x0  }
.LBB2_7:
0x74d: {  	s8 =	simm.s32 $0xC  }
0x74e: {  	s10 =	simm.s32 $0x600;
	s23 =	simm.s32 $0xF600;
	s28 =	rddreg [dreg:$0x3]  }
0x74f: {  	s17 =	simm.s32 $0x300;
	s6 =	simm.s32 $0x5600;
	s22 =	rddreg [dreg:$0x5]  }
.Ltmp4:
0x750: {  	s4 =	simm.s32 $0x3;
	s16 =	simm.s32 $0x14600;
	(pc) =	sbr.rel .LBB2_6-.Ltmp4, $4  }
0x751: {  	s30 =	simm.s32 $0x200;
	s0 =	simm.s32 $0x500;
	s19 =	simm.s32 $0x5  }
0x752: {  	s24 =	simm.s32 $0x2;
	s31 =	simm.s32 $0x12;
	s5 =	simm.s32 $0xA  }
0x753: {  	s7 =	simm.s32 $0x7;
	s14 =	simm.s32 $0x4;
	s15 =	simm.s32 $0x1  }
0x754: {  	s12 =	simm.s32 $0x10;
	s20 =	simm.s32 $0xD;
	s9 =	sld [smem:$0x7C4]  }
.Lfunc_end2:
_tile_overlayer_lowered:
.L_overlay_start_2:
0x755: {  	(tag) =	ssettag $0x2  }
0x756: {  	s0 =	rddreg [dreg:$0x0];
	s2 =	stileid.u32  }
0x757: {  	s1 =	rddreg [dreg:$0x1];
	p0 =	sne.s32 s2, $0x0  }
0x758: {  	s3 =	rddreg [dreg:$0x2];
	[bflag:$0x3] =	sbarrier.arrive $0xFFFF;
	s2 =	simm.s32 @!p0 $0x1C14  }
0x759: {  	[timem:s3], [sflag:s2] =	dma.local @!p0 [hbm:s0], s1  }
0x75a: {  	s0 =	simm.s32 @!p0 $0x14  }
0x75b: {  	_ =	swait.ge @!p0 [sflag:s0], s1  }
0x75c: {  	s1 =	ssub.s32 @!p0 $0x0, s1;
	[sflag:s0] =	ssyncset.done @!p0 $0x0  }
0x75d: {  	[sflag:s0] =	ssyncadd.s32 @!p0 s1  }
0x75e: {  	[bflag:$0x3] =	sbarrier.arrive $0xFFFF  }
0x75f: {  	_ =	shalt  }

</sc_bundles>
